<compile_context>
chip_gen: v7x
topology: tpu7x:2x2x1
jax: 0.10.2.dev20260603
libtpu: 0.0.44.dev20260713+nightly
codegen_flags: <defaults>
</compile_context>

<pallas_src>
import functools

import jax
import jax.numpy as jnp
from jax import lax
from jax.experimental import pallas as pl
from jax.experimental.pallas import tpu as pltpu
from jax.experimental.pallas import tpu_sc as plsc

N = 10000
NP = 10240
E = 160000
EP = 163840
H = 128
HEADS = 2
TN = 5
TE = 5
ETE = 5
EAE = 6
NEG = 0.2

f32 = jnp.float32
i32 = jnp.int32

_info = plsc.get_sparse_core_info()
NC = _info.num_cores
NS = _info.num_subcores
NW = NC * NS
EPW = EP // NW
CHA = 128
CHG = 128
NGA = CHA // 16

_MESH = dict(core_axis_name="c", subcore_axis_name="s")


def _wid():
    return lax.axis_index("s") * NC + lax.axis_index("c")


def _lky(v, slope):
    return jnp.where(v >= 0, v, slope * v)



@functools.partial(
    pl.kernel,
    out_type=[jax.ShapeDtypeStruct((2 * EP,), f32),
              jax.ShapeDtypeStruct((4 * NP,), f32)],
    mesh=plsc.VectorSubcoreMesh(**_MESH),
    compiler_params=pltpu.CompilerParams(needs_layout_passes=False),
    scratch_types=[pltpu.VMEM((CHA,), i32), pltpu.VMEM((CHA,), i32),
                   pltpu.VMEM((2 * CHA,), f32), pltpu.VMEM((2 * CHA,), f32),
                   pltpu.VMEM((CHA,), i32), pltpu.VMEM((CHA,), i32),
                   pltpu.VMEM((4 * NP,), f32),
                   pltpu.VMEM_SHARED((2 * NP,), f32),
                   pltpu.SemaphoreType.DMA],
)
def _sc_attn(stab_h, c_h, src_h, dst_h, z2_h, ex_o, dp_o,
             dv, sv, cbuf, exbuf, idxa, idxb, stab_v, shared, sem):
    cid = lax.axis_index("c")
    sid = lax.axis_index("s")
    stripe = 2 * NP // NS
    pltpu.sync_copy(stab_h, stab_v)
    pltpu.sync_copy(z2_h.at[pl.ds(sid * stripe, stripe)],
                    shared.at[pl.ds(sid * stripe, stripe)])
    plsc.subcore_barrier()
    base0 = _wid() * EPW
    iota = lax.iota(i32, 16)

    def body(i, _):
        b = base0 + i * CHA
        pltpu.async_copy(dst_h.at[pl.ds(b, CHA)], dv, sem)
        pltpu.async_copy(src_h.at[pl.ds(b, CHA)], sv, sem)
        pltpu.async_copy(c_h.at[pl.ds(2 * b, 2 * CHA)], cbuf, sem)
        pltpu.make_async_copy(dst_h.at[pl.ds(b, CHA)], dv, sem).wait()
        pltpu.make_async_copy(src_h.at[pl.ds(b, CHA)], sv, sem).wait()
        pltpu.make_async_copy(c_h.at[pl.ds(2 * b, 2 * CHA)], cbuf, sem).wait()
        for g in range(NGA):
            d16 = dv[pl.ds(g * 16, 16)]
            s16 = sv[pl.ds(g * 16, 16)]
            pos = 2 * (g * 16 + iota)
            sd0 = plsc.load_gather(stab_v, [d16 * 4])
            sd1 = plsc.load_gather(stab_v, [d16 * 4 + 1])
            ss0 = plsc.load_gather(stab_v, [s16 * 4 + 2])
            ss1 = plsc.load_gather(stab_v, [s16 * 4 + 3])
            c0 = plsc.load_gather(cbuf, [pos])
            c1 = plsc.load_gather(cbuf, [pos + 1])
            e0 = jnp.exp(_lky(sd0 + ss0 + c0, NEG))
            e1 = jnp.exp(_lky(sd1 + ss1 + c1, NEG))
            plsc.store_scatter(exbuf, [pos], e0)
            plsc.store_scatter(exbuf, [pos + 1], e1)
            ib = idxa if g < NGA // 2 else idxb
            ip = pos if g < NGA // 2 else pos - CHA
            plsc.store_scatter(ib, [ip], d16 * 2)
            plsc.store_scatter(ib, [ip + 1], d16 * 2 + 1)
        pltpu.sync_copy(exbuf, ex_o.at[pl.ds(2 * b, 2 * CHA)])
        pltpu.sync_copy(exbuf.at[pl.ds(0, CHA)], shared.at[idxa], add=True)
        pltpu.sync_copy(exbuf.at[pl.ds(CHA, CHA)], shared.at[idxb], add=True)
        return 0

    lax.fori_loop(0, EPW // CHA, body, 0)
    plsc.subcore_barrier()
    pltpu.sync_copy(shared.at[pl.ds(sid * stripe, stripe)],
                    dp_o.at[pl.ds(cid * 2 * NP + sid * stripe, stripe)])


@functools.partial(
    pl.kernel,
    out_type=[jax.ShapeDtypeStruct((EP,), f32),
              jax.ShapeDtypeStruct((EP, H), f32)],
    mesh=plsc.VectorSubcoreMesh(**_MESH),
    compiler_params=pltpu.CompilerParams(needs_layout_passes=False),
    scratch_types=[pltpu.VMEM((CHG,), i32), pltpu.VMEM((CHG,), i32),
                   pltpu.VMEM((CHG,), i32),
                   pltpu.VMEM((2 * CHG,), f32), pltpu.VMEM((CHG,), f32),
                   pltpu.VMEM((4 * NP,), f32),
                   pltpu.VMEM((2 * NP,), f32), pltpu.VMEM((CHG, H), f32),
                   pltpu.VMEM((CHG, H), f32),
                   pltpu.SemaphoreType.DMA, pltpu.SemaphoreType.DMA],
)
def _sc_wg(dp_h, ex_h, mnode_h, src_h, dst_h, w_o, g_o,
           sv0, sv1, dv, exl, wbuf, dpv, rtab_v, bg0, bg1, sem0, sem1):
    pltpu.sync_copy(dp_h, dpv)

    def rbody(j, _):
        sl = pl.ds(j * 16, 16)
        sl2 = pl.ds(2 * NP + j * 16, 16)
        rtab_v[sl] = 0.5 / (dpv[sl] + dpv[sl2] + 1e-16)
        return 0

    lax.fori_loop(0, 2 * NP // 16, rbody, 0)
    base0 = _wid() * EPW
    iota = lax.iota(i32, 16)
    nch = EPW // CHG
    svs = [sv0, sv1]
    bgs = [bg0, bg1]
    sems = [sem0, sem1]
    for k in range(2):
        b = base0 + k * CHG
        pltpu.sync_copy(src_h.at[pl.ds(b, CHG)], svs[k])
        pltpu.async_copy(mnode_h.at[svs[k]], bgs[k], sems[k])

    def body(i, _):
        for k in range(2):
            ch = 2 * i + k
            b = base0 + ch * CHG
            pltpu.sync_copy(dst_h.at[pl.ds(b, CHG)], dv)
            pltpu.sync_copy(ex_h.at[pl.ds(2 * b, 2 * CHG)], exl)
            for g in range(CHG // 16):
                d16 = dv[pl.ds(g * 16, 16)]
                pos = 2 * (g * 16 + iota)
                r0 = plsc.load_gather(rtab_v, [d16 * 2])
                r1 = plsc.load_gather(rtab_v, [d16 * 2 + 1])
                e0 = plsc.load_gather(exl, [pos])
                e1 = plsc.load_gather(exl, [pos + 1])
                wbuf[pl.ds(g * 16, 16)] = e0 * r0 + e1 * r1
            pltpu.sync_copy(wbuf, w_o.at[pl.ds(b, CHG)])
            pltpu.make_async_copy(mnode_h.at[svs[k]], bgs[k], sems[k]).wait()
            pltpu.sync_copy(bgs[k], g_o.at[pl.ds(b, CHG)])

            @pl.when(ch + 2 < nch)
            def _():
                b2 = base0 + (ch + 2) * CHG
                pltpu.sync_copy(src_h.at[pl.ds(b2, CHG)], svs[k])
                pltpu.async_copy(mnode_h.at[svs[k]], bgs[k], sems[k])
        return 0

    lax.fori_loop(0, nch // 2, body, 0)


@functools.partial(
    pl.kernel,
    out_type=[jax.ShapeDtypeStruct((2 * NP, H), f32)],
    mesh=plsc.VectorSubcoreMesh(**_MESH),
    compiler_params=pltpu.CompilerParams(needs_layout_passes=False),
    scratch_types=[pltpu.VMEM((CHG,), i32), pltpu.VMEM((CHG,), i32),
                   pltpu.VMEM((CHG, H), f32), pltpu.VMEM((CHG, H), f32),
                   pltpu.VMEM_SHARED((NP, H), f32),
                   pltpu.SemaphoreType.DMA, pltpu.SemaphoreType.DMA],
)
def _sc_agg(wmsg_h, dst_h, z_h, out, dv0, dv1, bw0, bw1, shared,
            sem0, sem1):
    cid = lax.axis_index("c")
    sid = lax.axis_index("s")
    stripe = NP // NS
    nch = EPW // CHG
    dvs = [dv0, dv1]
    bws = [bw0, bw1]
    sems = [sem0, sem1]
    pltpu.sync_copy(z_h.at[pl.ds(sid * stripe, stripe)],
                    shared.at[pl.ds(sid * stripe, stripe)])
    plsc.subcore_barrier()
    base0 = _wid() * EPW
    for k in range(2):
        b = base0 + k * CHG
        pltpu.sync_copy(dst_h.at[pl.ds(b, CHG)], dvs[k])
        pltpu.async_copy(wmsg_h.at[pl.ds(b, CHG)], bws[k], sems[k])

    def body(i, _):
        for k in range(2):
            ch = 2 * i + k
            b = base0 + ch * CHG
            pltpu.make_async_copy(wmsg_h.at[pl.ds(b, CHG)], bws[k],
                                  sems[k]).wait()
            pltpu.sync_copy(bws[k], shared.at[dvs[k]], add=True)

            @pl.when(ch + 2 < nch)
            def _():
                b2 = base0 + (ch + 2) * CHG
                pltpu.sync_copy(dst_h.at[pl.ds(b2, CHG)], dvs[k])
                pltpu.async_copy(wmsg_h.at[pl.ds(b2, CHG)], bws[k], sems[k])
        return 0

    lax.fori_loop(0, nch // 2, body, 0)
    plsc.subcore_barrier()
    pltpu.sync_copy(shared.at[pl.ds(sid * stripe, stripe)],
                    out.at[pl.ds(cid * NP + sid * stripe, stripe)])



_NBLK = 1000
_EBLK = 2048


def _full(shape):
    return pl.BlockSpec(shape, lambda i: tuple(0 for _ in shape))


def _tc_h0(x, W, b):
    def body(xr, wr, br, out):
        out[...] = jax.nn.relu(
            jnp.dot(xr[...], wr[...], preferred_element_type=f32) + br[...])
    return pl.pallas_call(
        body,
        grid=(N // _NBLK,),
        in_specs=[pl.BlockSpec((_NBLK, H), lambda i: (i, 0)),
                  _full((H, H)), _full((1, H))],
        out_specs=pl.BlockSpec((_NBLK, H), lambda i: (i, 0)),
        out_shape=jax.ShapeDtypeStruct((N, H), f32),
    )(x, W, b)


def _tc_node(h, nt_r, hW, hb, aWd, aWs, lWn):
    def body(hr, ntr, hWr, hbr, aWdr, aWsr, lWnr, stab_o, mnode_o):
        hv = hr[...]
        nt = ntr[0, 0, :].reshape(_NBLK, 1)
        h2 = jnp.zeros((_NBLK, H), f32)
        for t in range(TN):
            proj = jnp.dot(hv, hWr[t], preferred_element_type=f32) \
                + hbr[t, :].reshape(1, H)
            h2 = h2 + jnp.where(nt == t, proj, 0.0)
        sd = jnp.dot(h2, aWdr[...], preferred_element_type=f32)
        ss = jnp.dot(h2, aWsr[...], preferred_element_type=f32)
        stab_o[...] = jnp.concatenate([sd, ss], axis=1)
        mnode_o[...] = jnp.dot(h2, lWnr[...], preferred_element_type=f32)

    return pl.pallas_call(
        body,
        grid=(N // _NBLK,),
        in_specs=[pl.BlockSpec((_NBLK, H), lambda i: (i, 0)),
                  pl.BlockSpec((1, 1, _NBLK), lambda i: (i, 0, 0)),
                  _full((TN, H, H)), _full((TN, H)),
                  _full((H, HEADS)), _full((H, HEADS)), _full((H, H))],
        out_specs=[pl.BlockSpec((_NBLK, 4), lambda i: (i, 0)),
                   pl.BlockSpec((_NBLK, H), lambda i: (i, 0))],
        out_shape=[jax.ShapeDtypeStruct((N, 4), f32),
                   jax.ShapeDtypeStruct((N, H), f32)],
    )(h, nt_r, hW, hb, aWd, aWs, lWn)


def _tc_edgec(et_r, ea, tab, aWe, aWa, eaW):
    def body(etr, ear, tabr, aWer, aWar, eaWr, c_o):
        ctab = jnp.dot(_lky(tabr[...], 0.01), aWer[...],
                       preferred_element_type=f32)
        et = etr[0, 0, :].reshape(_EBLK, 1)
        iot = lax.broadcasted_iota(i32, (_EBLK, TE), 1)
        oh = jnp.where(et == iot, 1.0, 0.0).astype(f32)
        eae = _lky(jnp.dot(ear[...], eaWr[...], preferred_element_type=f32),
                   0.01)
        c_o[...] = jnp.dot(oh, ctab, preferred_element_type=f32) \
            + jnp.dot(eae, aWar[...], preferred_element_type=f32)

    return pl.pallas_call(
        body,
        grid=(EP // _EBLK,),
        in_specs=[pl.BlockSpec((1, 1, _EBLK), lambda i: (i, 0, 0)),
                  pl.BlockSpec((_EBLK, 2), lambda i: (i, 0)),
                  _full((TE, ETE)), _full((ETE, HEADS)),
                  _full((EAE, HEADS)), _full((2, EAE))],
        out_specs=pl.BlockSpec((_EBLK, 2), lambda i: (i, 0)),
        out_shape=jax.ShapeDtypeStruct((EP, 2), f32),
    )(et_r, ea, tab, aWe, aWa, eaW)


def _tc_wmsg(G, w, ea, eaW, W6):
    def body(Gr, wr, ear, eaWr, W6r, out):
        eae = _lky(jnp.dot(ear[...], eaWr[...], preferred_element_type=f32),
                   0.01)
        msg = Gr[...] + jnp.dot(eae, W6r[...], preferred_element_type=f32)
        out[...] = wr[...] * msg

    return pl.pallas_call(
        body,
        grid=(EP // _EBLK,),
        in_specs=[pl.BlockSpec((_EBLK, H), lambda i: (i, 0)),
                  pl.BlockSpec((_EBLK, 1), lambda i: (i, 0)),
                  pl.BlockSpec((_EBLK, 2), lambda i: (i, 0)),
                  _full((2, EAE)), _full((EAE, H))],
        out_specs=pl.BlockSpec((_EBLK, H), lambda i: (i, 0)),
        out_shape=jax.ShapeDtypeStruct((EP, H), f32),
    )(G, w, ea, eaW, W6)


def _tc_hsum(apart):
    def body(ar, out):
        a = ar[...]
        out[...] = a[0] + a[1]
    return pl.pallas_call(
        body,
        grid=(N // _NBLK,),
        in_specs=[pl.BlockSpec((2, _NBLK, H), lambda i: (0, i, 0))],
        out_specs=pl.BlockSpec((_NBLK, H), lambda i: (i, 0)),
        out_shape=jax.ShapeDtypeStruct((N, H), f32),
    )(apart)


def _tc_out(apart, W, b):
    def body(ar, wr, br, out):
        a = ar[...]
        out[...] = jnp.dot(a[0] + a[1], wr[...],
                           preferred_element_type=f32) + br[...]
    return pl.pallas_call(
        body,
        grid=(N // _NBLK,),
        in_specs=[pl.BlockSpec((2, _NBLK, H), lambda i: (0, i, 0)),
                  _full((H, 64)), _full((1, 64))],
        out_specs=pl.BlockSpec((_NBLK, 64), lambda i: (i, 0)),
        out_shape=jax.ShapeDtypeStruct((N, 64), f32),
    )(apart, W, b)



def kernel(x, edge_index, node_type, edge_type, edge_attr, lin_in_W, lin_in_b,
           hetero_W, hetero_b, edge_type_tab, edge_attr_W, att_W, lin_W,
           lin_out_W, lin_out_b):
    pad = EP - E
    src_p = jnp.concatenate([edge_index[0].astype(i32),
                             jnp.zeros((pad,), i32)])
    dst_p = jnp.concatenate([edge_index[1].astype(i32),
                             jnp.full((pad,), N, i32)])
    ea_p = jnp.concatenate([edge_attr, jnp.zeros((pad, 2), f32)])
    et_p = jnp.concatenate([edge_type.astype(i32), jnp.zeros((pad,), i32)])
    nt_r = node_type.astype(i32).reshape(N // _NBLK, 1, _NBLK)
    et_r = et_p.reshape(EP // _EBLK, 1, _EBLK)
    z2 = jnp.zeros((2 * NP,), f32)
    z128 = jnp.zeros((NP, H), f32)
    zstab = jnp.zeros((NP - N, 4), f32)

    h = _tc_h0(x, lin_in_W, lin_in_b.reshape(1, H))
    apart = None
    for l in range(2):
        aW = att_W[l]
        stab, mnode = _tc_node(h, nt_r, hetero_W[l], hetero_b[l],
                               aW[0:H], aW[H:2 * H], lin_W[l][0:H])
        stab_f = jnp.concatenate([stab, zstab]).reshape(4 * NP)
        c = _tc_edgec(et_r, ea_p, edge_type_tab[l],
                      aW[2 * H:2 * H + ETE], aW[2 * H + ETE:],
                      edge_attr_W[l])
        exf, dflat = _sc_attn(stab_f, c.reshape(2 * EP), src_p, dst_p, z2)
        wv, G = _sc_wg(dflat, exf, mnode, src_p, dst_p)
        wmsg = _tc_wmsg(G, wv.reshape(EP, 1), ea_p, edge_attr_W[l],
                        lin_W[l][H:])
        (apart,) = _sc_agg(wmsg, dst_p, z128)
        if l == 0:
            h = _tc_hsum(apart.reshape(2, NP, H))
    return _tc_out(apart.reshape(2, NP, H), lin_out_W, lin_out_b.reshape(1, 64))

# --- scband reference (transcript-rebuilt; emitter-appended) ---
"""Pipeline reference for scband-fasten-heat-21955872817583 (READ-ONLY COPY).

The authoritative reference and input builder live on the scoring server;
editing this copy changes nothing except your own understanding.
"""

import jax, jax.numpy as jnp
import numpy as np

N = 10000
E = 160000
IN = 128
H = 128
OUT = 64
TN = 5   # num node types
TE = 5   # num edge types
ETE = 5  # edge_type_emb_dim
EDIM = 2 # edge_dim
EAE = 6  # edge_attr_emb_dim
HEADS = 2
L = 2    # num_layers
NEG = 0.2  # HEATConv attention negative_slope


def setup_inputs(seed: int = 0) -> dict:
    key = jax.random.key(seed)
    ks = jax.random.split(key, 16)
    inp = {}
    inp["x"] = jax.random.normal(ks[0], (N, IN), jnp.float32)
    inp["edge_index"] = jax.random.randint(ks[1], (2, E), 0, N)
    inp["node_type"] = jax.random.randint(ks[2], (N,), 0, TN)
    inp["edge_type"] = jax.random.randint(ks[3], (E,), 0, TE)
    inp["edge_attr"] = jax.random.normal(ks[4], (E, EDIM), jnp.float32)
    # parameters
    inp["lin_in_W"] = jax.random.normal(ks[5], (IN, H), jnp.float32) * 0.05
    inp["lin_in_b"] = jnp.zeros((H,), jnp.float32)
    inp["hetero_W"] = jax.random.normal(ks[6], (L, TN, H, H), jnp.float32) * 0.05
    inp["hetero_b"] = jnp.zeros((L, TN, H), jnp.float32)
    inp["edge_type_tab"] = jax.random.normal(ks[7], (L, TE, ETE), jnp.float32)
    inp["edge_attr_W"] = jax.random.normal(ks[8], (L, EDIM, EAE), jnp.float32) * 0.1
    inp["att_W"] = jax.random.normal(ks[9], (L, 2 * H + ETE + EAE, HEADS), jnp.float32) * 0.05
    inp["lin_W"] = jax.random.normal(ks[10], (L, H + EAE, H), jnp.float32) * 0.05
    inp["lin_out_W"] = jax.random.normal(ks[11], (H, OUT), jnp.float32) * 0.05
    inp["lin_out_b"] = jnp.zeros((OUT,), jnp.float32)
    return inp


def reference(x, edge_index, node_type, edge_type, edge_attr,
              lin_in_W, lin_in_b, hetero_W, hetero_b, edge_type_tab,
              edge_attr_W, att_W, lin_W, lin_out_W, lin_out_b):
    src = edge_index[0]
    dst = edge_index[1]
    # lin_in + relu
    h = jax.nn.relu(x @ lin_in_W + lin_in_b)
    for l in range(L):
        # HeteroLinear: per-node-type projection (gather of per-type weights)
        Wn = hetero_W[l][node_type]            # [N, H, H]
        bn = hetero_b[l][node_type]            # [N, H]
        h2 = jnp.einsum('nh,nho->no', h, Wn) + bn
        # edge type embedding (gather) + leaky_relu (F.leaky_relu default 0.01)
        ete = jax.nn.leaky_relu(edge_type_tab[l][edge_type], 0.01)     # [E, ETE]
        # edge attr embedding + leaky_relu
        eae = jax.nn.leaky_relu(edge_attr @ edge_attr_W[l], 0.01)      # [E, EAE]
        x_i = h2[dst]
        x_j = h2[src]
        alpha_in = jnp.concatenate([x_i, x_j, ete, eae], axis=-1)
        logits = jax.nn.leaky_relu(alpha_in @ att_W[l], NEG)           # [E, HEADS]
        # segment softmax over edges grouped by dst
        m = jax.lax.stop_gradient(jax.ops.segment_max(logits, dst, num_segments=N))
        m = jnp.where(jnp.isfinite(m), m, 0.0)
        ex = jnp.exp(logits - m[dst])
        denom = jax.ops.segment_sum(ex, dst, num_segments=N)
        alpha = ex / (denom[dst] + 1e-16)                              # [E, HEADS]
        # message + weighted aggregation (scatter-add)
        msg = jnp.concatenate([x_j, eae], axis=-1) @ lin_W[l]          # [E, H]
        out_e = msg[:, None, :] * alpha[:, :, None]                    # [E, HEADS, H]
        agg = jax.ops.segment_sum(out_e, dst, num_segments=N)          # [N, HEADS, H]
        h = agg.mean(axis=1)                                           # concat=False -> head mean
    return h @ lin_out_W + lin_out_b

if __name__ == "__main__":
    import jax
    _d = setup_inputs()
    print(jax.jit(kernel)(*tuple(_d.values())))

</pallas_src>

<mosaic_0001>
#map = affine_map<(d0, d1) -> (0)>
module attributes {stable_mosaic.version = 14 : i64} {
  func.func @_sc_attn(%arg0: i32, %arg1: i32, %arg2: memref<40960xf32, #tpu.memory_space<hbm>>, %arg3: memref<327680xf32, #tpu.memory_space<hbm>>, %arg4: memref<163840xi32, #tpu.memory_space<hbm>>, %arg5: memref<163840xi32, #tpu.memory_space<hbm>>, %arg6: memref<20480xf32, #tpu.memory_space<hbm>>, %arg7: memref<327680xf32, #tpu.memory_space<hbm>>, %arg8: memref<40960xf32, #tpu.memory_space<hbm>>, %arg9: memref<128xi32, #tpu.memory_space<vmem>>, %arg10: memref<128xi32, #tpu.memory_space<vmem>>, %arg11: memref<256xf32, #tpu.memory_space<vmem>>, %arg12: memref<256xf32, #tpu.memory_space<vmem>>, %arg13: memref<128xi32, #tpu.memory_space<vmem>>, %arg14: memref<128xi32, #tpu.memory_space<vmem>>, %arg15: memref<40960xf32, #tpu.memory_space<vmem>>, %arg16: memref<20480xf32, #tpu.memory_space<vmem_shared>>, %arg17: memref<!tpu.dma_semaphore, #tpu.memory_space<semaphore_mem>>) attributes {dimension_semantics = [#tpu.dimension_semantics<core_parallel>, #tpu.dimension_semantics<subcore_parallel>], iteration_bounds = array<i64: 2, 16>, scalar_prefetch = 0 : i64, scratch_operands = 9 : i64, tpu.core_type = #tpu.core_type<sc_vector_subcore>, window_params = [{transform_indices = #map}, {transform_indices = #map}, {transform_indices = #map}, {transform_indices = #map}, {transform_indices = #map}, {transform_indices = #map}, {transform_indices = #map}]} {
    "tpu.region"() ({
      %run_scoped3A = tpu.sem_alloc : memref<!tpu.dma_semaphore, #tpu.memory_space<semaphore_mem>>
      tpu.enqueue_dma source(%arg2 : memref<40960xf32, #tpu.memory_space<hbm>>) target(%arg15 : memref<40960xf32, #tpu.memory_space<vmem>>) target_semaphore(%run_scoped3A : memref<!tpu.dma_semaphore, #tpu.memory_space<semaphore_mem>>)
      tpu.wait_dma2 semaphore(%run_scoped3A : memref<!tpu.dma_semaphore, #tpu.memory_space<semaphore_mem>>) src(%arg2 : memref<40960xf32, #tpu.memory_space<hbm>>) dst(%arg15 : memref<40960xf32, #tpu.memory_space<vmem>>)
      tpu.yield
    }) : () -> ()
    %mul3A = arith.constant 1280 : i32
    %mul3A_0 = arith.muli %arg1, %mul3A : i32
    %mul3A_1 = arith.constant 1280 : i32
    %mul3A_2 = arith.muli %arg1, %mul3A_1 : i32
    "tpu.region"() ({
      %run_scoped3A = tpu.sem_alloc : memref<!tpu.dma_semaphore, #tpu.memory_space<semaphore_mem>>
      %dma_start3A = tpu.memref_slice %arg16[%mul3A_2] : memref<20480xf32, #tpu.memory_space<vmem_shared>> -> memref<1280xf32, #tpu.memory_space<vmem_shared>>
      %dma_start3A_23 = tpu.memref_slice %arg6[%mul3A_0] : memref<20480xf32, #tpu.memory_space<hbm>> -> memref<1280xf32, #tpu.memory_space<hbm>>
      tpu.enqueue_dma source(%dma_start3A_23 : memref<1280xf32, #tpu.memory_space<hbm>>) target(%dma_start3A : memref<1280xf32, #tpu.memory_space<vmem_shared>>) target_semaphore(%run_scoped3A : memref<!tpu.dma_semaphore, #tpu.memory_space<semaphore_mem>>)
      %dma_wait3A = tpu.memref_slice %arg16[%mul3A_2] : memref<20480xf32, #tpu.memory_space<vmem_shared>> -> memref<1280xf32, #tpu.memory_space<vmem_shared>>
      %dma_wait3A_24 = tpu.memref_slice %arg6[%mul3A_0] : memref<20480xf32, #tpu.memory_space<hbm>> -> memref<1280xf32, #tpu.memory_space<hbm>>
      tpu.wait_dma2 semaphore(%run_scoped3A : memref<!tpu.dma_semaphore, #tpu.memory_space<semaphore_mem>>) src(%dma_wait3A_24 : memref<1280xf32, #tpu.memory_space<hbm>>) dst(%dma_wait3A : memref<1280xf32, #tpu.memory_space<vmem_shared>>)
      tpu.yield
    }) : () -> ()
    %barrier3A = arith.constant 0 : index
    tpu.barrier barrier_id(%barrier3A)
    %mul3A_3 = arith.constant 2 : i32
    %mul3A_4 = arith.muli %arg1, %mul3A_3 : i32
    %add3A = arith.addi %mul3A_4, %arg0 : i32
    %mul3A_5 = arith.constant 5120 : i32
    %mul3A_6 = arith.muli %add3A, %mul3A_5 : i32
    %iota3A = tpu.iota {dimensions = array<i32: 0>} : vector<16xi32>
    %scan3A = arith.constant 0 : i32
    %scan3A_7 = arith.constant 0 : i32
    %scan3A_8 = arith.constant 40 : i32
    %scan3A_9 = arith.addi %scan3A_7, %scan3A_8 : i32
    %scan3A_10 = arith.constant 1 : i32
    %scan3A_11 = scf.for %scan3A_23 = %scan3A_7 to %scan3A_9 step %scan3A_10 iter_args(%scan3A_24 = %scan3A) -> (i32)  : i32 {
      %mul3A_25 = arith.constant 128 : i32
      %mul3A_26 = arith.muli %scan3A_23, %mul3A_25 : i32
      %add3A_27 = arith.addi %mul3A_6, %mul3A_26 : i32
      %dma_start3A = tpu.memref_slice %arg5[%add3A_27] : memref<163840xi32, #tpu.memory_space<hbm>> -> memref<128xi32, #tpu.memory_space<hbm>>
      %dma_start3A_28 = tpu.memref_slice %arg5[%add3A_27] : memref<163840xi32, #tpu.memory_space<hbm>> -> memref<128xi32, #tpu.memory_space<hbm>>
      tpu.enqueue_dma source(%dma_start3A_28 : memref<128xi32, #tpu.memory_space<hbm>>) target(%arg9 : memref<128xi32, #tpu.memory_space<vmem>>) target_semaphore(%arg17 : memref<!tpu.dma_semaphore, #tpu.memory_space<semaphore_mem>>)
      %dma_start3A_29 = tpu.memref_slice %arg4[%add3A_27] : memref<163840xi32, #tpu.memory_space<hbm>> -> memref<128xi32, #tpu.memory_space<hbm>>
      %dma_start3A_30 = tpu.memref_slice %arg4[%add3A_27] : memref<163840xi32, #tpu.memory_space<hbm>> -> memref<128xi32, #tpu.memory_space<hbm>>
      tpu.enqueue_dma source(%dma_start3A_30 : memref<128xi32, #tpu.memory_space<hbm>>) target(%arg10 : memref<128xi32, #tpu.memory_space<vmem>>) target_semaphore(%arg17 : memref<!tpu.dma_semaphore, #tpu.memory_space<semaphore_mem>>)
      %mul3A_31 = arith.constant 2 : i32
      %mul3A_32 = arith.muli %mul3A_31, %add3A_27 : i32
      %dma_start3A_33 = tpu.memref_slice %arg3[%mul3A_32] : memref<327680xf32, #tpu.memory_space<hbm>> -> memref<256xf32, #tpu.memory_space<hbm>>
      %dma_start3A_34 = tpu.memref_slice %arg3[%mul3A_32] : memref<327680xf32, #tpu.memory_space<hbm>> -> memref<256xf32, #tpu.memory_space<hbm>>
      tpu.enqueue_dma source(%dma_start3A_34 : memref<256xf32, #tpu.memory_space<hbm>>) target(%arg11 : memref<256xf32, #tpu.memory_space<vmem>>) target_semaphore(%arg17 : memref<!tpu.dma_semaphore, #tpu.memory_space<semaphore_mem>>)
      %dma_wait3A = tpu.memref_slice %arg5[%add3A_27] : memref<163840xi32, #tpu.memory_space<hbm>> -> memref<128xi32, #tpu.memory_space<hbm>>
      %dma_wait3A_35 = tpu.memref_slice %arg5[%add3A_27] : memref<163840xi32, #tpu.memory_space<hbm>> -> memref<128xi32, #tpu.memory_space<hbm>>
      tpu.wait_dma2 semaphore(%arg17 : memref<!tpu.dma_semaphore, #tpu.memory_space<semaphore_mem>>) src(%dma_wait3A_35 : memref<128xi32, #tpu.memory_space<hbm>>) dst(%arg9 : memref<128xi32, #tpu.memory_space<vmem>>)
      %dma_wait3A_36 = tpu.memref_slice %arg4[%add3A_27] : memref<163840xi32, #tpu.memory_space<hbm>> -> memref<128xi32, #tpu.memory_space<hbm>>
      %dma_wait3A_37 = tpu.memref_slice %arg4[%add3A_27] : memref<163840xi32, #tpu.memory_space<hbm>> -> memref<128xi32, #tpu.memory_space<hbm>>
      tpu.wait_dma2 semaphore(%arg17 : memref<!tpu.dma_semaphore, #tpu.memory_space<semaphore_mem>>) src(%dma_wait3A_37 : memref<128xi32, #tpu.memory_space<hbm>>) dst(%arg10 : memref<128xi32, #tpu.memory_space<vmem>>)
      %mul3A_38 = arith.constant 2 : i32
      %mul3A_39 = arith.muli %mul3A_38, %add3A_27 : i32
      %dma_wait3A_40 = tpu.memref_slice %arg3[%mul3A_39] : memref<327680xf32, #tpu.memory_space<hbm>> -> memref<256xf32, #tpu.memory_space<hbm>>
      %dma_wait3A_41 = tpu.memref_slice %arg3[%mul3A_39] : memref<327680xf32, #tpu.memory_space<hbm>> -> memref<256xf32, #tpu.memory_space<hbm>>
      tpu.wait_dma2 semaphore(%arg17 : memref<!tpu.dma_semaphore, #tpu.memory_space<semaphore_mem>>) src(%dma_wait3A_41 : memref<256xf32, #tpu.memory_space<hbm>>) dst(%arg11 : memref<256xf32, #tpu.memory_space<vmem>>)
      %get3A = arith.constant 0 : index
      %get3A_42 = tpu.vector_load %arg9[%get3A] {strides = array<i32>} : memref<128xi32, #tpu.memory_space<vmem>>, vector<16xi32>,
      %get3A_43 = arith.constant 0 : index
      %get3A_44 = tpu.vector_load %arg10[%get3A_43] {strides = array<i32>} : memref<128xi32, #tpu.memory_space<vmem>>, vector<16xi32>,
      %add3A_45 = arith.constant 0 : i32
      %add3A_46 = vector.broadcast %add3A_45 : i32 to vector<16xi32>
      %add3A_47 = arith.addi %add3A_46, %iota3A : vector<16xi32>
      %mul3A_48 = arith.constant 2 : i32
      %mul3A_49 = vector.broadcast %mul3A_48 : i32 to vector<16xi32>
      %mul3A_50 = arith.muli %mul3A_49, %add3A_47 : vector<16xi32>
      %mul3A_51 = arith.constant 4 : i32
      %mul3A_52 = vector.broadcast %mul3A_51 : i32 to vector<16xi32>
      %mul3A_53 = arith.muli %get3A_42, %mul3A_52 : vector<16xi32>
      %gather3A = tpu.vector_load_idx %arg15[%mul3A_53] : memref<40960xf32, #tpu.memory_space<vmem>>[vector<16xi32>], vector<16xf32>,
      %mul3A_54 = arith.constant 4 : i32
      %mul3A_55 = vector.broadcast %mul3A_54 : i32 to vector<16xi32>
      %mul3A_56 = arith.muli %get3A_42, %mul3A_55 : vector<16xi32>
      %add3A_57 = arith.constant 1 : i32
      %add3A_58 = vector.broadcast %add3A_57 : i32 to vector<16xi32>
      %add3A_59 = arith.addi %mul3A_56, %add3A_58 : vector<16xi32>
      %gather3A_60 = tpu.vector_load_idx %arg15[%add3A_59] : memref<40960xf32, #tpu.memory_space<vmem>>[vector<16xi32>], vector<16xf32>,
      %mul3A_61 = arith.constant 4 : i32
      %mul3A_62 = vector.broadcast %mul3A_61 : i32 to vector<16xi32>
      %mul3A_63 = arith.muli %get3A_44, %mul3A_62 : vector<16xi32>
      %add3A_64 = arith.constant 2 : i32
      %add3A_65 = vector.broadcast %add3A_64 : i32 to vector<16xi32>
      %add3A_66 = arith.addi %mul3A_63, %add3A_65 : vector<16xi32>
      %gather3A_67 = tpu.vector_load_idx %arg15[%add3A_66] : memref<40960xf32, #tpu.memory_space<vmem>>[vector<16xi32>], vector<16xf32>,
      %mul3A_68 = arith.constant 4 : i32
      %mul3A_69 = vector.broadcast %mul3A_68 : i32 to vector<16xi32>
      %mul3A_70 = arith.muli %get3A_44, %mul3A_69 : vector<16xi32>
      %add3A_71 = arith.constant 3 : i32
      %add3A_72 = vector.broadcast %add3A_71 : i32 to vector<16xi32>
      %add3A_73 = arith.addi %mul3A_70, %add3A_72 : vector<16xi32>
      %gather3A_74 = tpu.vector_load_idx %arg15[%add3A_73] : memref<40960xf32, #tpu.memory_space<vmem>>[vector<16xi32>], vector<16xf32>,
      %gather3A_75 = tpu.vector_load_idx %arg11[%mul3A_50] : memref<256xf32, #tpu.memory_space<vmem>>[vector<16xi32>], vector<16xf32>,
      %add3A_76 = arith.constant 1 : i32
      %add3A_77 = vector.broadcast %add3A_76 : i32 to vector<16xi32>
      %add3A_78 = arith.addi %mul3A_50, %add3A_77 : vector<16xi32>
      %gather3A_79 = tpu.vector_load_idx %arg11[%add3A_78] : memref<256xf32, #tpu.memory_space<vmem>>[vector<16xi32>], vector<16xf32>,
      %add3A_80 = arith.addf %gather3A, %gather3A_67 : vector<16xf32>
      %add3A_81 = arith.addf %add3A_80, %gather3A_75 : vector<16xf32>
      %ge3A = arith.constant 0.000000e+00 : f32
      %ge3A_82 = vector.broadcast %ge3A : f32 to vector<16xf32>
      %ge3A_83 = arith.cmpf oge, %add3A_81, %ge3A_82 : vector<16xf32>
      %mul3A_84 = arith.constant 2.000000e-01 : f32
      %mul3A_85 = vector.broadcast %mul3A_84 : f32 to vector<16xf32>
      %mul3A_86 = arith.mulf %mul3A_85, %add3A_81 : vector<16xf32>
      %select_n3A = arith.select %ge3A_83, %add3A_81, %mul3A_86 : vector<16xi1>, vector<16xf32>
      %exp3A = math.exp %select_n3A : vector<16xf32>
      %add3A_87 = arith.addf %gather3A_60, %gather3A_74 : vector<16xf32>
      %add3A_88 = arith.addf %add3A_87, %gather3A_79 : vector<16xf32>
      %ge3A_89 = arith.constant 0.000000e+00 : f32
      %ge3A_90 = vector.broadcast %ge3A_89 : f32 to vector<16xf32>
      %ge3A_91 = arith.cmpf oge, %add3A_88, %ge3A_90 : vector<16xf32>
      %mul3A_92 = arith.constant 2.000000e-01 : f32
      %mul3A_93 = vector.broadcast %mul3A_92 : f32 to vector<16xf32>
      %mul3A_94 = arith.mulf %mul3A_93, %add3A_88 : vector<16xf32>
      %select_n3A_95 = arith.select %ge3A_91, %add3A_88, %mul3A_94 : vector<16xi1>, vector<16xf32>
      %exp3A_96 = math.exp %select_n3A_95 : vector<16xf32>
      tpu.vector_store_idx %arg12[%mul3A_50], %exp3A : memref<256xf32, #tpu.memory_space<vmem>>[vector<16xi32>], vector<16xf32>,
      %add3A_97 = arith.constant 1 : i32
      %add3A_98 = vector.broadcast %add3A_97 : i32 to vector<16xi32>
      %add3A_99 = arith.addi %mul3A_50, %add3A_98 : vector<16xi32>
      tpu.vector_store_idx %arg12[%add3A_99], %exp3A_96 : memref<256xf32, #tpu.memory_space<vmem>>[vector<16xi32>], vector<16xf32>,
      %mul3A_100 = arith.constant 2 : i32
      %mul3A_101 = vector.broadcast %mul3A_100 : i32 to vector<16xi32>
      %mul3A_102 = arith.muli %get3A_42, %mul3A_101 : vector<16xi32>
      tpu.vector_store_idx %arg13[%mul3A_50], %mul3A_102 : memref<128xi32, #tpu.memory_space<vmem>>[vector<16xi32>], vector<16xi32>,
      %add3A_103 = arith.constant 1 : i32
      %add3A_104 = vector.broadcast %add3A_103 : i32 to vector<16xi32>
      %add3A_105 = arith.addi %mul3A_50, %add3A_104 : vector<16xi32>
      %mul3A_106 = arith.constant 2 : i32
      %mul3A_107 = vector.broadcast %mul3A_106 : i32 to vector<16xi32>
      %mul3A_108 = arith.muli %get3A_42, %mul3A_107 : vector<16xi32>
      %add3A_109 = arith.constant 1 : i32
      %add3A_110 = vector.broadcast %add3A_109 : i32 to vector<16xi32>
      %add3A_111 = arith.addi %mul3A_108, %add3A_110 : vector<16xi32>
      tpu.vector_store_idx %arg13[%add3A_105], %add3A_111 : memref<128xi32, #tpu.memory_space<vmem>>[vector<16xi32>], vector<16xi32>,
      %get3A_112 = arith.constant 16 : index
      %get3A_113 = tpu.vector_load %arg9[%get3A_112] {strides = array<i32>} : memref<128xi32, #tpu.memory_space<vmem>>, vector<16xi32>,
      %get3A_114 = arith.constant 16 : index
      %get3A_115 = tpu.vector_load %arg10[%get3A_114] {strides = array<i32>} : memref<128xi32, #tpu.memory_space<vmem>>, vector<16xi32>,
      %add3A_116 = arith.constant 16 : i32
      %add3A_117 = vector.broadcast %add3A_116 : i32 to vector<16xi32>
      %add3A_118 = arith.addi %add3A_117, %iota3A : vector<16xi32>
      %mul3A_119 = arith.constant 2 : i32
      %mul3A_120 = vector.broadcast %mul3A_119 : i32 to vector<16xi32>
      %mul3A_121 = arith.muli %mul3A_120, %add3A_118 : vector<16xi32>
      %mul3A_122 = arith.constant 4 : i32
      %mul3A_123 = vector.broadcast %mul3A_122 : i32 to vector<16xi32>
      %mul3A_124 = arith.muli %get3A_113, %mul3A_123 : vector<16xi32>
      %gather3A_125 = tpu.vector_load_idx %arg15[%mul3A_124] : memref<40960xf32, #tpu.memory_space<vmem>>[vector<16xi32>], vector<16xf32>,
      %mul3A_126 = arith.constant 4 : i32
      %mul3A_127 = vector.broadcast %mul3A_126 : i32 to vector<16xi32>
      %mul3A_128 = arith.muli %get3A_113, %mul3A_127 : vector<16xi32>
      %add3A_129 = arith.constant 1 : i32
      %add3A_130 = vector.broadcast %add3A_129 : i32 to vector<16xi32>
      %add3A_131 = arith.addi %mul3A_128, %add3A_130 : vector<16xi32>
      %gather3A_132 = tpu.vector_load_idx %arg15[%add3A_131] : memref<40960xf32, #tpu.memory_space<vmem>>[vector<16xi32>], vector<16xf32>,
      %mul3A_133 = arith.constant 4 : i32
      %mul3A_134 = vector.broadcast %mul3A_133 : i32 to vector<16xi32>
      %mul3A_135 = arith.muli %get3A_115, %mul3A_134 : vector<16xi32>
      %add3A_136 = arith.constant 2 : i32
      %add3A_137 = vector.broadcast %add3A_136 : i32 to vector<16xi32>
      %add3A_138 = arith.addi %mul3A_135, %add3A_137 : vector<16xi32>
      %gather3A_139 = tpu.vector_load_idx %arg15[%add3A_138] : memref<40960xf32, #tpu.memory_space<vmem>>[vector<16xi32>], vector<16xf32>,
      %mul3A_140 = arith.constant 4 : i32
      %mul3A_141 = vector.broadcast %mul3A_140 : i32 to vector<16xi32>
      %mul3A_142 = arith.muli %get3A_115, %mul3A_141 : vector<16xi32>
      %add3A_143 = arith.constant 3 : i32
      %add3A_144 = vector.broadcast %add3A_143 : i32 to vector<16xi32>
      %add3A_145 = arith.addi %mul3A_142, %add3A_144 : vector<16xi32>
      %gather3A_146 = tpu.vector_load_idx %arg15[%add3A_145] : memref<40960xf32, #tpu.memory_space<vmem>>[vector<16xi32>], vector<16xf32>,
      %gather3A_147 = tpu.vector_load_idx %arg11[%mul3A_121] : memref<256xf32, #tpu.memory_space<vmem>>[vector<16xi32>], vector<16xf32>,
      %add3A_148 = arith.constant 1 : i32
      %add3A_149 = vector.broadcast %add3A_148 : i32 to vector<16xi32>
      %add3A_150 = arith.addi %mul3A_121, %add3A_149 : vector<16xi32>
      %gather3A_151 = tpu.vector_load_idx %arg11[%add3A_150] : memref<256xf32, #tpu.memory_space<vmem>>[vector<16xi32>], vector<16xf32>,
      %add3A_152 = arith.addf %gather3A_125, %gather3A_139 : vector<16xf32>
      %add3A_153 = arith.addf %add3A_152, %gather3A_147 : vector<16xf32>
      %ge3A_154 = arith.constant 0.000000e+00 : f32
      %ge3A_155 = vector.broadcast %ge3A_154 : f32 to vector<16xf32>
      %ge3A_156 = arith.cmpf oge, %add3A_153, %ge3A_155 : vector<16xf32>
      %mul3A_157 = arith.constant 2.000000e-01 : f32
      %mul3A_158 = vector.broadcast %mul3A_157 : f32 to vector<16xf32>
      %mul3A_159 = arith.mulf %mul3A_158, %add3A_153 : vector<16xf32>
      %select_n3A_160 = arith.select %ge3A_156, %add3A_153, %mul3A_159 : vector<16xi1>, vector<16xf32>
      %exp3A_161 = math.exp %select_n3A_160 : vector<16xf32>
      %add3A_162 = arith.addf %gather3A_132, %gather3A_146 : vector<16xf32>
      %add3A_163 = arith.addf %add3A_162, %gather3A_151 : vector<16xf32>
      %ge3A_164 = arith.constant 0.000000e+00 : f32
      %ge3A_165 = vector.broadcast %ge3A_164 : f32 to vector<16xf32>
      %ge3A_166 = arith.cmpf oge, %add3A_163, %ge3A_165 : vector<16xf32>
      %mul3A_167 = arith.constant 2.000000e-01 : f32
      %mul3A_168 = vector.broadcast %mul3A_167 : f32 to vector<16xf32>
      %mul3A_169 = arith.mulf %mul3A_168, %add3A_163 : vector<16xf32>
      %select_n3A_170 = arith.select %ge3A_166, %add3A_163, %mul3A_169 : vector<16xi1>, vector<16xf32>
      %exp3A_171 = math.exp %select_n3A_170 : vector<16xf32>
      tpu.vector_store_idx %arg12[%mul3A_121], %exp3A_161 : memref<256xf32, #tpu.memory_space<vmem>>[vector<16xi32>], vector<16xf32>,
      %add3A_172 = arith.constant 1 : i32
      %add3A_173 = vector.broadcast %add3A_172 : i32 to vector<16xi32>
      %add3A_174 = arith.addi %mul3A_121, %add3A_173 : vector<16xi32>
      tpu.vector_store_idx %arg12[%add3A_174], %exp3A_171 : memref<256xf32, #tpu.memory_space<vmem>>[vector<16xi32>], vector<16xf32>,
      %mul3A_175 = arith.constant 2 : i32
      %mul3A_176 = vector.broadcast %mul3A_175 : i32 to vector<16xi32>
      %mul3A_177 = arith.muli %get3A_113, %mul3A_176 : vector<16xi32>
      tpu.vector_store_idx %arg13[%mul3A_121], %mul3A_177 : memref<128xi32, #tpu.memory_space<vmem>>[vector<16xi32>], vector<16xi32>,
      %add3A_178 = arith.constant 1 : i32
      %add3A_179 = vector.broadcast %add3A_178 : i32 to vector<16xi32>
      %add3A_180 = arith.addi %mul3A_121, %add3A_179 : vector<16xi32>
      %mul3A_181 = arith.constant 2 : i32
      %mul3A_182 = vector.broadcast %mul3A_181 : i32 to vector<16xi32>
      %mul3A_183 = arith.muli %get3A_113, %mul3A_182 : vector<16xi32>
      %add3A_184 = arith.constant 1 : i32
      %add3A_185 = vector.broadcast %add3A_184 : i32 to vector<16xi32>
      %add3A_186 = arith.addi %mul3A_183, %add3A_185 : vector<16xi32>
      tpu.vector_store_idx %arg13[%add3A_180], %add3A_186 : memref<128xi32, #tpu.memory_space<vmem>>[vector<16xi32>], vector<16xi32>,
      %get3A_187 = arith.constant 32 : index
      %get3A_188 = tpu.vector_load %arg9[%get3A_187] {strides = array<i32>} : memref<128xi32, #tpu.memory_space<vmem>>, vector<16xi32>,
      %get3A_189 = arith.constant 32 : index
      %get3A_190 = tpu.vector_load %arg10[%get3A_189] {strides = array<i32>} : memref<128xi32, #tpu.memory_space<vmem>>, vector<16xi32>,
      %add3A_191 = arith.constant 32 : i32
      %add3A_192 = vector.broadcast %add3A_191 : i32 to vector<16xi32>
      %add3A_193 = arith.addi %add3A_192, %iota3A : vector<16xi32>
      %mul3A_194 = arith.constant 2 : i32
      %mul3A_195 = vector.broadcast %mul3A_194 : i32 to vector<16xi32>
      %mul3A_196 = arith.muli %mul3A_195, %add3A_193 : vector<16xi32>
      %mul3A_197 = arith.constant 4 : i32
      %mul3A_198 = vector.broadcast %mul3A_197 : i32 to vector<16xi32>
      %mul3A_199 = arith.muli %get3A_188, %mul3A_198 : vector<16xi32>
      %gather3A_200 = tpu.vector_load_idx %arg15[%mul3A_199] : memref<40960xf32, #tpu.memory_space<vmem>>[vector<16xi32>], vector<16xf32>,
      %mul3A_201 = arith.constant 4 : i32
      %mul3A_202 = vector.broadcast %mul3A_201 : i32 to vector<16xi32>
      %mul3A_203 = arith.muli %get3A_188, %mul3A_202 : vector<16xi32>
      %add3A_204 = arith.constant 1 : i32
      %add3A_205 = vector.broadcast %add3A_204 : i32 to vector<16xi32>
      %add3A_206 = arith.addi %mul3A_203, %add3A_205 : vector<16xi32>
      %gather3A_207 = tpu.vector_load_idx %arg15[%add3A_206] : memref<40960xf32, #tpu.memory_space<vmem>>[vector<16xi32>], vector<16xf32>,
      %mul3A_208 = arith.constant 4 : i32
      %mul3A_209 = vector.broadcast %mul3A_208 : i32 to vector<16xi32>
      %mul3A_210 = arith.muli %get3A_190, %mul3A_209 : vector<16xi32>
      %add3A_211 = arith.constant 2 : i32
      %add3A_212 = vector.broadcast %add3A_211 : i32 to vector<16xi32>
      %add3A_213 = arith.addi %mul3A_210, %add3A_212 : vector<16xi32>
      %gather3A_214 = tpu.vector_load_idx %arg15[%add3A_213] : memref<40960xf32, #tpu.memory_space<vmem>>[vector<16xi32>], vector<16xf32>,
      %mul3A_215 = arith.constant 4 : i32
      %mul3A_216 = vector.broadcast %mul3A_215 : i32 to vector<16xi32>
      %mul3A_217 = arith.muli %get3A_190, %mul3A_216 : vector<16xi32>
      %add3A_218 = arith.constant 3 : i32
      %add3A_219 = vector.broadcast %add3A_218 : i32 to vector<16xi32>
      %add3A_220 = arith.addi %mul3A_217, %add3A_219 : vector<16xi32>
      %gather3A_221 = tpu.vector_load_idx %arg15[%add3A_220] : memref<40960xf32, #tpu.memory_space<vmem>>[vector<16xi32>], vector<16xf32>,
      %gather3A_222 = tpu.vector_load_idx %arg11[%mul3A_196] : memref<256xf32, #tpu.memory_space<vmem>>[vector<16xi32>], vector<16xf32>,
      %add3A_223 = arith.constant 1 : i32
      %add3A_224 = vector.broadcast %add3A_223 : i32 to vector<16xi32>
      %add3A_225 = arith.addi %mul3A_196, %add3A_224 : vector<16xi32>
      %gather3A_226 = tpu.vector_load_idx %arg11[%add3A_225] : memref<256xf32, #tpu.memory_space<vmem>>[vector<16xi32>], vector<16xf32>,
      %add3A_227 = arith.addf %gather3A_200, %gather3A_214 : vector<16xf32>
      %add3A_228 = arith.addf %add3A_227, %gather3A_222 : vector<16xf32>
      %ge3A_229 = arith.constant 0.000000e+00 : f32
      %ge3A_230 = vector.broadcast %ge3A_229 : f32 to vector<16xf32>
      %ge3A_231 = arith.cmpf oge, %add3A_228, %ge3A_230 : vector<16xf32>
      %mul3A_232 = arith.constant 2.000000e-01 : f32
      %mul3A_233 = vector.broadcast %mul3A_232 : f32 to vector<16xf32>
      %mul3A_234 = arith.mulf %mul3A_233, %add3A_228 : vector<16xf32>
      %select_n3A_235 = arith.select %ge3A_231, %add3A_228, %mul3A_234 : vector<16xi1>, vector<16xf32>
      %exp3A_236 = math.exp %select_n3A_235 : vector<16xf32>
      %add3A_237 = arith.addf %gather3A_207, %gather3A_221 : vector<16xf32>
      %add3A_238 = arith.addf %add3A_237, %gather3A_226 : vector<16xf32>
      %ge3A_239 = arith.constant 0.000000e+00 : f32
      %ge3A_240 = vector.broadcast %ge3A_239 : f32 to vector<16xf32>
      %ge3A_241 = arith.cmpf oge, %add3A_238, %ge3A_240 : vector<16xf32>
      %mul3A_242 = arith.constant 2.000000e-01 : f32
      %mul3A_243 = vector.broadcast %mul3A_242 : f32 to vector<16xf32>
      %mul3A_244 = arith.mulf %mul3A_243, %add3A_238 : vector<16xf32>
      %select_n3A_245 = arith.select %ge3A_241, %add3A_238, %mul3A_244 : vector<16xi1>, vector<16xf32>
      %exp3A_246 = math.exp %select_n3A_245 : vector<16xf32>
      tpu.vector_store_idx %arg12[%mul3A_196], %exp3A_236 : memref<256xf32, #tpu.memory_space<vmem>>[vector<16xi32>], vector<16xf32>,
      %add3A_247 = arith.constant 1 : i32
      %add3A_248 = vector.broadcast %add3A_247 : i32 to vector<16xi32>
      %add3A_249 = arith.addi %mul3A_196, %add3A_248 : vector<16xi32>
      tpu.vector_store_idx %arg12[%add3A_249], %exp3A_246 : memref<256xf32, #tpu.memory_space<vmem>>[vector<16xi32>], vector<16xf32>,
      %mul3A_250 = arith.constant 2 : i32
      %mul3A_251 = vector.broadcast %mul3A_250 : i32 to vector<16xi32>
      %mul3A_252 = arith.muli %get3A_188, %mul3A_251 : vector<16xi32>
      tpu.vector_store_idx %arg13[%mul3A_196], %mul3A_252 : memref<128xi32, #tpu.memory_space<vmem>>[vector<16xi32>], vector<16xi32>,
      %add3A_253 = arith.constant 1 : i32
      %add3A_254 = vector.broadcast %add3A_253 : i32 to vector<16xi32>
      %add3A_255 = arith.addi %mul3A_196, %add3A_254 : vector<16xi32>
      %mul3A_256 = arith.constant 2 : i32
      %mul3A_257 = vector.broadcast %mul3A_256 : i32 to vector<16xi32>
      %mul3A_258 = arith.muli %get3A_188, %mul3A_257 : vector<16xi32>
      %add3A_259 = arith.constant 1 : i32
      %add3A_260 = vector.broadcast %add3A_259 : i32 to vector<16xi32>
      %add3A_261 = arith.addi %mul3A_258, %add3A_260 : vector<16xi32>
      tpu.vector_store_idx %arg13[%add3A_255], %add3A_261 : memref<128xi32, #tpu.memory_space<vmem>>[vector<16xi32>], vector<16xi32>,
      %get3A_262 = arith.constant 48 : index
      %get3A_263 = tpu.vector_load %arg9[%get3A_262] {strides = array<i32>} : memref<128xi32, #tpu.memory_space<vmem>>, vector<16xi32>,
      %get3A_264 = arith.constant 48 : index
      %get3A_265 = tpu.vector_load %arg10[%get3A_264] {strides = array<i32>} : memref<128xi32, #tpu.memory_space<vmem>>, vector<16xi32>,
      %add3A_266 = arith.constant 48 : i32
      %add3A_267 = vector.broadcast %add3A_266 : i32 to vector<16xi32>
      %add3A_268 = arith.addi %add3A_267, %iota3A : vector<16xi32>
      %mul3A_269 = arith.constant 2 : i32
      %mul3A_270 = vector.broadcast %mul3A_269 : i32 to vector<16xi32>
      %mul3A_271 = arith.muli %mul3A_270, %add3A_268 : vector<16xi32>
      %mul3A_272 = arith.constant 4 : i32
      %mul3A_273 = vector.broadcast %mul3A_272 : i32 to vector<16xi32>
      %mul3A_274 = arith.muli %get3A_263, %mul3A_273 : vector<16xi32>
      %gather3A_275 = tpu.vector_load_idx %arg15[%mul3A_274] : memref<40960xf32, #tpu.memory_space<vmem>>[vector<16xi32>], vector<16xf32>,
      %mul3A_276 = arith.constant 4 : i32
      %mul3A_277 = vector.broadcast %mul3A_276 : i32 to vector<16xi32>
      %mul3A_278 = arith.muli %get3A_263, %mul3A_277 : vector<16xi32>
      %add3A_279 = arith.constant 1 : i32
      %add3A_280 = vector.broadcast %add3A_279 : i32 to vector<16xi32>
      %add3A_281 = arith.addi %mul3A_278, %add3A_280 : vector<16xi32>
      %gather3A_282 = tpu.vector_load_idx %arg15[%add3A_281] : memref<40960xf32, #tpu.memory_space<vmem>>[vector<16xi32>], vector<16xf32>,
      %mul3A_283 = arith.constant 4 : i32
      %mul3A_284 = vector.broadcast %mul3A_283 : i32 to vector<16xi32>
      %mul3A_285 = arith.muli %get3A_265, %mul3A_284 : vector<16xi32>
      %add3A_286 = arith.constant 2 : i32
      %add3A_287 = vector.broadcast %add3A_286 : i32 to vector<16xi32>
      %add3A_288 = arith.addi %mul3A_285, %add3A_287 : vector<16xi32>
      %gather3A_289 = tpu.vector_load_idx %arg15[%add3A_288] : memref<40960xf32, #tpu.memory_space<vmem>>[vector<16xi32>], vector<16xf32>,
      %mul3A_290 = arith.constant 4 : i32
      %mul3A_291 = vector.broadcast %mul3A_290 : i32 to vector<16xi32>
      %mul3A_292 = arith.muli %get3A_265, %mul3A_291 : vector<16xi32>
      %add3A_293 = arith.constant 3 : i32
      %add3A_294 = vector.broadcast %add3A_293 : i32 to vector<16xi32>
      %add3A_295 = arith.addi %mul3A_292, %add3A_294 : vector<16xi32>
      %gather3A_296 = tpu.vector_load_idx %arg15[%add3A_295] : memref<40960xf32, #tpu.memory_space<vmem>>[vector<16xi32>], vector<16xf32>,
      %gather3A_297 = tpu.vector_load_idx %arg11[%mul3A_271] : memref<256xf32, #tpu.memory_space<vmem>>[vector<16xi32>], vector<16xf32>,
      %add3A_298 = arith.constant 1 : i32
      %add3A_299 = vector.broadcast %add3A_298 : i32 to vector<16xi32>
      %add3A_300 = arith.addi %mul3A_271, %add3A_299 : vector<16xi32>
      %gather3A_301 = tpu.vector_load_idx %arg11[%add3A_300] : memref<256xf32, #tpu.memory_space<vmem>>[vector<16xi32>], vector<16xf32>,
      %add3A_302 = arith.addf %gather3A_275, %gather3A_289 : vector<16xf32>
      %add3A_303 = arith.addf %add3A_302, %gather3A_297 : vector<16xf32>
      %ge3A_304 = arith.constant 0.000000e+00 : f32
      %ge3A_305 = vector.broadcast %ge3A_304 : f32 to vector<16xf32>
      %ge3A_306 = arith.cmpf oge, %add3A_303, %ge3A_305 : vector<16xf32>
      %mul3A_307 = arith.constant 2.000000e-01 : f32
      %mul3A_308 = vector.broadcast %mul3A_307 : f32 to vector<16xf32>
      %mul3A_309 = arith.mulf %mul3A_308, %add3A_303 : vector<16xf32>
      %select_n3A_310 = arith.select %ge3A_306, %add3A_303, %mul3A_309 : vector<16xi1>, vector<16xf32>
      %exp3A_311 = math.exp %select_n3A_310 : vector<16xf32>
      %add3A_312 = arith.addf %gather3A_282, %gather3A_296 : vector<16xf32>
      %add3A_313 = arith.addf %add3A_312, %gather3A_301 : vector<16xf32>
      %ge3A_314 = arith.constant 0.000000e+00 : f32
      %ge3A_315 = vector.broadcast %ge3A_314 : f32 to vector<16xf32>
      %ge3A_316 = arith.cmpf oge, %add3A_313, %ge3A_315 : vector<16xf32>
      %mul3A_317 = arith.constant 2.000000e-01 : f32
      %mul3A_318 = vector.broadcast %mul3A_317 : f32 to vector<16xf32>
      %mul3A_319 = arith.mulf %mul3A_318, %add3A_313 : vector<16xf32>
      %select_n3A_320 = arith.select %ge3A_316, %add3A_313, %mul3A_319 : vector<16xi1>, vector<16xf32>
      %exp3A_321 = math.exp %select_n3A_320 : vector<16xf32>
      tpu.vector_store_idx %arg12[%mul3A_271], %exp3A_311 : memref<256xf32, #tpu.memory_space<vmem>>[vector<16xi32>], vector<16xf32>,
      %add3A_322 = arith.constant 1 : i32
      %add3A_323 = vector.broadcast %add3A_322 : i32 to vector<16xi32>
      %add3A_324 = arith.addi %mul3A_271, %add3A_323 : vector<16xi32>
      tpu.vector_store_idx %arg12[%add3A_324], %exp3A_321 : memref<256xf32, #tpu.memory_space<vmem>>[vector<16xi32>], vector<16xf32>,
      %mul3A_325 = arith.constant 2 : i32
      %mul3A_326 = vector.broadcast %mul3A_325 : i32 to vector<16xi32>
      %mul3A_327 = arith.muli %get3A_263, %mul3A_326 : vector<16xi32>
      tpu.vector_store_idx %arg13[%mul3A_271], %mul3A_327 : memref<128xi32, #tpu.memory_space<vmem>>[vector<16xi32>], vector<16xi32>,
      %add3A_328 = arith.constant 1 : i32
      %add3A_329 = vector.broadcast %add3A_328 : i32 to vector<16xi32>
      %add3A_330 = arith.addi %mul3A_271, %add3A_329 : vector<16xi32>
      %mul3A_331 = arith.constant 2 : i32
      %mul3A_332 = vector.broadcast %mul3A_331 : i32 to vector<16xi32>
      %mul3A_333 = arith.muli %get3A_263, %mul3A_332 : vector<16xi32>
      %add3A_334 = arith.constant 1 : i32
      %add3A_335 = vector.broadcast %add3A_334 : i32 to vector<16xi32>
      %add3A_336 = arith.addi %mul3A_333, %add3A_335 : vector<16xi32>
      tpu.vector_store_idx %arg13[%add3A_330], %add3A_336 : memref<128xi32, #tpu.memory_space<vmem>>[vector<16xi32>], vector<16xi32>,
      %get3A_337 = arith.constant 64 : index
      %get3A_338 = tpu.vector_load %arg9[%get3A_337] {strides = array<i32>} : memref<128xi32, #tpu.memory_space<vmem>>, vector<16xi32>,
      %get3A_339 = arith.constant 64 : index
      %get3A_340 = tpu.vector_load %arg10[%get3A_339] {strides = array<i32>} : memref<128xi32, #tpu.memory_space<vmem>>, vector<16xi32>,
      %add3A_341 = arith.constant 64 : i32
      %add3A_342 = vector.broadcast %add3A_341 : i32 to vector<16xi32>
      %add3A_343 = arith.addi %add3A_342, %iota3A : vector<16xi32>
      %mul3A_344 = arith.constant 2 : i32
      %mul3A_345 = vector.broadcast %mul3A_344 : i32 to vector<16xi32>
      %mul3A_346 = arith.muli %mul3A_345, %add3A_343 : vector<16xi32>
      %mul3A_347 = arith.constant 4 : i32
      %mul3A_348 = vector.broadcast %mul3A_347 : i32 to vector<16xi32>
      %mul3A_349 = arith.muli %get3A_338, %mul3A_348 : vector<16xi32>
      %gather3A_350 = tpu.vector_load_idx %arg15[%mul3A_349] : memref<40960xf32, #tpu.memory_space<vmem>>[vector<16xi32>], vector<16xf32>,
      %mul3A_351 = arith.constant 4 : i32
      %mul3A_352 = vector.broadcast %mul3A_351 : i32 to vector<16xi32>
      %mul3A_353 = arith.muli %get3A_338, %mul3A_352 : vector<16xi32>
      %add3A_354 = arith.constant 1 : i32
      %add3A_355 = vector.broadcast %add3A_354 : i32 to vector<16xi32>
      %add3A_356 = arith.addi %mul3A_353, %add3A_355 : vector<16xi32>
      %gather3A_357 = tpu.vector_load_idx %arg15[%add3A_356] : memref<40960xf32, #tpu.memory_space<vmem>>[vector<16xi32>], vector<16xf32>,
      %mul3A_358 = arith.constant 4 : i32
      %mul3A_359 = vector.broadcast %mul3A_358 : i32 to vector<16xi32>
      %mul3A_360 = arith.muli %get3A_340, %mul3A_359 : vector<16xi32>
      %add3A_361 = arith.constant 2 : i32
      %add3A_362 = vector.broadcast %add3A_361 : i32 to vector<16xi32>
      %add3A_363 = arith.addi %mul3A_360, %add3A_362 : vector<16xi32>
      %gather3A_364 = tpu.vector_load_idx %arg15[%add3A_363] : memref<40960xf32, #tpu.memory_space<vmem>>[vector<16xi32>], vector<16xf32>,
      %mul3A_365 = arith.constant 4 : i32
      %mul3A_366 = vector.broadcast %mul3A_365 : i32 to vector<16xi32>
      %mul3A_367 = arith.muli %get3A_340, %mul3A_366 : vector<16xi32>
      %add3A_368 = arith.constant 3 : i32
      %add3A_369 = vector.broadcast %add3A_368 : i32 to vector<16xi32>
      %add3A_370 = arith.addi %mul3A_367, %add3A_369 : vector<16xi32>
      %gather3A_371 = tpu.vector_load_idx %arg15[%add3A_370] : memref<40960xf32, #tpu.memory_space<vmem>>[vector<16xi32>], vector<16xf32>,
      %gather3A_372 = tpu.vector_load_idx %arg11[%mul3A_346] : memref<256xf32, #tpu.memory_space<vmem>>[vector<16xi32>], vector<16xf32>,
      %add3A_373 = arith.constant 1 : i32
      %add3A_374 = vector.broadcast %add3A_373 : i32 to vector<16xi32>
      %add3A_375 = arith.addi %mul3A_346, %add3A_374 : vector<16xi32>
      %gather3A_376 = tpu.vector_load_idx %arg11[%add3A_375] : memref<256xf32, #tpu.memory_space<vmem>>[vector<16xi32>], vector<16xf32>,
      %add3A_377 = arith.addf %gather3A_350, %gather3A_364 : vector<16xf32>
      %add3A_378 = arith.addf %add3A_377, %gather3A_372 : vector<16xf32>
      %ge3A_379 = arith.constant 0.000000e+00 : f32
      %ge3A_380 = vector.broadcast %ge3A_379 : f32 to vector<16xf32>
      %ge3A_381 = arith.cmpf oge, %add3A_378, %ge3A_380 : vector<16xf32>
      %mul3A_382 = arith.constant 2.000000e-01 : f32
      %mul3A_383 = vector.broadcast %mul3A_382 : f32 to vector<16xf32>
      %mul3A_384 = arith.mulf %mul3A_383, %add3A_378 : vector<16xf32>
      %select_n3A_385 = arith.select %ge3A_381, %add3A_378, %mul3A_384 : vector<16xi1>, vector<16xf32>
      %exp3A_386 = math.exp %select_n3A_385 : vector<16xf32>
      %add3A_387 = arith.addf %gather3A_357, %gather3A_371 : vector<16xf32>
      %add3A_388 = arith.addf %add3A_387, %gather3A_376 : vector<16xf32>
      %ge3A_389 = arith.constant 0.000000e+00 : f32
      %ge3A_390 = vector.broadcast %ge3A_389 : f32 to vector<16xf32>
      %ge3A_391 = arith.cmpf oge, %add3A_388, %ge3A_390 : vector<16xf32>
      %mul3A_392 = arith.constant 2.000000e-01 : f32
      %mul3A_393 = vector.broadcast %mul3A_392 : f32 to vector<16xf32>
      %mul3A_394 = arith.mulf %mul3A_393, %add3A_388 : vector<16xf32>
      %select_n3A_395 = arith.select %ge3A_391, %add3A_388, %mul3A_394 : vector<16xi1>, vector<16xf32>
      %exp3A_396 = math.exp %select_n3A_395 : vector<16xf32>
      tpu.vector_store_idx %arg12[%mul3A_346], %exp3A_386 : memref<256xf32, #tpu.memory_space<vmem>>[vector<16xi32>], vector<16xf32>,
      %add3A_397 = arith.constant 1 : i32
      %add3A_398 = vector.broadcast %add3A_397 : i32 to vector<16xi32>
      %add3A_399 = arith.addi %mul3A_346, %add3A_398 : vector<16xi32>
      tpu.vector_store_idx %arg12[%add3A_399], %exp3A_396 : memref<256xf32, #tpu.memory_space<vmem>>[vector<16xi32>], vector<16xf32>,
      %sub3A = arith.constant 128 : i32
      %sub3A_400 = vector.broadcast %sub3A : i32 to vector<16xi32>
      %sub3A_401 = arith.subi %mul3A_346, %sub3A_400 : vector<16xi32>
      %mul3A_402 = arith.constant 2 : i32
      %mul3A_403 = vector.broadcast %mul3A_402 : i32 to vector<16xi32>
      %mul3A_404 = arith.muli %get3A_338, %mul3A_403 : vector<16xi32>
      tpu.vector_store_idx %arg14[%sub3A_401], %mul3A_404 : memref<128xi32, #tpu.memory_space<vmem>>[vector<16xi32>], vector<16xi32>,
      %add3A_405 = arith.constant 1 : i32
      %add3A_406 = vector.broadcast %add3A_405 : i32 to vector<16xi32>
      %add3A_407 = arith.addi %sub3A_401, %add3A_406 : vector<16xi32>
      %mul3A_408 = arith.constant 2 : i32
      %mul3A_409 = vector.broadcast %mul3A_408 : i32 to vector<16xi32>
      %mul3A_410 = arith.muli %get3A_338, %mul3A_409 : vector<16xi32>
      %add3A_411 = arith.constant 1 : i32
      %add3A_412 = vector.broadcast %add3A_411 : i32 to vector<16xi32>
      %add3A_413 = arith.addi %mul3A_410, %add3A_412 : vector<16xi32>
      tpu.vector_store_idx %arg14[%add3A_407], %add3A_413 : memref<128xi32, #tpu.memory_space<vmem>>[vector<16xi32>], vector<16xi32>,
      %get3A_414 = arith.constant 80 : index
      %get3A_415 = tpu.vector_load %arg9[%get3A_414] {strides = array<i32>} : memref<128xi32, #tpu.memory_space<vmem>>, vector<16xi32>,
      %get3A_416 = arith.constant 80 : index
      %get3A_417 = tpu.vector_load %arg10[%get3A_416] {strides = array<i32>} : memref<128xi32, #tpu.memory_space<vmem>>, vector<16xi32>,
      %add3A_418 = arith.constant 80 : i32
      %add3A_419 = vector.broadcast %add3A_418 : i32 to vector<16xi32>
      %add3A_420 = arith.addi %add3A_419, %iota3A : vector<16xi32>
      %mul3A_421 = arith.constant 2 : i32
      %mul3A_422 = vector.broadcast %mul3A_421 : i32 to vector<16xi32>
      %mul3A_423 = arith.muli %mul3A_422, %add3A_420 : vector<16xi32>
      %mul3A_424 = arith.constant 4 : i32
      %mul3A_425 = vector.broadcast %mul3A_424 : i32 to vector<16xi32>
      %mul3A_426 = arith.muli %get3A_415, %mul3A_425 : vector<16xi32>
      %gather3A_427 = tpu.vector_load_idx %arg15[%mul3A_426] : memref<40960xf32, #tpu.memory_space<vmem>>[vector<16xi32>], vector<16xf32>,
      %mul3A_428 = arith.constant 4 : i32
      %mul3A_429 = vector.broadcast %mul3A_428 : i32 to vector<16xi32>
      %mul3A_430 = arith.muli %get3A_415, %mul3A_429 : vector<16xi32>
      %add3A_431 = arith.constant 1 : i32
      %add3A_432 = vector.broadcast %add3A_431 : i32 to vector<16xi32>
      %add3A_433 = arith.addi %mul3A_430, %add3A_432 : vector<16xi32>
      %gather3A_434 = tpu.vector_load_idx %arg15[%add3A_433] : memref<40960xf32, #tpu.memory_space<vmem>>[vector<16xi32>], vector<16xf32>,
      %mul3A_435 = arith.constant 4 : i32
      %mul3A_436 = vector.broadcast %mul3A_435 : i32 to vector<16xi32>
      %mul3A_437 = arith.muli %get3A_417, %mul3A_436 : vector<16xi32>
      %add3A_438 = arith.constant 2 : i32
      %add3A_439 = vector.broadcast %add3A_438 : i32 to vector<16xi32>
      %add3A_440 = arith.addi %mul3A_437, %add3A_439 : vector<16xi32>
      %gather3A_441 = tpu.vector_load_idx %arg15[%add3A_440] : memref<40960xf32, #tpu.memory_space<vmem>>[vector<16xi32>], vector<16xf32>,
      %mul3A_442 = arith.constant 4 : i32
      %mul3A_443 = vector.broadcast %mul3A_442 : i32 to vector<16xi32>
      %mul3A_444 = arith.muli %get3A_417, %mul3A_443 : vector<16xi32>
      %add3A_445 = arith.constant 3 : i32
      %add3A_446 = vector.broadcast %add3A_445 : i32 to vector<16xi32>
      %add3A_447 = arith.addi %mul3A_444, %add3A_446 : vector<16xi32>
      %gather3A_448 = tpu.vector_load_idx %arg15[%add3A_447] : memref<40960xf32, #tpu.memory_space<vmem>>[vector<16xi32>], vector<16xf32>,
      %gather3A_449 = tpu.vector_load_idx %arg11[%mul3A_423] : memref<256xf32, #tpu.memory_space<vmem>>[vector<16xi32>], vector<16xf32>,
      %add3A_450 = arith.constant 1 : i32
      %add3A_451 = vector.broadcast %add3A_450 : i32 to vector<16xi32>
      %add3A_452 = arith.addi %mul3A_423, %add3A_451 : vector<16xi32>
      %gather3A_453 = tpu.vector_load_idx %arg11[%add3A_452] : memref<256xf32, #tpu.memory_space<vmem>>[vector<16xi32>], vector<16xf32>,
      %add3A_454 = arith.addf %gather3A_427, %gather3A_441 : vector<16xf32>
      %add3A_455 = arith.addf %add3A_454, %gather3A_449 : vector<16xf32>
      %ge3A_456 = arith.constant 0.000000e+00 : f32
      %ge3A_457 = vector.broadcast %ge3A_456 : f32 to vector<16xf32>
      %ge3A_458 = arith.cmpf oge, %add3A_455, %ge3A_457 : vector<16xf32>
      %mul3A_459 = arith.constant 2.000000e-01 : f32
      %mul3A_460 = vector.broadcast %mul3A_459 : f32 to vector<16xf32>
      %mul3A_461 = arith.mulf %mul3A_460, %add3A_455 : vector<16xf32>
      %select_n3A_462 = arith.select %ge3A_458, %add3A_455, %mul3A_461 : vector<16xi1>, vector<16xf32>
      %exp3A_463 = math.exp %select_n3A_462 : vector<16xf32>
      %add3A_464 = arith.addf %gather3A_434, %gather3A_448 : vector<16xf32>
      %add3A_465 = arith.addf %add3A_464, %gather3A_453 : vector<16xf32>
      %ge3A_466 = arith.constant 0.000000e+00 : f32
      %ge3A_467 = vector.broadcast %ge3A_466 : f32 to vector<16xf32>
      %ge3A_468 = arith.cmpf oge, %add3A_465, %ge3A_467 : vector<16xf32>
      %mul3A_469 = arith.constant 2.000000e-01 : f32
      %mul3A_470 = vector.broadcast %mul3A_469 : f32 to vector<16xf32>
      %mul3A_471 = arith.mulf %mul3A_470, %add3A_465 : vector<16xf32>
      %select_n3A_472 = arith.select %ge3A_468, %add3A_465, %mul3A_471 : vector<16xi1>, vector<16xf32>
      %exp3A_473 = math.exp %select_n3A_472 : vector<16xf32>
      tpu.vector_store_idx %arg12[%mul3A_423], %exp3A_463 : memref<256xf32, #tpu.memory_space<vmem>>[vector<16xi32>], vector<16xf32>,
      %add3A_474 = arith.constant 1 : i32
      %add3A_475 = vector.broadcast %add3A_474 : i32 to vector<16xi32>
      %add3A_476 = arith.addi %mul3A_423, %add3A_475 : vector<16xi32>
      tpu.vector_store_idx %arg12[%add3A_476], %exp3A_473 : memref<256xf32, #tpu.memory_space<vmem>>[vector<16xi32>], vector<16xf32>,
      %sub3A_477 = arith.constant 128 : i32
      %sub3A_478 = vector.broadcast %sub3A_477 : i32 to vector<16xi32>
      %sub3A_479 = arith.subi %mul3A_423, %sub3A_478 : vector<16xi32>
      %mul3A_480 = arith.constant 2 : i32
      %mul3A_481 = vector.broadcast %mul3A_480 : i32 to vector<16xi32>
      %mul3A_482 = arith.muli %get3A_415, %mul3A_481 : vector<16xi32>
      tpu.vector_store_idx %arg14[%sub3A_479], %mul3A_482 : memref<128xi32, #tpu.memory_space<vmem>>[vector<16xi32>], vector<16xi32>,
      %add3A_483 = arith.constant 1 : i32
      %add3A_484 = vector.broadcast %add3A_483 : i32 to vector<16xi32>
      %add3A_485 = arith.addi %sub3A_479, %add3A_484 : vector<16xi32>
      %mul3A_486 = arith.constant 2 : i32
      %mul3A_487 = vector.broadcast %mul3A_486 : i32 to vector<16xi32>
      %mul3A_488 = arith.muli %get3A_415, %mul3A_487 : vector<16xi32>
      %add3A_489 = arith.constant 1 : i32
      %add3A_490 = vector.broadcast %add3A_489 : i32 to vector<16xi32>
      %add3A_491 = arith.addi %mul3A_488, %add3A_490 : vector<16xi32>
      tpu.vector_store_idx %arg14[%add3A_485], %add3A_491 : memref<128xi32, #tpu.memory_space<vmem>>[vector<16xi32>], vector<16xi32>,
      %get3A_492 = arith.constant 96 : index
      %get3A_493 = tpu.vector_load %arg9[%get3A_492] {strides = array<i32>} : memref<128xi32, #tpu.memory_space<vmem>>, vector<16xi32>,
      %get3A_494 = arith.constant 96 : index
      %get3A_495 = tpu.vector_load %arg10[%get3A_494] {strides = array<i32>} : memref<128xi32, #tpu.memory_space<vmem>>, vector<16xi32>,
      %add3A_496 = arith.constant 96 : i32
      %add3A_497 = vector.broadcast %add3A_496 : i32 to vector<16xi32>
      %add3A_498 = arith.addi %add3A_497, %iota3A : vector<16xi32>
      %mul3A_499 = arith.constant 2 : i32
      %mul3A_500 = vector.broadcast %mul3A_499 : i32 to vector<16xi32>
      %mul3A_501 = arith.muli %mul3A_500, %add3A_498 : vector<16xi32>
      %mul3A_502 = arith.constant 4 : i32
      %mul3A_503 = vector.broadcast %mul3A_502 : i32 to vector<16xi32>
      %mul3A_504 = arith.muli %get3A_493, %mul3A_503 : vector<16xi32>
      %gather3A_505 = tpu.vector_load_idx %arg15[%mul3A_504] : memref<40960xf32, #tpu.memory_space<vmem>>[vector<16xi32>], vector<16xf32>,
      %mul3A_506 = arith.constant 4 : i32
      %mul3A_507 = vector.broadcast %mul3A_506 : i32 to vector<16xi32>
      %mul3A_508 = arith.muli %get3A_493, %mul3A_507 : vector<16xi32>
      %add3A_509 = arith.constant 1 : i32
      %add3A_510 = vector.broadcast %add3A_509 : i32 to vector<16xi32>
      %add3A_511 = arith.addi %mul3A_508, %add3A_510 : vector<16xi32>
      %gather3A_512 = tpu.vector_load_idx %arg15[%add3A_511] : memref<40960xf32, #tpu.memory_space<vmem>>[vector<16xi32>], vector<16xf32>,
      %mul3A_513 = arith.constant 4 : i32
      %mul3A_514 = vector.broadcast %mul3A_513 : i32 to vector<16xi32>
      %mul3A_515 = arith.muli %get3A_495, %mul3A_514 : vector<16xi32>
      %add3A_516 = arith.constant 2 : i32
      %add3A_517 = vector.broadcast %add3A_516 : i32 to vector<16xi32>
      %add3A_518 = arith.addi %mul3A_515, %add3A_517 : vector<16xi32>
      %gather3A_519 = tpu.vector_load_idx %arg15[%add3A_518] : memref<40960xf32, #tpu.memory_space<vmem>>[vector<16xi32>], vector<16xf32>,
      %mul3A_520 = arith.constant 4 : i32
      %mul3A_521 = vector.broadcast %mul3A_520 : i32 to vector<16xi32>
      %mul3A_522 = arith.muli %get3A_495, %mul3A_521 : vector<16xi32>
      %add3A_523 = arith.constant 3 : i32
      %add3A_524 = vector.broadcast %add3A_523 : i32 to vector<16xi32>
      %add3A_525 = arith.addi %mul3A_522, %add3A_524 : vector<16xi32>
      %gather3A_526 = tpu.vector_load_idx %arg15[%add3A_525] : memref<40960xf32, #tpu.memory_space<vmem>>[vector<16xi32>], vector<16xf32>,
      %gather3A_527 = tpu.vector_load_idx %arg11[%mul3A_501] : memref<256xf32, #tpu.memory_space<vmem>>[vector<16xi32>], vector<16xf32>,
      %add3A_528 = arith.constant 1 : i32
      %add3A_529 = vector.broadcast %add3A_528 : i32 to vector<16xi32>
      %add3A_530 = arith.addi %mul3A_501, %add3A_529 : vector<16xi32>
      %gather3A_531 = tpu.vector_load_idx %arg11[%add3A_530] : memref<256xf32, #tpu.memory_space<vmem>>[vector<16xi32>], vector<16xf32>,
      %add3A_532 = arith.addf %gather3A_505, %gather3A_519 : vector<16xf32>
      %add3A_533 = arith.addf %add3A_532, %gather3A_527 : vector<16xf32>
      %ge3A_534 = arith.constant 0.000000e+00 : f32
      %ge3A_535 = vector.broadcast %ge3A_534 : f32 to vector<16xf32>
      %ge3A_536 = arith.cmpf oge, %add3A_533, %ge3A_535 : vector<16xf32>
      %mul3A_537 = arith.constant 2.000000e-01 : f32
      %mul3A_538 = vector.broadcast %mul3A_537 : f32 to vector<16xf32>
      %mul3A_539 = arith.mulf %mul3A_538, %add3A_533 : vector<16xf32>
      %select_n3A_540 = arith.select %ge3A_536, %add3A_533, %mul3A_539 : vector<16xi1>, vector<16xf32>
      %exp3A_541 = math.exp %select_n3A_540 : vector<16xf32>
      %add3A_542 = arith.addf %gather3A_512, %gather3A_526 : vector<16xf32>
      %add3A_543 = arith.addf %add3A_542, %gather3A_531 : vector<16xf32>
      %ge3A_544 = arith.constant 0.000000e+00 : f32
      %ge3A_545 = vector.broadcast %ge3A_544 : f32 to vector<16xf32>
      %ge3A_546 = arith.cmpf oge, %add3A_543, %ge3A_545 : vector<16xf32>
      %mul3A_547 = arith.constant 2.000000e-01 : f32
      %mul3A_548 = vector.broadcast %mul3A_547 : f32 to vector<16xf32>
      %mul3A_549 = arith.mulf %mul3A_548, %add3A_543 : vector<16xf32>
      %select_n3A_550 = arith.select %ge3A_546, %add3A_543, %mul3A_549 : vector<16xi1>, vector<16xf32>
      %exp3A_551 = math.exp %select_n3A_550 : vector<16xf32>
      tpu.vector_store_idx %arg12[%mul3A_501], %exp3A_541 : memref<256xf32, #tpu.memory_space<vmem>>[vector<16xi32>], vector<16xf32>,
      %add3A_552 = arith.constant 1 : i32
      %add3A_553 = vector.broadcast %add3A_552 : i32 to vector<16xi32>
      %add3A_554 = arith.addi %mul3A_501, %add3A_553 : vector<16xi32>
      tpu.vector_store_idx %arg12[%add3A_554], %exp3A_551 : memref<256xf32, #tpu.memory_space<vmem>>[vector<16xi32>], vector<16xf32>,
      %sub3A_555 = arith.constant 128 : i32
      %sub3A_556 = vector.broadcast %sub3A_555 : i32 to vector<16xi32>
      %sub3A_557 = arith.subi %mul3A_501, %sub3A_556 : vector<16xi32>
      %mul3A_558 = arith.constant 2 : i32
      %mul3A_559 = vector.broadcast %mul3A_558 : i32 to vector<16xi32>
      %mul3A_560 = arith.muli %get3A_493, %mul3A_559 : vector<16xi32>
      tpu.vector_store_idx %arg14[%sub3A_557], %mul3A_560 : memref<128xi32, #tpu.memory_space<vmem>>[vector<16xi32>], vector<16xi32>,
      %add3A_561 = arith.constant 1 : i32
      %add3A_562 = vector.broadcast %add3A_561 : i32 to vector<16xi32>
      %add3A_563 = arith.addi %sub3A_557, %add3A_562 : vector<16xi32>
      %mul3A_564 = arith.constant 2 : i32
      %mul3A_565 = vector.broadcast %mul3A_564 : i32 to vector<16xi32>
      %mul3A_566 = arith.muli %get3A_493, %mul3A_565 : vector<16xi32>
      %add3A_567 = arith.constant 1 : i32
      %add3A_568 = vector.broadcast %add3A_567 : i32 to vector<16xi32>
      %add3A_569 = arith.addi %mul3A_566, %add3A_568 : vector<16xi32>
      tpu.vector_store_idx %arg14[%add3A_563], %add3A_569 : memref<128xi32, #tpu.memory_space<vmem>>[vector<16xi32>], vector<16xi32>,
      %get3A_570 = arith.constant 112 : index
      %get3A_571 = tpu.vector_load %arg9[%get3A_570] {strides = array<i32>} : memref<128xi32, #tpu.memory_space<vmem>>, vector<16xi32>,
      %get3A_572 = arith.constant 112 : index
      %get3A_573 = tpu.vector_load %arg10[%get3A_572] {strides = array<i32>} : memref<128xi32, #tpu.memory_space<vmem>>, vector<16xi32>,
      %add3A_574 = arith.constant 112 : i32
      %add3A_575 = vector.broadcast %add3A_574 : i32 to vector<16xi32>
      %add3A_576 = arith.addi %add3A_575, %iota3A : vector<16xi32>
      %mul3A_577 = arith.constant 2 : i32
      %mul3A_578 = vector.broadcast %mul3A_577 : i32 to vector<16xi32>
      %mul3A_579 = arith.muli %mul3A_578, %add3A_576 : vector<16xi32>
      %mul3A_580 = arith.constant 4 : i32
      %mul3A_581 = vector.broadcast %mul3A_580 : i32 to vector<16xi32>
      %mul3A_582 = arith.muli %get3A_571, %mul3A_581 : vector<16xi32>
      %gather3A_583 = tpu.vector_load_idx %arg15[%mul3A_582] : memref<40960xf32, #tpu.memory_space<vmem>>[vector<16xi32>], vector<16xf32>,
      %mul3A_584 = arith.constant 4 : i32
      %mul3A_585 = vector.broadcast %mul3A_584 : i32 to vector<16xi32>
      %mul3A_586 = arith.muli %get3A_571, %mul3A_585 : vector<16xi32>
      %add3A_587 = arith.constant 1 : i32
      %add3A_588 = vector.broadcast %add3A_587 : i32 to vector<16xi32>
      %add3A_589 = arith.addi %mul3A_586, %add3A_588 : vector<16xi32>
      %gather3A_590 = tpu.vector_load_idx %arg15[%add3A_589] : memref<40960xf32, #tpu.memory_space<vmem>>[vector<16xi32>], vector<16xf32>,
      %mul3A_591 = arith.constant 4 : i32
      %mul3A_592 = vector.broadcast %mul3A_591 : i32 to vector<16xi32>
      %mul3A_593 = arith.muli %get3A_573, %mul3A_592 : vector<16xi32>
      %add3A_594 = arith.constant 2 : i32
      %add3A_595 = vector.broadcast %add3A_594 : i32 to vector<16xi32>
      %add3A_596 = arith.addi %mul3A_593, %add3A_595 : vector<16xi32>
      %gather3A_597 = tpu.vector_load_idx %arg15[%add3A_596] : memref<40960xf32, #tpu.memory_space<vmem>>[vector<16xi32>], vector<16xf32>,
      %mul3A_598 = arith.constant 4 : i32
      %mul3A_599 = vector.broadcast %mul3A_598 : i32 to vector<16xi32>
      %mul3A_600 = arith.muli %get3A_573, %mul3A_599 : vector<16xi32>
      %add3A_601 = arith.constant 3 : i32
      %add3A_602 = vector.broadcast %add3A_601 : i32 to vector<16xi32>
      %add3A_603 = arith.addi %mul3A_600, %add3A_602 : vector<16xi32>
      %gather3A_604 = tpu.vector_load_idx %arg15[%add3A_603] : memref<40960xf32, #tpu.memory_space<vmem>>[vector<16xi32>], vector<16xf32>,
      %gather3A_605 = tpu.vector_load_idx %arg11[%mul3A_579] : memref<256xf32, #tpu.memory_space<vmem>>[vector<16xi32>], vector<16xf32>,
      %add3A_606 = arith.constant 1 : i32
      %add3A_607 = vector.broadcast %add3A_606 : i32 to vector<16xi32>
      %add3A_608 = arith.addi %mul3A_579, %add3A_607 : vector<16xi32>
      %gather3A_609 = tpu.vector_load_idx %arg11[%add3A_608] : memref<256xf32, #tpu.memory_space<vmem>>[vector<16xi32>], vector<16xf32>,
      %add3A_610 = arith.addf %gather3A_583, %gather3A_597 : vector<16xf32>
      %add3A_611 = arith.addf %add3A_610, %gather3A_605 : vector<16xf32>
      %ge3A_612 = arith.constant 0.000000e+00 : f32
      %ge3A_613 = vector.broadcast %ge3A_612 : f32 to vector<16xf32>
      %ge3A_614 = arith.cmpf oge, %add3A_611, %ge3A_613 : vector<16xf32>
      %mul3A_615 = arith.constant 2.000000e-01 : f32
      %mul3A_616 = vector.broadcast %mul3A_615 : f32 to vector<16xf32>
      %mul3A_617 = arith.mulf %mul3A_616, %add3A_611 : vector<16xf32>
      %select_n3A_618 = arith.select %ge3A_614, %add3A_611, %mul3A_617 : vector<16xi1>, vector<16xf32>
      %exp3A_619 = math.exp %select_n3A_618 : vector<16xf32>
      %add3A_620 = arith.addf %gather3A_590, %gather3A_604 : vector<16xf32>
      %add3A_621 = arith.addf %add3A_620, %gather3A_609 : vector<16xf32>
      %ge3A_622 = arith.constant 0.000000e+00 : f32
      %ge3A_623 = vector.broadcast %ge3A_622 : f32 to vector<16xf32>
      %ge3A_624 = arith.cmpf oge, %add3A_621, %ge3A_623 : vector<16xf32>
      %mul3A_625 = arith.constant 2.000000e-01 : f32
      %mul3A_626 = vector.broadcast %mul3A_625 : f32 to vector<16xf32>
      %mul3A_627 = arith.mulf %mul3A_626, %add3A_621 : vector<16xf32>
      %select_n3A_628 = arith.select %ge3A_624, %add3A_621, %mul3A_627 : vector<16xi1>, vector<16xf32>
      %exp3A_629 = math.exp %select_n3A_628 : vector<16xf32>
      tpu.vector_store_idx %arg12[%mul3A_579], %exp3A_619 : memref<256xf32, #tpu.memory_space<vmem>>[vector<16xi32>], vector<16xf32>,
      %add3A_630 = arith.constant 1 : i32
      %add3A_631 = vector.broadcast %add3A_630 : i32 to vector<16xi32>
      %add3A_632 = arith.addi %mul3A_579, %add3A_631 : vector<16xi32>
      tpu.vector_store_idx %arg12[%add3A_632], %exp3A_629 : memref<256xf32, #tpu.memory_space<vmem>>[vector<16xi32>], vector<16xf32>,
      %sub3A_633 = arith.constant 128 : i32
      %sub3A_634 = vector.broadcast %sub3A_633 : i32 to vector<16xi32>
      %sub3A_635 = arith.subi %mul3A_579, %sub3A_634 : vector<16xi32>
      %mul3A_636 = arith.constant 2 : i32
      %mul3A_637 = vector.broadcast %mul3A_636 : i32 to vector<16xi32>
      %mul3A_638 = arith.muli %get3A_571, %mul3A_637 : vector<16xi32>
      tpu.vector_store_idx %arg14[%sub3A_635], %mul3A_638 : memref<128xi32, #tpu.memory_space<vmem>>[vector<16xi32>], vector<16xi32>,
      %add3A_639 = arith.constant 1 : i32
      %add3A_640 = vector.broadcast %add3A_639 : i32 to vector<16xi32>
      %add3A_641 = arith.addi %sub3A_635, %add3A_640 : vector<16xi32>
      %mul3A_642 = arith.constant 2 : i32
      %mul3A_643 = vector.broadcast %mul3A_642 : i32 to vector<16xi32>
      %mul3A_644 = arith.muli %get3A_571, %mul3A_643 : vector<16xi32>
      %add3A_645 = arith.constant 1 : i32
      %add3A_646 = vector.broadcast %add3A_645 : i32 to vector<16xi32>
      %add3A_647 = arith.addi %mul3A_644, %add3A_646 : vector<16xi32>
      tpu.vector_store_idx %arg14[%add3A_641], %add3A_647 : memref<128xi32, #tpu.memory_space<vmem>>[vector<16xi32>], vector<16xi32>,
      %mul3A_648 = arith.constant 2 : i32
      %mul3A_649 = arith.muli %mul3A_648, %add3A_27 : i32
      "tpu.region"() ({
        %run_scoped3A = tpu.sem_alloc : memref<!tpu.dma_semaphore, #tpu.memory_space<semaphore_mem>>
        %dma_start3A_651 = tpu.memref_slice %arg7[%mul3A_649] : memref<327680xf32, #tpu.memory_space<hbm>> -> memref<256xf32, #tpu.memory_space<hbm>>
        %dma_start3A_652 = tpu.memref_slice %arg7[%mul3A_649] : memref<327680xf32, #tpu.memory_space<hbm>> -> memref<256xf32, #tpu.memory_space<hbm>>
        tpu.enqueue_dma source(%arg12 : memref<256xf32, #tpu.memory_space<vmem>>) target(%dma_start3A_652 : memref<256xf32, #tpu.memory_space<hbm>>) target_semaphore(%run_scoped3A : memref<!tpu.dma_semaphore, #tpu.memory_space<semaphore_mem>>)
        %dma_wait3A_653 = tpu.memref_slice %arg7[%mul3A_649] : memref<327680xf32, #tpu.memory_space<hbm>> -> memref<256xf32, #tpu.memory_space<hbm>>
        %dma_wait3A_654 = tpu.memref_slice %arg7[%mul3A_649] : memref<327680xf32, #tpu.memory_space<hbm>> -> memref<256xf32, #tpu.memory_space<hbm>>
        tpu.wait_dma2 semaphore(%run_scoped3A : memref<!tpu.dma_semaphore, #tpu.memory_space<semaphore_mem>>) src(%arg12 : memref<256xf32, #tpu.memory_space<vmem>>) dst(%dma_wait3A_654 : memref<256xf32, #tpu.memory_space<hbm>>)
        tpu.yield
      }) : () -> ()
      "tpu.region"() ({
        %run_scoped3A = tpu.sem_alloc : memref<!tpu.dma_semaphore, #tpu.memory_space<semaphore_mem>>
        %dma_start3A_651 = arith.constant 0 : i32
        %dma_start3A_652 = tpu.memref_slice %arg12[%dma_start3A_651] : memref<256xf32, #tpu.memory_space<vmem>> -> memref<128xf32, #tpu.memory_space<vmem>>
        %dma_start3A_653 = arith.constant 0 : i32
        %dma_start3A_654 = tpu.memref_slice %arg16[%dma_start3A_653] : memref<20480xf32, #tpu.memory_space<vmem_shared>> -> memref<20480xf32, #tpu.memory_space<vmem_shared>>
        tpu.enqueue_indirect_dma source(%dma_start3A_652 : memref<128xf32, #tpu.memory_space<vmem>>) target(%dma_start3A_654 : memref<20480xf32, #tpu.memory_space<vmem_shared>>) offsets(%arg13 : memref<128xi32, #tpu.memory_space<vmem>>) semaphore(%run_scoped3A : memref<!tpu.dma_semaphore, #tpu.memory_space<semaphore_mem>>) {add = true}
        %dma_wait3A_655 = arith.constant 0 : i32
        %dma_wait3A_656 = tpu.memref_slice %arg12[%dma_wait3A_655] : memref<256xf32, #tpu.memory_space<vmem>> -> memref<128xf32, #tpu.memory_space<vmem>>
        %dma_wait3A_657 = arith.constant 0 : i32
        %dma_wait3A_658 = tpu.memref_slice %arg16[%dma_wait3A_657] : memref<20480xf32, #tpu.memory_space<vmem_shared>> -> memref<20480xf32, #tpu.memory_space<vmem_shared>>
        tpu.wait_indirect_dma semaphore(%run_scoped3A : memref<!tpu.dma_semaphore, #tpu.memory_space<semaphore_mem>>) src(%dma_wait3A_656 : memref<128xf32, #tpu.memory_space<vmem>>) dst(%dma_wait3A_658 : memref<20480xf32, #tpu.memory_space<vmem_shared>>)
        tpu.yield
      }) : () -> ()
      "tpu.region"() ({
        %run_scoped3A = tpu.sem_alloc : memref<!tpu.dma_semaphore, #tpu.memory_space<semaphore_mem>>
        %dma_start3A_651 = arith.constant 128 : i32
        %dma_start3A_652 = tpu.memref_slice %arg12[%dma_start3A_651] : memref<256xf32, #tpu.memory_space<vmem>> -> memref<128xf32, #tpu.memory_space<vmem>>
        %dma_start3A_653 = arith.constant 0 : i32
        %dma_start3A_654 = tpu.memref_slice %arg16[%dma_start3A_653] : memref<20480xf32, #tpu.memory_space<vmem_shared>> -> memref<20480xf32, #tpu.memory_space<vmem_shared>>
        tpu.enqueue_indirect_dma source(%dma_start3A_652 : memref<128xf32, #tpu.memory_space<vmem>>) target(%dma_start3A_654 : memref<20480xf32, #tpu.memory_space<vmem_shared>>) offsets(%arg14 : memref<128xi32, #tpu.memory_space<vmem>>) semaphore(%run_scoped3A : memref<!tpu.dma_semaphore, #tpu.memory_space<semaphore_mem>>) {add = true}
        %dma_wait3A_655 = arith.constant 128 : i32
        %dma_wait3A_656 = tpu.memref_slice %arg12[%dma_wait3A_655] : memref<256xf32, #tpu.memory_space<vmem>> -> memref<128xf32, #tpu.memory_space<vmem>>
        %dma_wait3A_657 = arith.constant 0 : i32
        %dma_wait3A_658 = tpu.memref_slice %arg16[%dma_wait3A_657] : memref<20480xf32, #tpu.memory_space<vmem_shared>> -> memref<20480xf32, #tpu.memory_space<vmem_shared>>
        tpu.wait_indirect_dma semaphore(%run_scoped3A : memref<!tpu.dma_semaphore, #tpu.memory_space<semaphore_mem>>) src(%dma_wait3A_656 : memref<128xf32, #tpu.memory_space<vmem>>) dst(%dma_wait3A_658 : memref<20480xf32, #tpu.memory_space<vmem_shared>>)
        tpu.yield
      }) : () -> ()
      %scan3A_650 = arith.constant 0 : i32
      scf.yield %scan3A_650 : i32
    }
    %scan3A_12 = arith.constant 40 : i32
    %barrier3A_13 = arith.constant 0 : index
    tpu.barrier barrier_id(%barrier3A_13)
    %mul3A_14 = arith.constant 1280 : i32
    %mul3A_15 = arith.muli %arg1, %mul3A_14 : i32
    %mul3A_16 = arith.constant 2 : i32
    %mul3A_17 = arith.muli %arg0, %mul3A_16 : i32
    %mul3A_18 = arith.constant 10240 : i32
    %mul3A_19 = arith.muli %mul3A_17, %mul3A_18 : i32
    %mul3A_20 = arith.constant 1280 : i32
    %mul3A_21 = arith.muli %arg1, %mul3A_20 : i32
    %add3A_22 = arith.addi %mul3A_19, %mul3A_21 : i32
    "tpu.region"() ({
      %run_scoped3A = tpu.sem_alloc : memref<!tpu.dma_semaphore, #tpu.memory_space<semaphore_mem>>
      %dma_start3A = tpu.memref_slice %arg8[%add3A_22] : memref<40960xf32, #tpu.memory_space<hbm>> -> memref<1280xf32, #tpu.memory_space<hbm>>
      %dma_start3A_23 = tpu.memref_slice %arg16[%mul3A_15] : memref<20480xf32, #tpu.memory_space<vmem_shared>> -> memref<1280xf32, #tpu.memory_space<vmem_shared>>
      tpu.enqueue_dma source(%dma_start3A_23 : memref<1280xf32, #tpu.memory_space<vmem_shared>>) target(%dma_start3A : memref<1280xf32, #tpu.memory_space<hbm>>) target_semaphore(%run_scoped3A : memref<!tpu.dma_semaphore, #tpu.memory_space<semaphore_mem>>)
      %dma_wait3A = tpu.memref_slice %arg8[%add3A_22] : memref<40960xf32, #tpu.memory_space<hbm>> -> memref<1280xf32, #tpu.memory_space<hbm>>
      %dma_wait3A_24 = tpu.memref_slice %arg16[%mul3A_15] : memref<20480xf32, #tpu.memory_space<vmem_shared>> -> memref<1280xf32, #tpu.memory_space<vmem_shared>>
      tpu.wait_dma2 semaphore(%run_scoped3A : memref<!tpu.dma_semaphore, #tpu.memory_space<semaphore_mem>>) src(%dma_wait3A_24 : memref<1280xf32, #tpu.memory_space<vmem_shared>>) dst(%dma_wait3A : memref<1280xf32, #tpu.memory_space<hbm>>)
      tpu.yield
    }) : () -> ()
    return
  }
}

#map = affine_map<(d0, d1) -> (0)>
#map1 = affine_map<(d0, d1) -> (0, 0)>
module attributes {stable_mosaic.version = 14 : i64} {
  func.func @_sc_wg(%arg0: i32, %arg1: i32, %arg2: memref<40960xf32, #tpu.memory_space<hbm>>, %arg3: memref<327680xf32, #tpu.memory_space<hbm>>, %arg4: memref<10000x128xf32, #tpu.memory_space<hbm>>, %arg5: memref<163840xi32, #tpu.memory_space<hbm>>, %arg6: memref<163840xi32, #tpu.memory_space<hbm>>, %arg7: memref<163840xf32, #tpu.memory_space<hbm>>, %arg8: memref<163840x128xf32, #tpu.memory_space<hbm>>, %arg9: memref<128xi32, #tpu.memory_space<vmem>>, %arg10: memref<128xi32, #tpu.memory_space<vmem>>, %arg11: memref<128xi32, #tpu.memory_space<vmem>>, %arg12: memref<256xf32, #tpu.memory_space<vmem>>, %arg13: memref<128xf32, #tpu.memory_space<vmem>>, %arg14: memref<40960xf32, #tpu.memory_space<vmem>>, %arg15: memref<20480xf32, #tpu.memory_space<vmem>>, %arg16: memref<128x128xf32, #tpu.memory_space<vmem>>, %arg17: memref<128x128xf32, #tpu.memory_space<vmem>>, %arg18: memref<!tpu.dma_semaphore, #tpu.memory_space<semaphore_mem>>, %arg19: memref<!tpu.dma_semaphore, #tpu.memory_space<semaphore_mem>>) attributes {dimension_semantics = [#tpu.dimension_semantics<core_parallel>, #tpu.dimension_semantics<subcore_parallel>], iteration_bounds = array<i64: 2, 16>, scalar_prefetch = 0 : i64, scratch_operands = 11 : i64, tpu.core_type = #tpu.core_type<sc_vector_subcore>, window_params = [{transform_indices = #map}, {transform_indices = #map}, {transform_indices = #map1}, {transform_indices = #map}, {transform_indices = #map}, {transform_indices = #map}, {transform_indices = #map1}]} {
    "tpu.region"() ({
      %run_scoped3A = tpu.sem_alloc : memref<!tpu.dma_semaphore, #tpu.memory_space<semaphore_mem>>
      tpu.enqueue_dma source(%arg2 : memref<40960xf32, #tpu.memory_space<hbm>>) target(%arg14 : memref<40960xf32, #tpu.memory_space<vmem>>) target_semaphore(%run_scoped3A : memref<!tpu.dma_semaphore, #tpu.memory_space<semaphore_mem>>)
      tpu.wait_dma2 semaphore(%run_scoped3A : memref<!tpu.dma_semaphore, #tpu.memory_space<semaphore_mem>>) src(%arg2 : memref<40960xf32, #tpu.memory_space<hbm>>) dst(%arg14 : memref<40960xf32, #tpu.memory_space<vmem>>)
      tpu.yield
    }) : () -> ()
    %scan3A = arith.constant 0 : i32
    %scan3A_0 = arith.constant 0 : i32
    %scan3A_1 = arith.constant 1280 : i32
    %scan3A_2 = arith.addi %scan3A_0, %scan3A_1 : i32
    %scan3A_3 = arith.constant 1 : i32
    %scan3A_4 = scf.for %scan3A_25 = %scan3A_0 to %scan3A_2 step %scan3A_3 iter_args(%scan3A_26 = %scan3A) -> (i32)  : i32 {
      %mul3A_27 = arith.constant 16 : i32
      %mul3A_28 = arith.muli %scan3A_25, %mul3A_27 : i32
      %mul3A_29 = arith.constant 16 : i32
      %mul3A_30 = arith.muli %scan3A_25, %mul3A_29 : i32
      %add3A_31 = arith.constant 20480 : i32
      %add3A_32 = arith.addi %add3A_31, %mul3A_30 : i32
      %get3A = arith.index_cast %mul3A_28 : i32 to index
      %get3A_33 = tpu.vector_load %arg14[%get3A] {strides = array<i32>} : memref<40960xf32, #tpu.memory_space<vmem>>, vector<16xf32>,
      %get3A_34 = arith.index_cast %add3A_32 : i32 to index
      %get3A_35 = tpu.vector_load %arg14[%get3A_34] {strides = array<i32>} : memref<40960xf32, #tpu.memory_space<vmem>>, vector<16xf32>,
      %add3A_36 = arith.addf %get3A_33, %get3A_35 : vector<16xf32>
      %add3A_37 = arith.constant 1.000000e-16 : f32
      %add3A_38 = vector.broadcast %add3A_37 : f32 to vector<16xf32>
      %add3A_39 = arith.addf %add3A_36, %add3A_38 : vector<16xf32>
      %div3A = arith.constant 5.000000e-01 : f32
      %div3A_40 = vector.broadcast %div3A : f32 to vector<16xf32>
      %div3A_41 = arith.divf %div3A_40, %add3A_39 : vector<16xf32>
      %swap3A = arith.index_cast %mul3A_28 : i32 to index
      %swap3A_42 = tpu.vector_load %arg15[%swap3A] {strides = array<i32>} : memref<20480xf32, #tpu.memory_space<vmem>>, vector<16xf32>,
      tpu.vector_store %arg15[%swap3A], %div3A_41 {strides = array<i32>} : memref<20480xf32, #tpu.memory_space<vmem>>, vector<16xf32>,
      %scan3A_43 = arith.constant 0 : i32
      scf.yield %scan3A_43 : i32
    }
    %scan3A_5 = arith.constant 1280 : i32
    %mul3A = arith.constant 2 : i32
    %mul3A_6 = arith.muli %arg1, %mul3A : i32
    %add3A = arith.addi %mul3A_6, %arg0 : i32
    %mul3A_7 = arith.constant 5120 : i32
    %mul3A_8 = arith.muli %add3A, %mul3A_7 : i32
    %iota3A = tpu.iota {dimensions = array<i32: 0>} : vector<16xi32>
    %add3A_9 = arith.constant 0 : i32
    %add3A_10 = arith.addi %mul3A_8, %add3A_9 : i32
    "tpu.region"() ({
      %run_scoped3A = tpu.sem_alloc : memref<!tpu.dma_semaphore, #tpu.memory_space<semaphore_mem>>
      %dma_start3A_25 = tpu.memref_slice %arg5[%add3A_10] : memref<163840xi32, #tpu.memory_space<hbm>> -> memref<128xi32, #tpu.memory_space<hbm>>
      %dma_start3A_26 = tpu.memref_slice %arg5[%add3A_10] : memref<163840xi32, #tpu.memory_space<hbm>> -> memref<128xi32, #tpu.memory_space<hbm>>
      tpu.enqueue_dma source(%dma_start3A_26 : memref<128xi32, #tpu.memory_space<hbm>>) target(%arg9 : memref<128xi32, #tpu.memory_space<vmem>>) target_semaphore(%run_scoped3A : memref<!tpu.dma_semaphore, #tpu.memory_space<semaphore_mem>>)
      %dma_wait3A = tpu.memref_slice %arg5[%add3A_10] : memref<163840xi32, #tpu.memory_space<hbm>> -> memref<128xi32, #tpu.memory_space<hbm>>
      %dma_wait3A_27 = tpu.memref_slice %arg5[%add3A_10] : memref<163840xi32, #tpu.memory_space<hbm>> -> memref<128xi32, #tpu.memory_space<hbm>>
      tpu.wait_dma2 semaphore(%run_scoped3A : memref<!tpu.dma_semaphore, #tpu.memory_space<semaphore_mem>>) src(%dma_wait3A_27 : memref<128xi32, #tpu.memory_space<hbm>>) dst(%arg9 : memref<128xi32, #tpu.memory_space<vmem>>)
      tpu.yield
    }) : () -> ()
    %dma_start3A = arith.constant 0 : i32
    %dma_start3A_11 = arith.constant 0 : i32
    %dma_start3A_12 = tpu.memref_slice %arg4[%dma_start3A, %dma_start3A_11] : memref<10000x128xf32, #tpu.memory_space<hbm>> -> memref<10000x128xf32, #tpu.memory_space<hbm>>
    tpu.enqueue_indirect_dma source(%dma_start3A_12 : memref<10000x128xf32, #tpu.memory_space<hbm>>) target(%arg16 : memref<128x128xf32, #tpu.memory_space<vmem>>) offsets(%arg9 : memref<128xi32, #tpu.memory_space<vmem>>) semaphore(%arg18 : memref<!tpu.dma_semaphore, #tpu.memory_space<semaphore_mem>>)
    %add3A_13 = arith.constant 128 : i32
    %add3A_14 = arith.addi %mul3A_8, %add3A_13 : i32
    "tpu.region"() ({
      %run_scoped3A = tpu.sem_alloc : memref<!tpu.dma_semaphore, #tpu.memory_space<semaphore_mem>>
      %dma_start3A_25 = tpu.memref_slice %arg5[%add3A_14] : memref<163840xi32, #tpu.memory_space<hbm>> -> memref<128xi32, #tpu.memory_space<hbm>>
      %dma_start3A_26 = tpu.memref_slice %arg5[%add3A_14] : memref<163840xi32, #tpu.memory_space<hbm>> -> memref<128xi32, #tpu.memory_space<hbm>>
      tpu.enqueue_dma source(%dma_start3A_26 : memref<128xi32, #tpu.memory_space<hbm>>) target(%arg10 : memref<128xi32, #tpu.memory_space<vmem>>) target_semaphore(%run_scoped3A : memref<!tpu.dma_semaphore, #tpu.memory_space<semaphore_mem>>)
      %dma_wait3A = tpu.memref_slice %arg5[%add3A_14] : memref<163840xi32, #tpu.memory_space<hbm>> -> memref<128xi32, #tpu.memory_space<hbm>>
      %dma_wait3A_27 = tpu.memref_slice %arg5[%add3A_14] : memref<163840xi32, #tpu.memory_space<hbm>> -> memref<128xi32, #tpu.memory_space<hbm>>
      tpu.wait_dma2 semaphore(%run_scoped3A : memref<!tpu.dma_semaphore, #tpu.memory_space<semaphore_mem>>) src(%dma_wait3A_27 : memref<128xi32, #tpu.memory_space<hbm>>) dst(%arg10 : memref<128xi32, #tpu.memory_space<vmem>>)
      tpu.yield
    }) : () -> ()
    %dma_start3A_15 = arith.constant 0 : i32
    %dma_start3A_16 = arith.constant 0 : i32
    %dma_start3A_17 = tpu.memref_slice %arg4[%dma_start3A_15, %dma_start3A_16] : memref<10000x128xf32, #tpu.memory_space<hbm>> -> memref<10000x128xf32, #tpu.memory_space<hbm>>
    tpu.enqueue_indirect_dma source(%dma_start3A_17 : memref<10000x128xf32, #tpu.memory_space<hbm>>) target(%arg17 : memref<128x128xf32, #tpu.memory_space<vmem>>) offsets(%arg10 : memref<128xi32, #tpu.memory_space<vmem>>) semaphore(%arg19 : memref<!tpu.dma_semaphore, #tpu.memory_space<semaphore_mem>>)
    %scan3A_18 = arith.constant 0 : i32
    %scan3A_19 = arith.constant 0 : i32
    %scan3A_20 = arith.constant 20 : i32
    %scan3A_21 = arith.addi %scan3A_19, %scan3A_20 : i32
    %scan3A_22 = arith.constant 1 : i32
    %scan3A_23 = scf.for %scan3A_25 = %scan3A_19 to %scan3A_21 step %scan3A_22 iter_args(%scan3A_26 = %scan3A_18) -> (i32)  : i32 {
      %mul3A_27 = arith.constant 2 : i32
      %mul3A_28 = arith.muli %mul3A_27, %scan3A_25 : i32
      %add3A_29 = arith.constant 0 : i32
      %add3A_30 = arith.addi %mul3A_28, %add3A_29 : i32
      %mul3A_31 = arith.constant 128 : i32
      %mul3A_32 = arith.muli %add3A_30, %mul3A_31 : i32
      %add3A_33 = arith.addi %mul3A_8, %mul3A_32 : i32
      "tpu.region"() ({
        %run_scoped3A = tpu.sem_alloc : memref<!tpu.dma_semaphore, #tpu.memory_space<semaphore_mem>>
        %dma_start3A_523 = tpu.memref_slice %arg6[%add3A_33] : memref<163840xi32, #tpu.memory_space<hbm>> -> memref<128xi32, #tpu.memory_space<hbm>>
        %dma_start3A_524 = tpu.memref_slice %arg6[%add3A_33] : memref<163840xi32, #tpu.memory_space<hbm>> -> memref<128xi32, #tpu.memory_space<hbm>>
        tpu.enqueue_dma source(%dma_start3A_524 : memref<128xi32, #tpu.memory_space<hbm>>) target(%arg11 : memref<128xi32, #tpu.memory_space<vmem>>) target_semaphore(%run_scoped3A : memref<!tpu.dma_semaphore, #tpu.memory_space<semaphore_mem>>)
        %dma_wait3A_525 = tpu.memref_slice %arg6[%add3A_33] : memref<163840xi32, #tpu.memory_space<hbm>> -> memref<128xi32, #tpu.memory_space<hbm>>
        %dma_wait3A_526 = tpu.memref_slice %arg6[%add3A_33] : memref<163840xi32, #tpu.memory_space<hbm>> -> memref<128xi32, #tpu.memory_space<hbm>>
        tpu.wait_dma2 semaphore(%run_scoped3A : memref<!tpu.dma_semaphore, #tpu.memory_space<semaphore_mem>>) src(%dma_wait3A_526 : memref<128xi32, #tpu.memory_space<hbm>>) dst(%arg11 : memref<128xi32, #tpu.memory_space<vmem>>)
        tpu.yield
      }) : () -> ()
      %mul3A_34 = arith.constant 2 : i32
      %mul3A_35 = arith.muli %mul3A_34, %add3A_33 : i32
      "tpu.region"() ({
        %run_scoped3A = tpu.sem_alloc : memref<!tpu.dma_semaphore, #tpu.memory_space<semaphore_mem>>
        %dma_start3A_523 = tpu.memref_slice %arg3[%mul3A_35] : memref<327680xf32, #tpu.memory_space<hbm>> -> memref<256xf32, #tpu.memory_space<hbm>>
        %dma_start3A_524 = tpu.memref_slice %arg3[%mul3A_35] : memref<327680xf32, #tpu.memory_space<hbm>> -> memref<256xf32, #tpu.memory_space<hbm>>
        tpu.enqueue_dma source(%dma_start3A_524 : memref<256xf32, #tpu.memory_space<hbm>>) target(%arg12 : memref<256xf32, #tpu.memory_space<vmem>>) target_semaphore(%run_scoped3A : memref<!tpu.dma_semaphore, #tpu.memory_space<semaphore_mem>>)
        %dma_wait3A_525 = tpu.memref_slice %arg3[%mul3A_35] : memref<327680xf32, #tpu.memory_space<hbm>> -> memref<256xf32, #tpu.memory_space<hbm>>
        %dma_wait3A_526 = tpu.memref_slice %arg3[%mul3A_35] : memref<327680xf32, #tpu.memory_space<hbm>> -> memref<256xf32, #tpu.memory_space<hbm>>
        tpu.wait_dma2 semaphore(%run_scoped3A : memref<!tpu.dma_semaphore, #tpu.memory_space<semaphore_mem>>) src(%dma_wait3A_526 : memref<256xf32, #tpu.memory_space<hbm>>) dst(%arg12 : memref<256xf32, #tpu.memory_space<vmem>>)
        tpu.yield
      }) : () -> ()
      %get3A = arith.constant 0 : index
      %get3A_36 = tpu.vector_load %arg11[%get3A] {strides = array<i32>} : memref<128xi32, #tpu.memory_space<vmem>>, vector<16xi32>,
      %add3A_37 = arith.constant 0 : i32
      %add3A_38 = vector.broadcast %add3A_37 : i32 to vector<16xi32>
      %add3A_39 = arith.addi %add3A_38, %iota3A : vector<16xi32>
      %mul3A_40 = arith.constant 2 : i32
      %mul3A_41 = vector.broadcast %mul3A_40 : i32 to vector<16xi32>
      %mul3A_42 = arith.muli %mul3A_41, %add3A_39 : vector<16xi32>
      %mul3A_43 = arith.constant 2 : i32
      %mul3A_44 = vector.broadcast %mul3A_43 : i32 to vector<16xi32>
      %mul3A_45 = arith.muli %get3A_36, %mul3A_44 : vector<16xi32>
      %gather3A = tpu.vector_load_idx %arg15[%mul3A_45] : memref<20480xf32, #tpu.memory_space<vmem>>[vector<16xi32>], vector<16xf32>,
      %mul3A_46 = arith.constant 2 : i32
      %mul3A_47 = vector.broadcast %mul3A_46 : i32 to vector<16xi32>
      %mul3A_48 = arith.muli %get3A_36, %mul3A_47 : vector<16xi32>
      %add3A_49 = arith.constant 1 : i32
      %add3A_50 = vector.broadcast %add3A_49 : i32 to vector<16xi32>
      %add3A_51 = arith.addi %mul3A_48, %add3A_50 : vector<16xi32>
      %gather3A_52 = tpu.vector_load_idx %arg15[%add3A_51] : memref<20480xf32, #tpu.memory_space<vmem>>[vector<16xi32>], vector<16xf32>,
      %gather3A_53 = tpu.vector_load_idx %arg12[%mul3A_42] : memref<256xf32, #tpu.memory_space<vmem>>[vector<16xi32>], vector<16xf32>,
      %add3A_54 = arith.constant 1 : i32
      %add3A_55 = vector.broadcast %add3A_54 : i32 to vector<16xi32>
      %add3A_56 = arith.addi %mul3A_42, %add3A_55 : vector<16xi32>
      %gather3A_57 = tpu.vector_load_idx %arg12[%add3A_56] : memref<256xf32, #tpu.memory_space<vmem>>[vector<16xi32>], vector<16xf32>,
      %mul3A_58 = arith.mulf %gather3A_53, %gather3A : vector<16xf32>
      %mul3A_59 = arith.mulf %gather3A_57, %gather3A_52 : vector<16xf32>
      %add3A_60 = arith.addf %mul3A_58, %mul3A_59 : vector<16xf32>
      %swap3A = arith.constant 0 : index
      %swap3A_61 = tpu.vector_load %arg13[%swap3A] {strides = array<i32>} : memref<128xf32, #tpu.memory_space<vmem>>, vector<16xf32>,
      tpu.vector_store %arg13[%swap3A], %add3A_60 {strides = array<i32>} : memref<128xf32, #tpu.memory_space<vmem>>, vector<16xf32>,
      %get3A_62 = arith.constant 16 : index
      %get3A_63 = tpu.vector_load %arg11[%get3A_62] {strides = array<i32>} : memref<128xi32, #tpu.memory_space<vmem>>, vector<16xi32>,
      %add3A_64 = arith.constant 16 : i32
      %add3A_65 = vector.broadcast %add3A_64 : i32 to vector<16xi32>
      %add3A_66 = arith.addi %add3A_65, %iota3A : vector<16xi32>
      %mul3A_67 = arith.constant 2 : i32
      %mul3A_68 = vector.broadcast %mul3A_67 : i32 to vector<16xi32>
      %mul3A_69 = arith.muli %mul3A_68, %add3A_66 : vector<16xi32>
      %mul3A_70 = arith.constant 2 : i32
      %mul3A_71 = vector.broadcast %mul3A_70 : i32 to vector<16xi32>
      %mul3A_72 = arith.muli %get3A_63, %mul3A_71 : vector<16xi32>
      %gather3A_73 = tpu.vector_load_idx %arg15[%mul3A_72] : memref<20480xf32, #tpu.memory_space<vmem>>[vector<16xi32>], vector<16xf32>,
      %mul3A_74 = arith.constant 2 : i32
      %mul3A_75 = vector.broadcast %mul3A_74 : i32 to vector<16xi32>
      %mul3A_76 = arith.muli %get3A_63, %mul3A_75 : vector<16xi32>
      %add3A_77 = arith.constant 1 : i32
      %add3A_78 = vector.broadcast %add3A_77 : i32 to vector<16xi32>
      %add3A_79 = arith.addi %mul3A_76, %add3A_78 : vector<16xi32>
      %gather3A_80 = tpu.vector_load_idx %arg15[%add3A_79] : memref<20480xf32, #tpu.memory_space<vmem>>[vector<16xi32>], vector<16xf32>,
      %gather3A_81 = tpu.vector_load_idx %arg12[%mul3A_69] : memref<256xf32, #tpu.memory_space<vmem>>[vector<16xi32>], vector<16xf32>,
      %add3A_82 = arith.constant 1 : i32
      %add3A_83 = vector.broadcast %add3A_82 : i32 to vector<16xi32>
      %add3A_84 = arith.addi %mul3A_69, %add3A_83 : vector<16xi32>
      %gather3A_85 = tpu.vector_load_idx %arg12[%add3A_84] : memref<256xf32, #tpu.memory_space<vmem>>[vector<16xi32>], vector<16xf32>,
      %mul3A_86 = arith.mulf %gather3A_81, %gather3A_73 : vector<16xf32>
      %mul3A_87 = arith.mulf %gather3A_85, %gather3A_80 : vector<16xf32>
      %add3A_88 = arith.addf %mul3A_86, %mul3A_87 : vector<16xf32>
      %swap3A_89 = arith.constant 16 : index
      %swap3A_90 = tpu.vector_load %arg13[%swap3A_89] {strides = array<i32>} : memref<128xf32, #tpu.memory_space<vmem>>, vector<16xf32>,
      tpu.vector_store %arg13[%swap3A_89], %add3A_88 {strides = array<i32>} : memref<128xf32, #tpu.memory_space<vmem>>, vector<16xf32>,
      %get3A_91 = arith.constant 32 : index
      %get3A_92 = tpu.vector_load %arg11[%get3A_91] {strides = array<i32>} : memref<128xi32, #tpu.memory_space<vmem>>, vector<16xi32>,
      %add3A_93 = arith.constant 32 : i32
      %add3A_94 = vector.broadcast %add3A_93 : i32 to vector<16xi32>
      %add3A_95 = arith.addi %add3A_94, %iota3A : vector<16xi32>
      %mul3A_96 = arith.constant 2 : i32
      %mul3A_97 = vector.broadcast %mul3A_96 : i32 to vector<16xi32>
      %mul3A_98 = arith.muli %mul3A_97, %add3A_95 : vector<16xi32>
      %mul3A_99 = arith.constant 2 : i32
      %mul3A_100 = vector.broadcast %mul3A_99 : i32 to vector<16xi32>
      %mul3A_101 = arith.muli %get3A_92, %mul3A_100 : vector<16xi32>
      %gather3A_102 = tpu.vector_load_idx %arg15[%mul3A_101] : memref<20480xf32, #tpu.memory_space<vmem>>[vector<16xi32>], vector<16xf32>,
      %mul3A_103 = arith.constant 2 : i32
      %mul3A_104 = vector.broadcast %mul3A_103 : i32 to vector<16xi32>
      %mul3A_105 = arith.muli %get3A_92, %mul3A_104 : vector<16xi32>
      %add3A_106 = arith.constant 1 : i32
      %add3A_107 = vector.broadcast %add3A_106 : i32 to vector<16xi32>
      %add3A_108 = arith.addi %mul3A_105, %add3A_107 : vector<16xi32>
      %gather3A_109 = tpu.vector_load_idx %arg15[%add3A_108] : memref<20480xf32, #tpu.memory_space<vmem>>[vector<16xi32>], vector<16xf32>,
      %gather3A_110 = tpu.vector_load_idx %arg12[%mul3A_98] : memref<256xf32, #tpu.memory_space<vmem>>[vector<16xi32>], vector<16xf32>,
      %add3A_111 = arith.constant 1 : i32
      %add3A_112 = vector.broadcast %add3A_111 : i32 to vector<16xi32>
      %add3A_113 = arith.addi %mul3A_98, %add3A_112 : vector<16xi32>
      %gather3A_114 = tpu.vector_load_idx %arg12[%add3A_113] : memref<256xf32, #tpu.memory_space<vmem>>[vector<16xi32>], vector<16xf32>,
      %mul3A_115 = arith.mulf %gather3A_110, %gather3A_102 : vector<16xf32>
      %mul3A_116 = arith.mulf %gather3A_114, %gather3A_109 : vector<16xf32>
      %add3A_117 = arith.addf %mul3A_115, %mul3A_116 : vector<16xf32>
      %swap3A_118 = arith.constant 32 : index
      %swap3A_119 = tpu.vector_load %arg13[%swap3A_118] {strides = array<i32>} : memref<128xf32, #tpu.memory_space<vmem>>, vector<16xf32>,
      tpu.vector_store %arg13[%swap3A_118], %add3A_117 {strides = array<i32>} : memref<128xf32, #tpu.memory_space<vmem>>, vector<16xf32>,
      %get3A_120 = arith.constant 48 : index
      %get3A_121 = tpu.vector_load %arg11[%get3A_120] {strides = array<i32>} : memref<128xi32, #tpu.memory_space<vmem>>, vector<16xi32>,
      %add3A_122 = arith.constant 48 : i32
      %add3A_123 = vector.broadcast %add3A_122 : i32 to vector<16xi32>
      %add3A_124 = arith.addi %add3A_123, %iota3A : vector<16xi32>
      %mul3A_125 = arith.constant 2 : i32
      %mul3A_126 = vector.broadcast %mul3A_125 : i32 to vector<16xi32>
      %mul3A_127 = arith.muli %mul3A_126, %add3A_124 : vector<16xi32>
      %mul3A_128 = arith.constant 2 : i32
      %mul3A_129 = vector.broadcast %mul3A_128 : i32 to vector<16xi32>
      %mul3A_130 = arith.muli %get3A_121, %mul3A_129 : vector<16xi32>
      %gather3A_131 = tpu.vector_load_idx %arg15[%mul3A_130] : memref<20480xf32, #tpu.memory_space<vmem>>[vector<16xi32>], vector<16xf32>,
      %mul3A_132 = arith.constant 2 : i32
      %mul3A_133 = vector.broadcast %mul3A_132 : i32 to vector<16xi32>
      %mul3A_134 = arith.muli %get3A_121, %mul3A_133 : vector<16xi32>
      %add3A_135 = arith.constant 1 : i32
      %add3A_136 = vector.broadcast %add3A_135 : i32 to vector<16xi32>
      %add3A_137 = arith.addi %mul3A_134, %add3A_136 : vector<16xi32>
      %gather3A_138 = tpu.vector_load_idx %arg15[%add3A_137] : memref<20480xf32, #tpu.memory_space<vmem>>[vector<16xi32>], vector<16xf32>,
      %gather3A_139 = tpu.vector_load_idx %arg12[%mul3A_127] : memref<256xf32, #tpu.memory_space<vmem>>[vector<16xi32>], vector<16xf32>,
      %add3A_140 = arith.constant 1 : i32
      %add3A_141 = vector.broadcast %add3A_140 : i32 to vector<16xi32>
      %add3A_142 = arith.addi %mul3A_127, %add3A_141 : vector<16xi32>
      %gather3A_143 = tpu.vector_load_idx %arg12[%add3A_142] : memref<256xf32, #tpu.memory_space<vmem>>[vector<16xi32>], vector<16xf32>,
      %mul3A_144 = arith.mulf %gather3A_139, %gather3A_131 : vector<16xf32>
      %mul3A_145 = arith.mulf %gather3A_143, %gather3A_138 : vector<16xf32>
      %add3A_146 = arith.addf %mul3A_144, %mul3A_145 : vector<16xf32>
      %swap3A_147 = arith.constant 48 : index
      %swap3A_148 = tpu.vector_load %arg13[%swap3A_147] {strides = array<i32>} : memref<128xf32, #tpu.memory_space<vmem>>, vector<16xf32>,
      tpu.vector_store %arg13[%swap3A_147], %add3A_146 {strides = array<i32>} : memref<128xf32, #tpu.memory_space<vmem>>, vector<16xf32>,
      %get3A_149 = arith.constant 64 : index
      %get3A_150 = tpu.vector_load %arg11[%get3A_149] {strides = array<i32>} : memref<128xi32, #tpu.memory_space<vmem>>, vector<16xi32>,
      %add3A_151 = arith.constant 64 : i32
      %add3A_152 = vector.broadcast %add3A_151 : i32 to vector<16xi32>
      %add3A_153 = arith.addi %add3A_152, %iota3A : vector<16xi32>
      %mul3A_154 = arith.constant 2 : i32
      %mul3A_155 = vector.broadcast %mul3A_154 : i32 to vector<16xi32>
      %mul3A_156 = arith.muli %mul3A_155, %add3A_153 : vector<16xi32>
      %mul3A_157 = arith.constant 2 : i32
      %mul3A_158 = vector.broadcast %mul3A_157 : i32 to vector<16xi32>
      %mul3A_159 = arith.muli %get3A_150, %mul3A_158 : vector<16xi32>
      %gather3A_160 = tpu.vector_load_idx %arg15[%mul3A_159] : memref<20480xf32, #tpu.memory_space<vmem>>[vector<16xi32>], vector<16xf32>,
      %mul3A_161 = arith.constant 2 : i32
      %mul3A_162 = vector.broadcast %mul3A_161 : i32 to vector<16xi32>
      %mul3A_163 = arith.muli %get3A_150, %mul3A_162 : vector<16xi32>
      %add3A_164 = arith.constant 1 : i32
      %add3A_165 = vector.broadcast %add3A_164 : i32 to vector<16xi32>
      %add3A_166 = arith.addi %mul3A_163, %add3A_165 : vector<16xi32>
      %gather3A_167 = tpu.vector_load_idx %arg15[%add3A_166] : memref<20480xf32, #tpu.memory_space<vmem>>[vector<16xi32>], vector<16xf32>,
      %gather3A_168 = tpu.vector_load_idx %arg12[%mul3A_156] : memref<256xf32, #tpu.memory_space<vmem>>[vector<16xi32>], vector<16xf32>,
      %add3A_169 = arith.constant 1 : i32
      %add3A_170 = vector.broadcast %add3A_169 : i32 to vector<16xi32>
      %add3A_171 = arith.addi %mul3A_156, %add3A_170 : vector<16xi32>
      %gather3A_172 = tpu.vector_load_idx %arg12[%add3A_171] : memref<256xf32, #tpu.memory_space<vmem>>[vector<16xi32>], vector<16xf32>,
      %mul3A_173 = arith.mulf %gather3A_168, %gather3A_160 : vector<16xf32>
      %mul3A_174 = arith.mulf %gather3A_172, %gather3A_167 : vector<16xf32>
      %add3A_175 = arith.addf %mul3A_173, %mul3A_174 : vector<16xf32>
      %swap3A_176 = arith.constant 64 : index
      %swap3A_177 = tpu.vector_load %arg13[%swap3A_176] {strides = array<i32>} : memref<128xf32, #tpu.memory_space<vmem>>, vector<16xf32>,
      tpu.vector_store %arg13[%swap3A_176], %add3A_175 {strides = array<i32>} : memref<128xf32, #tpu.memory_space<vmem>>, vector<16xf32>,
      %get3A_178 = arith.constant 80 : index
      %get3A_179 = tpu.vector_load %arg11[%get3A_178] {strides = array<i32>} : memref<128xi32, #tpu.memory_space<vmem>>, vector<16xi32>,
      %add3A_180 = arith.constant 80 : i32
      %add3A_181 = vector.broadcast %add3A_180 : i32 to vector<16xi32>
      %add3A_182 = arith.addi %add3A_181, %iota3A : vector<16xi32>
      %mul3A_183 = arith.constant 2 : i32
      %mul3A_184 = vector.broadcast %mul3A_183 : i32 to vector<16xi32>
      %mul3A_185 = arith.muli %mul3A_184, %add3A_182 : vector<16xi32>
      %mul3A_186 = arith.constant 2 : i32
      %mul3A_187 = vector.broadcast %mul3A_186 : i32 to vector<16xi32>
      %mul3A_188 = arith.muli %get3A_179, %mul3A_187 : vector<16xi32>
      %gather3A_189 = tpu.vector_load_idx %arg15[%mul3A_188] : memref<20480xf32, #tpu.memory_space<vmem>>[vector<16xi32>], vector<16xf32>,
      %mul3A_190 = arith.constant 2 : i32
      %mul3A_191 = vector.broadcast %mul3A_190 : i32 to vector<16xi32>
      %mul3A_192 = arith.muli %get3A_179, %mul3A_191 : vector<16xi32>
      %add3A_193 = arith.constant 1 : i32
      %add3A_194 = vector.broadcast %add3A_193 : i32 to vector<16xi32>
      %add3A_195 = arith.addi %mul3A_192, %add3A_194 : vector<16xi32>
      %gather3A_196 = tpu.vector_load_idx %arg15[%add3A_195] : memref<20480xf32, #tpu.memory_space<vmem>>[vector<16xi32>], vector<16xf32>,
      %gather3A_197 = tpu.vector_load_idx %arg12[%mul3A_185] : memref<256xf32, #tpu.memory_space<vmem>>[vector<16xi32>], vector<16xf32>,
      %add3A_198 = arith.constant 1 : i32
      %add3A_199 = vector.broadcast %add3A_198 : i32 to vector<16xi32>
      %add3A_200 = arith.addi %mul3A_185, %add3A_199 : vector<16xi32>
      %gather3A_201 = tpu.vector_load_idx %arg12[%add3A_200] : memref<256xf32, #tpu.memory_space<vmem>>[vector<16xi32>], vector<16xf32>,
      %mul3A_202 = arith.mulf %gather3A_197, %gather3A_189 : vector<16xf32>
      %mul3A_203 = arith.mulf %gather3A_201, %gather3A_196 : vector<16xf32>
      %add3A_204 = arith.addf %mul3A_202, %mul3A_203 : vector<16xf32>
      %swap3A_205 = arith.constant 80 : index
      %swap3A_206 = tpu.vector_load %arg13[%swap3A_205] {strides = array<i32>} : memref<128xf32, #tpu.memory_space<vmem>>, vector<16xf32>,
      tpu.vector_store %arg13[%swap3A_205], %add3A_204 {strides = array<i32>} : memref<128xf32, #tpu.memory_space<vmem>>, vector<16xf32>,
      %get3A_207 = arith.constant 96 : index
      %get3A_208 = tpu.vector_load %arg11[%get3A_207] {strides = array<i32>} : memref<128xi32, #tpu.memory_space<vmem>>, vector<16xi32>,
      %add3A_209 = arith.constant 96 : i32
      %add3A_210 = vector.broadcast %add3A_209 : i32 to vector<16xi32>
      %add3A_211 = arith.addi %add3A_210, %iota3A : vector<16xi32>
      %mul3A_212 = arith.constant 2 : i32
      %mul3A_213 = vector.broadcast %mul3A_212 : i32 to vector<16xi32>
      %mul3A_214 = arith.muli %mul3A_213, %add3A_211 : vector<16xi32>
      %mul3A_215 = arith.constant 2 : i32
      %mul3A_216 = vector.broadcast %mul3A_215 : i32 to vector<16xi32>
      %mul3A_217 = arith.muli %get3A_208, %mul3A_216 : vector<16xi32>
      %gather3A_218 = tpu.vector_load_idx %arg15[%mul3A_217] : memref<20480xf32, #tpu.memory_space<vmem>>[vector<16xi32>], vector<16xf32>,
      %mul3A_219 = arith.constant 2 : i32
      %mul3A_220 = vector.broadcast %mul3A_219 : i32 to vector<16xi32>
      %mul3A_221 = arith.muli %get3A_208, %mul3A_220 : vector<16xi32>
      %add3A_222 = arith.constant 1 : i32
      %add3A_223 = vector.broadcast %add3A_222 : i32 to vector<16xi32>
      %add3A_224 = arith.addi %mul3A_221, %add3A_223 : vector<16xi32>
      %gather3A_225 = tpu.vector_load_idx %arg15[%add3A_224] : memref<20480xf32, #tpu.memory_space<vmem>>[vector<16xi32>], vector<16xf32>,
      %gather3A_226 = tpu.vector_load_idx %arg12[%mul3A_214] : memref<256xf32, #tpu.memory_space<vmem>>[vector<16xi32>], vector<16xf32>,
      %add3A_227 = arith.constant 1 : i32
      %add3A_228 = vector.broadcast %add3A_227 : i32 to vector<16xi32>
      %add3A_229 = arith.addi %mul3A_214, %add3A_228 : vector<16xi32>
      %gather3A_230 = tpu.vector_load_idx %arg12[%add3A_229] : memref<256xf32, #tpu.memory_space<vmem>>[vector<16xi32>], vector<16xf32>,
      %mul3A_231 = arith.mulf %gather3A_226, %gather3A_218 : vector<16xf32>
      %mul3A_232 = arith.mulf %gather3A_230, %gather3A_225 : vector<16xf32>
      %add3A_233 = arith.addf %mul3A_231, %mul3A_232 : vector<16xf32>
      %swap3A_234 = arith.constant 96 : index
      %swap3A_235 = tpu.vector_load %arg13[%swap3A_234] {strides = array<i32>} : memref<128xf32, #tpu.memory_space<vmem>>, vector<16xf32>,
      tpu.vector_store %arg13[%swap3A_234], %add3A_233 {strides = array<i32>} : memref<128xf32, #tpu.memory_space<vmem>>, vector<16xf32>,
      %get3A_236 = arith.constant 112 : index
      %get3A_237 = tpu.vector_load %arg11[%get3A_236] {strides = array<i32>} : memref<128xi32, #tpu.memory_space<vmem>>, vector<16xi32>,
      %add3A_238 = arith.constant 112 : i32
      %add3A_239 = vector.broadcast %add3A_238 : i32 to vector<16xi32>
      %add3A_240 = arith.addi %add3A_239, %iota3A : vector<16xi32>
      %mul3A_241 = arith.constant 2 : i32
      %mul3A_242 = vector.broadcast %mul3A_241 : i32 to vector<16xi32>
      %mul3A_243 = arith.muli %mul3A_242, %add3A_240 : vector<16xi32>
      %mul3A_244 = arith.constant 2 : i32
      %mul3A_245 = vector.broadcast %mul3A_244 : i32 to vector<16xi32>
      %mul3A_246 = arith.muli %get3A_237, %mul3A_245 : vector<16xi32>
      %gather3A_247 = tpu.vector_load_idx %arg15[%mul3A_246] : memref<20480xf32, #tpu.memory_space<vmem>>[vector<16xi32>], vector<16xf32>,
      %mul3A_248 = arith.constant 2 : i32
      %mul3A_249 = vector.broadcast %mul3A_248 : i32 to vector<16xi32>
      %mul3A_250 = arith.muli %get3A_237, %mul3A_249 : vector<16xi32>
      %add3A_251 = arith.constant 1 : i32
      %add3A_252 = vector.broadcast %add3A_251 : i32 to vector<16xi32>
      %add3A_253 = arith.addi %mul3A_250, %add3A_252 : vector<16xi32>
      %gather3A_254 = tpu.vector_load_idx %arg15[%add3A_253] : memref<20480xf32, #tpu.memory_space<vmem>>[vector<16xi32>], vector<16xf32>,
      %gather3A_255 = tpu.vector_load_idx %arg12[%mul3A_243] : memref<256xf32, #tpu.memory_space<vmem>>[vector<16xi32>], vector<16xf32>,
      %add3A_256 = arith.constant 1 : i32
      %add3A_257 = vector.broadcast %add3A_256 : i32 to vector<16xi32>
      %add3A_258 = arith.addi %mul3A_243, %add3A_257 : vector<16xi32>
      %gather3A_259 = tpu.vector_load_idx %arg12[%add3A_258] : memref<256xf32, #tpu.memory_space<vmem>>[vector<16xi32>], vector<16xf32>,
      %mul3A_260 = arith.mulf %gather3A_255, %gather3A_247 : vector<16xf32>
      %mul3A_261 = arith.mulf %gather3A_259, %gather3A_254 : vector<16xf32>
      %add3A_262 = arith.addf %mul3A_260, %mul3A_261 : vector<16xf32>
      %swap3A_263 = arith.constant 112 : index
      %swap3A_264 = tpu.vector_load %arg13[%swap3A_263] {strides = array<i32>} : memref<128xf32, #tpu.memory_space<vmem>>, vector<16xf32>,
      tpu.vector_store %arg13[%swap3A_263], %add3A_262 {strides = array<i32>} : memref<128xf32, #tpu.memory_space<vmem>>, vector<16xf32>,
      "tpu.region"() ({
        %run_scoped3A = tpu.sem_alloc : memref<!tpu.dma_semaphore, #tpu.memory_space<semaphore_mem>>
        %dma_start3A_523 = tpu.memref_slice %arg7[%add3A_33] : memref<163840xf32, #tpu.memory_space<hbm>> -> memref<128xf32, #tpu.memory_space<hbm>>
        %dma_start3A_524 = tpu.memref_slice %arg7[%add3A_33] : memref<163840xf32, #tpu.memory_space<hbm>> -> memref<128xf32, #tpu.memory_space<hbm>>
        tpu.enqueue_dma source(%arg13 : memref<128xf32, #tpu.memory_space<vmem>>) target(%dma_start3A_524 : memref<128xf32, #tpu.memory_space<hbm>>) target_semaphore(%run_scoped3A : memref<!tpu.dma_semaphore, #tpu.memory_space<semaphore_mem>>)
        %dma_wait3A_525 = tpu.memref_slice %arg7[%add3A_33] : memref<163840xf32, #tpu.memory_space<hbm>> -> memref<128xf32, #tpu.memory_space<hbm>>
        %dma_wait3A_526 = tpu.memref_slice %arg7[%add3A_33] : memref<163840xf32, #tpu.memory_space<hbm>> -> memref<128xf32, #tpu.memory_space<hbm>>
        tpu.wait_dma2 semaphore(%run_scoped3A : memref<!tpu.dma_semaphore, #tpu.memory_space<semaphore_mem>>) src(%arg13 : memref<128xf32, #tpu.memory_space<vmem>>) dst(%dma_wait3A_526 : memref<128xf32, #tpu.memory_space<hbm>>)
        tpu.yield
      }) : () -> ()
      %dma_wait3A = arith.constant 0 : i32
      %dma_wait3A_265 = arith.constant 0 : i32
      %dma_wait3A_266 = tpu.memref_slice %arg4[%dma_wait3A, %dma_wait3A_265] : memref<10000x128xf32, #tpu.memory_space<hbm>> -> memref<10000x128xf32, #tpu.memory_space<hbm>>
      tpu.wait_indirect_dma semaphore(%arg18 : memref<!tpu.dma_semaphore, #tpu.memory_space<semaphore_mem>>) src(%dma_wait3A_266 : memref<10000x128xf32, #tpu.memory_space<hbm>>) dst(%arg16 : memref<128x128xf32, #tpu.memory_space<vmem>>)
      "tpu.region"() ({
        %run_scoped3A = tpu.sem_alloc : memref<!tpu.dma_semaphore, #tpu.memory_space<semaphore_mem>>
        %dma_start3A_523 = arith.constant 0 : i32
        %dma_start3A_524 = tpu.memref_slice %arg8[%add3A_33, %dma_start3A_523] : memref<163840x128xf32, #tpu.memory_space<hbm>> -> memref<128x128xf32, #tpu.memory_space<hbm>>
        %dma_start3A_525 = arith.constant 0 : i32
        %dma_start3A_526 = tpu.memref_slice %arg8[%add3A_33, %dma_start3A_525] : memref<163840x128xf32, #tpu.memory_space<hbm>> -> memref<128x128xf32, #tpu.memory_space<hbm>>
        tpu.enqueue_dma source(%arg16 : memref<128x128xf32, #tpu.memory_space<vmem>>) target(%dma_start3A_526 : memref<128x128xf32, #tpu.memory_space<hbm>>) target_semaphore(%run_scoped3A : memref<!tpu.dma_semaphore, #tpu.memory_space<semaphore_mem>>)
        %dma_wait3A_527 = arith.constant 0 : i32
        %dma_wait3A_528 = tpu.memref_slice %arg8[%add3A_33, %dma_wait3A_527] : memref<163840x128xf32, #tpu.memory_space<hbm>> -> memref<128x128xf32, #tpu.memory_space<hbm>>
        %dma_wait3A_529 = arith.constant 0 : i32
        %dma_wait3A_530 = tpu.memref_slice %arg8[%add3A_33, %dma_wait3A_529] : memref<163840x128xf32, #tpu.memory_space<hbm>> -> memref<128x128xf32, #tpu.memory_space<hbm>>
        tpu.wait_dma2 semaphore(%run_scoped3A : memref<!tpu.dma_semaphore, #tpu.memory_space<semaphore_mem>>) src(%arg16 : memref<128x128xf32, #tpu.memory_space<vmem>>) dst(%dma_wait3A_530 : memref<128x128xf32, #tpu.memory_space<hbm>>)
        tpu.yield
      }) : () -> ()
      %add3A_267 = arith.constant 2 : i32
      %add3A_268 = arith.addi %add3A_30, %add3A_267 : i32
      %lt3A = arith.constant 40 : i32
      %lt3A_269 = arith.cmpi slt, %add3A_268, %lt3A : i32
      %convert_element_type3A = arith.extui %lt3A_269 : i1 to i32
      %cond3A = arith.constant 0 : i32
      %cond3A_270 = arith.cmpi ne, %convert_element_type3A, %cond3A : i32
      scf.if %cond3A_270 {
        %add3A_523 = arith.constant 2 : i32
        %add3A_524 = arith.addi %add3A_30, %add3A_523 : i32
        %mul3A_525 = arith.constant 128 : i32
        %mul3A_526 = arith.muli %add3A_524, %mul3A_525 : i32
        %add3A_527 = arith.addi %mul3A_8, %mul3A_526 : i32
        "tpu.region"() ({
          %run_scoped3A = tpu.sem_alloc : memref<!tpu.dma_semaphore, #tpu.memory_space<semaphore_mem>>
          %dma_start3A_531 = tpu.memref_slice %arg5[%add3A_527] : memref<163840xi32, #tpu.memory_space<hbm>> -> memref<128xi32, #tpu.memory_space<hbm>>
          %dma_start3A_532 = tpu.memref_slice %arg5[%add3A_527] : memref<163840xi32, #tpu.memory_space<hbm>> -> memref<128xi32, #tpu.memory_space<hbm>>
          tpu.enqueue_dma source(%dma_start3A_532 : memref<128xi32, #tpu.memory_space<hbm>>) target(%arg9 : memref<128xi32, #tpu.memory_space<vmem>>) target_semaphore(%run_scoped3A : memref<!tpu.dma_semaphore, #tpu.memory_space<semaphore_mem>>)
          %dma_wait3A_533 = tpu.memref_slice %arg5[%add3A_527] : memref<163840xi32, #tpu.memory_space<hbm>> -> memref<128xi32, #tpu.memory_space<hbm>>
          %dma_wait3A_534 = tpu.memref_slice %arg5[%add3A_527] : memref<163840xi32, #tpu.memory_space<hbm>> -> memref<128xi32, #tpu.memory_space<hbm>>
          tpu.wait_dma2 semaphore(%run_scoped3A : memref<!tpu.dma_semaphore, #tpu.memory_space<semaphore_mem>>) src(%dma_wait3A_534 : memref<128xi32, #tpu.memory_space<hbm>>) dst(%arg9 : memref<128xi32, #tpu.memory_space<vmem>>)
          tpu.yield
        }) : () -> ()
        %dma_start3A_528 = arith.constant 0 : i32
        %dma_start3A_529 = arith.constant 0 : i32
        %dma_start3A_530 = tpu.memref_slice %arg4[%dma_start3A_528, %dma_start3A_529] : memref<10000x128xf32, #tpu.memory_space<hbm>> -> memref<10000x128xf32, #tpu.memory_space<hbm>>
        tpu.enqueue_indirect_dma source(%dma_start3A_530 : memref<10000x128xf32, #tpu.memory_space<hbm>>) target(%arg16 : memref<128x128xf32, #tpu.memory_space<vmem>>) offsets(%arg9 : memref<128xi32, #tpu.memory_space<vmem>>) semaphore(%arg18 : memref<!tpu.dma_semaphore, #tpu.memory_space<semaphore_mem>>)
      } else {
      }
      %mul3A_271 = arith.constant 2 : i32
      %mul3A_272 = arith.muli %mul3A_271, %scan3A_25 : i32
      %add3A_273 = arith.constant 1 : i32
      %add3A_274 = arith.addi %mul3A_272, %add3A_273 : i32
      %mul3A_275 = arith.constant 128 : i32
      %mul3A_276 = arith.muli %add3A_274, %mul3A_275 : i32
      %add3A_277 = arith.addi %mul3A_8, %mul3A_276 : i32
      "tpu.region"() ({
        %run_scoped3A = tpu.sem_alloc : memref<!tpu.dma_semaphore, #tpu.memory_space<semaphore_mem>>
        %dma_start3A_523 = tpu.memref_slice %arg6[%add3A_277] : memref<163840xi32, #tpu.memory_space<hbm>> -> memref<128xi32, #tpu.memory_space<hbm>>
        %dma_start3A_524 = tpu.memref_slice %arg6[%add3A_277] : memref<163840xi32, #tpu.memory_space<hbm>> -> memref<128xi32, #tpu.memory_space<hbm>>
        tpu.enqueue_dma source(%dma_start3A_524 : memref<128xi32, #tpu.memory_space<hbm>>) target(%arg11 : memref<128xi32, #tpu.memory_space<vmem>>) target_semaphore(%run_scoped3A : memref<!tpu.dma_semaphore, #tpu.memory_space<semaphore_mem>>)
        %dma_wait3A_525 = tpu.memref_slice %arg6[%add3A_277] : memref<163840xi32, #tpu.memory_space<hbm>> -> memref<128xi32, #tpu.memory_space<hbm>>
        %dma_wait3A_526 = tpu.memref_slice %arg6[%add3A_277] : memref<163840xi32, #tpu.memory_space<hbm>> -> memref<128xi32, #tpu.memory_space<hbm>>
        tpu.wait_dma2 semaphore(%run_scoped3A : memref<!tpu.dma_semaphore, #tpu.memory_space<semaphore_mem>>) src(%dma_wait3A_526 : memref<128xi32, #tpu.memory_space<hbm>>) dst(%arg11 : memref<128xi32, #tpu.memory_space<vmem>>)
        tpu.yield
      }) : () -> ()
      %mul3A_278 = arith.constant 2 : i32
      %mul3A_279 = arith.muli %mul3A_278, %add3A_277 : i32
      "tpu.region"() ({
        %run_scoped3A = tpu.sem_alloc : memref<!tpu.dma_semaphore, #tpu.memory_space<semaphore_mem>>
        %dma_start3A_523 = tpu.memref_slice %arg3[%mul3A_279] : memref<327680xf32, #tpu.memory_space<hbm>> -> memref<256xf32, #tpu.memory_space<hbm>>
        %dma_start3A_524 = tpu.memref_slice %arg3[%mul3A_279] : memref<327680xf32, #tpu.memory_space<hbm>> -> memref<256xf32, #tpu.memory_space<hbm>>
        tpu.enqueue_dma source(%dma_start3A_524 : memref<256xf32, #tpu.memory_space<hbm>>) target(%arg12 : memref<256xf32, #tpu.memory_space<vmem>>) target_semaphore(%run_scoped3A : memref<!tpu.dma_semaphore, #tpu.memory_space<semaphore_mem>>)
        %dma_wait3A_525 = tpu.memref_slice %arg3[%mul3A_279] : memref<327680xf32, #tpu.memory_space<hbm>> -> memref<256xf32, #tpu.memory_space<hbm>>
        %dma_wait3A_526 = tpu.memref_slice %arg3[%mul3A_279] : memref<327680xf32, #tpu.memory_space<hbm>> -> memref<256xf32, #tpu.memory_space<hbm>>
        tpu.wait_dma2 semaphore(%run_scoped3A : memref<!tpu.dma_semaphore, #tpu.memory_space<semaphore_mem>>) src(%dma_wait3A_526 : memref<256xf32, #tpu.memory_space<hbm>>) dst(%arg12 : memref<256xf32, #tpu.memory_space<vmem>>)
        tpu.yield
      }) : () -> ()
      %get3A_280 = arith.constant 0 : index
      %get3A_281 = tpu.vector_load %arg11[%get3A_280] {strides = array<i32>} : memref<128xi32, #tpu.memory_space<vmem>>, vector<16xi32>,
      %add3A_282 = arith.constant 0 : i32
      %add3A_283 = vector.broadcast %add3A_282 : i32 to vector<16xi32>
      %add3A_284 = arith.addi %add3A_283, %iota3A : vector<16xi32>
      %mul3A_285 = arith.constant 2 : i32
      %mul3A_286 = vector.broadcast %mul3A_285 : i32 to vector<16xi32>
      %mul3A_287 = arith.muli %mul3A_286, %add3A_284 : vector<16xi32>
      %mul3A_288 = arith.constant 2 : i32
      %mul3A_289 = vector.broadcast %mul3A_288 : i32 to vector<16xi32>
      %mul3A_290 = arith.muli %get3A_281, %mul3A_289 : vector<16xi32>
      %gather3A_291 = tpu.vector_load_idx %arg15[%mul3A_290] : memref<20480xf32, #tpu.memory_space<vmem>>[vector<16xi32>], vector<16xf32>,
      %mul3A_292 = arith.constant 2 : i32
      %mul3A_293 = vector.broadcast %mul3A_292 : i32 to vector<16xi32>
      %mul3A_294 = arith.muli %get3A_281, %mul3A_293 : vector<16xi32>
      %add3A_295 = arith.constant 1 : i32
      %add3A_296 = vector.broadcast %add3A_295 : i32 to vector<16xi32>
      %add3A_297 = arith.addi %mul3A_294, %add3A_296 : vector<16xi32>
      %gather3A_298 = tpu.vector_load_idx %arg15[%add3A_297] : memref<20480xf32, #tpu.memory_space<vmem>>[vector<16xi32>], vector<16xf32>,
      %gather3A_299 = tpu.vector_load_idx %arg12[%mul3A_287] : memref<256xf32, #tpu.memory_space<vmem>>[vector<16xi32>], vector<16xf32>,
      %add3A_300 = arith.constant 1 : i32
      %add3A_301 = vector.broadcast %add3A_300 : i32 to vector<16xi32>
      %add3A_302 = arith.addi %mul3A_287, %add3A_301 : vector<16xi32>
      %gather3A_303 = tpu.vector_load_idx %arg12[%add3A_302] : memref<256xf32, #tpu.memory_space<vmem>>[vector<16xi32>], vector<16xf32>,
      %mul3A_304 = arith.mulf %gather3A_299, %gather3A_291 : vector<16xf32>
      %mul3A_305 = arith.mulf %gather3A_303, %gather3A_298 : vector<16xf32>
      %add3A_306 = arith.addf %mul3A_304, %mul3A_305 : vector<16xf32>
      %swap3A_307 = arith.constant 0 : index
      %swap3A_308 = tpu.vector_load %arg13[%swap3A_307] {strides = array<i32>} : memref<128xf32, #tpu.memory_space<vmem>>, vector<16xf32>,
      tpu.vector_store %arg13[%swap3A_307], %add3A_306 {strides = array<i32>} : memref<128xf32, #tpu.memory_space<vmem>>, vector<16xf32>,
      %get3A_309 = arith.constant 16 : index
      %get3A_310 = tpu.vector_load %arg11[%get3A_309] {strides = array<i32>} : memref<128xi32, #tpu.memory_space<vmem>>, vector<16xi32>,
      %add3A_311 = arith.constant 16 : i32
      %add3A_312 = vector.broadcast %add3A_311 : i32 to vector<16xi32>
      %add3A_313 = arith.addi %add3A_312, %iota3A : vector<16xi32>
      %mul3A_314 = arith.constant 2 : i32
      %mul3A_315 = vector.broadcast %mul3A_314 : i32 to vector<16xi32>
      %mul3A_316 = arith.muli %mul3A_315, %add3A_313 : vector<16xi32>
      %mul3A_317 = arith.constant 2 : i32
      %mul3A_318 = vector.broadcast %mul3A_317 : i32 to vector<16xi32>
      %mul3A_319 = arith.muli %get3A_310, %mul3A_318 : vector<16xi32>
      %gather3A_320 = tpu.vector_load_idx %arg15[%mul3A_319] : memref<20480xf32, #tpu.memory_space<vmem>>[vector<16xi32>], vector<16xf32>,
      %mul3A_321 = arith.constant 2 : i32
      %mul3A_322 = vector.broadcast %mul3A_321 : i32 to vector<16xi32>
      %mul3A_323 = arith.muli %get3A_310, %mul3A_322 : vector<16xi32>
      %add3A_324 = arith.constant 1 : i32
      %add3A_325 = vector.broadcast %add3A_324 : i32 to vector<16xi32>
      %add3A_326 = arith.addi %mul3A_323, %add3A_325 : vector<16xi32>
      %gather3A_327 = tpu.vector_load_idx %arg15[%add3A_326] : memref<20480xf32, #tpu.memory_space<vmem>>[vector<16xi32>], vector<16xf32>,
      %gather3A_328 = tpu.vector_load_idx %arg12[%mul3A_316] : memref<256xf32, #tpu.memory_space<vmem>>[vector<16xi32>], vector<16xf32>,
      %add3A_329 = arith.constant 1 : i32
      %add3A_330 = vector.broadcast %add3A_329 : i32 to vector<16xi32>
      %add3A_331 = arith.addi %mul3A_316, %add3A_330 : vector<16xi32>
      %gather3A_332 = tpu.vector_load_idx %arg12[%add3A_331] : memref<256xf32, #tpu.memory_space<vmem>>[vector<16xi32>], vector<16xf32>,
      %mul3A_333 = arith.mulf %gather3A_328, %gather3A_320 : vector<16xf32>
      %mul3A_334 = arith.mulf %gather3A_332, %gather3A_327 : vector<16xf32>
      %add3A_335 = arith.addf %mul3A_333, %mul3A_334 : vector<16xf32>
      %swap3A_336 = arith.constant 16 : index
      %swap3A_337 = tpu.vector_load %arg13[%swap3A_336] {strides = array<i32>} : memref<128xf32, #tpu.memory_space<vmem>>, vector<16xf32>,
      tpu.vector_store %arg13[%swap3A_336], %add3A_335 {strides = array<i32>} : memref<128xf32, #tpu.memory_space<vmem>>, vector<16xf32>,
      %get3A_338 = arith.constant 32 : index
      %get3A_339 = tpu.vector_load %arg11[%get3A_338] {strides = array<i32>} : memref<128xi32, #tpu.memory_space<vmem>>, vector<16xi32>,
      %add3A_340 = arith.constant 32 : i32
      %add3A_341 = vector.broadcast %add3A_340 : i32 to vector<16xi32>
      %add3A_342 = arith.addi %add3A_341, %iota3A : vector<16xi32>
      %mul3A_343 = arith.constant 2 : i32
      %mul3A_344 = vector.broadcast %mul3A_343 : i32 to vector<16xi32>
      %mul3A_345 = arith.muli %mul3A_344, %add3A_342 : vector<16xi32>
      %mul3A_346 = arith.constant 2 : i32
      %mul3A_347 = vector.broadcast %mul3A_346 : i32 to vector<16xi32>
      %mul3A_348 = arith.muli %get3A_339, %mul3A_347 : vector<16xi32>
      %gather3A_349 = tpu.vector_load_idx %arg15[%mul3A_348] : memref<20480xf32, #tpu.memory_space<vmem>>[vector<16xi32>], vector<16xf32>,
      %mul3A_350 = arith.constant 2 : i32
      %mul3A_351 = vector.broadcast %mul3A_350 : i32 to vector<16xi32>
      %mul3A_352 = arith.muli %get3A_339, %mul3A_351 : vector<16xi32>
      %add3A_353 = arith.constant 1 : i32
      %add3A_354 = vector.broadcast %add3A_353 : i32 to vector<16xi32>
      %add3A_355 = arith.addi %mul3A_352, %add3A_354 : vector<16xi32>
      %gather3A_356 = tpu.vector_load_idx %arg15[%add3A_355] : memref<20480xf32, #tpu.memory_space<vmem>>[vector<16xi32>], vector<16xf32>,
      %gather3A_357 = tpu.vector_load_idx %arg12[%mul3A_345] : memref<256xf32, #tpu.memory_space<vmem>>[vector<16xi32>], vector<16xf32>,
      %add3A_358 = arith.constant 1 : i32
      %add3A_359 = vector.broadcast %add3A_358 : i32 to vector<16xi32>
      %add3A_360 = arith.addi %mul3A_345, %add3A_359 : vector<16xi32>
      %gather3A_361 = tpu.vector_load_idx %arg12[%add3A_360] : memref<256xf32, #tpu.memory_space<vmem>>[vector<16xi32>], vector<16xf32>,
      %mul3A_362 = arith.mulf %gather3A_357, %gather3A_349 : vector<16xf32>
      %mul3A_363 = arith.mulf %gather3A_361, %gather3A_356 : vector<16xf32>
      %add3A_364 = arith.addf %mul3A_362, %mul3A_363 : vector<16xf32>
      %swap3A_365 = arith.constant 32 : index
      %swap3A_366 = tpu.vector_load %arg13[%swap3A_365] {strides = array<i32>} : memref<128xf32, #tpu.memory_space<vmem>>, vector<16xf32>,
      tpu.vector_store %arg13[%swap3A_365], %add3A_364 {strides = array<i32>} : memref<128xf32, #tpu.memory_space<vmem>>, vector<16xf32>,
      %get3A_367 = arith.constant 48 : index
      %get3A_368 = tpu.vector_load %arg11[%get3A_367] {strides = array<i32>} : memref<128xi32, #tpu.memory_space<vmem>>, vector<16xi32>,
      %add3A_369 = arith.constant 48 : i32
      %add3A_370 = vector.broadcast %add3A_369 : i32 to vector<16xi32>
      %add3A_371 = arith.addi %add3A_370, %iota3A : vector<16xi32>
      %mul3A_372 = arith.constant 2 : i32
      %mul3A_373 = vector.broadcast %mul3A_372 : i32 to vector<16xi32>
      %mul3A_374 = arith.muli %mul3A_373, %add3A_371 : vector<16xi32>
      %mul3A_375 = arith.constant 2 : i32
      %mul3A_376 = vector.broadcast %mul3A_375 : i32 to vector<16xi32>
      %mul3A_377 = arith.muli %get3A_368, %mul3A_376 : vector<16xi32>
      %gather3A_378 = tpu.vector_load_idx %arg15[%mul3A_377] : memref<20480xf32, #tpu.memory_space<vmem>>[vector<16xi32>], vector<16xf32>,
      %mul3A_379 = arith.constant 2 : i32
      %mul3A_380 = vector.broadcast %mul3A_379 : i32 to vector<16xi32>
      %mul3A_381 = arith.muli %get3A_368, %mul3A_380 : vector<16xi32>
      %add3A_382 = arith.constant 1 : i32
      %add3A_383 = vector.broadcast %add3A_382 : i32 to vector<16xi32>
      %add3A_384 = arith.addi %mul3A_381, %add3A_383 : vector<16xi32>
      %gather3A_385 = tpu.vector_load_idx %arg15[%add3A_384] : memref<20480xf32, #tpu.memory_space<vmem>>[vector<16xi32>], vector<16xf32>,
      %gather3A_386 = tpu.vector_load_idx %arg12[%mul3A_374] : memref<256xf32, #tpu.memory_space<vmem>>[vector<16xi32>], vector<16xf32>,
      %add3A_387 = arith.constant 1 : i32
      %add3A_388 = vector.broadcast %add3A_387 : i32 to vector<16xi32>
      %add3A_389 = arith.addi %mul3A_374, %add3A_388 : vector<16xi32>
      %gather3A_390 = tpu.vector_load_idx %arg12[%add3A_389] : memref<256xf32, #tpu.memory_space<vmem>>[vector<16xi32>], vector<16xf32>,
      %mul3A_391 = arith.mulf %gather3A_386, %gather3A_378 : vector<16xf32>
      %mul3A_392 = arith.mulf %gather3A_390, %gather3A_385 : vector<16xf32>
      %add3A_393 = arith.addf %mul3A_391, %mul3A_392 : vector<16xf32>
      %swap3A_394 = arith.constant 48 : index
      %swap3A_395 = tpu.vector_load %arg13[%swap3A_394] {strides = array<i32>} : memref<128xf32, #tpu.memory_space<vmem>>, vector<16xf32>,
      tpu.vector_store %arg13[%swap3A_394], %add3A_393 {strides = array<i32>} : memref<128xf32, #tpu.memory_space<vmem>>, vector<16xf32>,
      %get3A_396 = arith.constant 64 : index
      %get3A_397 = tpu.vector_load %arg11[%get3A_396] {strides = array<i32>} : memref<128xi32, #tpu.memory_space<vmem>>, vector<16xi32>,
      %add3A_398 = arith.constant 64 : i32
      %add3A_399 = vector.broadcast %add3A_398 : i32 to vector<16xi32>
      %add3A_400 = arith.addi %add3A_399, %iota3A : vector<16xi32>
      %mul3A_401 = arith.constant 2 : i32
      %mul3A_402 = vector.broadcast %mul3A_401 : i32 to vector<16xi32>
      %mul3A_403 = arith.muli %mul3A_402, %add3A_400 : vector<16xi32>
      %mul3A_404 = arith.constant 2 : i32
      %mul3A_405 = vector.broadcast %mul3A_404 : i32 to vector<16xi32>
      %mul3A_406 = arith.muli %get3A_397, %mul3A_405 : vector<16xi32>
      %gather3A_407 = tpu.vector_load_idx %arg15[%mul3A_406] : memref<20480xf32, #tpu.memory_space<vmem>>[vector<16xi32>], vector<16xf32>,
      %mul3A_408 = arith.constant 2 : i32
      %mul3A_409 = vector.broadcast %mul3A_408 : i32 to vector<16xi32>
      %mul3A_410 = arith.muli %get3A_397, %mul3A_409 : vector<16xi32>
      %add3A_411 = arith.constant 1 : i32
      %add3A_412 = vector.broadcast %add3A_411 : i32 to vector<16xi32>
      %add3A_413 = arith.addi %mul3A_410, %add3A_412 : vector<16xi32>
      %gather3A_414 = tpu.vector_load_idx %arg15[%add3A_413] : memref<20480xf32, #tpu.memory_space<vmem>>[vector<16xi32>], vector<16xf32>,
      %gather3A_415 = tpu.vector_load_idx %arg12[%mul3A_403] : memref<256xf32, #tpu.memory_space<vmem>>[vector<16xi32>], vector<16xf32>,
      %add3A_416 = arith.constant 1 : i32
      %add3A_417 = vector.broadcast %add3A_416 : i32 to vector<16xi32>
      %add3A_418 = arith.addi %mul3A_403, %add3A_417 : vector<16xi32>
      %gather3A_419 = tpu.vector_load_idx %arg12[%add3A_418] : memref<256xf32, #tpu.memory_space<vmem>>[vector<16xi32>], vector<16xf32>,
      %mul3A_420 = arith.mulf %gather3A_415, %gather3A_407 : vector<16xf32>
      %mul3A_421 = arith.mulf %gather3A_419, %gather3A_414 : vector<16xf32>
      %add3A_422 = arith.addf %mul3A_420, %mul3A_421 : vector<16xf32>
      %swap3A_423 = arith.constant 64 : index
      %swap3A_424 = tpu.vector_load %arg13[%swap3A_423] {strides = array<i32>} : memref<128xf32, #tpu.memory_space<vmem>>, vector<16xf32>,
      tpu.vector_store %arg13[%swap3A_423], %add3A_422 {strides = array<i32>} : memref<128xf32, #tpu.memory_space<vmem>>, vector<16xf32>,
      %get3A_425 = arith.constant 80 : index
      %get3A_426 = tpu.vector_load %arg11[%get3A_425] {strides = array<i32>} : memref<128xi32, #tpu.memory_space<vmem>>, vector<16xi32>,
      %add3A_427 = arith.constant 80 : i32
      %add3A_428 = vector.broadcast %add3A_427 : i32 to vector<16xi32>
      %add3A_429 = arith.addi %add3A_428, %iota3A : vector<16xi32>
      %mul3A_430 = arith.constant 2 : i32
      %mul3A_431 = vector.broadcast %mul3A_430 : i32 to vector<16xi32>
      %mul3A_432 = arith.muli %mul3A_431, %add3A_429 : vector<16xi32>
      %mul3A_433 = arith.constant 2 : i32
      %mul3A_434 = vector.broadcast %mul3A_433 : i32 to vector<16xi32>
      %mul3A_435 = arith.muli %get3A_426, %mul3A_434 : vector<16xi32>
      %gather3A_436 = tpu.vector_load_idx %arg15[%mul3A_435] : memref<20480xf32, #tpu.memory_space<vmem>>[vector<16xi32>], vector<16xf32>,
      %mul3A_437 = arith.constant 2 : i32
      %mul3A_438 = vector.broadcast %mul3A_437 : i32 to vector<16xi32>
      %mul3A_439 = arith.muli %get3A_426, %mul3A_438 : vector<16xi32>
      %add3A_440 = arith.constant 1 : i32
      %add3A_441 = vector.broadcast %add3A_440 : i32 to vector<16xi32>
      %add3A_442 = arith.addi %mul3A_439, %add3A_441 : vector<16xi32>
      %gather3A_443 = tpu.vector_load_idx %arg15[%add3A_442] : memref<20480xf32, #tpu.memory_space<vmem>>[vector<16xi32>], vector<16xf32>,
      %gather3A_444 = tpu.vector_load_idx %arg12[%mul3A_432] : memref<256xf32, #tpu.memory_space<vmem>>[vector<16xi32>], vector<16xf32>,
      %add3A_445 = arith.constant 1 : i32
      %add3A_446 = vector.broadcast %add3A_445 : i32 to vector<16xi32>
      %add3A_447 = arith.addi %mul3A_432, %add3A_446 : vector<16xi32>
      %gather3A_448 = tpu.vector_load_idx %arg12[%add3A_447] : memref<256xf32, #tpu.memory_space<vmem>>[vector<16xi32>], vector<16xf32>,
      %mul3A_449 = arith.mulf %gather3A_444, %gather3A_436 : vector<16xf32>
      %mul3A_450 = arith.mulf %gather3A_448, %gather3A_443 : vector<16xf32>
      %add3A_451 = arith.addf %mul3A_449, %mul3A_450 : vector<16xf32>
      %swap3A_452 = arith.constant 80 : index
      %swap3A_453 = tpu.vector_load %arg13[%swap3A_452] {strides = array<i32>} : memref<128xf32, #tpu.memory_space<vmem>>, vector<16xf32>,
      tpu.vector_store %arg13[%swap3A_452], %add3A_451 {strides = array<i32>} : memref<128xf32, #tpu.memory_space<vmem>>, vector<16xf32>,
      %get3A_454 = arith.constant 96 : index
      %get3A_455 = tpu.vector_load %arg11[%get3A_454] {strides = array<i32>} : memref<128xi32, #tpu.memory_space<vmem>>, vector<16xi32>,
      %add3A_456 = arith.constant 96 : i32
      %add3A_457 = vector.broadcast %add3A_456 : i32 to vector<16xi32>
      %add3A_458 = arith.addi %add3A_457, %iota3A : vector<16xi32>
      %mul3A_459 = arith.constant 2 : i32
      %mul3A_460 = vector.broadcast %mul3A_459 : i32 to vector<16xi32>
      %mul3A_461 = arith.muli %mul3A_460, %add3A_458 : vector<16xi32>
      %mul3A_462 = arith.constant 2 : i32
      %mul3A_463 = vector.broadcast %mul3A_462 : i32 to vector<16xi32>
      %mul3A_464 = arith.muli %get3A_455, %mul3A_463 : vector<16xi32>
      %gather3A_465 = tpu.vector_load_idx %arg15[%mul3A_464] : memref<20480xf32, #tpu.memory_space<vmem>>[vector<16xi32>], vector<16xf32>,
      %mul3A_466 = arith.constant 2 : i32
      %mul3A_467 = vector.broadcast %mul3A_466 : i32 to vector<16xi32>
      %mul3A_468 = arith.muli %get3A_455, %mul3A_467 : vector<16xi32>
      %add3A_469 = arith.constant 1 : i32
      %add3A_470 = vector.broadcast %add3A_469 : i32 to vector<16xi32>
      %add3A_471 = arith.addi %mul3A_468, %add3A_470 : vector<16xi32>
      %gather3A_472 = tpu.vector_load_idx %arg15[%add3A_471] : memref<20480xf32, #tpu.memory_space<vmem>>[vector<16xi32>], vector<16xf32>,
      %gather3A_473 = tpu.vector_load_idx %arg12[%mul3A_461] : memref<256xf32, #tpu.memory_space<vmem>>[vector<16xi32>], vector<16xf32>,
      %add3A_474 = arith.constant 1 : i32
      %add3A_475 = vector.broadcast %add3A_474 : i32 to vector<16xi32>
      %add3A_476 = arith.addi %mul3A_461, %add3A_475 : vector<16xi32>
      %gather3A_477 = tpu.vector_load_idx %arg12[%add3A_476] : memref<256xf32, #tpu.memory_space<vmem>>[vector<16xi32>], vector<16xf32>,
      %mul3A_478 = arith.mulf %gather3A_473, %gather3A_465 : vector<16xf32>
      %mul3A_479 = arith.mulf %gather3A_477, %gather3A_472 : vector<16xf32>
      %add3A_480 = arith.addf %mul3A_478, %mul3A_479 : vector<16xf32>
      %swap3A_481 = arith.constant 96 : index
      %swap3A_482 = tpu.vector_load %arg13[%swap3A_481] {strides = array<i32>} : memref<128xf32, #tpu.memory_space<vmem>>, vector<16xf32>,
      tpu.vector_store %arg13[%swap3A_481], %add3A_480 {strides = array<i32>} : memref<128xf32, #tpu.memory_space<vmem>>, vector<16xf32>,
      %get3A_483 = arith.constant 112 : index
      %get3A_484 = tpu.vector_load %arg11[%get3A_483] {strides = array<i32>} : memref<128xi32, #tpu.memory_space<vmem>>, vector<16xi32>,
      %add3A_485 = arith.constant 112 : i32
      %add3A_486 = vector.broadcast %add3A_485 : i32 to vector<16xi32>
      %add3A_487 = arith.addi %add3A_486, %iota3A : vector<16xi32>
      %mul3A_488 = arith.constant 2 : i32
      %mul3A_489 = vector.broadcast %mul3A_488 : i32 to vector<16xi32>
      %mul3A_490 = arith.muli %mul3A_489, %add3A_487 : vector<16xi32>
      %mul3A_491 = arith.constant 2 : i32
      %mul3A_492 = vector.broadcast %mul3A_491 : i32 to vector<16xi32>
      %mul3A_493 = arith.muli %get3A_484, %mul3A_492 : vector<16xi32>
      %gather3A_494 = tpu.vector_load_idx %arg15[%mul3A_493] : memref<20480xf32, #tpu.memory_space<vmem>>[vector<16xi32>], vector<16xf32>,
      %mul3A_495 = arith.constant 2 : i32
      %mul3A_496 = vector.broadcast %mul3A_495 : i32 to vector<16xi32>
      %mul3A_497 = arith.muli %get3A_484, %mul3A_496 : vector<16xi32>
      %add3A_498 = arith.constant 1 : i32
      %add3A_499 = vector.broadcast %add3A_498 : i32 to vector<16xi32>
      %add3A_500 = arith.addi %mul3A_497, %add3A_499 : vector<16xi32>
      %gather3A_501 = tpu.vector_load_idx %arg15[%add3A_500] : memref<20480xf32, #tpu.memory_space<vmem>>[vector<16xi32>], vector<16xf32>,
      %gather3A_502 = tpu.vector_load_idx %arg12[%mul3A_490] : memref<256xf32, #tpu.memory_space<vmem>>[vector<16xi32>], vector<16xf32>,
      %add3A_503 = arith.constant 1 : i32
      %add3A_504 = vector.broadcast %add3A_503 : i32 to vector<16xi32>
      %add3A_505 = arith.addi %mul3A_490, %add3A_504 : vector<16xi32>
      %gather3A_506 = tpu.vector_load_idx %arg12[%add3A_505] : memref<256xf32, #tpu.memory_space<vmem>>[vector<16xi32>], vector<16xf32>,
      %mul3A_507 = arith.mulf %gather3A_502, %gather3A_494 : vector<16xf32>
      %mul3A_508 = arith.mulf %gather3A_506, %gather3A_501 : vector<16xf32>
      %add3A_509 = arith.addf %mul3A_507, %mul3A_508 : vector<16xf32>
      %swap3A_510 = arith.constant 112 : index
      %swap3A_511 = tpu.vector_load %arg13[%swap3A_510] {strides = array<i32>} : memref<128xf32, #tpu.memory_space<vmem>>, vector<16xf32>,
      tpu.vector_store %arg13[%swap3A_510], %add3A_509 {strides = array<i32>} : memref<128xf32, #tpu.memory_space<vmem>>, vector<16xf32>,
      "tpu.region"() ({
        %run_scoped3A = tpu.sem_alloc : memref<!tpu.dma_semaphore, #tpu.memory_space<semaphore_mem>>
        %dma_start3A_523 = tpu.memref_slice %arg7[%add3A_277] : memref<163840xf32, #tpu.memory_space<hbm>> -> memref<128xf32, #tpu.memory_space<hbm>>
        %dma_start3A_524 = tpu.memref_slice %arg7[%add3A_277] : memref<163840xf32, #tpu.memory_space<hbm>> -> memref<128xf32, #tpu.memory_space<hbm>>
        tpu.enqueue_dma source(%arg13 : memref<128xf32, #tpu.memory_space<vmem>>) target(%dma_start3A_524 : memref<128xf32, #tpu.memory_space<hbm>>) target_semaphore(%run_scoped3A : memref<!tpu.dma_semaphore, #tpu.memory_space<semaphore_mem>>)
        %dma_wait3A_525 = tpu.memref_slice %arg7[%add3A_277] : memref<163840xf32, #tpu.memory_space<hbm>> -> memref<128xf32, #tpu.memory_space<hbm>>
        %dma_wait3A_526 = tpu.memref_slice %arg7[%add3A_277] : memref<163840xf32, #tpu.memory_space<hbm>> -> memref<128xf32, #tpu.memory_space<hbm>>
        tpu.wait_dma2 semaphore(%run_scoped3A : memref<!tpu.dma_semaphore, #tpu.memory_space<semaphore_mem>>) src(%arg13 : memref<128xf32, #tpu.memory_space<vmem>>) dst(%dma_wait3A_526 : memref<128xf32, #tpu.memory_space<hbm>>)
        tpu.yield
      }) : () -> ()
      %dma_wait3A_512 = arith.constant 0 : i32
      %dma_wait3A_513 = arith.constant 0 : i32
      %dma_wait3A_514 = tpu.memref_slice %arg4[%dma_wait3A_512, %dma_wait3A_513] : memref<10000x128xf32, #tpu.memory_space<hbm>> -> memref<10000x128xf32, #tpu.memory_space<hbm>>
      tpu.wait_indirect_dma semaphore(%arg19 : memref<!tpu.dma_semaphore, #tpu.memory_space<semaphore_mem>>) src(%dma_wait3A_514 : memref<10000x128xf32, #tpu.memory_space<hbm>>) dst(%arg17 : memref<128x128xf32, #tpu.memory_space<vmem>>)
      "tpu.region"() ({
        %run_scoped3A = tpu.sem_alloc : memref<!tpu.dma_semaphore, #tpu.memory_space<semaphore_mem>>
        %dma_start3A_523 = arith.constant 0 : i32
        %dma_start3A_524 = tpu.memref_slice %arg8[%add3A_277, %dma_start3A_523] : memref<163840x128xf32, #tpu.memory_space<hbm>> -> memref<128x128xf32, #tpu.memory_space<hbm>>
        %dma_start3A_525 = arith.constant 0 : i32
        %dma_start3A_526 = tpu.memref_slice %arg8[%add3A_277, %dma_start3A_525] : memref<163840x128xf32, #tpu.memory_space<hbm>> -> memref<128x128xf32, #tpu.memory_space<hbm>>
        tpu.enqueue_dma source(%arg17 : memref<128x128xf32, #tpu.memory_space<vmem>>) target(%dma_start3A_526 : memref<128x128xf32, #tpu.memory_space<hbm>>) target_semaphore(%run_scoped3A : memref<!tpu.dma_semaphore, #tpu.memory_space<semaphore_mem>>)
        %dma_wait3A_527 = arith.constant 0 : i32
        %dma_wait3A_528 = tpu.memref_slice %arg8[%add3A_277, %dma_wait3A_527] : memref<163840x128xf32, #tpu.memory_space<hbm>> -> memref<128x128xf32, #tpu.memory_space<hbm>>
        %dma_wait3A_529 = arith.constant 0 : i32
        %dma_wait3A_530 = tpu.memref_slice %arg8[%add3A_277, %dma_wait3A_529] : memref<163840x128xf32, #tpu.memory_space<hbm>> -> memref<128x128xf32, #tpu.memory_space<hbm>>
        tpu.wait_dma2 semaphore(%run_scoped3A : memref<!tpu.dma_semaphore, #tpu.memory_space<semaphore_mem>>) src(%arg17 : memref<128x128xf32, #tpu.memory_space<vmem>>) dst(%dma_wait3A_530 : memref<128x128xf32, #tpu.memory_space<hbm>>)
        tpu.yield
      }) : () -> ()
      %add3A_515 = arith.constant 2 : i32
      %add3A_516 = arith.addi %add3A_274, %add3A_515 : i32
      %lt3A_517 = arith.constant 40 : i32
      %lt3A_518 = arith.cmpi slt, %add3A_516, %lt3A_517 : i32
      %convert_element_type3A_519 = arith.extui %lt3A_518 : i1 to i32
      %cond3A_520 = arith.constant 0 : i32
      %cond3A_521 = arith.cmpi ne, %convert_element_type3A_519, %cond3A_520 : i32
      scf.if %cond3A_521 {
        %add3A_523 = arith.constant 2 : i32
        %add3A_524 = arith.addi %add3A_274, %add3A_523 : i32
        %mul3A_525 = arith.constant 128 : i32
        %mul3A_526 = arith.muli %add3A_524, %mul3A_525 : i32
        %add3A_527 = arith.addi %mul3A_8, %mul3A_526 : i32
        "tpu.region"() ({
          %run_scoped3A = tpu.sem_alloc : memref<!tpu.dma_semaphore, #tpu.memory_space<semaphore_mem>>
          %dma_start3A_531 = tpu.memref_slice %arg5[%add3A_527] : memref<163840xi32, #tpu.memory_space<hbm>> -> memref<128xi32, #tpu.memory_space<hbm>>
          %dma_start3A_532 = tpu.memref_slice %arg5[%add3A_527] : memref<163840xi32, #tpu.memory_space<hbm>> -> memref<128xi32, #tpu.memory_space<hbm>>
          tpu.enqueue_dma source(%dma_start3A_532 : memref<128xi32, #tpu.memory_space<hbm>>) target(%arg10 : memref<128xi32, #tpu.memory_space<vmem>>) target_semaphore(%run_scoped3A : memref<!tpu.dma_semaphore, #tpu.memory_space<semaphore_mem>>)
          %dma_wait3A_533 = tpu.memref_slice %arg5[%add3A_527] : memref<163840xi32, #tpu.memory_space<hbm>> -> memref<128xi32, #tpu.memory_space<hbm>>
          %dma_wait3A_534 = tpu.memref_slice %arg5[%add3A_527] : memref<163840xi32, #tpu.memory_space<hbm>> -> memref<128xi32, #tpu.memory_space<hbm>>
          tpu.wait_dma2 semaphore(%run_scoped3A : memref<!tpu.dma_semaphore, #tpu.memory_space<semaphore_mem>>) src(%dma_wait3A_534 : memref<128xi32, #tpu.memory_space<hbm>>) dst(%arg10 : memref<128xi32, #tpu.memory_space<vmem>>)
          tpu.yield
        }) : () -> ()
        %dma_start3A_528 = arith.constant 0 : i32
        %dma_start3A_529 = arith.constant 0 : i32
        %dma_start3A_530 = tpu.memref_slice %arg4[%dma_start3A_528, %dma_start3A_529] : memref<10000x128xf32, #tpu.memory_space<hbm>> -> memref<10000x128xf32, #tpu.memory_space<hbm>>
        tpu.enqueue_indirect_dma source(%dma_start3A_530 : memref<10000x128xf32, #tpu.memory_space<hbm>>) target(%arg17 : memref<128x128xf32, #tpu.memory_space<vmem>>) offsets(%arg10 : memref<128xi32, #tpu.memory_space<vmem>>) semaphore(%arg19 : memref<!tpu.dma_semaphore, #tpu.memory_space<semaphore_mem>>)
      } else {
      }
      %scan3A_522 = arith.constant 0 : i32
      scf.yield %scan3A_522 : i32
    }
    %scan3A_24 = arith.constant 20 : i32
    return
  }
}

#map = affine_map<(d0, d1) -> (0)>
module attributes {stable_mosaic.version = 14 : i64} {
  func.func @_sc_attn(%arg0: i32, %arg1: i32, %arg2: memref<40960xf32, #tpu.memory_space<hbm>>, %arg3: memref<327680xf32, #tpu.memory_space<hbm>>, %arg4: memref<163840xi32, #tpu.memory_space<hbm>>, %arg5: memref<163840xi32, #tpu.memory_space<hbm>>, %arg6: memref<20480xf32, #tpu.memory_space<hbm>>, %arg7: memref<327680xf32, #tpu.memory_space<hbm>>, %arg8: memref<40960xf32, #tpu.memory_space<hbm>>, %arg9: memref<128xi32, #tpu.memory_space<vmem>>, %arg10: memref<128xi32, #tpu.memory_space<vmem>>, %arg11: memref<256xf32, #tpu.memory_space<vmem>>, %arg12: memref<256xf32, #tpu.memory_space<vmem>>, %arg13: memref<128xi32, #tpu.memory_space<vmem>>, %arg14: memref<128xi32, #tpu.memory_space<vmem>>, %arg15: memref<40960xf32, #tpu.memory_space<vmem>>, %arg16: memref<20480xf32, #tpu.memory_space<vmem_shared>>, %arg17: memref<!tpu.dma_semaphore, #tpu.memory_space<semaphore_mem>>) attributes {dimension_semantics = [#tpu.dimension_semantics<core_parallel>, #tpu.dimension_semantics<subcore_parallel>], iteration_bounds = array<i64: 2, 16>, scalar_prefetch = 0 : i64, scratch_operands = 9 : i64, tpu.core_type = #tpu.core_type<sc_vector_subcore>, window_params = [{transform_indices = #map}, {transform_indices = #map}, {transform_indices = #map}, {transform_indices = #map}, {transform_indices = #map}, {transform_indices = #map}, {transform_indices = #map}]} {
    "tpu.region"() ({
      %run_scoped3A = tpu.sem_alloc : memref<!tpu.dma_semaphore, #tpu.memory_space<semaphore_mem>>
      tpu.enqueue_dma source(%arg2 : memref<40960xf32, #tpu.memory_space<hbm>>) target(%arg15 : memref<40960xf32, #tpu.memory_space<vmem>>) target_semaphore(%run_scoped3A : memref<!tpu.dma_semaphore, #tpu.memory_space<semaphore_mem>>)
      tpu.wait_dma2 semaphore(%run_scoped3A : memref<!tpu.dma_semaphore, #tpu.memory_space<semaphore_mem>>) src(%arg2 : memref<40960xf32, #tpu.memory_space<hbm>>) dst(%arg15 : memref<40960xf32, #tpu.memory_space<vmem>>)
      tpu.yield
    }) : () -> ()
    %mul3A = arith.constant 1280 : i32
    %mul3A_0 = arith.muli %arg1, %mul3A : i32
    %mul3A_1 = arith.constant 1280 : i32
    %mul3A_2 = arith.muli %arg1, %mul3A_1 : i32
    "tpu.region"() ({
      %run_scoped3A = tpu.sem_alloc : memref<!tpu.dma_semaphore, #tpu.memory_space<semaphore_mem>>
      %dma_start3A = tpu.memref_slice %arg16[%mul3A_2] : memref<20480xf32, #tpu.memory_space<vmem_shared>> -> memref<1280xf32, #tpu.memory_space<vmem_shared>>
      %dma_start3A_23 = tpu.memref_slice %arg6[%mul3A_0] : memref<20480xf32, #tpu.memory_space<hbm>> -> memref<1280xf32, #tpu.memory_space<hbm>>
      tpu.enqueue_dma source(%dma_start3A_23 : memref<1280xf32, #tpu.memory_space<hbm>>) target(%dma_start3A : memref<1280xf32, #tpu.memory_space<vmem_shared>>) target_semaphore(%run_scoped3A : memref<!tpu.dma_semaphore, #tpu.memory_space<semaphore_mem>>)
      %dma_wait3A = tpu.memref_slice %arg16[%mul3A_2] : memref<20480xf32, #tpu.memory_space<vmem_shared>> -> memref<1280xf32, #tpu.memory_space<vmem_shared>>
      %dma_wait3A_24 = tpu.memref_slice %arg6[%mul3A_0] : memref<20480xf32, #tpu.memory_space<hbm>> -> memref<1280xf32, #tpu.memory_space<hbm>>
      tpu.wait_dma2 semaphore(%run_scoped3A : memref<!tpu.dma_semaphore, #tpu.memory_space<semaphore_mem>>) src(%dma_wait3A_24 : memref<1280xf32, #tpu.memory_space<hbm>>) dst(%dma_wait3A : memref<1280xf32, #tpu.memory_space<vmem_shared>>)
      tpu.yield
    }) : () -> ()
    %barrier3A = arith.constant 0 : index
    tpu.barrier barrier_id(%barrier3A)
    %mul3A_3 = arith.constant 2 : i32
    %mul3A_4 = arith.muli %arg1, %mul3A_3 : i32
    %add3A = arith.addi %mul3A_4, %arg0 : i32
    %mul3A_5 = arith.constant 5120 : i32
    %mul3A_6 = arith.muli %add3A, %mul3A_5 : i32
    %iota3A = tpu.iota {dimensions = array<i32: 0>} : vector<16xi32>
    %scan3A = arith.constant 0 : i32
    %scan3A_7 = arith.constant 0 : i32
    %scan3A_8 = arith.constant 40 : i32
    %scan3A_9 = arith.addi %scan3A_7, %scan3A_8 : i32
    %scan3A_10 = arith.constant 1 : i32
    %scan3A_11 = scf.for %scan3A_23 = %scan3A_7 to %scan3A_9 step %scan3A_10 iter_args(%scan3A_24 = %scan3A) -> (i32)  : i32 {
      %mul3A_25 = arith.constant 128 : i32
      %mul3A_26 = arith.muli %scan3A_23, %mul3A_25 : i32
      %add3A_27 = arith.addi %mul3A_6, %mul3A_26 : i32
      %dma_start3A = tpu.memref_slice %arg5[%add3A_27] : memref<163840xi32, #tpu.memory_space<hbm>> -> memref<128xi32, #tpu.memory_space<hbm>>
      %dma_start3A_28 = tpu.memref_slice %arg5[%add3A_27] : memref<163840xi32, #tpu.memory_space<hbm>> -> memref<128xi32, #tpu.memory_space<hbm>>
      tpu.enqueue_dma source(%dma_start3A_28 : memref<128xi32, #tpu.memory_space<hbm>>) target(%arg9 : memref<128xi32, #tpu.memory_space<vmem>>) target_semaphore(%arg17 : memref<!tpu.dma_semaphore, #tpu.memory_space<semaphore_mem>>)
      %dma_start3A_29 = tpu.memref_slice %arg4[%add3A_27] : memref<163840xi32, #tpu.memory_space<hbm>> -> memref<128xi32, #tpu.memory_space<hbm>>
      %dma_start3A_30 = tpu.memref_slice %arg4[%add3A_27] : memref<163840xi32, #tpu.memory_space<hbm>> -> memref<128xi32, #tpu.memory_space<hbm>>
      tpu.enqueue_dma source(%dma_start3A_30 : memref<128xi32, #tpu.memory_space<hbm>>) target(%arg10 : memref<128xi32, #tpu.memory_space<vmem>>) target_semaphore(%arg17 : memref<!tpu.dma_semaphore, #tpu.memory_space<semaphore_mem>>)
      %mul3A_31 = arith.constant 2 : i32
      %mul3A_32 = arith.muli %mul3A_31, %add3A_27 : i32
      %dma_start3A_33 = tpu.memref_slice %arg3[%mul3A_32] : memref<327680xf32, #tpu.memory_space<hbm>> -> memref<256xf32, #tpu.memory_space<hbm>>
      %dma_start3A_34 = tpu.memref_slice %arg3[%mul3A_32] : memref<327680xf32, #tpu.memory_space<hbm>> -> memref<256xf32, #tpu.memory_space<hbm>>
      tpu.enqueue_dma source(%dma_start3A_34 : memref<256xf32, #tpu.memory_space<hbm>>) target(%arg11 : memref<256xf32, #tpu.memory_space<vmem>>) target_semaphore(%arg17 : memref<!tpu.dma_semaphore, #tpu.memory_space<semaphore_mem>>)
      %dma_wait3A = tpu.memref_slice %arg5[%add3A_27] : memref<163840xi32, #tpu.memory_space<hbm>> -> memref<128xi32, #tpu.memory_space<hbm>>
      %dma_wait3A_35 = tpu.memref_slice %arg5[%add3A_27] : memref<163840xi32, #tpu.memory_space<hbm>> -> memref<128xi32, #tpu.memory_space<hbm>>
      tpu.wait_dma2 semaphore(%arg17 : memref<!tpu.dma_semaphore, #tpu.memory_space<semaphore_mem>>) src(%dma_wait3A_35 : memref<128xi32, #tpu.memory_space<hbm>>) dst(%arg9 : memref<128xi32, #tpu.memory_space<vmem>>)
      %dma_wait3A_36 = tpu.memref_slice %arg4[%add3A_27] : memref<163840xi32, #tpu.memory_space<hbm>> -> memref<128xi32, #tpu.memory_space<hbm>>
      %dma_wait3A_37 = tpu.memref_slice %arg4[%add3A_27] : memref<163840xi32, #tpu.memory_space<hbm>> -> memref<128xi32, #tpu.memory_space<hbm>>
      tpu.wait_dma2 semaphore(%arg17 : memref<!tpu.dma_semaphore, #tpu.memory_space<semaphore_mem>>) src(%dma_wait3A_37 : memref<128xi32, #tpu.memory_space<hbm>>) dst(%arg10 : memref<128xi32, #tpu.memory_space<vmem>>)
      %mul3A_38 = arith.constant 2 : i32
      %mul3A_39 = arith.muli %mul3A_38, %add3A_27 : i32
      %dma_wait3A_40 = tpu.memref_slice %arg3[%mul3A_39] : memref<327680xf32, #tpu.memory_space<hbm>> -> memref<256xf32, #tpu.memory_space<hbm>>
      %dma_wait3A_41 = tpu.memref_slice %arg3[%mul3A_39] : memref<327680xf32, #tpu.memory_space<hbm>> -> memref<256xf32, #tpu.memory_space<hbm>>
      tpu.wait_dma2 semaphore(%arg17 : memref<!tpu.dma_semaphore, #tpu.memory_space<semaphore_mem>>) src(%dma_wait3A_41 : memref<256xf32, #tpu.memory_space<hbm>>) dst(%arg11 : memref<256xf32, #tpu.memory_space<vmem>>)
      %get3A = arith.constant 0 : index
      %get3A_42 = tpu.vector_load %arg9[%get3A] {strides = array<i32>} : memref<128xi32, #tpu.memory_space<vmem>>, vector<16xi32>,
      %get3A_43 = arith.constant 0 : index
      %get3A_44 = tpu.vector_load %arg10[%get3A_43] {strides = array<i32>} : memref<128xi32, #tpu.memory_space<vmem>>, vector<16xi32>,
      %add3A_45 = arith.constant 0 : i32
      %add3A_46 = vector.broadcast %add3A_45 : i32 to vector<16xi32>
      %add3A_47 = arith.addi %add3A_46, %iota3A : vector<16xi32>
      %mul3A_48 = arith.constant 2 : i32
      %mul3A_49 = vector.broadcast %mul3A_48 : i32 to vector<16xi32>
      %mul3A_50 = arith.muli %mul3A_49, %add3A_47 : vector<16xi32>
      %mul3A_51 = arith.constant 4 : i32
      %mul3A_52 = vector.broadcast %mul3A_51 : i32 to vector<16xi32>
      %mul3A_53 = arith.muli %get3A_42, %mul3A_52 : vector<16xi32>
      %gather3A = tpu.vector_load_idx %arg15[%mul3A_53] : memref<40960xf32, #tpu.memory_space<vmem>>[vector<16xi32>], vector<16xf32>,
      %mul3A_54 = arith.constant 4 : i32
      %mul3A_55 = vector.broadcast %mul3A_54 : i32 to vector<16xi32>
      %mul3A_56 = arith.muli %get3A_42, %mul3A_55 : vector<16xi32>
      %add3A_57 = arith.constant 1 : i32
      %add3A_58 = vector.broadcast %add3A_57 : i32 to vector<16xi32>
      %add3A_59 = arith.addi %mul3A_56, %add3A_58 : vector<16xi32>
      %gather3A_60 = tpu.vector_load_idx %arg15[%add3A_59] : memref<40960xf32, #tpu.memory_space<vmem>>[vector<16xi32>], vector<16xf32>,
      %mul3A_61 = arith.constant 4 : i32
      %mul3A_62 = vector.broadcast %mul3A_61 : i32 to vector<16xi32>
      %mul3A_63 = arith.muli %get3A_44, %mul3A_62 : vector<16xi32>
      %add3A_64 = arith.constant 2 : i32
      %add3A_65 = vector.broadcast %add3A_64 : i32 to vector<16xi32>
      %add3A_66 = arith.addi %mul3A_63, %add3A_65 : vector<16xi32>
      %gather3A_67 = tpu.vector_load_idx %arg15[%add3A_66] : memref<40960xf32, #tpu.memory_space<vmem>>[vector<16xi32>], vector<16xf32>,
      %mul3A_68 = arith.constant 4 : i32
      %mul3A_69 = vector.broadcast %mul3A_68 : i32 to vector<16xi32>
      %mul3A_70 = arith.muli %get3A_44, %mul3A_69 : vector<16xi32>
      %add3A_71 = arith.constant 3 : i32
      %add3A_72 = vector.broadcast %add3A_71 : i32 to vector<16xi32>
      %add3A_73 = arith.addi %mul3A_70, %add3A_72 : vector<16xi32>
      %gather3A_74 = tpu.vector_load_idx %arg15[%add3A_73] : memref<40960xf32, #tpu.memory_space<vmem>>[vector<16xi32>], vector<16xf32>,
      %gather3A_75 = tpu.vector_load_idx %arg11[%mul3A_50] : memref<256xf32, #tpu.memory_space<vmem>>[vector<16xi32>], vector<16xf32>,
      %add3A_76 = arith.constant 1 : i32
      %add3A_77 = vector.broadcast %add3A_76 : i32 to vector<16xi32>
      %add3A_78 = arith.addi %mul3A_50, %add3A_77 : vector<16xi32>
      %gather3A_79 = tpu.vector_load_idx %arg11[%add3A_78] : memref<256xf32, #tpu.memory_space<vmem>>[vector<16xi32>], vector<16xf32>,
      %add3A_80 = arith.addf %gather3A, %gather3A_67 : vector<16xf32>
      %add3A_81 = arith.addf %add3A_80, %gather3A_75 : vector<16xf32>
      %ge3A = arith.constant 0.000000e+00 : f32
      %ge3A_82 = vector.broadcast %ge3A : f32 to vector<16xf32>
      %ge3A_83 = arith.cmpf oge, %add3A_81, %ge3A_82 : vector<16xf32>
      %mul3A_84 = arith.constant 2.000000e-01 : f32
      %mul3A_85 = vector.broadcast %mul3A_84 : f32 to vector<16xf32>
      %mul3A_86 = arith.mulf %mul3A_85, %add3A_81 : vector<16xf32>
      %select_n3A = arith.select %ge3A_83, %add3A_81, %mul3A_86 : vector<16xi1>, vector<16xf32>
      %exp3A = math.exp %select_n3A : vector<16xf32>
      %add3A_87 = arith.addf %gather3A_60, %gather3A_74 : vector<16xf32>
      %add3A_88 = arith.addf %add3A_87, %gather3A_79 : vector<16xf32>
      %ge3A_89 = arith.constant 0.000000e+00 : f32
      %ge3A_90 = vector.broadcast %ge3A_89 : f32 to vector<16xf32>
      %ge3A_91 = arith.cmpf oge, %add3A_88, %ge3A_90 : vector<16xf32>
      %mul3A_92 = arith.constant 2.000000e-01 : f32
      %mul3A_93 = vector.broadcast %mul3A_92 : f32 to vector<16xf32>
      %mul3A_94 = arith.mulf %mul3A_93, %add3A_88 : vector<16xf32>
      %select_n3A_95 = arith.select %ge3A_91, %add3A_88, %mul3A_94 : vector<16xi1>, vector<16xf32>
      %exp3A_96 = math.exp %select_n3A_95 : vector<16xf32>
      tpu.vector_store_idx %arg12[%mul3A_50], %exp3A : memref<256xf32, #tpu.memory_space<vmem>>[vector<16xi32>], vector<16xf32>,
      %add3A_97 = arith.constant 1 : i32
      %add3A_98 = vector.broadcast %add3A_97 : i32 to vector<16xi32>
      %add3A_99 = arith.addi %mul3A_50, %add3A_98 : vector<16xi32>
      tpu.vector_store_idx %arg12[%add3A_99], %exp3A_96 : memref<256xf32, #tpu.memory_space<vmem>>[vector<16xi32>], vector<16xf32>,
      %mul3A_100 = arith.constant 2 : i32
      %mul3A_101 = vector.broadcast %mul3A_100 : i32 to vector<16xi32>
      %mul3A_102 = arith.muli %get3A_42, %mul3A_101 : vector<16xi32>
      tpu.vector_store_idx %arg13[%mul3A_50], %mul3A_102 : memref<128xi32, #tpu.memory_space<vmem>>[vector<16xi32>], vector<16xi32>,
      %add3A_103 = arith.constant 1 : i32
      %add3A_104 = vector.broadcast %add3A_103 : i32 to vector<16xi32>
      %add3A_105 = arith.addi %mul3A_50, %add3A_104 : vector<16xi32>
      %mul3A_106 = arith.constant 2 : i32
      %mul3A_107 = vector.broadcast %mul3A_106 : i32 to vector<16xi32>
      %mul3A_108 = arith.muli %get3A_42, %mul3A_107 : vector<16xi32>
      %add3A_109 = arith.constant 1 : i32
      %add3A_110 = vector.broadcast %add3A_109 : i32 to vector<16xi32>
      %add3A_111 = arith.addi %mul3A_108, %add3A_110 : vector<16xi32>
      tpu.vector_store_idx %arg13[%add3A_105], %add3A_111 : memref<128xi32, #tpu.memory_space<vmem>>[vector<16xi32>], vector<16xi32>,
      %get3A_112 = arith.constant 16 : index
      %get3A_113 = tpu.vector_load %arg9[%get3A_112] {strides = array<i32>} : memref<128xi32, #tpu.memory_space<vmem>>, vector<16xi32>,
      %get3A_114 = arith.constant 16 : index
      %get3A_115 = tpu.vector_load %arg10[%get3A_114] {strides = array<i32>} : memref<128xi32, #tpu.memory_space<vmem>>, vector<16xi32>,
      %add3A_116 = arith.constant 16 : i32
      %add3A_117 = vector.broadcast %add3A_116 : i32 to vector<16xi32>
      %add3A_118 = arith.addi %add3A_117, %iota3A : vector<16xi32>
      %mul3A_119 = arith.constant 2 : i32
      %mul3A_120 = vector.broadcast %mul3A_119 : i32 to vector<16xi32>
      %mul3A_121 = arith.muli %mul3A_120, %add3A_118 : vector<16xi32>
      %mul3A_122 = arith.constant 4 : i32
      %mul3A_123 = vector.broadcast %mul3A_122 : i32 to vector<16xi32>
      %mul3A_124 = arith.muli %get3A_113, %mul3A_123 : vector<16xi32>
      %gather3A_125 = tpu.vector_load_idx %arg15[%mul3A_124] : memref<40960xf32, #tpu.memory_space<vmem>>[vector<16xi32>], vector<16xf32>,
      %mul3A_126 = arith.constant 4 : i32
      %mul3A_127 = vector.broadcast %mul3A_126 : i32 to vector<16xi32>
      %mul3A_128 = arith.muli %get3A_113, %mul3A_127 : vector<16xi32>
      %add3A_129 = arith.constant 1 : i32
      %add3A_130 = vector.broadcast %add3A_129 : i32 to vector<16xi32>
      %add3A_131 = arith.addi %mul3A_128, %add3A_130 : vector<16xi32>
      %gather3A_132 = tpu.vector_load_idx %arg15[%add3A_131] : memref<40960xf32, #tpu.memory_space<vmem>>[vector<16xi32>], vector<16xf32>,
      %mul3A_133 = arith.constant 4 : i32
      %mul3A_134 = vector.broadcast %mul3A_133 : i32 to vector<16xi32>
      %mul3A_135 = arith.muli %get3A_115, %mul3A_134 : vector<16xi32>
      %add3A_136 = arith.constant 2 : i32
      %add3A_137 = vector.broadcast %add3A_136 : i32 to vector<16xi32>
      %add3A_138 = arith.addi %mul3A_135, %add3A_137 : vector<16xi32>
      %gather3A_139 = tpu.vector_load_idx %arg15[%add3A_138] : memref<40960xf32, #tpu.memory_space<vmem>>[vector<16xi32>], vector<16xf32>,
      %mul3A_140 = arith.constant 4 : i32
      %mul3A_141 = vector.broadcast %mul3A_140 : i32 to vector<16xi32>
      %mul3A_142 = arith.muli %get3A_115, %mul3A_141 : vector<16xi32>
      %add3A_143 = arith.constant 3 : i32
      %add3A_144 = vector.broadcast %add3A_143 : i32 to vector<16xi32>
      %add3A_145 = arith.addi %mul3A_142, %add3A_144 : vector<16xi32>
      %gather3A_146 = tpu.vector_load_idx %arg15[%add3A_145] : memref<40960xf32, #tpu.memory_space<vmem>>[vector<16xi32>], vector<16xf32>,
      %gather3A_147 = tpu.vector_load_idx %arg11[%mul3A_121] : memref<256xf32, #tpu.memory_space<vmem>>[vector<16xi32>], vector<16xf32>,
      %add3A_148 = arith.constant 1 : i32
      %add3A_149 = vector.broadcast %add3A_148 : i32 to vector<16xi32>
      %add3A_150 = arith.addi %mul3A_121, %add3A_149 : vector<16xi32>
      %gather3A_151 = tpu.vector_load_idx %arg11[%add3A_150] : memref<256xf32, #tpu.memory_space<vmem>>[vector<16xi32>], vector<16xf32>,
      %add3A_152 = arith.addf %gather3A_125, %gather3A_139 : vector<16xf32>
      %add3A_153 = arith.addf %add3A_152, %gather3A_147 : vector<16xf32>
      %ge3A_154 = arith.constant 0.000000e+00 : f32
      %ge3A_155 = vector.broadcast %ge3A_154 : f32 to vector<16xf32>
      %ge3A_156 = arith.cmpf oge, %add3A_153, %ge3A_155 : vector<16xf32>
      %mul3A_157 = arith.constant 2.000000e-01 : f32
      %mul3A_158 = vector.broadcast %mul3A_157 : f32 to vector<16xf32>
      %mul3A_159 = arith.mulf %mul3A_158, %add3A_153 : vector<16xf32>
      %select_n3A_160 = arith.select %ge3A_156, %add3A_153, %mul3A_159 : vector<16xi1>, vector<16xf32>
      %exp3A_161 = math.exp %select_n3A_160 : vector<16xf32>
      %add3A_162 = arith.addf %gather3A_132, %gather3A_146 : vector<16xf32>
      %add3A_163 = arith.addf %add3A_162, %gather3A_151 : vector<16xf32>
      %ge3A_164 = arith.constant 0.000000e+00 : f32
      %ge3A_165 = vector.broadcast %ge3A_164 : f32 to vector<16xf32>
      %ge3A_166 = arith.cmpf oge, %add3A_163, %ge3A_165 : vector<16xf32>
      %mul3A_167 = arith.constant 2.000000e-01 : f32
      %mul3A_168 = vector.broadcast %mul3A_167 : f32 to vector<16xf32>
      %mul3A_169 = arith.mulf %mul3A_168, %add3A_163 : vector<16xf32>
      %select_n3A_170 = arith.select %ge3A_166, %add3A_163, %mul3A_169 : vector<16xi1>, vector<16xf32>
      %exp3A_171 = math.exp %select_n3A_170 : vector<16xf32>
      tpu.vector_store_idx %arg12[%mul3A_121], %exp3A_161 : memref<256xf32, #tpu.memory_space<vmem>>[vector<16xi32>], vector<16xf32>,
      %add3A_172 = arith.constant 1 : i32
      %add3A_173 = vector.broadcast %add3A_172 : i32 to vector<16xi32>
      %add3A_174 = arith.addi %mul3A_121, %add3A_173 : vector<16xi32>
      tpu.vector_store_idx %arg12[%add3A_174], %exp3A_171 : memref<256xf32, #tpu.memory_space<vmem>>[vector<16xi32>], vector<16xf32>,
      %mul3A_175 = arith.constant 2 : i32
      %mul3A_176 = vector.broadcast %mul3A_175 : i32 to vector<16xi32>
      %mul3A_177 = arith.muli %get3A_113, %mul3A_176 : vector<16xi32>
      tpu.vector_store_idx %arg13[%mul3A_121], %mul3A_177 : memref<128xi32, #tpu.memory_space<vmem>>[vector<16xi32>], vector<16xi32>,
      %add3A_178 = arith.constant 1 : i32
      %add3A_179 = vector.broadcast %add3A_178 : i32 to vector<16xi32>
      %add3A_180 = arith.addi %mul3A_121, %add3A_179 : vector<16xi32>
      %mul3A_181 = arith.constant 2 : i32
      %mul3A_182 = vector.broadcast %mul3A_181 : i32 to vector<16xi32>
      %mul3A_183 = arith.muli %get3A_113, %mul3A_182 : vector<16xi32>
      %add3A_184 = arith.constant 1 : i32
      %add3A_185 = vector.broadcast %add3A_184 : i32 to vector<16xi32>
      %add3A_186 = arith.addi %mul3A_183, %add3A_185 : vector<16xi32>
      tpu.vector_store_idx %arg13[%add3A_180], %add3A_186 : memref<128xi32, #tpu.memory_space<vmem>>[vector<16xi32>], vector<16xi32>,
      %get3A_187 = arith.constant 32 : index
      %get3A_188 = tpu.vector_load %arg9[%get3A_187] {strides = array<i32>} : memref<128xi32, #tpu.memory_space<vmem>>, vector<16xi32>,
      %get3A_189 = arith.constant 32 : index
      %get3A_190 = tpu.vector_load %arg10[%get3A_189] {strides = array<i32>} : memref<128xi32, #tpu.memory_space<vmem>>, vector<16xi32>,
      %add3A_191 = arith.constant 32 : i32
      %add3A_192 = vector.broadcast %add3A_191 : i32 to vector<16xi32>
      %add3A_193 = arith.addi %add3A_192, %iota3A : vector<16xi32>
      %mul3A_194 = arith.constant 2 : i32
      %mul3A_195 = vector.broadcast %mul3A_194 : i32 to vector<16xi32>
      %mul3A_196 = arith.muli %mul3A_195, %add3A_193 : vector<16xi32>
      %mul3A_197 = arith.constant 4 : i32
      %mul3A_198 = vector.broadcast %mul3A_197 : i32 to vector<16xi32>
      %mul3A_199 = arith.muli %get3A_188, %mul3A_198 : vector<16xi32>
      %gather3A_200 = tpu.vector_load_idx %arg15[%mul3A_199] : memref<40960xf32, #tpu.memory_space<vmem>>[vector<16xi32>], vector<16xf32>,
      %mul3A_201 = arith.constant 4 : i32
      %mul3A_202 = vector.broadcast %mul3A_201 : i32 to vector<16xi32>
      %mul3A_203 = arith.muli %get3A_188, %mul3A_202 : vector<16xi32>
      %add3A_204 = arith.constant 1 : i32
      %add3A_205 = vector.broadcast %add3A_204 : i32 to vector<16xi32>
      %add3A_206 = arith.addi %mul3A_203, %add3A_205 : vector<16xi32>
      %gather3A_207 = tpu.vector_load_idx %arg15[%add3A_206] : memref<40960xf32, #tpu.memory_space<vmem>>[vector<16xi32>], vector<16xf32>,
      %mul3A_208 = arith.constant 4 : i32
      %mul3A_209 = vector.broadcast %mul3A_208 : i32 to vector<16xi32>
      %mul3A_210 = arith.muli %get3A_190, %mul3A_209 : vector<16xi32>
      %add3A_211 = arith.constant 2 : i32
      %add3A_212 = vector.broadcast %add3A_211 : i32 to vector<16xi32>
      %add3A_213 = arith.addi %mul3A_210, %add3A_212 : vector<16xi32>
      %gather3A_214 = tpu.vector_load_idx %arg15[%add3A_213] : memref<40960xf32, #tpu.memory_space<vmem>>[vector<16xi32>], vector<16xf32>,
      %mul3A_215 = arith.constant 4 : i32
      %mul3A_216 = vector.broadcast %mul3A_215 : i32 to vector<16xi32>
      %mul3A_217 = arith.muli %get3A_190, %mul3A_216 : vector<16xi32>
      %add3A_218 = arith.constant 3 : i32
      %add3A_219 = vector.broadcast %add3A_218 : i32 to vector<16xi32>
      %add3A_220 = arith.addi %mul3A_217, %add3A_219 : vector<16xi32>
      %gather3A_221 = tpu.vector_load_idx %arg15[%add3A_220] : memref<40960xf32, #tpu.memory_space<vmem>>[vector<16xi32>], vector<16xf32>,
      %gather3A_222 = tpu.vector_load_idx %arg11[%mul3A_196] : memref<256xf32, #tpu.memory_space<vmem>>[vector<16xi32>], vector<16xf32>,
      %add3A_223 = arith.constant 1 : i32
      %add3A_224 = vector.broadcast %add3A_223 : i32 to vector<16xi32>
      %add3A_225 = arith.addi %mul3A_196, %add3A_224 : vector<16xi32>
      %gather3A_226 = tpu.vector_load_idx %arg11[%add3A_225] : memref<256xf32, #tpu.memory_space<vmem>>[vector<16xi32>], vector<16xf32>,
      %add3A_227 = arith.addf %gather3A_200, %gather3A_214 : vector<16xf32>
      %add3A_228 = arith.addf %add3A_227, %gather3A_222 : vector<16xf32>
      %ge3A_229 = arith.constant 0.000000e+00 : f32
      %ge3A_230 = vector.broadcast %ge3A_229 : f32 to vector<16xf32>
      %ge3A_231 = arith.cmpf oge, %add3A_228, %ge3A_230 : vector<16xf32>
      %mul3A_232 = arith.constant 2.000000e-01 : f32
      %mul3A_233 = vector.broadcast %mul3A_232 : f32 to vector<16xf32>
      %mul3A_234 = arith.mulf %mul3A_233, %add3A_228 : vector<16xf32>
      %select_n3A_235 = arith.select %ge3A_231, %add3A_228, %mul3A_234 : vector<16xi1>, vector<16xf32>
      %exp3A_236 = math.exp %select_n3A_235 : vector<16xf32>
      %add3A_237 = arith.addf %gather3A_207, %gather3A_221 : vector<16xf32>
      %add3A_238 = arith.addf %add3A_237, %gather3A_226 : vector<16xf32>
      %ge3A_239 = arith.constant 0.000000e+00 : f32
      %ge3A_240 = vector.broadcast %ge3A_239 : f32 to vector<16xf32>
      %ge3A_241 = arith.cmpf oge, %add3A_238, %ge3A_240 : vector<16xf32>
      %mul3A_242 = arith.constant 2.000000e-01 : f32
      %mul3A_243 = vector.broadcast %mul3A_242 : f32 to vector<16xf32>
      %mul3A_244 = arith.mulf %mul3A_243, %add3A_238 : vector<16xf32>
      %select_n3A_245 = arith.select %ge3A_241, %add3A_238, %mul3A_244 : vector<16xi1>, vector<16xf32>
      %exp3A_246 = math.exp %select_n3A_245 : vector<16xf32>
      tpu.vector_store_idx %arg12[%mul3A_196], %exp3A_236 : memref<256xf32, #tpu.memory_space<vmem>>[vector<16xi32>], vector<16xf32>,
      %add3A_247 = arith.constant 1 : i32
      %add3A_248 = vector.broadcast %add3A_247 : i32 to vector<16xi32>
      %add3A_249 = arith.addi %mul3A_196, %add3A_248 : vector<16xi32>
      tpu.vector_store_idx %arg12[%add3A_249], %exp3A_246 : memref<256xf32, #tpu.memory_space<vmem>>[vector<16xi32>], vector<16xf32>,
      %mul3A_250 = arith.constant 2 : i32
      %mul3A_251 = vector.broadcast %mul3A_250 : i32 to vector<16xi32>
      %mul3A_252 = arith.muli %get3A_188, %mul3A_251 : vector<16xi32>
      tpu.vector_store_idx %arg13[%mul3A_196], %mul3A_252 : memref<128xi32, #tpu.memory_space<vmem>>[vector<16xi32>], vector<16xi32>,
      %add3A_253 = arith.constant 1 : i32
      %add3A_254 = vector.broadcast %add3A_253 : i32 to vector<16xi32>
      %add3A_255 = arith.addi %mul3A_196, %add3A_254 : vector<16xi32>
      %mul3A_256 = arith.constant 2 : i32
      %mul3A_257 = vector.broadcast %mul3A_256 : i32 to vector<16xi32>
      %mul3A_258 = arith.muli %get3A_188, %mul3A_257 : vector<16xi32>
      %add3A_259 = arith.constant 1 : i32
      %add3A_260 = vector.broadcast %add3A_259 : i32 to vector<16xi32>
      %add3A_261 = arith.addi %mul3A_258, %add3A_260 : vector<16xi32>
      tpu.vector_store_idx %arg13[%add3A_255], %add3A_261 : memref<128xi32, #tpu.memory_space<vmem>>[vector<16xi32>], vector<16xi32>,
      %get3A_262 = arith.constant 48 : index
      %get3A_263 = tpu.vector_load %arg9[%get3A_262] {strides = array<i32>} : memref<128xi32, #tpu.memory_space<vmem>>, vector<16xi32>,
      %get3A_264 = arith.constant 48 : index
      %get3A_265 = tpu.vector_load %arg10[%get3A_264] {strides = array<i32>} : memref<128xi32, #tpu.memory_space<vmem>>, vector<16xi32>,
      %add3A_266 = arith.constant 48 : i32
      %add3A_267 = vector.broadcast %add3A_266 : i32 to vector<16xi32>
      %add3A_268 = arith.addi %add3A_267, %iota3A : vector<16xi32>
      %mul3A_269 = arith.constant 2 : i32
      %mul3A_270 = vector.broadcast %mul3A_269 : i32 to vector<16xi32>
      %mul3A_271 = arith.muli %mul3A_270, %add3A_268 : vector<16xi32>
      %mul3A_272 = arith.constant 4 : i32
      %mul3A_273 = vector.broadcast %mul3A_272 : i32 to vector<16xi32>
      %mul3A_274 = arith.muli %get3A_263, %mul3A_273 : vector<16xi32>
      %gather3A_275 = tpu.vector_load_idx %arg15[%mul3A_274] : memref<40960xf32, #tpu.memory_space<vmem>>[vector<16xi32>], vector<16xf32>,
      %mul3A_276 = arith.constant 4 : i32
      %mul3A_277 = vector.broadcast %mul3A_276 : i32 to vector<16xi32>
      %mul3A_278 = arith.muli %get3A_263, %mul3A_277 : vector<16xi32>
      %add3A_279 = arith.constant 1 : i32
      %add3A_280 = vector.broadcast %add3A_279 : i32 to vector<16xi32>
      %add3A_281 = arith.addi %mul3A_278, %add3A_280 : vector<16xi32>
      %gather3A_282 = tpu.vector_load_idx %arg15[%add3A_281] : memref<40960xf32, #tpu.memory_space<vmem>>[vector<16xi32>], vector<16xf32>,
      %mul3A_283 = arith.constant 4 : i32
      %mul3A_284 = vector.broadcast %mul3A_283 : i32 to vector<16xi32>
      %mul3A_285 = arith.muli %get3A_265, %mul3A_284 : vector<16xi32>
      %add3A_286 = arith.constant 2 : i32
      %add3A_287 = vector.broadcast %add3A_286 : i32 to vector<16xi32>
      %add3A_288 = arith.addi %mul3A_285, %add3A_287 : vector<16xi32>
      %gather3A_289 = tpu.vector_load_idx %arg15[%add3A_288] : memref<40960xf32, #tpu.memory_space<vmem>>[vector<16xi32>], vector<16xf32>,
      %mul3A_290 = arith.constant 4 : i32
      %mul3A_291 = vector.broadcast %mul3A_290 : i32 to vector<16xi32>
      %mul3A_292 = arith.muli %get3A_265, %mul3A_291 : vector<16xi32>
      %add3A_293 = arith.constant 3 : i32
      %add3A_294 = vector.broadcast %add3A_293 : i32 to vector<16xi32>
      %add3A_295 = arith.addi %mul3A_292, %add3A_294 : vector<16xi32>
      %gather3A_296 = tpu.vector_load_idx %arg15[%add3A_295] : memref<40960xf32, #tpu.memory_space<vmem>>[vector<16xi32>], vector<16xf32>,
      %gather3A_297 = tpu.vector_load_idx %arg11[%mul3A_271] : memref<256xf32, #tpu.memory_space<vmem>>[vector<16xi32>], vector<16xf32>,
      %add3A_298 = arith.constant 1 : i32
      %add3A_299 = vector.broadcast %add3A_298 : i32 to vector<16xi32>
      %add3A_300 = arith.addi %mul3A_271, %add3A_299 : vector<16xi32>
      %gather3A_301 = tpu.vector_load_idx %arg11[%add3A_300] : memref<256xf32, #tpu.memory_space<vmem>>[vector<16xi32>], vector<16xf32>,
      %add3A_302 = arith.addf %gather3A_275, %gather3A_289 : vector<16xf32>
      %add3A_303 = arith.addf %add3A_302, %gather3A_297 : vector<16xf32>
      %ge3A_304 = arith.constant 0.000000e+00 : f32
      %ge3A_305 = vector.broadcast %ge3A_304 : f32 to vector<16xf32>
      %ge3A_306 = arith.cmpf oge, %add3A_303, %ge3A_305 : vector<16xf32>
      %mul3A_307 = arith.constant 2.000000e-01 : f32
      %mul3A_308 = vector.broadcast %mul3A_307 : f32 to vector<16xf32>
      %mul3A_309 = arith.mulf %mul3A_308, %add3A_303 : vector<16xf32>
      %select_n3A_310 = arith.select %ge3A_306, %add3A_303, %mul3A_309 : vector<16xi1>, vector<16xf32>
      %exp3A_311 = math.exp %select_n3A_310 : vector<16xf32>
      %add3A_312 = arith.addf %gather3A_282, %gather3A_296 : vector<16xf32>
      %add3A_313 = arith.addf %add3A_312, %gather3A_301 : vector<16xf32>
      %ge3A_314 = arith.constant 0.000000e+00 : f32
      %ge3A_315 = vector.broadcast %ge3A_314 : f32 to vector<16xf32>
      %ge3A_316 = arith.cmpf oge, %add3A_313, %ge3A_315 : vector<16xf32>
      %mul3A_317 = arith.constant 2.000000e-01 : f32
      %mul3A_318 = vector.broadcast %mul3A_317 : f32 to vector<16xf32>
      %mul3A_319 = arith.mulf %mul3A_318, %add3A_313 : vector<16xf32>
      %select_n3A_320 = arith.select %ge3A_316, %add3A_313, %mul3A_319 : vector<16xi1>, vector<16xf32>
      %exp3A_321 = math.exp %select_n3A_320 : vector<16xf32>
      tpu.vector_store_idx %arg12[%mul3A_271], %exp3A_311 : memref<256xf32, #tpu.memory_space<vmem>>[vector<16xi32>], vector<16xf32>,
      %add3A_322 = arith.constant 1 : i32
      %add3A_323 = vector.broadcast %add3A_322 : i32 to vector<16xi32>
      %add3A_324 = arith.addi %mul3A_271, %add3A_323 : vector<16xi32>
      tpu.vector_store_idx %arg12[%add3A_324], %exp3A_321 : memref<256xf32, #tpu.memory_space<vmem>>[vector<16xi32>], vector<16xf32>,
      %mul3A_325 = arith.constant 2 : i32
      %mul3A_326 = vector.broadcast %mul3A_325 : i32 to vector<16xi32>
      %mul3A_327 = arith.muli %get3A_263, %mul3A_326 : vector<16xi32>
      tpu.vector_store_idx %arg13[%mul3A_271], %mul3A_327 : memref<128xi32, #tpu.memory_space<vmem>>[vector<16xi32>], vector<16xi32>,
      %add3A_328 = arith.constant 1 : i32
      %add3A_329 = vector.broadcast %add3A_328 : i32 to vector<16xi32>
      %add3A_330 = arith.addi %mul3A_271, %add3A_329 : vector<16xi32>
      %mul3A_331 = arith.constant 2 : i32
      %mul3A_332 = vector.broadcast %mul3A_331 : i32 to vector<16xi32>
      %mul3A_333 = arith.muli %get3A_263, %mul3A_332 : vector<16xi32>
      %add3A_334 = arith.constant 1 : i32
      %add3A_335 = vector.broadcast %add3A_334 : i32 to vector<16xi32>
      %add3A_336 = arith.addi %mul3A_333, %add3A_335 : vector<16xi32>
      tpu.vector_store_idx %arg13[%add3A_330], %add3A_336 : memref<128xi32, #tpu.memory_space<vmem>>[vector<16xi32>], vector<16xi32>,
      %get3A_337 = arith.constant 64 : index
      %get3A_338 = tpu.vector_load %arg9[%get3A_337] {strides = array<i32>} : memref<128xi32, #tpu.memory_space<vmem>>, vector<16xi32>,
      %get3A_339 = arith.constant 64 : index
      %get3A_340 = tpu.vector_load %arg10[%get3A_339] {strides = array<i32>} : memref<128xi32, #tpu.memory_space<vmem>>, vector<16xi32>,
      %add3A_341 = arith.constant 64 : i32
      %add3A_342 = vector.broadcast %add3A_341 : i32 to vector<16xi32>
      %add3A_343 = arith.addi %add3A_342, %iota3A : vector<16xi32>
      %mul3A_344 = arith.constant 2 : i32
      %mul3A_345 = vector.broadcast %mul3A_344 : i32 to vector<16xi32>
      %mul3A_346 = arith.muli %mul3A_345, %add3A_343 : vector<16xi32>
      %mul3A_347 = arith.constant 4 : i32
      %mul3A_348 = vector.broadcast %mul3A_347 : i32 to vector<16xi32>
      %mul3A_349 = arith.muli %get3A_338, %mul3A_348 : vector<16xi32>
      %gather3A_350 = tpu.vector_load_idx %arg15[%mul3A_349] : memref<40960xf32, #tpu.memory_space<vmem>>[vector<16xi32>], vector<16xf32>,
      %mul3A_351 = arith.constant 4 : i32
      %mul3A_352 = vector.broadcast %mul3A_351 : i32 to vector<16xi32>
      %mul3A_353 = arith.muli %get3A_338, %mul3A_352 : vector<16xi32>
      %add3A_354 = arith.constant 1 : i32
      %add3A_355 = vector.broadcast %add3A_354 : i32 to vector<16xi32>
      %add3A_356 = arith.addi %mul3A_353, %add3A_355 : vector<16xi32>
      %gather3A_357 = tpu.vector_load_idx %arg15[%add3A_356] : memref<40960xf32, #tpu.memory_space<vmem>>[vector<16xi32>], vector<16xf32>,
      %mul3A_358 = arith.constant 4 : i32
      %mul3A_359 = vector.broadcast %mul3A_358 : i32 to vector<16xi32>
      %mul3A_360 = arith.muli %get3A_340, %mul3A_359 : vector<16xi32>
      %add3A_361 = arith.constant 2 : i32
      %add3A_362 = vector.broadcast %add3A_361 : i32 to vector<16xi32>
      %add3A_363 = arith.addi %mul3A_360, %add3A_362 : vector<16xi32>
      %gather3A_364 = tpu.vector_load_idx %arg15[%add3A_363] : memref<40960xf32, #tpu.memory_space<vmem>>[vector<16xi32>], vector<16xf32>,
      %mul3A_365 = arith.constant 4 : i32
      %mul3A_366 = vector.broadcast %mul3A_365 : i32 to vector<16xi32>
      %mul3A_367 = arith.muli %get3A_340, %mul3A_366 : vector<16xi32>
      %add3A_368 = arith.constant 3 : i32
      %add3A_369 = vector.broadcast %add3A_368 : i32 to vector<16xi32>
      %add3A_370 = arith.addi %mul3A_367, %add3A_369 : vector<16xi32>
      %gather3A_371 = tpu.vector_load_idx %arg15[%add3A_370] : memref<40960xf32, #tpu.memory_space<vmem>>[vector<16xi32>], vector<16xf32>,
      %gather3A_372 = tpu.vector_load_idx %arg11[%mul3A_346] : memref<256xf32, #tpu.memory_space<vmem>>[vector<16xi32>], vector<16xf32>,
      %add3A_373 = arith.constant 1 : i32
      %add3A_374 = vector.broadcast %add3A_373 : i32 to vector<16xi32>
      %add3A_375 = arith.addi %mul3A_346, %add3A_374 : vector<16xi32>
      %gather3A_376 = tpu.vector_load_idx %arg11[%add3A_375] : memref<256xf32, #tpu.memory_space<vmem>>[vector<16xi32>], vector<16xf32>,
      %add3A_377 = arith.addf %gather3A_350, %gather3A_364 : vector<16xf32>
      %add3A_378 = arith.addf %add3A_377, %gather3A_372 : vector<16xf32>
      %ge3A_379 = arith.constant 0.000000e+00 : f32
      %ge3A_380 = vector.broadcast %ge3A_379 : f32 to vector<16xf32>
      %ge3A_381 = arith.cmpf oge, %add3A_378, %ge3A_380 : vector<16xf32>
      %mul3A_382 = arith.constant 2.000000e-01 : f32
      %mul3A_383 = vector.broadcast %mul3A_382 : f32 to vector<16xf32>
      %mul3A_384 = arith.mulf %mul3A_383, %add3A_378 : vector<16xf32>
      %select_n3A_385 = arith.select %ge3A_381, %add3A_378, %mul3A_384 : vector<16xi1>, vector<16xf32>
      %exp3A_386 = math.exp %select_n3A_385 : vector<16xf32>
      %add3A_387 = arith.addf %gather3A_357, %gather3A_371 : vector<16xf32>
      %add3A_388 = arith.addf %add3A_387, %gather3A_376 : vector<16xf32>
      %ge3A_389 = arith.constant 0.000000e+00 : f32
      %ge3A_390 = vector.broadcast %ge3A_389 : f32 to vector<16xf32>
      %ge3A_391 = arith.cmpf oge, %add3A_388, %ge3A_390 : vector<16xf32>
      %mul3A_392 = arith.constant 2.000000e-01 : f32
      %mul3A_393 = vector.broadcast %mul3A_392 : f32 to vector<16xf32>
      %mul3A_394 = arith.mulf %mul3A_393, %add3A_388 : vector<16xf32>
      %select_n3A_395 = arith.select %ge3A_391, %add3A_388, %mul3A_394 : vector<16xi1>, vector<16xf32>
      %exp3A_396 = math.exp %select_n3A_395 : vector<16xf32>
      tpu.vector_store_idx %arg12[%mul3A_346], %exp3A_386 : memref<256xf32, #tpu.memory_space<vmem>>[vector<16xi32>], vector<16xf32>,
      %add3A_397 = arith.constant 1 : i32
      %add3A_398 = vector.broadcast %add3A_397 : i32 to vector<16xi32>
      %add3A_399 = arith.addi %mul3A_346, %add3A_398 : vector<16xi32>
      tpu.vector_store_idx %arg12[%add3A_399], %exp3A_396 : memref<256xf32, #tpu.memory_space<vmem>>[vector<16xi32>], vector<16xf32>,
      %sub3A = arith.constant 128 : i32
      %sub3A_400 = vector.broadcast %sub3A : i32 to vector<16xi32>
      %sub3A_401 = arith.subi %mul3A_346, %sub3A_400 : vector<16xi32>
      %mul3A_402 = arith.constant 2 : i32
      %mul3A_403 = vector.broadcast %mul3A_402 : i32 to vector<16xi32>
      %mul3A_404 = arith.muli %get3A_338, %mul3A_403 : vector<16xi32>
      tpu.vector_store_idx %arg14[%sub3A_401], %mul3A_404 : memref<128xi32, #tpu.memory_space<vmem>>[vector<16xi32>], vector<16xi32>,
      %add3A_405 = arith.constant 1 : i32
      %add3A_406 = vector.broadcast %add3A_405 : i32 to vector<16xi32>
      %add3A_407 = arith.addi %sub3A_401, %add3A_406 : vector<16xi32>
      %mul3A_408 = arith.constant 2 : i32
      %mul3A_409 = vector.broadcast %mul3A_408 : i32 to vector<16xi32>
      %mul3A_410 = arith.muli %get3A_338, %mul3A_409 : vector<16xi32>
      %add3A_411 = arith.constant 1 : i32
      %add3A_412 = vector.broadcast %add3A_411 : i32 to vector<16xi32>
      %add3A_413 = arith.addi %mul3A_410, %add3A_412 : vector<16xi32>
      tpu.vector_store_idx %arg14[%add3A_407], %add3A_413 : memref<128xi32, #tpu.memory_space<vmem>>[vector<16xi32>], vector<16xi32>,
      %get3A_414 = arith.constant 80 : index
      %get3A_415 = tpu.vector_load %arg9[%get3A_414] {strides = array<i32>} : memref<128xi32, #tpu.memory_space<vmem>>, vector<16xi32>,
      %get3A_416 = arith.constant 80 : index
      %get3A_417 = tpu.vector_load %arg10[%get3A_416] {strides = array<i32>} : memref<128xi32, #tpu.memory_space<vmem>>, vector<16xi32>,
      %add3A_418 = arith.constant 80 : i32
      %add3A_419 = vector.broadcast %add3A_418 : i32 to vector<16xi32>
      %add3A_420 = arith.addi %add3A_419, %iota3A : vector<16xi32>
      %mul3A_421 = arith.constant 2 : i32
      %mul3A_422 = vector.broadcast %mul3A_421 : i32 to vector<16xi32>
      %mul3A_423 = arith.muli %mul3A_422, %add3A_420 : vector<16xi32>
      %mul3A_424 = arith.constant 4 : i32
      %mul3A_425 = vector.broadcast %mul3A_424 : i32 to vector<16xi32>
      %mul3A_426 = arith.muli %get3A_415, %mul3A_425 : vector<16xi32>
      %gather3A_427 = tpu.vector_load_idx %arg15[%mul3A_426] : memref<40960xf32, #tpu.memory_space<vmem>>[vector<16xi32>], vector<16xf32>,
      %mul3A_428 = arith.constant 4 : i32
      %mul3A_429 = vector.broadcast %mul3A_428 : i32 to vector<16xi32>
      %mul3A_430 = arith.muli %get3A_415, %mul3A_429 : vector<16xi32>
      %add3A_431 = arith.constant 1 : i32
      %add3A_432 = vector.broadcast %add3A_431 : i32 to vector<16xi32>
      %add3A_433 = arith.addi %mul3A_430, %add3A_432 : vector<16xi32>
      %gather3A_434 = tpu.vector_load_idx %arg15[%add3A_433] : memref<40960xf32, #tpu.memory_space<vmem>>[vector<16xi32>], vector<16xf32>,
      %mul3A_435 = arith.constant 4 : i32
      %mul3A_436 = vector.broadcast %mul3A_435 : i32 to vector<16xi32>
      %mul3A_437 = arith.muli %get3A_417, %mul3A_436 : vector<16xi32>
      %add3A_438 = arith.constant 2 : i32
      %add3A_439 = vector.broadcast %add3A_438 : i32 to vector<16xi32>
      %add3A_440 = arith.addi %mul3A_437, %add3A_439 : vector<16xi32>
      %gather3A_441 = tpu.vector_load_idx %arg15[%add3A_440] : memref<40960xf32, #tpu.memory_space<vmem>>[vector<16xi32>], vector<16xf32>,
      %mul3A_442 = arith.constant 4 : i32
      %mul3A_443 = vector.broadcast %mul3A_442 : i32 to vector<16xi32>
      %mul3A_444 = arith.muli %get3A_417, %mul3A_443 : vector<16xi32>
      %add3A_445 = arith.constant 3 : i32
      %add3A_446 = vector.broadcast %add3A_445 : i32 to vector<16xi32>
      %add3A_447 = arith.addi %mul3A_444, %add3A_446 : vector<16xi32>
      %gather3A_448 = tpu.vector_load_idx %arg15[%add3A_447] : memref<40960xf32, #tpu.memory_space<vmem>>[vector<16xi32>], vector<16xf32>,
      %gather3A_449 = tpu.vector_load_idx %arg11[%mul3A_423] : memref<256xf32, #tpu.memory_space<vmem>>[vector<16xi32>], vector<16xf32>,
      %add3A_450 = arith.constant 1 : i32
      %add3A_451 = vector.broadcast %add3A_450 : i32 to vector<16xi32>
      %add3A_452 = arith.addi %mul3A_423, %add3A_451 : vector<16xi32>
      %gather3A_453 = tpu.vector_load_idx %arg11[%add3A_452] : memref<256xf32, #tpu.memory_space<vmem>>[vector<16xi32>], vector<16xf32>,
      %add3A_454 = arith.addf %gather3A_427, %gather3A_441 : vector<16xf32>
      %add3A_455 = arith.addf %add3A_454, %gather3A_449 : vector<16xf32>
      %ge3A_456 = arith.constant 0.000000e+00 : f32
      %ge3A_457 = vector.broadcast %ge3A_456 : f32 to vector<16xf32>
      %ge3A_458 = arith.cmpf oge, %add3A_455, %ge3A_457 : vector<16xf32>
      %mul3A_459 = arith.constant 2.000000e-01 : f32
      %mul3A_460 = vector.broadcast %mul3A_459 : f32 to vector<16xf32>
      %mul3A_461 = arith.mulf %mul3A_460, %add3A_455 : vector<16xf32>
      %select_n3A_462 = arith.select %ge3A_458, %add3A_455, %mul3A_461 : vector<16xi1>, vector<16xf32>
      %exp3A_463 = math.exp %select_n3A_462 : vector<16xf32>
      %add3A_464 = arith.addf %gather3A_434, %gather3A_448 : vector<16xf32>
      %add3A_465 = arith.addf %add3A_464, %gather3A_453 : vector<16xf32>
      %ge3A_466 = arith.constant 0.000000e+00 : f32
      %ge3A_467 = vector.broadcast %ge3A_466 : f32 to vector<16xf32>
      %ge3A_468 = arith.cmpf oge, %add3A_465, %ge3A_467 : vector<16xf32>
      %mul3A_469 = arith.constant 2.000000e-01 : f32
      %mul3A_470 = vector.broadcast %mul3A_469 : f32 to vector<16xf32>
      %mul3A_471 = arith.mulf %mul3A_470, %add3A_465 : vector<16xf32>
      %select_n3A_472 = arith.select %ge3A_468, %add3A_465, %mul3A_471 : vector<16xi1>, vector<16xf32>
      %exp3A_473 = math.exp %select_n3A_472 : vector<16xf32>
      tpu.vector_store_idx %arg12[%mul3A_423], %exp3A_463 : memref<256xf32, #tpu.memory_space<vmem>>[vector<16xi32>], vector<16xf32>,
      %add3A_474 = arith.constant 1 : i32
      %add3A_475 = vector.broadcast %add3A_474 : i32 to vector<16xi32>
      %add3A_476 = arith.addi %mul3A_423, %add3A_475 : vector<16xi32>
      tpu.vector_store_idx %arg12[%add3A_476], %exp3A_473 : memref<256xf32, #tpu.memory_space<vmem>>[vector<16xi32>], vector<16xf32>,
      %sub3A_477 = arith.constant 128 : i32
      %sub3A_478 = vector.broadcast %sub3A_477 : i32 to vector<16xi32>
      %sub3A_479 = arith.subi %mul3A_423, %sub3A_478 : vector<16xi32>
      %mul3A_480 = arith.constant 2 : i32
      %mul3A_481 = vector.broadcast %mul3A_480 : i32 to vector<16xi32>
      %mul3A_482 = arith.muli %get3A_415, %mul3A_481 : vector<16xi32>
      tpu.vector_store_idx %arg14[%sub3A_479], %mul3A_482 : memref<128xi32, #tpu.memory_space<vmem>>[vector<16xi32>], vector<16xi32>,
      %add3A_483 = arith.constant 1 : i32
      %add3A_484 = vector.broadcast %add3A_483 : i32 to vector<16xi32>
      %add3A_485 = arith.addi %sub3A_479, %add3A_484 : vector<16xi32>
      %mul3A_486 = arith.constant 2 : i32
      %mul3A_487 = vector.broadcast %mul3A_486 : i32 to vector<16xi32>
      %mul3A_488 = arith.muli %get3A_415, %mul3A_487 : vector<16xi32>
      %add3A_489 = arith.constant 1 : i32
      %add3A_490 = vector.broadcast %add3A_489 : i32 to vector<16xi32>
      %add3A_491 = arith.addi %mul3A_488, %add3A_490 : vector<16xi32>
      tpu.vector_store_idx %arg14[%add3A_485], %add3A_491 : memref<128xi32, #tpu.memory_space<vmem>>[vector<16xi32>], vector<16xi32>,
      %get3A_492 = arith.constant 96 : index
      %get3A_493 = tpu.vector_load %arg9[%get3A_492] {strides = array<i32>} : memref<128xi32, #tpu.memory_space<vmem>>, vector<16xi32>,
      %get3A_494 = arith.constant 96 : index
      %get3A_495 = tpu.vector_load %arg10[%get3A_494] {strides = array<i32>} : memref<128xi32, #tpu.memory_space<vmem>>, vector<16xi32>,
      %add3A_496 = arith.constant 96 : i32
      %add3A_497 = vector.broadcast %add3A_496 : i32 to vector<16xi32>
      %add3A_498 = arith.addi %add3A_497, %iota3A : vector<16xi32>
      %mul3A_499 = arith.constant 2 : i32
      %mul3A_500 = vector.broadcast %mul3A_499 : i32 to vector<16xi32>
      %mul3A_501 = arith.muli %mul3A_500, %add3A_498 : vector<16xi32>
      %mul3A_502 = arith.constant 4 : i32
      %mul3A_503 = vector.broadcast %mul3A_502 : i32 to vector<16xi32>
      %mul3A_504 = arith.muli %get3A_493, %mul3A_503 : vector<16xi32>
      %gather3A_505 = tpu.vector_load_idx %arg15[%mul3A_504] : memref<40960xf32, #tpu.memory_space<vmem>>[vector<16xi32>], vector<16xf32>,
      %mul3A_506 = arith.constant 4 : i32
      %mul3A_507 = vector.broadcast %mul3A_506 : i32 to vector<16xi32>
      %mul3A_508 = arith.muli %get3A_493, %mul3A_507 : vector<16xi32>
      %add3A_509 = arith.constant 1 : i32
      %add3A_510 = vector.broadcast %add3A_509 : i32 to vector<16xi32>
      %add3A_511 = arith.addi %mul3A_508, %add3A_510 : vector<16xi32>
      %gather3A_512 = tpu.vector_load_idx %arg15[%add3A_511] : memref<40960xf32, #tpu.memory_space<vmem>>[vector<16xi32>], vector<16xf32>,
      %mul3A_513 = arith.constant 4 : i32
      %mul3A_514 = vector.broadcast %mul3A_513 : i32 to vector<16xi32>
      %mul3A_515 = arith.muli %get3A_495, %mul3A_514 : vector<16xi32>
      %add3A_516 = arith.constant 2 : i32
      %add3A_517 = vector.broadcast %add3A_516 : i32 to vector<16xi32>
      %add3A_518 = arith.addi %mul3A_515, %add3A_517 : vector<16xi32>
      %gather3A_519 = tpu.vector_load_idx %arg15[%add3A_518] : memref<40960xf32, #tpu.memory_space<vmem>>[vector<16xi32>], vector<16xf32>,
      %mul3A_520 = arith.constant 4 : i32
      %mul3A_521 = vector.broadcast %mul3A_520 : i32 to vector<16xi32>
      %mul3A_522 = arith.muli %get3A_495, %mul3A_521 : vector<16xi32>
      %add3A_523 = arith.constant 3 : i32
      %add3A_524 = vector.broadcast %add3A_523 : i32 to vector<16xi32>
      %add3A_525 = arith.addi %mul3A_522, %add3A_524 : vector<16xi32>
      %gather3A_526 = tpu.vector_load_idx %arg15[%add3A_525] : memref<40960xf32, #tpu.memory_space<vmem>>[vector<16xi32>], vector<16xf32>,
      %gather3A_527 = tpu.vector_load_idx %arg11[%mul3A_501] : memref<256xf32, #tpu.memory_space<vmem>>[vector<16xi32>], vector<16xf32>,
      %add3A_528 = arith.constant 1 : i32
      %add3A_529 = vector.broadcast %add3A_528 : i32 to vector<16xi32>
      %add3A_530 = arith.addi %mul3A_501, %add3A_529 : vector<16xi32>
      %gather3A_531 = tpu.vector_load_idx %arg11[%add3A_530] : memref<256xf32, #tpu.memory_space<vmem>>[vector<16xi32>], vector<16xf32>,
      %add3A_532 = arith.addf %gather3A_505, %gather3A_519 : vector<16xf32>
      %add3A_533 = arith.addf %add3A_532, %gather3A_527 : vector<16xf32>
      %ge3A_534 = arith.constant 0.000000e+00 : f32
      %ge3A_535 = vector.broadcast %ge3A_534 : f32 to vector<16xf32>
      %ge3A_536 = arith.cmpf oge, %add3A_533, %ge3A_535 : vector<16xf32>
      %mul3A_537 = arith.constant 2.000000e-01 : f32
      %mul3A_538 = vector.broadcast %mul3A_537 : f32 to vector<16xf32>
      %mul3A_539 = arith.mulf %mul3A_538, %add3A_533 : vector<16xf32>
      %select_n3A_540 = arith.select %ge3A_536, %add3A_533, %mul3A_539 : vector<16xi1>, vector<16xf32>
      %exp3A_541 = math.exp %select_n3A_540 : vector<16xf32>
      %add3A_542 = arith.addf %gather3A_512, %gather3A_526 : vector<16xf32>
      %add3A_543 = arith.addf %add3A_542, %gather3A_531 : vector<16xf32>
      %ge3A_544 = arith.constant 0.000000e+00 : f32
      %ge3A_545 = vector.broadcast %ge3A_544 : f32 to vector<16xf32>
      %ge3A_546 = arith.cmpf oge, %add3A_543, %ge3A_545 : vector<16xf32>
      %mul3A_547 = arith.constant 2.000000e-01 : f32
      %mul3A_548 = vector.broadcast %mul3A_547 : f32 to vector<16xf32>
      %mul3A_549 = arith.mulf %mul3A_548, %add3A_543 : vector<16xf32>
      %select_n3A_550 = arith.select %ge3A_546, %add3A_543, %mul3A_549 : vector<16xi1>, vector<16xf32>
      %exp3A_551 = math.exp %select_n3A_550 : vector<16xf32>
      tpu.vector_store_idx %arg12[%mul3A_501], %exp3A_541 : memref<256xf32, #tpu.memory_space<vmem>>[vector<16xi32>], vector<16xf32>,
      %add3A_552 = arith.constant 1 : i32
      %add3A_553 = vector.broadcast %add3A_552 : i32 to vector<16xi32>
      %add3A_554 = arith.addi %mul3A_501, %add3A_553 : vector<16xi32>
      tpu.vector_store_idx %arg12[%add3A_554], %exp3A_551 : memref<256xf32, #tpu.memory_space<vmem>>[vector<16xi32>], vector<16xf32>,
      %sub3A_555 = arith.constant 128 : i32
      %sub3A_556 = vector.broadcast %sub3A_555 : i32 to vector<16xi32>
      %sub3A_557 = arith.subi %mul3A_501, %sub3A_556 : vector<16xi32>
      %mul3A_558 = arith.constant 2 : i32
      %mul3A_559 = vector.broadcast %mul3A_558 : i32 to vector<16xi32>
      %mul3A_560 = arith.muli %get3A_493, %mul3A_559 : vector<16xi32>
      tpu.vector_store_idx %arg14[%sub3A_557], %mul3A_560 : memref<128xi32, #tpu.memory_space<vmem>>[vector<16xi32>], vector<16xi32>,
      %add3A_561 = arith.constant 1 : i32
      %add3A_562 = vector.broadcast %add3A_561 : i32 to vector<16xi32>
      %add3A_563 = arith.addi %sub3A_557, %add3A_562 : vector<16xi32>
      %mul3A_564 = arith.constant 2 : i32
      %mul3A_565 = vector.broadcast %mul3A_564 : i32 to vector<16xi32>
      %mul3A_566 = arith.muli %get3A_493, %mul3A_565 : vector<16xi32>
      %add3A_567 = arith.constant 1 : i32
      %add3A_568 = vector.broadcast %add3A_567 : i32 to vector<16xi32>
      %add3A_569 = arith.addi %mul3A_566, %add3A_568 : vector<16xi32>
      tpu.vector_store_idx %arg14[%add3A_563], %add3A_569 : memref<128xi32, #tpu.memory_space<vmem>>[vector<16xi32>], vector<16xi32>,
      %get3A_570 = arith.constant 112 : index
      %get3A_571 = tpu.vector_load %arg9[%get3A_570] {strides = array<i32>} : memref<128xi32, #tpu.memory_space<vmem>>, vector<16xi32>,
      %get3A_572 = arith.constant 112 : index
      %get3A_573 = tpu.vector_load %arg10[%get3A_572] {strides = array<i32>} : memref<128xi32, #tpu.memory_space<vmem>>, vector<16xi32>,
      %add3A_574 = arith.constant 112 : i32
      %add3A_575 = vector.broadcast %add3A_574 : i32 to vector<16xi32>
      %add3A_576 = arith.addi %add3A_575, %iota3A : vector<16xi32>
      %mul3A_577 = arith.constant 2 : i32
      %mul3A_578 = vector.broadcast %mul3A_577 : i32 to vector<16xi32>
      %mul3A_579 = arith.muli %mul3A_578, %add3A_576 : vector<16xi32>
      %mul3A_580 = arith.constant 4 : i32
      %mul3A_581 = vector.broadcast %mul3A_580 : i32 to vector<16xi32>
      %mul3A_582 = arith.muli %get3A_571, %mul3A_581 : vector<16xi32>
      %gather3A_583 = tpu.vector_load_idx %arg15[%mul3A_582] : memref<40960xf32, #tpu.memory_space<vmem>>[vector<16xi32>], vector<16xf32>,
      %mul3A_584 = arith.constant 4 : i32
      %mul3A_585 = vector.broadcast %mul3A_584 : i32 to vector<16xi32>
      %mul3A_586 = arith.muli %get3A_571, %mul3A_585 : vector<16xi32>
      %add3A_587 = arith.constant 1 : i32
      %add3A_588 = vector.broadcast %add3A_587 : i32 to vector<16xi32>
      %add3A_589 = arith.addi %mul3A_586, %add3A_588 : vector<16xi32>
      %gather3A_590 = tpu.vector_load_idx %arg15[%add3A_589] : memref<40960xf32, #tpu.memory_space<vmem>>[vector<16xi32>], vector<16xf32>,
      %mul3A_591 = arith.constant 4 : i32
      %mul3A_592 = vector.broadcast %mul3A_591 : i32 to vector<16xi32>
      %mul3A_593 = arith.muli %get3A_573, %mul3A_592 : vector<16xi32>
      %add3A_594 = arith.constant 2 : i32
      %add3A_595 = vector.broadcast %add3A_594 : i32 to vector<16xi32>
      %add3A_596 = arith.addi %mul3A_593, %add3A_595 : vector<16xi32>
      %gather3A_597 = tpu.vector_load_idx %arg15[%add3A_596] : memref<40960xf32, #tpu.memory_space<vmem>>[vector<16xi32>], vector<16xf32>,
      %mul3A_598 = arith.constant 4 : i32
      %mul3A_599 = vector.broadcast %mul3A_598 : i32 to vector<16xi32>
      %mul3A_600 = arith.muli %get3A_573, %mul3A_599 : vector<16xi32>
      %add3A_601 = arith.constant 3 : i32
      %add3A_602 = vector.broadcast %add3A_601 : i32 to vector<16xi32>
      %add3A_603 = arith.addi %mul3A_600, %add3A_602 : vector<16xi32>
      %gather3A_604 = tpu.vector_load_idx %arg15[%add3A_603] : memref<40960xf32, #tpu.memory_space<vmem>>[vector<16xi32>], vector<16xf32>,
      %gather3A_605 = tpu.vector_load_idx %arg11[%mul3A_579] : memref<256xf32, #tpu.memory_space<vmem>>[vector<16xi32>], vector<16xf32>,
      %add3A_606 = arith.constant 1 : i32
      %add3A_607 = vector.broadcast %add3A_606 : i32 to vector<16xi32>
      %add3A_608 = arith.addi %mul3A_579, %add3A_607 : vector<16xi32>
      %gather3A_609 = tpu.vector_load_idx %arg11[%add3A_608] : memref<256xf32, #tpu.memory_space<vmem>>[vector<16xi32>], vector<16xf32>,
      %add3A_610 = arith.addf %gather3A_583, %gather3A_597 : vector<16xf32>
      %add3A_611 = arith.addf %add3A_610, %gather3A_605 : vector<16xf32>
      %ge3A_612 = arith.constant 0.000000e+00 : f32
      %ge3A_613 = vector.broadcast %ge3A_612 : f32 to vector<16xf32>
      %ge3A_614 = arith.cmpf oge, %add3A_611, %ge3A_613 : vector<16xf32>
      %mul3A_615 = arith.constant 2.000000e-01 : f32
      %mul3A_616 = vector.broadcast %mul3A_615 : f32 to vector<16xf32>
      %mul3A_617 = arith.mulf %mul3A_616, %add3A_611 : vector<16xf32>
      %select_n3A_618 = arith.select %ge3A_614, %add3A_611, %mul3A_617 : vector<16xi1>, vector<16xf32>
      %exp3A_619 = math.exp %select_n3A_618 : vector<16xf32>
      %add3A_620 = arith.addf %gather3A_590, %gather3A_604 : vector<16xf32>
      %add3A_621 = arith.addf %add3A_620, %gather3A_609 : vector<16xf32>
      %ge3A_622 = arith.constant 0.000000e+00 : f32
      %ge3A_623 = vector.broadcast %ge3A_622 : f32 to vector<16xf32>
      %ge3A_624 = arith.cmpf oge, %add3A_621, %ge3A_623 : vector<16xf32>
      %mul3A_625 = arith.constant 2.000000e-01 : f32
      %mul3A_626 = vector.broadcast %mul3A_625 : f32 to vector<16xf32>
      %mul3A_627 = arith.mulf %mul3A_626, %add3A_621 : vector<16xf32>
      %select_n3A_628 = arith.select %ge3A_624, %add3A_621, %mul3A_627 : vector<16xi1>, vector<16xf32>
      %exp3A_629 = math.exp %select_n3A_628 : vector<16xf32>
      tpu.vector_store_idx %arg12[%mul3A_579], %exp3A_619 : memref<256xf32, #tpu.memory_space<vmem>>[vector<16xi32>], vector<16xf32>,
      %add3A_630 = arith.constant 1 : i32
      %add3A_631 = vector.broadcast %add3A_630 : i32 to vector<16xi32>
      %add3A_632 = arith.addi %mul3A_579, %add3A_631 : vector<16xi32>
      tpu.vector_store_idx %arg12[%add3A_632], %exp3A_629 : memref<256xf32, #tpu.memory_space<vmem>>[vector<16xi32>], vector<16xf32>,
      %sub3A_633 = arith.constant 128 : i32
      %sub3A_634 = vector.broadcast %sub3A_633 : i32 to vector<16xi32>
      %sub3A_635 = arith.subi %mul3A_579, %sub3A_634 : vector<16xi32>
      %mul3A_636 = arith.constant 2 : i32
      %mul3A_637 = vector.broadcast %mul3A_636 : i32 to vector<16xi32>
      %mul3A_638 = arith.muli %get3A_571, %mul3A_637 : vector<16xi32>
      tpu.vector_store_idx %arg14[%sub3A_635], %mul3A_638 : memref<128xi32, #tpu.memory_space<vmem>>[vector<16xi32>], vector<16xi32>,
      %add3A_639 = arith.constant 1 : i32
      %add3A_640 = vector.broadcast %add3A_639 : i32 to vector<16xi32>
      %add3A_641 = arith.addi %sub3A_635, %add3A_640 : vector<16xi32>
      %mul3A_642 = arith.constant 2 : i32
      %mul3A_643 = vector.broadcast %mul3A_642 : i32 to vector<16xi32>
      %mul3A_644 = arith.muli %get3A_571, %mul3A_643 : vector<16xi32>
      %add3A_645 = arith.constant 1 : i32
      %add3A_646 = vector.broadcast %add3A_645 : i32 to vector<16xi32>
      %add3A_647 = arith.addi %mul3A_644, %add3A_646 : vector<16xi32>
      tpu.vector_store_idx %arg14[%add3A_641], %add3A_647 : memref<128xi32, #tpu.memory_space<vmem>>[vector<16xi32>], vector<16xi32>,
      %mul3A_648 = arith.constant 2 : i32
      %mul3A_649 = arith.muli %mul3A_648, %add3A_27 : i32
      "tpu.region"() ({
        %run_scoped3A = tpu.sem_alloc : memref<!tpu.dma_semaphore, #tpu.memory_space<semaphore_mem>>
        %dma_start3A_651 = tpu.memref_slice %arg7[%mul3A_649] : memref<327680xf32, #tpu.memory_space<hbm>> -> memref<256xf32, #tpu.memory_space<hbm>>
        %dma_start3A_652 = tpu.memref_slice %arg7[%mul3A_649] : memref<327680xf32, #tpu.memory_space<hbm>> -> memref<256xf32, #tpu.memory_space<hbm>>
        tpu.enqueue_dma source(%arg12 : memref<256xf32, #tpu.memory_space<vmem>>) target(%dma_start3A_652 : memref<256xf32, #tpu.memory_space<hbm>>) target_semaphore(%run_scoped3A : memref<!tpu.dma_semaphore, #tpu.memory_space<semaphore_mem>>)
        %dma_wait3A_653 = tpu.memref_slice %arg7[%mul3A_649] : memref<327680xf32, #tpu.memory_space<hbm>> -> memref<256xf32, #tpu.memory_space<hbm>>
        %dma_wait3A_654 = tpu.memref_slice %arg7[%mul3A_649] : memref<327680xf32, #tpu.memory_space<hbm>> -> memref<256xf32, #tpu.memory_space<hbm>>
        tpu.wait_dma2 semaphore(%run_scoped3A : memref<!tpu.dma_semaphore, #tpu.memory_space<semaphore_mem>>) src(%arg12 : memref<256xf32, #tpu.memory_space<vmem>>) dst(%dma_wait3A_654 : memref<256xf32, #tpu.memory_space<hbm>>)
        tpu.yield
      }) : () -> ()
      "tpu.region"() ({
        %run_scoped3A = tpu.sem_alloc : memref<!tpu.dma_semaphore, #tpu.memory_space<semaphore_mem>>
        %dma_start3A_651 = arith.constant 0 : i32
        %dma_start3A_652 = tpu.memref_slice %arg12[%dma_start3A_651] : memref<256xf32, #tpu.memory_space<vmem>> -> memref<128xf32, #tpu.memory_space<vmem>>
        %dma_start3A_653 = arith.constant 0 : i32
        %dma_start3A_654 = tpu.memref_slice %arg16[%dma_start3A_653] : memref<20480xf32, #tpu.memory_space<vmem_shared>> -> memref<20480xf32, #tpu.memory_space<vmem_shared>>
        tpu.enqueue_indirect_dma source(%dma_start3A_652 : memref<128xf32, #tpu.memory_space<vmem>>) target(%dma_start3A_654 : memref<20480xf32, #tpu.memory_space<vmem_shared>>) offsets(%arg13 : memref<128xi32, #tpu.memory_space<vmem>>) semaphore(%run_scoped3A : memref<!tpu.dma_semaphore, #tpu.memory_space<semaphore_mem>>) {add = true}
        %dma_wait3A_655 = arith.constant 0 : i32
        %dma_wait3A_656 = tpu.memref_slice %arg12[%dma_wait3A_655] : memref<256xf32, #tpu.memory_space<vmem>> -> memref<128xf32, #tpu.memory_space<vmem>>
        %dma_wait3A_657 = arith.constant 0 : i32
        %dma_wait3A_658 = tpu.memref_slice %arg16[%dma_wait3A_657] : memref<20480xf32, #tpu.memory_space<vmem_shared>> -> memref<20480xf32, #tpu.memory_space<vmem_shared>>
        tpu.wait_indirect_dma semaphore(%run_scoped3A : memref<!tpu.dma_semaphore, #tpu.memory_space<semaphore_mem>>) src(%dma_wait3A_656 : memref<128xf32, #tpu.memory_space<vmem>>) dst(%dma_wait3A_658 : memref<20480xf32, #tpu.memory_space<vmem_shared>>)
        tpu.yield
      }) : () -> ()
      "tpu.region"() ({
        %run_scoped3A = tpu.sem_alloc : memref<!tpu.dma_semaphore, #tpu.memory_space<semaphore_mem>>
        %dma_start3A_651 = arith.constant 128 : i32
        %dma_start3A_652 = tpu.memref_slice %arg12[%dma_start3A_651] : memref<256xf32, #tpu.memory_space<vmem>> -> memref<128xf32, #tpu.memory_space<vmem>>
        %dma_start3A_653 = arith.constant 0 : i32
        %dma_start3A_654 = tpu.memref_slice %arg16[%dma_start3A_653] : memref<20480xf32, #tpu.memory_space<vmem_shared>> -> memref<20480xf32, #tpu.memory_space<vmem_shared>>
        tpu.enqueue_indirect_dma source(%dma_start3A_652 : memref<128xf32, #tpu.memory_space<vmem>>) target(%dma_start3A_654 : memref<20480xf32, #tpu.memory_space<vmem_shared>>) offsets(%arg14 : memref<128xi32, #tpu.memory_space<vmem>>) semaphore(%run_scoped3A : memref<!tpu.dma_semaphore, #tpu.memory_space<semaphore_mem>>) {add = true}
        %dma_wait3A_655 = arith.constant 128 : i32
        %dma_wait3A_656 = tpu.memref_slice %arg12[%dma_wait3A_655] : memref<256xf32, #tpu.memory_space<vmem>> -> memref<128xf32, #tpu.memory_space<vmem>>
        %dma_wait3A_657 = arith.constant 0 : i32
        %dma_wait3A_658 = tpu.memref_slice %arg16[%dma_wait3A_657] : memref<20480xf32, #tpu.memory_space<vmem_shared>> -> memref<20480xf32, #tpu.memory_space<vmem_shared>>
        tpu.wait_indirect_dma semaphore(%run_scoped3A : memref<!tpu.dma_semaphore, #tpu.memory_space<semaphore_mem>>) src(%dma_wait3A_656 : memref<128xf32, #tpu.memory_space<vmem>>) dst(%dma_wait3A_658 : memref<20480xf32, #tpu.memory_space<vmem_shared>>)
        tpu.yield
      }) : () -> ()
      %scan3A_650 = arith.constant 0 : i32
      scf.yield %scan3A_650 : i32
    }
    %scan3A_12 = arith.constant 40 : i32
    %barrier3A_13 = arith.constant 0 : index
    tpu.barrier barrier_id(%barrier3A_13)
    %mul3A_14 = arith.constant 1280 : i32
    %mul3A_15 = arith.muli %arg1, %mul3A_14 : i32
    %mul3A_16 = arith.constant 2 : i32
    %mul3A_17 = arith.muli %arg0, %mul3A_16 : i32
    %mul3A_18 = arith.constant 10240 : i32
    %mul3A_19 = arith.muli %mul3A_17, %mul3A_18 : i32
    %mul3A_20 = arith.constant 1280 : i32
    %mul3A_21 = arith.muli %arg1, %mul3A_20 : i32
    %add3A_22 = arith.addi %mul3A_19, %mul3A_21 : i32
    "tpu.region"() ({
      %run_scoped3A = tpu.sem_alloc : memref<!tpu.dma_semaphore, #tpu.memory_space<semaphore_mem>>
      %dma_start3A = tpu.memref_slice %arg8[%add3A_22] : memref<40960xf32, #tpu.memory_space<hbm>> -> memref<1280xf32, #tpu.memory_space<hbm>>
      %dma_start3A_23 = tpu.memref_slice %arg16[%mul3A_15] : memref<20480xf32, #tpu.memory_space<vmem_shared>> -> memref<1280xf32, #tpu.memory_space<vmem_shared>>
      tpu.enqueue_dma source(%dma_start3A_23 : memref<1280xf32, #tpu.memory_space<vmem_shared>>) target(%dma_start3A : memref<1280xf32, #tpu.memory_space<hbm>>) target_semaphore(%run_scoped3A : memref<!tpu.dma_semaphore, #tpu.memory_space<semaphore_mem>>)
      %dma_wait3A = tpu.memref_slice %arg8[%add3A_22] : memref<40960xf32, #tpu.memory_space<hbm>> -> memref<1280xf32, #tpu.memory_space<hbm>>
      %dma_wait3A_24 = tpu.memref_slice %arg16[%mul3A_15] : memref<20480xf32, #tpu.memory_space<vmem_shared>> -> memref<1280xf32, #tpu.memory_space<vmem_shared>>
      tpu.wait_dma2 semaphore(%run_scoped3A : memref<!tpu.dma_semaphore, #tpu.memory_space<semaphore_mem>>) src(%dma_wait3A_24 : memref<1280xf32, #tpu.memory_space<vmem_shared>>) dst(%dma_wait3A : memref<1280xf32, #tpu.memory_space<hbm>>)
      tpu.yield
    }) : () -> ()
    return
  }
}

#map = affine_map<(d0, d1) -> (0, 0)>
#map1 = affine_map<(d0, d1) -> (0)>
module attributes {stable_mosaic.version = 14 : i64} {
  func.func @_sc_agg(%arg0: i32, %arg1: i32, %arg2: memref<163840x128xf32, #tpu.memory_space<hbm>>, %arg3: memref<163840xi32, #tpu.memory_space<hbm>>, %arg4: memref<10240x128xf32, #tpu.memory_space<hbm>>, %arg5: memref<20480x128xf32, #tpu.memory_space<hbm>>, %arg6: memref<128xi32, #tpu.memory_space<vmem>>, %arg7: memref<128xi32, #tpu.memory_space<vmem>>, %arg8: memref<128x128xf32, #tpu.memory_space<vmem>>, %arg9: memref<128x128xf32, #tpu.memory_space<vmem>>, %arg10: memref<10240x128xf32, #tpu.memory_space<vmem_shared>>, %arg11: memref<!tpu.dma_semaphore, #tpu.memory_space<semaphore_mem>>, %arg12: memref<!tpu.dma_semaphore, #tpu.memory_space<semaphore_mem>>) attributes {dimension_semantics = [#tpu.dimension_semantics<core_parallel>, #tpu.dimension_semantics<subcore_parallel>], iteration_bounds = array<i64: 2, 16>, scalar_prefetch = 0 : i64, scratch_operands = 7 : i64, tpu.core_type = #tpu.core_type<sc_vector_subcore>, window_params = [{transform_indices = #map}, {transform_indices = #map1}, {transform_indices = #map}, {transform_indices = #map}]} {
    %mul3A = arith.constant 640 : i32
    %mul3A_0 = arith.muli %arg1, %mul3A : i32
    %mul3A_1 = arith.constant 640 : i32
    %mul3A_2 = arith.muli %arg1, %mul3A_1 : i32
    "tpu.region"() ({
      %run_scoped3A = tpu.sem_alloc : memref<!tpu.dma_semaphore, #tpu.memory_space<semaphore_mem>>
      %dma_start3A_32 = arith.constant 0 : i32
      %dma_start3A_33 = tpu.memref_slice %arg10[%mul3A_2, %dma_start3A_32] : memref<10240x128xf32, #tpu.memory_space<vmem_shared>> -> memref<640x128xf32, #tpu.memory_space<vmem_shared>>
      %dma_start3A_34 = arith.constant 0 : i32
      %dma_start3A_35 = tpu.memref_slice %arg4[%mul3A_0, %dma_start3A_34] : memref<10240x128xf32, #tpu.memory_space<hbm>> -> memref<640x128xf32, #tpu.memory_space<hbm>>
      tpu.enqueue_dma source(%dma_start3A_35 : memref<640x128xf32, #tpu.memory_space<hbm>>) target(%dma_start3A_33 : memref<640x128xf32, #tpu.memory_space<vmem_shared>>) target_semaphore(%run_scoped3A : memref<!tpu.dma_semaphore, #tpu.memory_space<semaphore_mem>>)
      %dma_wait3A = arith.constant 0 : i32
      %dma_wait3A_36 = tpu.memref_slice %arg10[%mul3A_2, %dma_wait3A] : memref<10240x128xf32, #tpu.memory_space<vmem_shared>> -> memref<640x128xf32, #tpu.memory_space<vmem_shared>>
      %dma_wait3A_37 = arith.constant 0 : i32
      %dma_wait3A_38 = tpu.memref_slice %arg4[%mul3A_0, %dma_wait3A_37] : memref<10240x128xf32, #tpu.memory_space<hbm>> -> memref<640x128xf32, #tpu.memory_space<hbm>>
      tpu.wait_dma2 semaphore(%run_scoped3A : memref<!tpu.dma_semaphore, #tpu.memory_space<semaphore_mem>>) src(%dma_wait3A_38 : memref<640x128xf32, #tpu.memory_space<hbm>>) dst(%dma_wait3A_36 : memref<640x128xf32, #tpu.memory_space<vmem_shared>>)
      tpu.yield
    }) : () -> ()
    %barrier3A = arith.constant 0 : index
    tpu.barrier barrier_id(%barrier3A)
    %mul3A_3 = arith.constant 2 : i32
    %mul3A_4 = arith.muli %arg1, %mul3A_3 : i32
    %add3A = arith.addi %mul3A_4, %arg0 : i32
    %mul3A_5 = arith.constant 5120 : i32
    %mul3A_6 = arith.muli %add3A, %mul3A_5 : i32
    %add3A_7 = arith.constant 0 : i32
    %add3A_8 = arith.addi %mul3A_6, %add3A_7 : i32
    "tpu.region"() ({
      %run_scoped3A = tpu.sem_alloc : memref<!tpu.dma_semaphore, #tpu.memory_space<semaphore_mem>>
      %dma_start3A_32 = tpu.memref_slice %arg3[%add3A_8] : memref<163840xi32, #tpu.memory_space<hbm>> -> memref<128xi32, #tpu.memory_space<hbm>>
      %dma_start3A_33 = tpu.memref_slice %arg3[%add3A_8] : memref<163840xi32, #tpu.memory_space<hbm>> -> memref<128xi32, #tpu.memory_space<hbm>>
      tpu.enqueue_dma source(%dma_start3A_33 : memref<128xi32, #tpu.memory_space<hbm>>) target(%arg6 : memref<128xi32, #tpu.memory_space<vmem>>) target_semaphore(%run_scoped3A : memref<!tpu.dma_semaphore, #tpu.memory_space<semaphore_mem>>)
      %dma_wait3A = tpu.memref_slice %arg3[%add3A_8] : memref<163840xi32, #tpu.memory_space<hbm>> -> memref<128xi32, #tpu.memory_space<hbm>>
      %dma_wait3A_34 = tpu.memref_slice %arg3[%add3A_8] : memref<163840xi32, #tpu.memory_space<hbm>> -> memref<128xi32, #tpu.memory_space<hbm>>
      tpu.wait_dma2 semaphore(%run_scoped3A : memref<!tpu.dma_semaphore, #tpu.memory_space<semaphore_mem>>) src(%dma_wait3A_34 : memref<128xi32, #tpu.memory_space<hbm>>) dst(%arg6 : memref<128xi32, #tpu.memory_space<vmem>>)
      tpu.yield
    }) : () -> ()
    %dma_start3A = arith.constant 0 : i32
    %dma_start3A_9 = tpu.memref_slice %arg2[%add3A_8, %dma_start3A] : memref<163840x128xf32, #tpu.memory_space<hbm>> -> memref<128x128xf32, #tpu.memory_space<hbm>>
    %dma_start3A_10 = arith.constant 0 : i32
    %dma_start3A_11 = tpu.memref_slice %arg2[%add3A_8, %dma_start3A_10] : memref<163840x128xf32, #tpu.memory_space<hbm>> -> memref<128x128xf32, #tpu.memory_space<hbm>>
    tpu.enqueue_dma source(%dma_start3A_11 : memref<128x128xf32, #tpu.memory_space<hbm>>) target(%arg8 : memref<128x128xf32, #tpu.memory_space<vmem>>) target_semaphore(%arg11 : memref<!tpu.dma_semaphore, #tpu.memory_space<semaphore_mem>>)
    %add3A_12 = arith.constant 128 : i32
    %add3A_13 = arith.addi %mul3A_6, %add3A_12 : i32
    "tpu.region"() ({
      %run_scoped3A = tpu.sem_alloc : memref<!tpu.dma_semaphore, #tpu.memory_space<semaphore_mem>>
      %dma_start3A_32 = tpu.memref_slice %arg3[%add3A_13] : memref<163840xi32, #tpu.memory_space<hbm>> -> memref<128xi32, #tpu.memory_space<hbm>>
      %dma_start3A_33 = tpu.memref_slice %arg3[%add3A_13] : memref<163840xi32, #tpu.memory_space<hbm>> -> memref<128xi32, #tpu.memory_space<hbm>>
      tpu.enqueue_dma source(%dma_start3A_33 : memref<128xi32, #tpu.memory_space<hbm>>) target(%arg7 : memref<128xi32, #tpu.memory_space<vmem>>) target_semaphore(%run_scoped3A : memref<!tpu.dma_semaphore, #tpu.memory_space<semaphore_mem>>)
      %dma_wait3A = tpu.memref_slice %arg3[%add3A_13] : memref<163840xi32, #tpu.memory_space<hbm>> -> memref<128xi32, #tpu.memory_space<hbm>>
      %dma_wait3A_34 = tpu.memref_slice %arg3[%add3A_13] : memref<163840xi32, #tpu.memory_space<hbm>> -> memref<128xi32, #tpu.memory_space<hbm>>
      tpu.wait_dma2 semaphore(%run_scoped3A : memref<!tpu.dma_semaphore, #tpu.memory_space<semaphore_mem>>) src(%dma_wait3A_34 : memref<128xi32, #tpu.memory_space<hbm>>) dst(%arg7 : memref<128xi32, #tpu.memory_space<vmem>>)
      tpu.yield
    }) : () -> ()
    %dma_start3A_14 = arith.constant 0 : i32
    %dma_start3A_15 = tpu.memref_slice %arg2[%add3A_13, %dma_start3A_14] : memref<163840x128xf32, #tpu.memory_space<hbm>> -> memref<128x128xf32, #tpu.memory_space<hbm>>
    %dma_start3A_16 = arith.constant 0 : i32
    %dma_start3A_17 = tpu.memref_slice %arg2[%add3A_13, %dma_start3A_16] : memref<163840x128xf32, #tpu.memory_space<hbm>> -> memref<128x128xf32, #tpu.memory_space<hbm>>
    tpu.enqueue_dma source(%dma_start3A_17 : memref<128x128xf32, #tpu.memory_space<hbm>>) target(%arg9 : memref<128x128xf32, #tpu.memory_space<vmem>>) target_semaphore(%arg12 : memref<!tpu.dma_semaphore, #tpu.memory_space<semaphore_mem>>)
    %scan3A = arith.constant 0 : i32
    %scan3A_18 = arith.constant 0 : i32
    %scan3A_19 = arith.constant 20 : i32
    %scan3A_20 = arith.addi %scan3A_18, %scan3A_19 : i32
    %scan3A_21 = arith.constant 1 : i32
    %scan3A_22 = scf.for %scan3A_32 = %scan3A_18 to %scan3A_20 step %scan3A_21 iter_args(%scan3A_33 = %scan3A) -> (i32)  : i32 {
      %mul3A_34 = arith.constant 2 : i32
      %mul3A_35 = arith.muli %mul3A_34, %scan3A_32 : i32
      %add3A_36 = arith.constant 0 : i32
      %add3A_37 = arith.addi %mul3A_35, %add3A_36 : i32
      %mul3A_38 = arith.constant 128 : i32
      %mul3A_39 = arith.muli %add3A_37, %mul3A_38 : i32
      %add3A_40 = arith.addi %mul3A_6, %mul3A_39 : i32
      %dma_wait3A = arith.constant 0 : i32
      %dma_wait3A_41 = tpu.memref_slice %arg2[%add3A_40, %dma_wait3A] : memref<163840x128xf32, #tpu.memory_space<hbm>> -> memref<128x128xf32, #tpu.memory_space<hbm>>
      %dma_wait3A_42 = arith.constant 0 : i32
      %dma_wait3A_43 = tpu.memref_slice %arg2[%add3A_40, %dma_wait3A_42] : memref<163840x128xf32, #tpu.memory_space<hbm>> -> memref<128x128xf32, #tpu.memory_space<hbm>>
      tpu.wait_dma2 semaphore(%arg11 : memref<!tpu.dma_semaphore, #tpu.memory_space<semaphore_mem>>) src(%dma_wait3A_43 : memref<128x128xf32, #tpu.memory_space<hbm>>) dst(%arg8 : memref<128x128xf32, #tpu.memory_space<vmem>>)
      "tpu.region"() ({
        %run_scoped3A = tpu.sem_alloc : memref<!tpu.dma_semaphore, #tpu.memory_space<semaphore_mem>>
        %dma_start3A_67 = arith.constant 0 : i32
        %dma_start3A_68 = arith.constant 0 : i32
        %dma_start3A_69 = tpu.memref_slice %arg10[%dma_start3A_67, %dma_start3A_68] : memref<10240x128xf32, #tpu.memory_space<vmem_shared>> -> memref<10240x128xf32, #tpu.memory_space<vmem_shared>>
        tpu.enqueue_indirect_dma source(%arg8 : memref<128x128xf32, #tpu.memory_space<vmem>>) target(%dma_start3A_69 : memref<10240x128xf32, #tpu.memory_space<vmem_shared>>) offsets(%arg6 : memref<128xi32, #tpu.memory_space<vmem>>) semaphore(%run_scoped3A : memref<!tpu.dma_semaphore, #tpu.memory_space<semaphore_mem>>) {add = true}
        %dma_wait3A_70 = arith.constant 0 : i32
        %dma_wait3A_71 = arith.constant 0 : i32
        %dma_wait3A_72 = tpu.memref_slice %arg10[%dma_wait3A_70, %dma_wait3A_71] : memref<10240x128xf32, #tpu.memory_space<vmem_shared>> -> memref<10240x128xf32, #tpu.memory_space<vmem_shared>>
        tpu.wait_indirect_dma semaphore(%run_scoped3A : memref<!tpu.dma_semaphore, #tpu.memory_space<semaphore_mem>>) src(%arg8 : memref<128x128xf32, #tpu.memory_space<vmem>>) dst(%dma_wait3A_72 : memref<10240x128xf32, #tpu.memory_space<vmem_shared>>)
        tpu.yield
      }) : () -> ()
      %add3A_44 = arith.constant 2 : i32
      %add3A_45 = arith.addi %add3A_37, %add3A_44 : i32
      %lt3A = arith.constant 40 : i32
      %lt3A_46 = arith.cmpi slt, %add3A_45, %lt3A : i32
      %convert_element_type3A = arith.extui %lt3A_46 : i1 to i32
      %cond3A = arith.constant 0 : i32
      %cond3A_47 = arith.cmpi ne, %convert_element_type3A, %cond3A : i32
      scf.if %cond3A_47 {
        %add3A_67 = arith.constant 2 : i32
        %add3A_68 = arith.addi %add3A_37, %add3A_67 : i32
        %mul3A_69 = arith.constant 128 : i32
        %mul3A_70 = arith.muli %add3A_68, %mul3A_69 : i32
        %add3A_71 = arith.addi %mul3A_6, %mul3A_70 : i32
        "tpu.region"() ({
          %run_scoped3A = tpu.sem_alloc : memref<!tpu.dma_semaphore, #tpu.memory_space<semaphore_mem>>
          %dma_start3A_76 = tpu.memref_slice %arg3[%add3A_71] : memref<163840xi32, #tpu.memory_space<hbm>> -> memref<128xi32, #tpu.memory_space<hbm>>
          %dma_start3A_77 = tpu.memref_slice %arg3[%add3A_71] : memref<163840xi32, #tpu.memory_space<hbm>> -> memref<128xi32, #tpu.memory_space<hbm>>
          tpu.enqueue_dma source(%dma_start3A_77 : memref<128xi32, #tpu.memory_space<hbm>>) target(%arg6 : memref<128xi32, #tpu.memory_space<vmem>>) target_semaphore(%run_scoped3A : memref<!tpu.dma_semaphore, #tpu.memory_space<semaphore_mem>>)
          %dma_wait3A_78 = tpu.memref_slice %arg3[%add3A_71] : memref<163840xi32, #tpu.memory_space<hbm>> -> memref<128xi32, #tpu.memory_space<hbm>>
          %dma_wait3A_79 = tpu.memref_slice %arg3[%add3A_71] : memref<163840xi32, #tpu.memory_space<hbm>> -> memref<128xi32, #tpu.memory_space<hbm>>
          tpu.wait_dma2 semaphore(%run_scoped3A : memref<!tpu.dma_semaphore, #tpu.memory_space<semaphore_mem>>) src(%dma_wait3A_79 : memref<128xi32, #tpu.memory_space<hbm>>) dst(%arg6 : memref<128xi32, #tpu.memory_space<vmem>>)
          tpu.yield
        }) : () -> ()
        %dma_start3A_72 = arith.constant 0 : i32
        %dma_start3A_73 = tpu.memref_slice %arg2[%add3A_71, %dma_start3A_72] : memref<163840x128xf32, #tpu.memory_space<hbm>> -> memref<128x128xf32, #tpu.memory_space<hbm>>
        %dma_start3A_74 = arith.constant 0 : i32
        %dma_start3A_75 = tpu.memref_slice %arg2[%add3A_71, %dma_start3A_74] : memref<163840x128xf32, #tpu.memory_space<hbm>> -> memref<128x128xf32, #tpu.memory_space<hbm>>
        tpu.enqueue_dma source(%dma_start3A_75 : memref<128x128xf32, #tpu.memory_space<hbm>>) target(%arg8 : memref<128x128xf32, #tpu.memory_space<vmem>>) target_semaphore(%arg11 : memref<!tpu.dma_semaphore, #tpu.memory_space<semaphore_mem>>)
      } else {
      }
      %mul3A_48 = arith.constant 2 : i32
      %mul3A_49 = arith.muli %mul3A_48, %scan3A_32 : i32
      %add3A_50 = arith.constant 1 : i32
      %add3A_51 = arith.addi %mul3A_49, %add3A_50 : i32
      %mul3A_52 = arith.constant 128 : i32
      %mul3A_53 = arith.muli %add3A_51, %mul3A_52 : i32
      %add3A_54 = arith.addi %mul3A_6, %mul3A_53 : i32
      %dma_wait3A_55 = arith.constant 0 : i32
      %dma_wait3A_56 = tpu.memref_slice %arg2[%add3A_54, %dma_wait3A_55] : memref<163840x128xf32, #tpu.memory_space<hbm>> -> memref<128x128xf32, #tpu.memory_space<hbm>>
      %dma_wait3A_57 = arith.constant 0 : i32
      %dma_wait3A_58 = tpu.memref_slice %arg2[%add3A_54, %dma_wait3A_57] : memref<163840x128xf32, #tpu.memory_space<hbm>> -> memref<128x128xf32, #tpu.memory_space<hbm>>
      tpu.wait_dma2 semaphore(%arg12 : memref<!tpu.dma_semaphore, #tpu.memory_space<semaphore_mem>>) src(%dma_wait3A_58 : memref<128x128xf32, #tpu.memory_space<hbm>>) dst(%arg9 : memref<128x128xf32, #tpu.memory_space<vmem>>)
      "tpu.region"() ({
        %run_scoped3A = tpu.sem_alloc : memref<!tpu.dma_semaphore, #tpu.memory_space<semaphore_mem>>
        %dma_start3A_67 = arith.constant 0 : i32
        %dma_start3A_68 = arith.constant 0 : i32
        %dma_start3A_69 = tpu.memref_slice %arg10[%dma_start3A_67, %dma_start3A_68] : memref<10240x128xf32, #tpu.memory_space<vmem_shared>> -> memref<10240x128xf32, #tpu.memory_space<vmem_shared>>
        tpu.enqueue_indirect_dma source(%arg9 : memref<128x128xf32, #tpu.memory_space<vmem>>) target(%dma_start3A_69 : memref<10240x128xf32, #tpu.memory_space<vmem_shared>>) offsets(%arg7 : memref<128xi32, #tpu.memory_space<vmem>>) semaphore(%run_scoped3A : memref<!tpu.dma_semaphore, #tpu.memory_space<semaphore_mem>>) {add = true}
        %dma_wait3A_70 = arith.constant 0 : i32
        %dma_wait3A_71 = arith.constant 0 : i32
        %dma_wait3A_72 = tpu.memref_slice %arg10[%dma_wait3A_70, %dma_wait3A_71] : memref<10240x128xf32, #tpu.memory_space<vmem_shared>> -> memref<10240x128xf32, #tpu.memory_space<vmem_shared>>
        tpu.wait_indirect_dma semaphore(%run_scoped3A : memref<!tpu.dma_semaphore, #tpu.memory_space<semaphore_mem>>) src(%arg9 : memref<128x128xf32, #tpu.memory_space<vmem>>) dst(%dma_wait3A_72 : memref<10240x128xf32, #tpu.memory_space<vmem_shared>>)
        tpu.yield
      }) : () -> ()
      %add3A_59 = arith.constant 2 : i32
      %add3A_60 = arith.addi %add3A_51, %add3A_59 : i32
      %lt3A_61 = arith.constant 40 : i32
      %lt3A_62 = arith.cmpi slt, %add3A_60, %lt3A_61 : i32
      %convert_element_type3A_63 = arith.extui %lt3A_62 : i1 to i32
      %cond3A_64 = arith.constant 0 : i32
      %cond3A_65 = arith.cmpi ne, %convert_element_type3A_63, %cond3A_64 : i32
      scf.if %cond3A_65 {
        %add3A_67 = arith.constant 2 : i32
        %add3A_68 = arith.addi %add3A_51, %add3A_67 : i32
        %mul3A_69 = arith.constant 128 : i32
        %mul3A_70 = arith.muli %add3A_68, %mul3A_69 : i32
        %add3A_71 = arith.addi %mul3A_6, %mul3A_70 : i32
        "tpu.region"() ({
          %run_scoped3A = tpu.sem_alloc : memref<!tpu.dma_semaphore, #tpu.memory_space<semaphore_mem>>
          %dma_start3A_76 = tpu.memref_slice %arg3[%add3A_71] : memref<163840xi32, #tpu.memory_space<hbm>> -> memref<128xi32, #tpu.memory_space<hbm>>
          %dma_start3A_77 = tpu.memref_slice %arg3[%add3A_71] : memref<163840xi32, #tpu.memory_space<hbm>> -> memref<128xi32, #tpu.memory_space<hbm>>
          tpu.enqueue_dma source(%dma_start3A_77 : memref<128xi32, #tpu.memory_space<hbm>>) target(%arg7 : memref<128xi32, #tpu.memory_space<vmem>>) target_semaphore(%run_scoped3A : memref<!tpu.dma_semaphore, #tpu.memory_space<semaphore_mem>>)
          %dma_wait3A_78 = tpu.memref_slice %arg3[%add3A_71] : memref<163840xi32, #tpu.memory_space<hbm>> -> memref<128xi32, #tpu.memory_space<hbm>>
          %dma_wait3A_79 = tpu.memref_slice %arg3[%add3A_71] : memref<163840xi32, #tpu.memory_space<hbm>> -> memref<128xi32, #tpu.memory_space<hbm>>
          tpu.wait_dma2 semaphore(%run_scoped3A : memref<!tpu.dma_semaphore, #tpu.memory_space<semaphore_mem>>) src(%dma_wait3A_79 : memref<128xi32, #tpu.memory_space<hbm>>) dst(%arg7 : memref<128xi32, #tpu.memory_space<vmem>>)
          tpu.yield
        }) : () -> ()
        %dma_start3A_72 = arith.constant 0 : i32
        %dma_start3A_73 = tpu.memref_slice %arg2[%add3A_71, %dma_start3A_72] : memref<163840x128xf32, #tpu.memory_space<hbm>> -> memref<128x128xf32, #tpu.memory_space<hbm>>
        %dma_start3A_74 = arith.constant 0 : i32
        %dma_start3A_75 = tpu.memref_slice %arg2[%add3A_71, %dma_start3A_74] : memref<163840x128xf32, #tpu.memory_space<hbm>> -> memref<128x128xf32, #tpu.memory_space<hbm>>
        tpu.enqueue_dma source(%dma_start3A_75 : memref<128x128xf32, #tpu.memory_space<hbm>>) target(%arg9 : memref<128x128xf32, #tpu.memory_space<vmem>>) target_semaphore(%arg12 : memref<!tpu.dma_semaphore, #tpu.memory_space<semaphore_mem>>)
      } else {
      }
      %scan3A_66 = arith.constant 0 : i32
      scf.yield %scan3A_66 : i32
    }
    %scan3A_23 = arith.constant 20 : i32
    %barrier3A_24 = arith.constant 0 : index
    tpu.barrier barrier_id(%barrier3A_24)
    %mul3A_25 = arith.constant 640 : i32
    %mul3A_26 = arith.muli %arg1, %mul3A_25 : i32
    %mul3A_27 = arith.constant 10240 : i32
    %mul3A_28 = arith.muli %arg0, %mul3A_27 : i32
    %mul3A_29 = arith.constant 640 : i32
    %mul3A_30 = arith.muli %arg1, %mul3A_29 : i32
    %add3A_31 = arith.addi %mul3A_28, %mul3A_30 : i32
    "tpu.region"() ({
      %run_scoped3A = tpu.sem_alloc : memref<!tpu.dma_semaphore, #tpu.memory_space<semaphore_mem>>
      %dma_start3A_32 = arith.constant 0 : i32
      %dma_start3A_33 = tpu.memref_slice %arg5[%add3A_31, %dma_start3A_32] : memref<20480x128xf32, #tpu.memory_space<hbm>> -> memref<640x128xf32, #tpu.memory_space<hbm>>
      %dma_start3A_34 = arith.constant 0 : i32
      %dma_start3A_35 = tpu.memref_slice %arg10[%mul3A_26, %dma_start3A_34] : memref<10240x128xf32, #tpu.memory_space<vmem_shared>> -> memref<640x128xf32, #tpu.memory_space<vmem_shared>>
      tpu.enqueue_dma source(%dma_start3A_35 : memref<640x128xf32, #tpu.memory_space<vmem_shared>>) target(%dma_start3A_33 : memref<640x128xf32, #tpu.memory_space<hbm>>) target_semaphore(%run_scoped3A : memref<!tpu.dma_semaphore, #tpu.memory_space<semaphore_mem>>)
      %dma_wait3A = arith.constant 0 : i32
      %dma_wait3A_36 = tpu.memref_slice %arg5[%add3A_31, %dma_wait3A] : memref<20480x128xf32, #tpu.memory_space<hbm>> -> memref<640x128xf32, #tpu.memory_space<hbm>>
      %dma_wait3A_37 = arith.constant 0 : i32
      %dma_wait3A_38 = tpu.memref_slice %arg10[%mul3A_26, %dma_wait3A_37] : memref<10240x128xf32, #tpu.memory_space<vmem_shared>> -> memref<640x128xf32, #tpu.memory_space<vmem_shared>>
      tpu.wait_dma2 semaphore(%run_scoped3A : memref<!tpu.dma_semaphore, #tpu.memory_space<semaphore_mem>>) src(%dma_wait3A_38 : memref<640x128xf32, #tpu.memory_space<vmem_shared>>) dst(%dma_wait3A_36 : memref<640x128xf32, #tpu.memory_space<hbm>>)
      tpu.yield
    }) : () -> ()
    return
  }
}

#map = affine_map<(d0, d1) -> (0)>
#map1 = affine_map<(d0, d1) -> (0, 0)>
module attributes {stable_mosaic.version = 14 : i64} {
  func.func @_sc_wg(%arg0: i32, %arg1: i32, %arg2: memref<40960xf32, #tpu.memory_space<hbm>>, %arg3: memref<327680xf32, #tpu.memory_space<hbm>>, %arg4: memref<10000x128xf32, #tpu.memory_space<hbm>>, %arg5: memref<163840xi32, #tpu.memory_space<hbm>>, %arg6: memref<163840xi32, #tpu.memory_space<hbm>>, %arg7: memref<163840xf32, #tpu.memory_space<hbm>>, %arg8: memref<163840x128xf32, #tpu.memory_space<hbm>>, %arg9: memref<128xi32, #tpu.memory_space<vmem>>, %arg10: memref<128xi32, #tpu.memory_space<vmem>>, %arg11: memref<128xi32, #tpu.memory_space<vmem>>, %arg12: memref<256xf32, #tpu.memory_space<vmem>>, %arg13: memref<128xf32, #tpu.memory_space<vmem>>, %arg14: memref<40960xf32, #tpu.memory_space<vmem>>, %arg15: memref<20480xf32, #tpu.memory_space<vmem>>, %arg16: memref<128x128xf32, #tpu.memory_space<vmem>>, %arg17: memref<128x128xf32, #tpu.memory_space<vmem>>, %arg18: memref<!tpu.dma_semaphore, #tpu.memory_space<semaphore_mem>>, %arg19: memref<!tpu.dma_semaphore, #tpu.memory_space<semaphore_mem>>) attributes {dimension_semantics = [#tpu.dimension_semantics<core_parallel>, #tpu.dimension_semantics<subcore_parallel>], iteration_bounds = array<i64: 2, 16>, scalar_prefetch = 0 : i64, scratch_operands = 11 : i64, tpu.core_type = #tpu.core_type<sc_vector_subcore>, window_params = [{transform_indices = #map}, {transform_indices = #map}, {transform_indices = #map1}, {transform_indices = #map}, {transform_indices = #map}, {transform_indices = #map}, {transform_indices = #map1}]} {
    "tpu.region"() ({
      %run_scoped3A = tpu.sem_alloc : memref<!tpu.dma_semaphore, #tpu.memory_space<semaphore_mem>>
      tpu.enqueue_dma source(%arg2 : memref<40960xf32, #tpu.memory_space<hbm>>) target(%arg14 : memref<40960xf32, #tpu.memory_space<vmem>>) target_semaphore(%run_scoped3A : memref<!tpu.dma_semaphore, #tpu.memory_space<semaphore_mem>>)
      tpu.wait_dma2 semaphore(%run_scoped3A : memref<!tpu.dma_semaphore, #tpu.memory_space<semaphore_mem>>) src(%arg2 : memref<40960xf32, #tpu.memory_space<hbm>>) dst(%arg14 : memref<40960xf32, #tpu.memory_space<vmem>>)
      tpu.yield
    }) : () -> ()
    %scan3A = arith.constant 0 : i32
    %scan3A_0 = arith.constant 0 : i32
    %scan3A_1 = arith.constant 1280 : i32
    %scan3A_2 = arith.addi %scan3A_0, %scan3A_1 : i32
    %scan3A_3 = arith.constant 1 : i32
    %scan3A_4 = scf.for %scan3A_25 = %scan3A_0 to %scan3A_2 step %scan3A_3 iter_args(%scan3A_26 = %scan3A) -> (i32)  : i32 {
      %mul3A_27 = arith.constant 16 : i32
      %mul3A_28 = arith.muli %scan3A_25, %mul3A_27 : i32
      %mul3A_29 = arith.constant 16 : i32
      %mul3A_30 = arith.muli %scan3A_25, %mul3A_29 : i32
      %add3A_31 = arith.constant 20480 : i32
      %add3A_32 = arith.addi %add3A_31, %mul3A_30 : i32
      %get3A = arith.index_cast %mul3A_28 : i32 to index
      %get3A_33 = tpu.vector_load %arg14[%get3A] {strides = array<i32>} : memref<40960xf32, #tpu.memory_space<vmem>>, vector<16xf32>,
      %get3A_34 = arith.index_cast %add3A_32 : i32 to index
      %get3A_35 = tpu.vector_load %arg14[%get3A_34] {strides = array<i32>} : memref<40960xf32, #tpu.memory_space<vmem>>, vector<16xf32>,
      %add3A_36 = arith.addf %get3A_33, %get3A_35 : vector<16xf32>
      %add3A_37 = arith.constant 1.000000e-16 : f32
      %add3A_38 = vector.broadcast %add3A_37 : f32 to vector<16xf32>
      %add3A_39 = arith.addf %add3A_36, %add3A_38 : vector<16xf32>
      %div3A = arith.constant 5.000000e-01 : f32
      %div3A_40 = vector.broadcast %div3A : f32 to vector<16xf32>
      %div3A_41 = arith.divf %div3A_40, %add3A_39 : vector<16xf32>
      %swap3A = arith.index_cast %mul3A_28 : i32 to index
      %swap3A_42 = tpu.vector_load %arg15[%swap3A] {strides = array<i32>} : memref<20480xf32, #tpu.memory_space<vmem>>, vector<16xf32>,
      tpu.vector_store %arg15[%swap3A], %div3A_41 {strides = array<i32>} : memref<20480xf32, #tpu.memory_space<vmem>>, vector<16xf32>,
      %scan3A_43 = arith.constant 0 : i32
      scf.yield %scan3A_43 : i32
    }
    %scan3A_5 = arith.constant 1280 : i32
    %mul3A = arith.constant 2 : i32
    %mul3A_6 = arith.muli %arg1, %mul3A : i32
    %add3A = arith.addi %mul3A_6, %arg0 : i32
    %mul3A_7 = arith.constant 5120 : i32
    %mul3A_8 = arith.muli %add3A, %mul3A_7 : i32
    %iota3A = tpu.iota {dimensions = array<i32: 0>} : vector<16xi32>
    %add3A_9 = arith.constant 0 : i32
    %add3A_10 = arith.addi %mul3A_8, %add3A_9 : i32
    "tpu.region"() ({
      %run_scoped3A = tpu.sem_alloc : memref<!tpu.dma_semaphore, #tpu.memory_space<semaphore_mem>>
      %dma_start3A_25 = tpu.memref_slice %arg5[%add3A_10] : memref<163840xi32, #tpu.memory_space<hbm>> -> memref<128xi32, #tpu.memory_space<hbm>>
      %dma_start3A_26 = tpu.memref_slice %arg5[%add3A_10] : memref<163840xi32, #tpu.memory_space<hbm>> -> memref<128xi32, #tpu.memory_space<hbm>>
      tpu.enqueue_dma source(%dma_start3A_26 : memref<128xi32, #tpu.memory_space<hbm>>) target(%arg9 : memref<128xi32, #tpu.memory_space<vmem>>) target_semaphore(%run_scoped3A : memref<!tpu.dma_semaphore, #tpu.memory_space<semaphore_mem>>)
      %dma_wait3A = tpu.memref_slice %arg5[%add3A_10] : memref<163840xi32, #tpu.memory_space<hbm>> -> memref<128xi32, #tpu.memory_space<hbm>>
      %dma_wait3A_27 = tpu.memref_slice %arg5[%add3A_10] : memref<163840xi32, #tpu.memory_space<hbm>> -> memref<128xi32, #tpu.memory_space<hbm>>
      tpu.wait_dma2 semaphore(%run_scoped3A : memref<!tpu.dma_semaphore, #tpu.memory_space<semaphore_mem>>) src(%dma_wait3A_27 : memref<128xi32, #tpu.memory_space<hbm>>) dst(%arg9 : memref<128xi32, #tpu.memory_space<vmem>>)
      tpu.yield
    }) : () -> ()
    %dma_start3A = arith.constant 0 : i32
    %dma_start3A_11 = arith.constant 0 : i32
    %dma_start3A_12 = tpu.memref_slice %arg4[%dma_start3A, %dma_start3A_11] : memref<10000x128xf32, #tpu.memory_space<hbm>> -> memref<10000x128xf32, #tpu.memory_space<hbm>>
    tpu.enqueue_indirect_dma source(%dma_start3A_12 : memref<10000x128xf32, #tpu.memory_space<hbm>>) target(%arg16 : memref<128x128xf32, #tpu.memory_space<vmem>>) offsets(%arg9 : memref<128xi32, #tpu.memory_space<vmem>>) semaphore(%arg18 : memref<!tpu.dma_semaphore, #tpu.memory_space<semaphore_mem>>)
    %add3A_13 = arith.constant 128 : i32
    %add3A_14 = arith.addi %mul3A_8, %add3A_13 : i32
    "tpu.region"() ({
      %run_scoped3A = tpu.sem_alloc : memref<!tpu.dma_semaphore, #tpu.memory_space<semaphore_mem>>
      %dma_start3A_25 = tpu.memref_slice %arg5[%add3A_14] : memref<163840xi32, #tpu.memory_space<hbm>> -> memref<128xi32, #tpu.memory_space<hbm>>
      %dma_start3A_26 = tpu.memref_slice %arg5[%add3A_14] : memref<163840xi32, #tpu.memory_space<hbm>> -> memref<128xi32, #tpu.memory_space<hbm>>
      tpu.enqueue_dma source(%dma_start3A_26 : memref<128xi32, #tpu.memory_space<hbm>>) target(%arg10 : memref<128xi32, #tpu.memory_space<vmem>>) target_semaphore(%run_scoped3A : memref<!tpu.dma_semaphore, #tpu.memory_space<semaphore_mem>>)
      %dma_wait3A = tpu.memref_slice %arg5[%add3A_14] : memref<163840xi32, #tpu.memory_space<hbm>> -> memref<128xi32, #tpu.memory_space<hbm>>
      %dma_wait3A_27 = tpu.memref_slice %arg5[%add3A_14] : memref<163840xi32, #tpu.memory_space<hbm>> -> memref<128xi32, #tpu.memory_space<hbm>>
      tpu.wait_dma2 semaphore(%run_scoped3A : memref<!tpu.dma_semaphore, #tpu.memory_space<semaphore_mem>>) src(%dma_wait3A_27 : memref<128xi32, #tpu.memory_space<hbm>>) dst(%arg10 : memref<128xi32, #tpu.memory_space<vmem>>)
      tpu.yield
    }) : () -> ()
    %dma_start3A_15 = arith.constant 0 : i32
    %dma_start3A_16 = arith.constant 0 : i32
    %dma_start3A_17 = tpu.memref_slice %arg4[%dma_start3A_15, %dma_start3A_16] : memref<10000x128xf32, #tpu.memory_space<hbm>> -> memref<10000x128xf32, #tpu.memory_space<hbm>>
    tpu.enqueue_indirect_dma source(%dma_start3A_17 : memref<10000x128xf32, #tpu.memory_space<hbm>>) target(%arg17 : memref<128x128xf32, #tpu.memory_space<vmem>>) offsets(%arg10 : memref<128xi32, #tpu.memory_space<vmem>>) semaphore(%arg19 : memref<!tpu.dma_semaphore, #tpu.memory_space<semaphore_mem>>)
    %scan3A_18 = arith.constant 0 : i32
    %scan3A_19 = arith.constant 0 : i32
    %scan3A_20 = arith.constant 20 : i32
    %scan3A_21 = arith.addi %scan3A_19, %scan3A_20 : i32
    %scan3A_22 = arith.constant 1 : i32
    %scan3A_23 = scf.for %scan3A_25 = %scan3A_19 to %scan3A_21 step %scan3A_22 iter_args(%scan3A_26 = %scan3A_18) -> (i32)  : i32 {
      %mul3A_27 = arith.constant 2 : i32
      %mul3A_28 = arith.muli %mul3A_27, %scan3A_25 : i32
      %add3A_29 = arith.constant 0 : i32
      %add3A_30 = arith.addi %mul3A_28, %add3A_29 : i32
      %mul3A_31 = arith.constant 128 : i32
      %mul3A_32 = arith.muli %add3A_30, %mul3A_31 : i32
      %add3A_33 = arith.addi %mul3A_8, %mul3A_32 : i32
      "tpu.region"() ({
        %run_scoped3A = tpu.sem_alloc : memref<!tpu.dma_semaphore, #tpu.memory_space<semaphore_mem>>
        %dma_start3A_523 = tpu.memref_slice %arg6[%add3A_33] : memref<163840xi32, #tpu.memory_space<hbm>> -> memref<128xi32, #tpu.memory_space<hbm>>
        %dma_start3A_524 = tpu.memref_slice %arg6[%add3A_33] : memref<163840xi32, #tpu.memory_space<hbm>> -> memref<128xi32, #tpu.memory_space<hbm>>
        tpu.enqueue_dma source(%dma_start3A_524 : memref<128xi32, #tpu.memory_space<hbm>>) target(%arg11 : memref<128xi32, #tpu.memory_space<vmem>>) target_semaphore(%run_scoped3A : memref<!tpu.dma_semaphore, #tpu.memory_space<semaphore_mem>>)
        %dma_wait3A_525 = tpu.memref_slice %arg6[%add3A_33] : memref<163840xi32, #tpu.memory_space<hbm>> -> memref<128xi32, #tpu.memory_space<hbm>>
        %dma_wait3A_526 = tpu.memref_slice %arg6[%add3A_33] : memref<163840xi32, #tpu.memory_space<hbm>> -> memref<128xi32, #tpu.memory_space<hbm>>
        tpu.wait_dma2 semaphore(%run_scoped3A : memref<!tpu.dma_semaphore, #tpu.memory_space<semaphore_mem>>) src(%dma_wait3A_526 : memref<128xi32, #tpu.memory_space<hbm>>) dst(%arg11 : memref<128xi32, #tpu.memory_space<vmem>>)
        tpu.yield
      }) : () -> ()
      %mul3A_34 = arith.constant 2 : i32
      %mul3A_35 = arith.muli %mul3A_34, %add3A_33 : i32
      "tpu.region"() ({
        %run_scoped3A = tpu.sem_alloc : memref<!tpu.dma_semaphore, #tpu.memory_space<semaphore_mem>>
        %dma_start3A_523 = tpu.memref_slice %arg3[%mul3A_35] : memref<327680xf32, #tpu.memory_space<hbm>> -> memref<256xf32, #tpu.memory_space<hbm>>
        %dma_start3A_524 = tpu.memref_slice %arg3[%mul3A_35] : memref<327680xf32, #tpu.memory_space<hbm>> -> memref<256xf32, #tpu.memory_space<hbm>>
        tpu.enqueue_dma source(%dma_start3A_524 : memref<256xf32, #tpu.memory_space<hbm>>) target(%arg12 : memref<256xf32, #tpu.memory_space<vmem>>) target_semaphore(%run_scoped3A : memref<!tpu.dma_semaphore, #tpu.memory_space<semaphore_mem>>)
        %dma_wait3A_525 = tpu.memref_slice %arg3[%mul3A_35] : memref<327680xf32, #tpu.memory_space<hbm>> -> memref<256xf32, #tpu.memory_space<hbm>>
        %dma_wait3A_526 = tpu.memref_slice %arg3[%mul3A_35] : memref<327680xf32, #tpu.memory_space<hbm>> -> memref<256xf32, #tpu.memory_space<hbm>>
        tpu.wait_dma2 semaphore(%run_scoped3A : memref<!tpu.dma_semaphore, #tpu.memory_space<semaphore_mem>>) src(%dma_wait3A_526 : memref<256xf32, #tpu.memory_space<hbm>>) dst(%arg12 : memref<256xf32, #tpu.memory_space<vmem>>)
        tpu.yield
      }) : () -> ()
      %get3A = arith.constant 0 : index
      %get3A_36 = tpu.vector_load %arg11[%get3A] {strides = array<i32>} : memref<128xi32, #tpu.memory_space<vmem>>, vector<16xi32>,
      %add3A_37 = arith.constant 0 : i32
      %add3A_38 = vector.broadcast %add3A_37 : i32 to vector<16xi32>
      %add3A_39 = arith.addi %add3A_38, %iota3A : vector<16xi32>
      %mul3A_40 = arith.constant 2 : i32
      %mul3A_41 = vector.broadcast %mul3A_40 : i32 to vector<16xi32>
      %mul3A_42 = arith.muli %mul3A_41, %add3A_39 : vector<16xi32>
      %mul3A_43 = arith.constant 2 : i32
      %mul3A_44 = vector.broadcast %mul3A_43 : i32 to vector<16xi32>
      %mul3A_45 = arith.muli %get3A_36, %mul3A_44 : vector<16xi32>
      %gather3A = tpu.vector_load_idx %arg15[%mul3A_45] : memref<20480xf32, #tpu.memory_space<vmem>>[vector<16xi32>], vector<16xf32>,
      %mul3A_46 = arith.constant 2 : i32
      %mul3A_47 = vector.broadcast %mul3A_46 : i32 to vector<16xi32>
      %mul3A_48 = arith.muli %get3A_36, %mul3A_47 : vector<16xi32>
      %add3A_49 = arith.constant 1 : i32
      %add3A_50 = vector.broadcast %add3A_49 : i32 to vector<16xi32>
      %add3A_51 = arith.addi %mul3A_48, %add3A_50 : vector<16xi32>
      %gather3A_52 = tpu.vector_load_idx %arg15[%add3A_51] : memref<20480xf32, #tpu.memory_space<vmem>>[vector<16xi32>], vector<16xf32>,
      %gather3A_53 = tpu.vector_load_idx %arg12[%mul3A_42] : memref<256xf32, #tpu.memory_space<vmem>>[vector<16xi32>], vector<16xf32>,
      %add3A_54 = arith.constant 1 : i32
      %add3A_55 = vector.broadcast %add3A_54 : i32 to vector<16xi32>
      %add3A_56 = arith.addi %mul3A_42, %add3A_55 : vector<16xi32>
      %gather3A_57 = tpu.vector_load_idx %arg12[%add3A_56] : memref<256xf32, #tpu.memory_space<vmem>>[vector<16xi32>], vector<16xf32>,
      %mul3A_58 = arith.mulf %gather3A_53, %gather3A : vector<16xf32>
      %mul3A_59 = arith.mulf %gather3A_57, %gather3A_52 : vector<16xf32>
      %add3A_60 = arith.addf %mul3A_58, %mul3A_59 : vector<16xf32>
      %swap3A = arith.constant 0 : index
      %swap3A_61 = tpu.vector_load %arg13[%swap3A] {strides = array<i32>} : memref<128xf32, #tpu.memory_space<vmem>>, vector<16xf32>,
      tpu.vector_store %arg13[%swap3A], %add3A_60 {strides = array<i32>} : memref<128xf32, #tpu.memory_space<vmem>>, vector<16xf32>,
      %get3A_62 = arith.constant 16 : index
      %get3A_63 = tpu.vector_load %arg11[%get3A_62] {strides = array<i32>} : memref<128xi32, #tpu.memory_space<vmem>>, vector<16xi32>,
      %add3A_64 = arith.constant 16 : i32
      %add3A_65 = vector.broadcast %add3A_64 : i32 to vector<16xi32>
      %add3A_66 = arith.addi %add3A_65, %iota3A : vector<16xi32>
      %mul3A_67 = arith.constant 2 : i32
      %mul3A_68 = vector.broadcast %mul3A_67 : i32 to vector<16xi32>
      %mul3A_69 = arith.muli %mul3A_68, %add3A_66 : vector<16xi32>
      %mul3A_70 = arith.constant 2 : i32
      %mul3A_71 = vector.broadcast %mul3A_70 : i32 to vector<16xi32>
      %mul3A_72 = arith.muli %get3A_63, %mul3A_71 : vector<16xi32>
      %gather3A_73 = tpu.vector_load_idx %arg15[%mul3A_72] : memref<20480xf32, #tpu.memory_space<vmem>>[vector<16xi32>], vector<16xf32>,
      %mul3A_74 = arith.constant 2 : i32
      %mul3A_75 = vector.broadcast %mul3A_74 : i32 to vector<16xi32>
      %mul3A_76 = arith.muli %get3A_63, %mul3A_75 : vector<16xi32>
      %add3A_77 = arith.constant 1 : i32
      %add3A_78 = vector.broadcast %add3A_77 : i32 to vector<16xi32>
      %add3A_79 = arith.addi %mul3A_76, %add3A_78 : vector<16xi32>
      %gather3A_80 = tpu.vector_load_idx %arg15[%add3A_79] : memref<20480xf32, #tpu.memory_space<vmem>>[vector<16xi32>], vector<16xf32>,
      %gather3A_81 = tpu.vector_load_idx %arg12[%mul3A_69] : memref<256xf32, #tpu.memory_space<vmem>>[vector<16xi32>], vector<16xf32>,
      %add3A_82 = arith.constant 1 : i32
      %add3A_83 = vector.broadcast %add3A_82 : i32 to vector<16xi32>
      %add3A_84 = arith.addi %mul3A_69, %add3A_83 : vector<16xi32>
      %gather3A_85 = tpu.vector_load_idx %arg12[%add3A_84] : memref<256xf32, #tpu.memory_space<vmem>>[vector<16xi32>], vector<16xf32>,
      %mul3A_86 = arith.mulf %gather3A_81, %gather3A_73 : vector<16xf32>
      %mul3A_87 = arith.mulf %gather3A_85, %gather3A_80 : vector<16xf32>
      %add3A_88 = arith.addf %mul3A_86, %mul3A_87 : vector<16xf32>
      %swap3A_89 = arith.constant 16 : index
      %swap3A_90 = tpu.vector_load %arg13[%swap3A_89] {strides = array<i32>} : memref<128xf32, #tpu.memory_space<vmem>>, vector<16xf32>,
      tpu.vector_store %arg13[%swap3A_89], %add3A_88 {strides = array<i32>} : memref<128xf32, #tpu.memory_space<vmem>>, vector<16xf32>,
      %get3A_91 = arith.constant 32 : index
      %get3A_92 = tpu.vector_load %arg11[%get3A_91] {strides = array<i32>} : memref<128xi32, #tpu.memory_space<vmem>>, vector<16xi32>,
      %add3A_93 = arith.constant 32 : i32
      %add3A_94 = vector.broadcast %add3A_93 : i32 to vector<16xi32>
      %add3A_95 = arith.addi %add3A_94, %iota3A : vector<16xi32>
      %mul3A_96 = arith.constant 2 : i32
      %mul3A_97 = vector.broadcast %mul3A_96 : i32 to vector<16xi32>
      %mul3A_98 = arith.muli %mul3A_97, %add3A_95 : vector<16xi32>
      %mul3A_99 = arith.constant 2 : i32
      %mul3A_100 = vector.broadcast %mul3A_99 : i32 to vector<16xi32>
      %mul3A_101 = arith.muli %get3A_92, %mul3A_100 : vector<16xi32>
      %gather3A_102 = tpu.vector_load_idx %arg15[%mul3A_101] : memref<20480xf32, #tpu.memory_space<vmem>>[vector<16xi32>], vector<16xf32>,
      %mul3A_103 = arith.constant 2 : i32
      %mul3A_104 = vector.broadcast %mul3A_103 : i32 to vector<16xi32>
      %mul3A_105 = arith.muli %get3A_92, %mul3A_104 : vector<16xi32>
      %add3A_106 = arith.constant 1 : i32
      %add3A_107 = vector.broadcast %add3A_106 : i32 to vector<16xi32>
      %add3A_108 = arith.addi %mul3A_105, %add3A_107 : vector<16xi32>
      %gather3A_109 = tpu.vector_load_idx %arg15[%add3A_108] : memref<20480xf32, #tpu.memory_space<vmem>>[vector<16xi32>], vector<16xf32>,
      %gather3A_110 = tpu.vector_load_idx %arg12[%mul3A_98] : memref<256xf32, #tpu.memory_space<vmem>>[vector<16xi32>], vector<16xf32>,
      %add3A_111 = arith.constant 1 : i32
      %add3A_112 = vector.broadcast %add3A_111 : i32 to vector<16xi32>
      %add3A_113 = arith.addi %mul3A_98, %add3A_112 : vector<16xi32>
      %gather3A_114 = tpu.vector_load_idx %arg12[%add3A_113] : memref<256xf32, #tpu.memory_space<vmem>>[vector<16xi32>], vector<16xf32>,
      %mul3A_115 = arith.mulf %gather3A_110, %gather3A_102 : vector<16xf32>
      %mul3A_116 = arith.mulf %gather3A_114, %gather3A_109 : vector<16xf32>
      %add3A_117 = arith.addf %mul3A_115, %mul3A_116 : vector<16xf32>
      %swap3A_118 = arith.constant 32 : index
      %swap3A_119 = tpu.vector_load %arg13[%swap3A_118] {strides = array<i32>} : memref<128xf32, #tpu.memory_space<vmem>>, vector<16xf32>,
      tpu.vector_store %arg13[%swap3A_118], %add3A_117 {strides = array<i32>} : memref<128xf32, #tpu.memory_space<vmem>>, vector<16xf32>,
      %get3A_120 = arith.constant 48 : index
      %get3A_121 = tpu.vector_load %arg11[%get3A_120] {strides = array<i32>} : memref<128xi32, #tpu.memory_space<vmem>>, vector<16xi32>,
      %add3A_122 = arith.constant 48 : i32
      %add3A_123 = vector.broadcast %add3A_122 : i32 to vector<16xi32>
      %add3A_124 = arith.addi %add3A_123, %iota3A : vector<16xi32>
      %mul3A_125 = arith.constant 2 : i32
      %mul3A_126 = vector.broadcast %mul3A_125 : i32 to vector<16xi32>
      %mul3A_127 = arith.muli %mul3A_126, %add3A_124 : vector<16xi32>
      %mul3A_128 = arith.constant 2 : i32
      %mul3A_129 = vector.broadcast %mul3A_128 : i32 to vector<16xi32>
      %mul3A_130 = arith.muli %get3A_121, %mul3A_129 : vector<16xi32>
      %gather3A_131 = tpu.vector_load_idx %arg15[%mul3A_130] : memref<20480xf32, #tpu.memory_space<vmem>>[vector<16xi32>], vector<16xf32>,
      %mul3A_132 = arith.constant 2 : i32
      %mul3A_133 = vector.broadcast %mul3A_132 : i32 to vector<16xi32>
      %mul3A_134 = arith.muli %get3A_121, %mul3A_133 : vector<16xi32>
      %add3A_135 = arith.constant 1 : i32
      %add3A_136 = vector.broadcast %add3A_135 : i32 to vector<16xi32>
      %add3A_137 = arith.addi %mul3A_134, %add3A_136 : vector<16xi32>
      %gather3A_138 = tpu.vector_load_idx %arg15[%add3A_137] : memref<20480xf32, #tpu.memory_space<vmem>>[vector<16xi32>], vector<16xf32>,
      %gather3A_139 = tpu.vector_load_idx %arg12[%mul3A_127] : memref<256xf32, #tpu.memory_space<vmem>>[vector<16xi32>], vector<16xf32>,
      %add3A_140 = arith.constant 1 : i32
      %add3A_141 = vector.broadcast %add3A_140 : i32 to vector<16xi32>
      %add3A_142 = arith.addi %mul3A_127, %add3A_141 : vector<16xi32>
      %gather3A_143 = tpu.vector_load_idx %arg12[%add3A_142] : memref<256xf32, #tpu.memory_space<vmem>>[vector<16xi32>], vector<16xf32>,
      %mul3A_144 = arith.mulf %gather3A_139, %gather3A_131 : vector<16xf32>
      %mul3A_145 = arith.mulf %gather3A_143, %gather3A_138 : vector<16xf32>
      %add3A_146 = arith.addf %mul3A_144, %mul3A_145 : vector<16xf32>
      %swap3A_147 = arith.constant 48 : index
      %swap3A_148 = tpu.vector_load %arg13[%swap3A_147] {strides = array<i32>} : memref<128xf32, #tpu.memory_space<vmem>>, vector<16xf32>,
      tpu.vector_store %arg13[%swap3A_147], %add3A_146 {strides = array<i32>} : memref<128xf32, #tpu.memory_space<vmem>>, vector<16xf32>,
      %get3A_149 = arith.constant 64 : index
      %get3A_150 = tpu.vector_load %arg11[%get3A_149] {strides = array<i32>} : memref<128xi32, #tpu.memory_space<vmem>>, vector<16xi32>,
      %add3A_151 = arith.constant 64 : i32
      %add3A_152 = vector.broadcast %add3A_151 : i32 to vector<16xi32>
      %add3A_153 = arith.addi %add3A_152, %iota3A : vector<16xi32>
      %mul3A_154 = arith.constant 2 : i32
      %mul3A_155 = vector.broadcast %mul3A_154 : i32 to vector<16xi32>
      %mul3A_156 = arith.muli %mul3A_155, %add3A_153 : vector<16xi32>
      %mul3A_157 = arith.constant 2 : i32
      %mul3A_158 = vector.broadcast %mul3A_157 : i32 to vector<16xi32>
      %mul3A_159 = arith.muli %get3A_150, %mul3A_158 : vector<16xi32>
      %gather3A_160 = tpu.vector_load_idx %arg15[%mul3A_159] : memref<20480xf32, #tpu.memory_space<vmem>>[vector<16xi32>], vector<16xf32>,
      %mul3A_161 = arith.constant 2 : i32
      %mul3A_162 = vector.broadcast %mul3A_161 : i32 to vector<16xi32>
      %mul3A_163 = arith.muli %get3A_150, %mul3A_162 : vector<16xi32>
      %add3A_164 = arith.constant 1 : i32
      %add3A_165 = vector.broadcast %add3A_164 : i32 to vector<16xi32>
      %add3A_166 = arith.addi %mul3A_163, %add3A_165 : vector<16xi32>
      %gather3A_167 = tpu.vector_load_idx %arg15[%add3A_166] : memref<20480xf32, #tpu.memory_space<vmem>>[vector<16xi32>], vector<16xf32>,
      %gather3A_168 = tpu.vector_load_idx %arg12[%mul3A_156] : memref<256xf32, #tpu.memory_space<vmem>>[vector<16xi32>], vector<16xf32>,
      %add3A_169 = arith.constant 1 : i32
      %add3A_170 = vector.broadcast %add3A_169 : i32 to vector<16xi32>
      %add3A_171 = arith.addi %mul3A_156, %add3A_170 : vector<16xi32>
      %gather3A_172 = tpu.vector_load_idx %arg12[%add3A_171] : memref<256xf32, #tpu.memory_space<vmem>>[vector<16xi32>], vector<16xf32>,
      %mul3A_173 = arith.mulf %gather3A_168, %gather3A_160 : vector<16xf32>
      %mul3A_174 = arith.mulf %gather3A_172, %gather3A_167 : vector<16xf32>
      %add3A_175 = arith.addf %mul3A_173, %mul3A_174 : vector<16xf32>
      %swap3A_176 = arith.constant 64 : index
      %swap3A_177 = tpu.vector_load %arg13[%swap3A_176] {strides = array<i32>} : memref<128xf32, #tpu.memory_space<vmem>>, vector<16xf32>,
      tpu.vector_store %arg13[%swap3A_176], %add3A_175 {strides = array<i32>} : memref<128xf32, #tpu.memory_space<vmem>>, vector<16xf32>,
      %get3A_178 = arith.constant 80 : index
      %get3A_179 = tpu.vector_load %arg11[%get3A_178] {strides = array<i32>} : memref<128xi32, #tpu.memory_space<vmem>>, vector<16xi32>,
      %add3A_180 = arith.constant 80 : i32
      %add3A_181 = vector.broadcast %add3A_180 : i32 to vector<16xi32>
      %add3A_182 = arith.addi %add3A_181, %iota3A : vector<16xi32>
      %mul3A_183 = arith.constant 2 : i32
      %mul3A_184 = vector.broadcast %mul3A_183 : i32 to vector<16xi32>
      %mul3A_185 = arith.muli %mul3A_184, %add3A_182 : vector<16xi32>
      %mul3A_186 = arith.constant 2 : i32
      %mul3A_187 = vector.broadcast %mul3A_186 : i32 to vector<16xi32>
      %mul3A_188 = arith.muli %get3A_179, %mul3A_187 : vector<16xi32>
      %gather3A_189 = tpu.vector_load_idx %arg15[%mul3A_188] : memref<20480xf32, #tpu.memory_space<vmem>>[vector<16xi32>], vector<16xf32>,
      %mul3A_190 = arith.constant 2 : i32
      %mul3A_191 = vector.broadcast %mul3A_190 : i32 to vector<16xi32>
      %mul3A_192 = arith.muli %get3A_179, %mul3A_191 : vector<16xi32>
      %add3A_193 = arith.constant 1 : i32
      %add3A_194 = vector.broadcast %add3A_193 : i32 to vector<16xi32>
      %add3A_195 = arith.addi %mul3A_192, %add3A_194 : vector<16xi32>
      %gather3A_196 = tpu.vector_load_idx %arg15[%add3A_195] : memref<20480xf32, #tpu.memory_space<vmem>>[vector<16xi32>], vector<16xf32>,
      %gather3A_197 = tpu.vector_load_idx %arg12[%mul3A_185] : memref<256xf32, #tpu.memory_space<vmem>>[vector<16xi32>], vector<16xf32>,
      %add3A_198 = arith.constant 1 : i32
      %add3A_199 = vector.broadcast %add3A_198 : i32 to vector<16xi32>
      %add3A_200 = arith.addi %mul3A_185, %add3A_199 : vector<16xi32>
      %gather3A_201 = tpu.vector_load_idx %arg12[%add3A_200] : memref<256xf32, #tpu.memory_space<vmem>>[vector<16xi32>], vector<16xf32>,
      %mul3A_202 = arith.mulf %gather3A_197, %gather3A_189 : vector<16xf32>
      %mul3A_203 = arith.mulf %gather3A_201, %gather3A_196 : vector<16xf32>
      %add3A_204 = arith.addf %mul3A_202, %mul3A_203 : vector<16xf32>
      %swap3A_205 = arith.constant 80 : index
      %swap3A_206 = tpu.vector_load %arg13[%swap3A_205] {strides = array<i32>} : memref<128xf32, #tpu.memory_space<vmem>>, vector<16xf32>,
      tpu.vector_store %arg13[%swap3A_205], %add3A_204 {strides = array<i32>} : memref<128xf32, #tpu.memory_space<vmem>>, vector<16xf32>,
      %get3A_207 = arith.constant 96 : index
      %get3A_208 = tpu.vector_load %arg11[%get3A_207] {strides = array<i32>} : memref<128xi32, #tpu.memory_space<vmem>>, vector<16xi32>,
      %add3A_209 = arith.constant 96 : i32
      %add3A_210 = vector.broadcast %add3A_209 : i32 to vector<16xi32>
      %add3A_211 = arith.addi %add3A_210, %iota3A : vector<16xi32>
      %mul3A_212 = arith.constant 2 : i32
      %mul3A_213 = vector.broadcast %mul3A_212 : i32 to vector<16xi32>
      %mul3A_214 = arith.muli %mul3A_213, %add3A_211 : vector<16xi32>
      %mul3A_215 = arith.constant 2 : i32
      %mul3A_216 = vector.broadcast %mul3A_215 : i32 to vector<16xi32>
      %mul3A_217 = arith.muli %get3A_208, %mul3A_216 : vector<16xi32>
      %gather3A_218 = tpu.vector_load_idx %arg15[%mul3A_217] : memref<20480xf32, #tpu.memory_space<vmem>>[vector<16xi32>], vector<16xf32>,
      %mul3A_219 = arith.constant 2 : i32
      %mul3A_220 = vector.broadcast %mul3A_219 : i32 to vector<16xi32>
      %mul3A_221 = arith.muli %get3A_208, %mul3A_220 : vector<16xi32>
      %add3A_222 = arith.constant 1 : i32
      %add3A_223 = vector.broadcast %add3A_222 : i32 to vector<16xi32>
      %add3A_224 = arith.addi %mul3A_221, %add3A_223 : vector<16xi32>
      %gather3A_225 = tpu.vector_load_idx %arg15[%add3A_224] : memref<20480xf32, #tpu.memory_space<vmem>>[vector<16xi32>], vector<16xf32>,
      %gather3A_226 = tpu.vector_load_idx %arg12[%mul3A_214] : memref<256xf32, #tpu.memory_space<vmem>>[vector<16xi32>], vector<16xf32>,
      %add3A_227 = arith.constant 1 : i32
      %add3A_228 = vector.broadcast %add3A_227 : i32 to vector<16xi32>
      %add3A_229 = arith.addi %mul3A_214, %add3A_228 : vector<16xi32>
      %gather3A_230 = tpu.vector_load_idx %arg12[%add3A_229] : memref<256xf32, #tpu.memory_space<vmem>>[vector<16xi32>], vector<16xf32>,
      %mul3A_231 = arith.mulf %gather3A_226, %gather3A_218 : vector<16xf32>
      %mul3A_232 = arith.mulf %gather3A_230, %gather3A_225 : vector<16xf32>
      %add3A_233 = arith.addf %mul3A_231, %mul3A_232 : vector<16xf32>
      %swap3A_234 = arith.constant 96 : index
      %swap3A_235 = tpu.vector_load %arg13[%swap3A_234] {strides = array<i32>} : memref<128xf32, #tpu.memory_space<vmem>>, vector<16xf32>,
      tpu.vector_store %arg13[%swap3A_234], %add3A_233 {strides = array<i32>} : memref<128xf32, #tpu.memory_space<vmem>>, vector<16xf32>,
      %get3A_236 = arith.constant 112 : index
      %get3A_237 = tpu.vector_load %arg11[%get3A_236] {strides = array<i32>} : memref<128xi32, #tpu.memory_space<vmem>>, vector<16xi32>,
      %add3A_238 = arith.constant 112 : i32
      %add3A_239 = vector.broadcast %add3A_238 : i32 to vector<16xi32>
      %add3A_240 = arith.addi %add3A_239, %iota3A : vector<16xi32>
      %mul3A_241 = arith.constant 2 : i32
      %mul3A_242 = vector.broadcast %mul3A_241 : i32 to vector<16xi32>
      %mul3A_243 = arith.muli %mul3A_242, %add3A_240 : vector<16xi32>
      %mul3A_244 = arith.constant 2 : i32
      %mul3A_245 = vector.broadcast %mul3A_244 : i32 to vector<16xi32>
      %mul3A_246 = arith.muli %get3A_237, %mul3A_245 : vector<16xi32>
      %gather3A_247 = tpu.vector_load_idx %arg15[%mul3A_246] : memref<20480xf32, #tpu.memory_space<vmem>>[vector<16xi32>], vector<16xf32>,
      %mul3A_248 = arith.constant 2 : i32
      %mul3A_249 = vector.broadcast %mul3A_248 : i32 to vector<16xi32>
      %mul3A_250 = arith.muli %get3A_237, %mul3A_249 : vector<16xi32>
      %add3A_251 = arith.constant 1 : i32
      %add3A_252 = vector.broadcast %add3A_251 : i32 to vector<16xi32>
      %add3A_253 = arith.addi %mul3A_250, %add3A_252 : vector<16xi32>
      %gather3A_254 = tpu.vector_load_idx %arg15[%add3A_253] : memref<20480xf32, #tpu.memory_space<vmem>>[vector<16xi32>], vector<16xf32>,
      %gather3A_255 = tpu.vector_load_idx %arg12[%mul3A_243] : memref<256xf32, #tpu.memory_space<vmem>>[vector<16xi32>], vector<16xf32>,
      %add3A_256 = arith.constant 1 : i32
      %add3A_257 = vector.broadcast %add3A_256 : i32 to vector<16xi32>
      %add3A_258 = arith.addi %mul3A_243, %add3A_257 : vector<16xi32>
      %gather3A_259 = tpu.vector_load_idx %arg12[%add3A_258] : memref<256xf32, #tpu.memory_space<vmem>>[vector<16xi32>], vector<16xf32>,
      %mul3A_260 = arith.mulf %gather3A_255, %gather3A_247 : vector<16xf32>
      %mul3A_261 = arith.mulf %gather3A_259, %gather3A_254 : vector<16xf32>
      %add3A_262 = arith.addf %mul3A_260, %mul3A_261 : vector<16xf32>
      %swap3A_263 = arith.constant 112 : index
      %swap3A_264 = tpu.vector_load %arg13[%swap3A_263] {strides = array<i32>} : memref<128xf32, #tpu.memory_space<vmem>>, vector<16xf32>,
      tpu.vector_store %arg13[%swap3A_263], %add3A_262 {strides = array<i32>} : memref<128xf32, #tpu.memory_space<vmem>>, vector<16xf32>,
      "tpu.region"() ({
        %run_scoped3A = tpu.sem_alloc : memref<!tpu.dma_semaphore, #tpu.memory_space<semaphore_mem>>
        %dma_start3A_523 = tpu.memref_slice %arg7[%add3A_33] : memref<163840xf32, #tpu.memory_space<hbm>> -> memref<128xf32, #tpu.memory_space<hbm>>
        %dma_start3A_524 = tpu.memref_slice %arg7[%add3A_33] : memref<163840xf32, #tpu.memory_space<hbm>> -> memref<128xf32, #tpu.memory_space<hbm>>
        tpu.enqueue_dma source(%arg13 : memref<128xf32, #tpu.memory_space<vmem>>) target(%dma_start3A_524 : memref<128xf32, #tpu.memory_space<hbm>>) target_semaphore(%run_scoped3A : memref<!tpu.dma_semaphore, #tpu.memory_space<semaphore_mem>>)
        %dma_wait3A_525 = tpu.memref_slice %arg7[%add3A_33] : memref<163840xf32, #tpu.memory_space<hbm>> -> memref<128xf32, #tpu.memory_space<hbm>>
        %dma_wait3A_526 = tpu.memref_slice %arg7[%add3A_33] : memref<163840xf32, #tpu.memory_space<hbm>> -> memref<128xf32, #tpu.memory_space<hbm>>
        tpu.wait_dma2 semaphore(%run_scoped3A : memref<!tpu.dma_semaphore, #tpu.memory_space<semaphore_mem>>) src(%arg13 : memref<128xf32, #tpu.memory_space<vmem>>) dst(%dma_wait3A_526 : memref<128xf32, #tpu.memory_space<hbm>>)
        tpu.yield
      }) : () -> ()
      %dma_wait3A = arith.constant 0 : i32
      %dma_wait3A_265 = arith.constant 0 : i32
      %dma_wait3A_266 = tpu.memref_slice %arg4[%dma_wait3A, %dma_wait3A_265] : memref<10000x128xf32, #tpu.memory_space<hbm>> -> memref<10000x128xf32, #tpu.memory_space<hbm>>
      tpu.wait_indirect_dma semaphore(%arg18 : memref<!tpu.dma_semaphore, #tpu.memory_space<semaphore_mem>>) src(%dma_wait3A_266 : memref<10000x128xf32, #tpu.memory_space<hbm>>) dst(%arg16 : memref<128x128xf32, #tpu.memory_space<vmem>>)
      "tpu.region"() ({
        %run_scoped3A = tpu.sem_alloc : memref<!tpu.dma_semaphore, #tpu.memory_space<semaphore_mem>>
        %dma_start3A_523 = arith.constant 0 : i32
        %dma_start3A_524 = tpu.memref_slice %arg8[%add3A_33, %dma_start3A_523] : memref<163840x128xf32, #tpu.memory_space<hbm>> -> memref<128x128xf32, #tpu.memory_space<hbm>>
        %dma_start3A_525 = arith.constant 0 : i32
        %dma_start3A_526 = tpu.memref_slice %arg8[%add3A_33, %dma_start3A_525] : memref<163840x128xf32, #tpu.memory_space<hbm>> -> memref<128x128xf32, #tpu.memory_space<hbm>>
        tpu.enqueue_dma source(%arg16 : memref<128x128xf32, #tpu.memory_space<vmem>>) target(%dma_start3A_526 : memref<128x128xf32, #tpu.memory_space<hbm>>) target_semaphore(%run_scoped3A : memref<!tpu.dma_semaphore, #tpu.memory_space<semaphore_mem>>)
        %dma_wait3A_527 = arith.constant 0 : i32
        %dma_wait3A_528 = tpu.memref_slice %arg8[%add3A_33, %dma_wait3A_527] : memref<163840x128xf32, #tpu.memory_space<hbm>> -> memref<128x128xf32, #tpu.memory_space<hbm>>
        %dma_wait3A_529 = arith.constant 0 : i32
        %dma_wait3A_530 = tpu.memref_slice %arg8[%add3A_33, %dma_wait3A_529] : memref<163840x128xf32, #tpu.memory_space<hbm>> -> memref<128x128xf32, #tpu.memory_space<hbm>>
        tpu.wait_dma2 semaphore(%run_scoped3A : memref<!tpu.dma_semaphore, #tpu.memory_space<semaphore_mem>>) src(%arg16 : memref<128x128xf32, #tpu.memory_space<vmem>>) dst(%dma_wait3A_530 : memref<128x128xf32, #tpu.memory_space<hbm>>)
        tpu.yield
      }) : () -> ()
      %add3A_267 = arith.constant 2 : i32
      %add3A_268 = arith.addi %add3A_30, %add3A_267 : i32
      %lt3A = arith.constant 40 : i32
      %lt3A_269 = arith.cmpi slt, %add3A_268, %lt3A : i32
      %convert_element_type3A = arith.extui %lt3A_269 : i1 to i32
      %cond3A = arith.constant 0 : i32
      %cond3A_270 = arith.cmpi ne, %convert_element_type3A, %cond3A : i32
      scf.if %cond3A_270 {
        %add3A_523 = arith.constant 2 : i32
        %add3A_524 = arith.addi %add3A_30, %add3A_523 : i32
        %mul3A_525 = arith.constant 128 : i32
        %mul3A_526 = arith.muli %add3A_524, %mul3A_525 : i32
        %add3A_527 = arith.addi %mul3A_8, %mul3A_526 : i32
        "tpu.region"() ({
          %run_scoped3A = tpu.sem_alloc : memref<!tpu.dma_semaphore, #tpu.memory_space<semaphore_mem>>
          %dma_start3A_531 = tpu.memref_slice %arg5[%add3A_527] : memref<163840xi32, #tpu.memory_space<hbm>> -> memref<128xi32, #tpu.memory_space<hbm>>
          %dma_start3A_532 = tpu.memref_slice %arg5[%add3A_527] : memref<163840xi32, #tpu.memory_space<hbm>> -> memref<128xi32, #tpu.memory_space<hbm>>
          tpu.enqueue_dma source(%dma_start3A_532 : memref<128xi32, #tpu.memory_space<hbm>>) target(%arg9 : memref<128xi32, #tpu.memory_space<vmem>>) target_semaphore(%run_scoped3A : memref<!tpu.dma_semaphore, #tpu.memory_space<semaphore_mem>>)
          %dma_wait3A_533 = tpu.memref_slice %arg5[%add3A_527] : memref<163840xi32, #tpu.memory_space<hbm>> -> memref<128xi32, #tpu.memory_space<hbm>>
          %dma_wait3A_534 = tpu.memref_slice %arg5[%add3A_527] : memref<163840xi32, #tpu.memory_space<hbm>> -> memref<128xi32, #tpu.memory_space<hbm>>
          tpu.wait_dma2 semaphore(%run_scoped3A : memref<!tpu.dma_semaphore, #tpu.memory_space<semaphore_mem>>) src(%dma_wait3A_534 : memref<128xi32, #tpu.memory_space<hbm>>) dst(%arg9 : memref<128xi32, #tpu.memory_space<vmem>>)
          tpu.yield
        }) : () -> ()
        %dma_start3A_528 = arith.constant 0 : i32
        %dma_start3A_529 = arith.constant 0 : i32
        %dma_start3A_530 = tpu.memref_slice %arg4[%dma_start3A_528, %dma_start3A_529] : memref<10000x128xf32, #tpu.memory_space<hbm>> -> memref<10000x128xf32, #tpu.memory_space<hbm>>
        tpu.enqueue_indirect_dma source(%dma_start3A_530 : memref<10000x128xf32, #tpu.memory_space<hbm>>) target(%arg16 : memref<128x128xf32, #tpu.memory_space<vmem>>) offsets(%arg9 : memref<128xi32, #tpu.memory_space<vmem>>) semaphore(%arg18 : memref<!tpu.dma_semaphore, #tpu.memory_space<semaphore_mem>>)
      } else {
      }
      %mul3A_271 = arith.constant 2 : i32
      %mul3A_272 = arith.muli %mul3A_271, %scan3A_25 : i32
      %add3A_273 = arith.constant 1 : i32
      %add3A_274 = arith.addi %mul3A_272, %add3A_273 : i32
      %mul3A_275 = arith.constant 128 : i32
      %mul3A_276 = arith.muli %add3A_274, %mul3A_275 : i32
      %add3A_277 = arith.addi %mul3A_8, %mul3A_276 : i32
      "tpu.region"() ({
        %run_scoped3A = tpu.sem_alloc : memref<!tpu.dma_semaphore, #tpu.memory_space<semaphore_mem>>
        %dma_start3A_523 = tpu.memref_slice %arg6[%add3A_277] : memref<163840xi32, #tpu.memory_space<hbm>> -> memref<128xi32, #tpu.memory_space<hbm>>
        %dma_start3A_524 = tpu.memref_slice %arg6[%add3A_277] : memref<163840xi32, #tpu.memory_space<hbm>> -> memref<128xi32, #tpu.memory_space<hbm>>
        tpu.enqueue_dma source(%dma_start3A_524 : memref<128xi32, #tpu.memory_space<hbm>>) target(%arg11 : memref<128xi32, #tpu.memory_space<vmem>>) target_semaphore(%run_scoped3A : memref<!tpu.dma_semaphore, #tpu.memory_space<semaphore_mem>>)
        %dma_wait3A_525 = tpu.memref_slice %arg6[%add3A_277] : memref<163840xi32, #tpu.memory_space<hbm>> -> memref<128xi32, #tpu.memory_space<hbm>>
        %dma_wait3A_526 = tpu.memref_slice %arg6[%add3A_277] : memref<163840xi32, #tpu.memory_space<hbm>> -> memref<128xi32, #tpu.memory_space<hbm>>
        tpu.wait_dma2 semaphore(%run_scoped3A : memref<!tpu.dma_semaphore, #tpu.memory_space<semaphore_mem>>) src(%dma_wait3A_526 : memref<128xi32, #tpu.memory_space<hbm>>) dst(%arg11 : memref<128xi32, #tpu.memory_space<vmem>>)
        tpu.yield
      }) : () -> ()
      %mul3A_278 = arith.constant 2 : i32
      %mul3A_279 = arith.muli %mul3A_278, %add3A_277 : i32
      "tpu.region"() ({
        %run_scoped3A = tpu.sem_alloc : memref<!tpu.dma_semaphore, #tpu.memory_space<semaphore_mem>>
        %dma_start3A_523 = tpu.memref_slice %arg3[%mul3A_279] : memref<327680xf32, #tpu.memory_space<hbm>> -> memref<256xf32, #tpu.memory_space<hbm>>
        %dma_start3A_524 = tpu.memref_slice %arg3[%mul3A_279] : memref<327680xf32, #tpu.memory_space<hbm>> -> memref<256xf32, #tpu.memory_space<hbm>>
        tpu.enqueue_dma source(%dma_start3A_524 : memref<256xf32, #tpu.memory_space<hbm>>) target(%arg12 : memref<256xf32, #tpu.memory_space<vmem>>) target_semaphore(%run_scoped3A : memref<!tpu.dma_semaphore, #tpu.memory_space<semaphore_mem>>)
        %dma_wait3A_525 = tpu.memref_slice %arg3[%mul3A_279] : memref<327680xf32, #tpu.memory_space<hbm>> -> memref<256xf32, #tpu.memory_space<hbm>>
        %dma_wait3A_526 = tpu.memref_slice %arg3[%mul3A_279] : memref<327680xf32, #tpu.memory_space<hbm>> -> memref<256xf32, #tpu.memory_space<hbm>>
        tpu.wait_dma2 semaphore(%run_scoped3A : memref<!tpu.dma_semaphore, #tpu.memory_space<semaphore_mem>>) src(%dma_wait3A_526 : memref<256xf32, #tpu.memory_space<hbm>>) dst(%arg12 : memref<256xf32, #tpu.memory_space<vmem>>)
        tpu.yield
      }) : () -> ()
      %get3A_280 = arith.constant 0 : index
      %get3A_281 = tpu.vector_load %arg11[%get3A_280] {strides = array<i32>} : memref<128xi32, #tpu.memory_space<vmem>>, vector<16xi32>,
      %add3A_282 = arith.constant 0 : i32
      %add3A_283 = vector.broadcast %add3A_282 : i32 to vector<16xi32>
      %add3A_284 = arith.addi %add3A_283, %iota3A : vector<16xi32>
      %mul3A_285 = arith.constant 2 : i32
      %mul3A_286 = vector.broadcast %mul3A_285 : i32 to vector<16xi32>
      %mul3A_287 = arith.muli %mul3A_286, %add3A_284 : vector<16xi32>
      %mul3A_288 = arith.constant 2 : i32
      %mul3A_289 = vector.broadcast %mul3A_288 : i32 to vector<16xi32>
      %mul3A_290 = arith.muli %get3A_281, %mul3A_289 : vector<16xi32>
      %gather3A_291 = tpu.vector_load_idx %arg15[%mul3A_290] : memref<20480xf32, #tpu.memory_space<vmem>>[vector<16xi32>], vector<16xf32>,
      %mul3A_292 = arith.constant 2 : i32
      %mul3A_293 = vector.broadcast %mul3A_292 : i32 to vector<16xi32>
      %mul3A_294 = arith.muli %get3A_281, %mul3A_293 : vector<16xi32>
      %add3A_295 = arith.constant 1 : i32
      %add3A_296 = vector.broadcast %add3A_295 : i32 to vector<16xi32>
      %add3A_297 = arith.addi %mul3A_294, %add3A_296 : vector<16xi32>
      %gather3A_298 = tpu.vector_load_idx %arg15[%add3A_297] : memref<20480xf32, #tpu.memory_space<vmem>>[vector<16xi32>], vector<16xf32>,
      %gather3A_299 = tpu.vector_load_idx %arg12[%mul3A_287] : memref<256xf32, #tpu.memory_space<vmem>>[vector<16xi32>], vector<16xf32>,
      %add3A_300 = arith.constant 1 : i32
      %add3A_301 = vector.broadcast %add3A_300 : i32 to vector<16xi32>
      %add3A_302 = arith.addi %mul3A_287, %add3A_301 : vector<16xi32>
      %gather3A_303 = tpu.vector_load_idx %arg12[%add3A_302] : memref<256xf32, #tpu.memory_space<vmem>>[vector<16xi32>], vector<16xf32>,
      %mul3A_304 = arith.mulf %gather3A_299, %gather3A_291 : vector<16xf32>
      %mul3A_305 = arith.mulf %gather3A_303, %gather3A_298 : vector<16xf32>
      %add3A_306 = arith.addf %mul3A_304, %mul3A_305 : vector<16xf32>
      %swap3A_307 = arith.constant 0 : index
      %swap3A_308 = tpu.vector_load %arg13[%swap3A_307] {strides = array<i32>} : memref<128xf32, #tpu.memory_space<vmem>>, vector<16xf32>,
      tpu.vector_store %arg13[%swap3A_307], %add3A_306 {strides = array<i32>} : memref<128xf32, #tpu.memory_space<vmem>>, vector<16xf32>,
      %get3A_309 = arith.constant 16 : index
      %get3A_310 = tpu.vector_load %arg11[%get3A_309] {strides = array<i32>} : memref<128xi32, #tpu.memory_space<vmem>>, vector<16xi32>,
      %add3A_311 = arith.constant 16 : i32
      %add3A_312 = vector.broadcast %add3A_311 : i32 to vector<16xi32>
      %add3A_313 = arith.addi %add3A_312, %iota3A : vector<16xi32>
      %mul3A_314 = arith.constant 2 : i32
      %mul3A_315 = vector.broadcast %mul3A_314 : i32 to vector<16xi32>
      %mul3A_316 = arith.muli %mul3A_315, %add3A_313 : vector<16xi32>
      %mul3A_317 = arith.constant 2 : i32
      %mul3A_318 = vector.broadcast %mul3A_317 : i32 to vector<16xi32>
      %mul3A_319 = arith.muli %get3A_310, %mul3A_318 : vector<16xi32>
      %gather3A_320 = tpu.vector_load_idx %arg15[%mul3A_319] : memref<20480xf32, #tpu.memory_space<vmem>>[vector<16xi32>], vector<16xf32>,
      %mul3A_321 = arith.constant 2 : i32
      %mul3A_322 = vector.broadcast %mul3A_321 : i32 to vector<16xi32>
      %mul3A_323 = arith.muli %get3A_310, %mul3A_322 : vector<16xi32>
      %add3A_324 = arith.constant 1 : i32
      %add3A_325 = vector.broadcast %add3A_324 : i32 to vector<16xi32>
      %add3A_326 = arith.addi %mul3A_323, %add3A_325 : vector<16xi32>
      %gather3A_327 = tpu.vector_load_idx %arg15[%add3A_326] : memref<20480xf32, #tpu.memory_space<vmem>>[vector<16xi32>], vector<16xf32>,
      %gather3A_328 = tpu.vector_load_idx %arg12[%mul3A_316] : memref<256xf32, #tpu.memory_space<vmem>>[vector<16xi32>], vector<16xf32>,
      %add3A_329 = arith.constant 1 : i32
      %add3A_330 = vector.broadcast %add3A_329 : i32 to vector<16xi32>
      %add3A_331 = arith.addi %mul3A_316, %add3A_330 : vector<16xi32>
      %gather3A_332 = tpu.vector_load_idx %arg12[%add3A_331] : memref<256xf32, #tpu.memory_space<vmem>>[vector<16xi32>], vector<16xf32>,
      %mul3A_333 = arith.mulf %gather3A_328, %gather3A_320 : vector<16xf32>
      %mul3A_334 = arith.mulf %gather3A_332, %gather3A_327 : vector<16xf32>
      %add3A_335 = arith.addf %mul3A_333, %mul3A_334 : vector<16xf32>
      %swap3A_336 = arith.constant 16 : index
      %swap3A_337 = tpu.vector_load %arg13[%swap3A_336] {strides = array<i32>} : memref<128xf32, #tpu.memory_space<vmem>>, vector<16xf32>,
      tpu.vector_store %arg13[%swap3A_336], %add3A_335 {strides = array<i32>} : memref<128xf32, #tpu.memory_space<vmem>>, vector<16xf32>,
      %get3A_338 = arith.constant 32 : index
      %get3A_339 = tpu.vector_load %arg11[%get3A_338] {strides = array<i32>} : memref<128xi32, #tpu.memory_space<vmem>>, vector<16xi32>,
      %add3A_340 = arith.constant 32 : i32
      %add3A_341 = vector.broadcast %add3A_340 : i32 to vector<16xi32>
      %add3A_342 = arith.addi %add3A_341, %iota3A : vector<16xi32>
      %mul3A_343 = arith.constant 2 : i32
      %mul3A_344 = vector.broadcast %mul3A_343 : i32 to vector<16xi32>
      %mul3A_345 = arith.muli %mul3A_344, %add3A_342 : vector<16xi32>
      %mul3A_346 = arith.constant 2 : i32
      %mul3A_347 = vector.broadcast %mul3A_346 : i32 to vector<16xi32>
      %mul3A_348 = arith.muli %get3A_339, %mul3A_347 : vector<16xi32>
      %gather3A_349 = tpu.vector_load_idx %arg15[%mul3A_348] : memref<20480xf32, #tpu.memory_space<vmem>>[vector<16xi32>], vector<16xf32>,
      %mul3A_350 = arith.constant 2 : i32
      %mul3A_351 = vector.broadcast %mul3A_350 : i32 to vector<16xi32>
      %mul3A_352 = arith.muli %get3A_339, %mul3A_351 : vector<16xi32>
      %add3A_353 = arith.constant 1 : i32
      %add3A_354 = vector.broadcast %add3A_353 : i32 to vector<16xi32>
      %add3A_355 = arith.addi %mul3A_352, %add3A_354 : vector<16xi32>
      %gather3A_356 = tpu.vector_load_idx %arg15[%add3A_355] : memref<20480xf32, #tpu.memory_space<vmem>>[vector<16xi32>], vector<16xf32>,
      %gather3A_357 = tpu.vector_load_idx %arg12[%mul3A_345] : memref<256xf32, #tpu.memory_space<vmem>>[vector<16xi32>], vector<16xf32>,
      %add3A_358 = arith.constant 1 : i32
      %add3A_359 = vector.broadcast %add3A_358 : i32 to vector<16xi32>
      %add3A_360 = arith.addi %mul3A_345, %add3A_359 : vector<16xi32>
      %gather3A_361 = tpu.vector_load_idx %arg12[%add3A_360] : memref<256xf32, #tpu.memory_space<vmem>>[vector<16xi32>], vector<16xf32>,
      %mul3A_362 = arith.mulf %gather3A_357, %gather3A_349 : vector<16xf32>
      %mul3A_363 = arith.mulf %gather3A_361, %gather3A_356 : vector<16xf32>
      %add3A_364 = arith.addf %mul3A_362, %mul3A_363 : vector<16xf32>
      %swap3A_365 = arith.constant 32 : index
      %swap3A_366 = tpu.vector_load %arg13[%swap3A_365] {strides = array<i32>} : memref<128xf32, #tpu.memory_space<vmem>>, vector<16xf32>,
      tpu.vector_store %arg13[%swap3A_365], %add3A_364 {strides = array<i32>} : memref<128xf32, #tpu.memory_space<vmem>>, vector<16xf32>,
      %get3A_367 = arith.constant 48 : index
      %get3A_368 = tpu.vector_load %arg11[%get3A_367] {strides = array<i32>} : memref<128xi32, #tpu.memory_space<vmem>>, vector<16xi32>,
      %add3A_369 = arith.constant 48 : i32
      %add3A_370 = vector.broadcast %add3A_369 : i32 to vector<16xi32>
      %add3A_371 = arith.addi %add3A_370, %iota3A : vector<16xi32>
      %mul3A_372 = arith.constant 2 : i32
      %mul3A_373 = vector.broadcast %mul3A_372 : i32 to vector<16xi32>
      %mul3A_374 = arith.muli %mul3A_373, %add3A_371 : vector<16xi32>
      %mul3A_375 = arith.constant 2 : i32
      %mul3A_376 = vector.broadcast %mul3A_375 : i32 to vector<16xi32>
      %mul3A_377 = arith.muli %get3A_368, %mul3A_376 : vector<16xi32>
      %gather3A_378 = tpu.vector_load_idx %arg15[%mul3A_377] : memref<20480xf32, #tpu.memory_space<vmem>>[vector<16xi32>], vector<16xf32>,
      %mul3A_379 = arith.constant 2 : i32
      %mul3A_380 = vector.broadcast %mul3A_379 : i32 to vector<16xi32>
      %mul3A_381 = arith.muli %get3A_368, %mul3A_380 : vector<16xi32>
      %add3A_382 = arith.constant 1 : i32
      %add3A_383 = vector.broadcast %add3A_382 : i32 to vector<16xi32>
      %add3A_384 = arith.addi %mul3A_381, %add3A_383 : vector<16xi32>
      %gather3A_385 = tpu.vector_load_idx %arg15[%add3A_384] : memref<20480xf32, #tpu.memory_space<vmem>>[vector<16xi32>], vector<16xf32>,
      %gather3A_386 = tpu.vector_load_idx %arg12[%mul3A_374] : memref<256xf32, #tpu.memory_space<vmem>>[vector<16xi32>], vector<16xf32>,
      %add3A_387 = arith.constant 1 : i32
      %add3A_388 = vector.broadcast %add3A_387 : i32 to vector<16xi32>
      %add3A_389 = arith.addi %mul3A_374, %add3A_388 : vector<16xi32>
      %gather3A_390 = tpu.vector_load_idx %arg12[%add3A_389] : memref<256xf32, #tpu.memory_space<vmem>>[vector<16xi32>], vector<16xf32>,
      %mul3A_391 = arith.mulf %gather3A_386, %gather3A_378 : vector<16xf32>
      %mul3A_392 = arith.mulf %gather3A_390, %gather3A_385 : vector<16xf32>
      %add3A_393 = arith.addf %mul3A_391, %mul3A_392 : vector<16xf32>
      %swap3A_394 = arith.constant 48 : index
      %swap3A_395 = tpu.vector_load %arg13[%swap3A_394] {strides = array<i32>} : memref<128xf32, #tpu.memory_space<vmem>>, vector<16xf32>,
      tpu.vector_store %arg13[%swap3A_394], %add3A_393 {strides = array<i32>} : memref<128xf32, #tpu.memory_space<vmem>>, vector<16xf32>,
      %get3A_396 = arith.constant 64 : index
      %get3A_397 = tpu.vector_load %arg11[%get3A_396] {strides = array<i32>} : memref<128xi32, #tpu.memory_space<vmem>>, vector<16xi32>,
      %add3A_398 = arith.constant 64 : i32
      %add3A_399 = vector.broadcast %add3A_398 : i32 to vector<16xi32>
      %add3A_400 = arith.addi %add3A_399, %iota3A : vector<16xi32>
      %mul3A_401 = arith.constant 2 : i32
      %mul3A_402 = vector.broadcast %mul3A_401 : i32 to vector<16xi32>
      %mul3A_403 = arith.muli %mul3A_402, %add3A_400 : vector<16xi32>
      %mul3A_404 = arith.constant 2 : i32
      %mul3A_405 = vector.broadcast %mul3A_404 : i32 to vector<16xi32>
      %mul3A_406 = arith.muli %get3A_397, %mul3A_405 : vector<16xi32>
      %gather3A_407 = tpu.vector_load_idx %arg15[%mul3A_406] : memref<20480xf32, #tpu.memory_space<vmem>>[vector<16xi32>], vector<16xf32>,
      %mul3A_408 = arith.constant 2 : i32
      %mul3A_409 = vector.broadcast %mul3A_408 : i32 to vector<16xi32>
      %mul3A_410 = arith.muli %get3A_397, %mul3A_409 : vector<16xi32>
      %add3A_411 = arith.constant 1 : i32
      %add3A_412 = vector.broadcast %add3A_411 : i32 to vector<16xi32>
      %add3A_413 = arith.addi %mul3A_410, %add3A_412 : vector<16xi32>
      %gather3A_414 = tpu.vector_load_idx %arg15[%add3A_413] : memref<20480xf32, #tpu.memory_space<vmem>>[vector<16xi32>], vector<16xf32>,
      %gather3A_415 = tpu.vector_load_idx %arg12[%mul3A_403] : memref<256xf32, #tpu.memory_space<vmem>>[vector<16xi32>], vector<16xf32>,
      %add3A_416 = arith.constant 1 : i32
      %add3A_417 = vector.broadcast %add3A_416 : i32 to vector<16xi32>
      %add3A_418 = arith.addi %mul3A_403, %add3A_417 : vector<16xi32>
      %gather3A_419 = tpu.vector_load_idx %arg12[%add3A_418] : memref<256xf32, #tpu.memory_space<vmem>>[vector<16xi32>], vector<16xf32>,
      %mul3A_420 = arith.mulf %gather3A_415, %gather3A_407 : vector<16xf32>
      %mul3A_421 = arith.mulf %gather3A_419, %gather3A_414 : vector<16xf32>
      %add3A_422 = arith.addf %mul3A_420, %mul3A_421 : vector<16xf32>
      %swap3A_423 = arith.constant 64 : index
      %swap3A_424 = tpu.vector_load %arg13[%swap3A_423] {strides = array<i32>} : memref<128xf32, #tpu.memory_space<vmem>>, vector<16xf32>,
      tpu.vector_store %arg13[%swap3A_423], %add3A_422 {strides = array<i32>} : memref<128xf32, #tpu.memory_space<vmem>>, vector<16xf32>,
      %get3A_425 = arith.constant 80 : index
      %get3A_426 = tpu.vector_load %arg11[%get3A_425] {strides = array<i32>} : memref<128xi32, #tpu.memory_space<vmem>>, vector<16xi32>,
      %add3A_427 = arith.constant 80 : i32
      %add3A_428 = vector.broadcast %add3A_427 : i32 to vector<16xi32>
      %add3A_429 = arith.addi %add3A_428, %iota3A : vector<16xi32>
      %mul3A_430 = arith.constant 2 : i32
      %mul3A_431 = vector.broadcast %mul3A_430 : i32 to vector<16xi32>
      %mul3A_432 = arith.muli %mul3A_431, %add3A_429 : vector<16xi32>
      %mul3A_433 = arith.constant 2 : i32
      %mul3A_434 = vector.broadcast %mul3A_433 : i32 to vector<16xi32>
      %mul3A_435 = arith.muli %get3A_426, %mul3A_434 : vector<16xi32>
      %gather3A_436 = tpu.vector_load_idx %arg15[%mul3A_435] : memref<20480xf32, #tpu.memory_space<vmem>>[vector<16xi32>], vector<16xf32>,
      %mul3A_437 = arith.constant 2 : i32
      %mul3A_438 = vector.broadcast %mul3A_437 : i32 to vector<16xi32>
      %mul3A_439 = arith.muli %get3A_426, %mul3A_438 : vector<16xi32>
      %add3A_440 = arith.constant 1 : i32
      %add3A_441 = vector.broadcast %add3A_440 : i32 to vector<16xi32>
      %add3A_442 = arith.addi %mul3A_439, %add3A_441 : vector<16xi32>
      %gather3A_443 = tpu.vector_load_idx %arg15[%add3A_442] : memref<20480xf32, #tpu.memory_space<vmem>>[vector<16xi32>], vector<16xf32>,
      %gather3A_444 = tpu.vector_load_idx %arg12[%mul3A_432] : memref<256xf32, #tpu.memory_space<vmem>>[vector<16xi32>], vector<16xf32>,
      %add3A_445 = arith.constant 1 : i32
      %add3A_446 = vector.broadcast %add3A_445 : i32 to vector<16xi32>
      %add3A_447 = arith.addi %mul3A_432, %add3A_446 : vector<16xi32>
      %gather3A_448 = tpu.vector_load_idx %arg12[%add3A_447] : memref<256xf32, #tpu.memory_space<vmem>>[vector<16xi32>], vector<16xf32>,
      %mul3A_449 = arith.mulf %gather3A_444, %gather3A_436 : vector<16xf32>
      %mul3A_450 = arith.mulf %gather3A_448, %gather3A_443 : vector<16xf32>
      %add3A_451 = arith.addf %mul3A_449, %mul3A_450 : vector<16xf32>
      %swap3A_452 = arith.constant 80 : index
      %swap3A_453 = tpu.vector_load %arg13[%swap3A_452] {strides = array<i32>} : memref<128xf32, #tpu.memory_space<vmem>>, vector<16xf32>,
      tpu.vector_store %arg13[%swap3A_452], %add3A_451 {strides = array<i32>} : memref<128xf32, #tpu.memory_space<vmem>>, vector<16xf32>,
      %get3A_454 = arith.constant 96 : index
      %get3A_455 = tpu.vector_load %arg11[%get3A_454] {strides = array<i32>} : memref<128xi32, #tpu.memory_space<vmem>>, vector<16xi32>,
      %add3A_456 = arith.constant 96 : i32
      %add3A_457 = vector.broadcast %add3A_456 : i32 to vector<16xi32>
      %add3A_458 = arith.addi %add3A_457, %iota3A : vector<16xi32>
      %mul3A_459 = arith.constant 2 : i32
      %mul3A_460 = vector.broadcast %mul3A_459 : i32 to vector<16xi32>
      %mul3A_461 = arith.muli %mul3A_460, %add3A_458 : vector<16xi32>
      %mul3A_462 = arith.constant 2 : i32
      %mul3A_463 = vector.broadcast %mul3A_462 : i32 to vector<16xi32>
      %mul3A_464 = arith.muli %get3A_455, %mul3A_463 : vector<16xi32>
      %gather3A_465 = tpu.vector_load_idx %arg15[%mul3A_464] : memref<20480xf32, #tpu.memory_space<vmem>>[vector<16xi32>], vector<16xf32>,
      %mul3A_466 = arith.constant 2 : i32
      %mul3A_467 = vector.broadcast %mul3A_466 : i32 to vector<16xi32>
      %mul3A_468 = arith.muli %get3A_455, %mul3A_467 : vector<16xi32>
      %add3A_469 = arith.constant 1 : i32
      %add3A_470 = vector.broadcast %add3A_469 : i32 to vector<16xi32>
      %add3A_471 = arith.addi %mul3A_468, %add3A_470 : vector<16xi32>
      %gather3A_472 = tpu.vector_load_idx %arg15[%add3A_471] : memref<20480xf32, #tpu.memory_space<vmem>>[vector<16xi32>], vector<16xf32>,
      %gather3A_473 = tpu.vector_load_idx %arg12[%mul3A_461] : memref<256xf32, #tpu.memory_space<vmem>>[vector<16xi32>], vector<16xf32>,
      %add3A_474 = arith.constant 1 : i32
      %add3A_475 = vector.broadcast %add3A_474 : i32 to vector<16xi32>
      %add3A_476 = arith.addi %mul3A_461, %add3A_475 : vector<16xi32>
      %gather3A_477 = tpu.vector_load_idx %arg12[%add3A_476] : memref<256xf32, #tpu.memory_space<vmem>>[vector<16xi32>], vector<16xf32>,
      %mul3A_478 = arith.mulf %gather3A_473, %gather3A_465 : vector<16xf32>
      %mul3A_479 = arith.mulf %gather3A_477, %gather3A_472 : vector<16xf32>
      %add3A_480 = arith.addf %mul3A_478, %mul3A_479 : vector<16xf32>
      %swap3A_481 = arith.constant 96 : index
      %swap3A_482 = tpu.vector_load %arg13[%swap3A_481] {strides = array<i32>} : memref<128xf32, #tpu.memory_space<vmem>>, vector<16xf32>,
      tpu.vector_store %arg13[%swap3A_481], %add3A_480 {strides = array<i32>} : memref<128xf32, #tpu.memory_space<vmem>>, vector<16xf32>,
      %get3A_483 = arith.constant 112 : index
      %get3A_484 = tpu.vector_load %arg11[%get3A_483] {strides = array<i32>} : memref<128xi32, #tpu.memory_space<vmem>>, vector<16xi32>,
      %add3A_485 = arith.constant 112 : i32
      %add3A_486 = vector.broadcast %add3A_485 : i32 to vector<16xi32>
      %add3A_487 = arith.addi %add3A_486, %iota3A : vector<16xi32>
      %mul3A_488 = arith.constant 2 : i32
      %mul3A_489 = vector.broadcast %mul3A_488 : i32 to vector<16xi32>
      %mul3A_490 = arith.muli %mul3A_489, %add3A_487 : vector<16xi32>
      %mul3A_491 = arith.constant 2 : i32
      %mul3A_492 = vector.broadcast %mul3A_491 : i32 to vector<16xi32>
      %mul3A_493 = arith.muli %get3A_484, %mul3A_492 : vector<16xi32>
      %gather3A_494 = tpu.vector_load_idx %arg15[%mul3A_493] : memref<20480xf32, #tpu.memory_space<vmem>>[vector<16xi32>], vector<16xf32>,
      %mul3A_495 = arith.constant 2 : i32
      %mul3A_496 = vector.broadcast %mul3A_495 : i32 to vector<16xi32>
      %mul3A_497 = arith.muli %get3A_484, %mul3A_496 : vector<16xi32>
      %add3A_498 = arith.constant 1 : i32
      %add3A_499 = vector.broadcast %add3A_498 : i32 to vector<16xi32>
      %add3A_500 = arith.addi %mul3A_497, %add3A_499 : vector<16xi32>
      %gather3A_501 = tpu.vector_load_idx %arg15[%add3A_500] : memref<20480xf32, #tpu.memory_space<vmem>>[vector<16xi32>], vector<16xf32>,
      %gather3A_502 = tpu.vector_load_idx %arg12[%mul3A_490] : memref<256xf32, #tpu.memory_space<vmem>>[vector<16xi32>], vector<16xf32>,
      %add3A_503 = arith.constant 1 : i32
      %add3A_504 = vector.broadcast %add3A_503 : i32 to vector<16xi32>
      %add3A_505 = arith.addi %mul3A_490, %add3A_504 : vector<16xi32>
      %gather3A_506 = tpu.vector_load_idx %arg12[%add3A_505] : memref<256xf32, #tpu.memory_space<vmem>>[vector<16xi32>], vector<16xf32>,
      %mul3A_507 = arith.mulf %gather3A_502, %gather3A_494 : vector<16xf32>
      %mul3A_508 = arith.mulf %gather3A_506, %gather3A_501 : vector<16xf32>
      %add3A_509 = arith.addf %mul3A_507, %mul3A_508 : vector<16xf32>
      %swap3A_510 = arith.constant 112 : index
      %swap3A_511 = tpu.vector_load %arg13[%swap3A_510] {strides = array<i32>} : memref<128xf32, #tpu.memory_space<vmem>>, vector<16xf32>,
      tpu.vector_store %arg13[%swap3A_510], %add3A_509 {strides = array<i32>} : memref<128xf32, #tpu.memory_space<vmem>>, vector<16xf32>,
      "tpu.region"() ({
        %run_scoped3A = tpu.sem_alloc : memref<!tpu.dma_semaphore, #tpu.memory_space<semaphore_mem>>
        %dma_start3A_523 = tpu.memref_slice %arg7[%add3A_277] : memref<163840xf32, #tpu.memory_space<hbm>> -> memref<128xf32, #tpu.memory_space<hbm>>
        %dma_start3A_524 = tpu.memref_slice %arg7[%add3A_277] : memref<163840xf32, #tpu.memory_space<hbm>> -> memref<128xf32, #tpu.memory_space<hbm>>
        tpu.enqueue_dma source(%arg13 : memref<128xf32, #tpu.memory_space<vmem>>) target(%dma_start3A_524 : memref<128xf32, #tpu.memory_space<hbm>>) target_semaphore(%run_scoped3A : memref<!tpu.dma_semaphore, #tpu.memory_space<semaphore_mem>>)
        %dma_wait3A_525 = tpu.memref_slice %arg7[%add3A_277] : memref<163840xf32, #tpu.memory_space<hbm>> -> memref<128xf32, #tpu.memory_space<hbm>>
        %dma_wait3A_526 = tpu.memref_slice %arg7[%add3A_277] : memref<163840xf32, #tpu.memory_space<hbm>> -> memref<128xf32, #tpu.memory_space<hbm>>
        tpu.wait_dma2 semaphore(%run_scoped3A : memref<!tpu.dma_semaphore, #tpu.memory_space<semaphore_mem>>) src(%arg13 : memref<128xf32, #tpu.memory_space<vmem>>) dst(%dma_wait3A_526 : memref<128xf32, #tpu.memory_space<hbm>>)
        tpu.yield
      }) : () -> ()
      %dma_wait3A_512 = arith.constant 0 : i32
      %dma_wait3A_513 = arith.constant 0 : i32
      %dma_wait3A_514 = tpu.memref_slice %arg4[%dma_wait3A_512, %dma_wait3A_513] : memref<10000x128xf32, #tpu.memory_space<hbm>> -> memref<10000x128xf32, #tpu.memory_space<hbm>>
      tpu.wait_indirect_dma semaphore(%arg19 : memref<!tpu.dma_semaphore, #tpu.memory_space<semaphore_mem>>) src(%dma_wait3A_514 : memref<10000x128xf32, #tpu.memory_space<hbm>>) dst(%arg17 : memref<128x128xf32, #tpu.memory_space<vmem>>)
      "tpu.region"() ({
        %run_scoped3A = tpu.sem_alloc : memref<!tpu.dma_semaphore, #tpu.memory_space<semaphore_mem>>
        %dma_start3A_523 = arith.constant 0 : i32
        %dma_start3A_524 = tpu.memref_slice %arg8[%add3A_277, %dma_start3A_523] : memref<163840x128xf32, #tpu.memory_space<hbm>> -> memref<128x128xf32, #tpu.memory_space<hbm>>
        %dma_start3A_525 = arith.constant 0 : i32
        %dma_start3A_526 = tpu.memref_slice %arg8[%add3A_277, %dma_start3A_525] : memref<163840x128xf32, #tpu.memory_space<hbm>> -> memref<128x128xf32, #tpu.memory_space<hbm>>
        tpu.enqueue_dma source(%arg17 : memref<128x128xf32, #tpu.memory_space<vmem>>) target(%dma_start3A_526 : memref<128x128xf32, #tpu.memory_space<hbm>>) target_semaphore(%run_scoped3A : memref<!tpu.dma_semaphore, #tpu.memory_space<semaphore_mem>>)
        %dma_wait3A_527 = arith.constant 0 : i32
        %dma_wait3A_528 = tpu.memref_slice %arg8[%add3A_277, %dma_wait3A_527] : memref<163840x128xf32, #tpu.memory_space<hbm>> -> memref<128x128xf32, #tpu.memory_space<hbm>>
        %dma_wait3A_529 = arith.constant 0 : i32
        %dma_wait3A_530 = tpu.memref_slice %arg8[%add3A_277, %dma_wait3A_529] : memref<163840x128xf32, #tpu.memory_space<hbm>> -> memref<128x128xf32, #tpu.memory_space<hbm>>
        tpu.wait_dma2 semaphore(%run_scoped3A : memref<!tpu.dma_semaphore, #tpu.memory_space<semaphore_mem>>) src(%arg17 : memref<128x128xf32, #tpu.memory_space<vmem>>) dst(%dma_wait3A_530 : memref<128x128xf32, #tpu.memory_space<hbm>>)
        tpu.yield
      }) : () -> ()
      %add3A_515 = arith.constant 2 : i32
      %add3A_516 = arith.addi %add3A_274, %add3A_515 : i32
      %lt3A_517 = arith.constant 40 : i32
      %lt3A_518 = arith.cmpi slt, %add3A_516, %lt3A_517 : i32
      %convert_element_type3A_519 = arith.extui %lt3A_518 : i1 to i32
      %cond3A_520 = arith.constant 0 : i32
      %cond3A_521 = arith.cmpi ne, %convert_element_type3A_519, %cond3A_520 : i32
      scf.if %cond3A_521 {
        %add3A_523 = arith.constant 2 : i32
        %add3A_524 = arith.addi %add3A_274, %add3A_523 : i32
        %mul3A_525 = arith.constant 128 : i32
        %mul3A_526 = arith.muli %add3A_524, %mul3A_525 : i32
        %add3A_527 = arith.addi %mul3A_8, %mul3A_526 : i32
        "tpu.region"() ({
          %run_scoped3A = tpu.sem_alloc : memref<!tpu.dma_semaphore, #tpu.memory_space<semaphore_mem>>
          %dma_start3A_531 = tpu.memref_slice %arg5[%add3A_527] : memref<163840xi32, #tpu.memory_space<hbm>> -> memref<128xi32, #tpu.memory_space<hbm>>
          %dma_start3A_532 = tpu.memref_slice %arg5[%add3A_527] : memref<163840xi32, #tpu.memory_space<hbm>> -> memref<128xi32, #tpu.memory_space<hbm>>
          tpu.enqueue_dma source(%dma_start3A_532 : memref<128xi32, #tpu.memory_space<hbm>>) target(%arg10 : memref<128xi32, #tpu.memory_space<vmem>>) target_semaphore(%run_scoped3A : memref<!tpu.dma_semaphore, #tpu.memory_space<semaphore_mem>>)
          %dma_wait3A_533 = tpu.memref_slice %arg5[%add3A_527] : memref<163840xi32, #tpu.memory_space<hbm>> -> memref<128xi32, #tpu.memory_space<hbm>>
          %dma_wait3A_534 = tpu.memref_slice %arg5[%add3A_527] : memref<163840xi32, #tpu.memory_space<hbm>> -> memref<128xi32, #tpu.memory_space<hbm>>
          tpu.wait_dma2 semaphore(%run_scoped3A : memref<!tpu.dma_semaphore, #tpu.memory_space<semaphore_mem>>) src(%dma_wait3A_534 : memref<128xi32, #tpu.memory_space<hbm>>) dst(%arg10 : memref<128xi32, #tpu.memory_space<vmem>>)
          tpu.yield
        }) : () -> ()
        %dma_start3A_528 = arith.constant 0 : i32
        %dma_start3A_529 = arith.constant 0 : i32
        %dma_start3A_530 = tpu.memref_slice %arg4[%dma_start3A_528, %dma_start3A_529] : memref<10000x128xf32, #tpu.memory_space<hbm>> -> memref<10000x128xf32, #tpu.memory_space<hbm>>
        tpu.enqueue_indirect_dma source(%dma_start3A_530 : memref<10000x128xf32, #tpu.memory_space<hbm>>) target(%arg17 : memref<128x128xf32, #tpu.memory_space<vmem>>) offsets(%arg10 : memref<128xi32, #tpu.memory_space<vmem>>) semaphore(%arg19 : memref<!tpu.dma_semaphore, #tpu.memory_space<semaphore_mem>>)
      } else {
      }
      %scan3A_522 = arith.constant 0 : i32
      scf.yield %scan3A_522 : i32
    }
    %scan3A_24 = arith.constant 20 : i32
    return
  }
}

#map = affine_map<(d0, d1) -> (0, 0)>
#map1 = affine_map<(d0, d1) -> (0)>
module attributes {stable_mosaic.version = 14 : i64} {
  func.func @_sc_agg(%arg0: i32, %arg1: i32, %arg2: memref<163840x128xf32, #tpu.memory_space<hbm>>, %arg3: memref<163840xi32, #tpu.memory_space<hbm>>, %arg4: memref<10240x128xf32, #tpu.memory_space<hbm>>, %arg5: memref<20480x128xf32, #tpu.memory_space<hbm>>, %arg6: memref<128xi32, #tpu.memory_space<vmem>>, %arg7: memref<128xi32, #tpu.memory_space<vmem>>, %arg8: memref<128x128xf32, #tpu.memory_space<vmem>>, %arg9: memref<128x128xf32, #tpu.memory_space<vmem>>, %arg10: memref<10240x128xf32, #tpu.memory_space<vmem_shared>>, %arg11: memref<!tpu.dma_semaphore, #tpu.memory_space<semaphore_mem>>, %arg12: memref<!tpu.dma_semaphore, #tpu.memory_space<semaphore_mem>>) attributes {dimension_semantics = [#tpu.dimension_semantics<core_parallel>, #tpu.dimension_semantics<subcore_parallel>], iteration_bounds = array<i64: 2, 16>, scalar_prefetch = 0 : i64, scratch_operands = 7 : i64, tpu.core_type = #tpu.core_type<sc_vector_subcore>, window_params = [{transform_indices = #map}, {transform_indices = #map1}, {transform_indices = #map}, {transform_indices = #map}]} {
    %mul3A = arith.constant 640 : i32
    %mul3A_0 = arith.muli %arg1, %mul3A : i32
    %mul3A_1 = arith.constant 640 : i32
    %mul3A_2 = arith.muli %arg1, %mul3A_1 : i32
    "tpu.region"() ({
      %run_scoped3A = tpu.sem_alloc : memref<!tpu.dma_semaphore, #tpu.memory_space<semaphore_mem>>
      %dma_start3A_32 = arith.constant 0 : i32
      %dma_start3A_33 = tpu.memref_slice %arg10[%mul3A_2, %dma_start3A_32] : memref<10240x128xf32, #tpu.memory_space<vmem_shared>> -> memref<640x128xf32, #tpu.memory_space<vmem_shared>>
      %dma_start3A_34 = arith.constant 0 : i32
      %dma_start3A_35 = tpu.memref_slice %arg4[%mul3A_0, %dma_start3A_34] : memref<10240x128xf32, #tpu.memory_space<hbm>> -> memref<640x128xf32, #tpu.memory_space<hbm>>
      tpu.enqueue_dma source(%dma_start3A_35 : memref<640x128xf32, #tpu.memory_space<hbm>>) target(%dma_start3A_33 : memref<640x128xf32, #tpu.memory_space<vmem_shared>>) target_semaphore(%run_scoped3A : memref<!tpu.dma_semaphore, #tpu.memory_space<semaphore_mem>>)
      %dma_wait3A = arith.constant 0 : i32
      %dma_wait3A_36 = tpu.memref_slice %arg10[%mul3A_2, %dma_wait3A] : memref<10240x128xf32, #tpu.memory_space<vmem_shared>> -> memref<640x128xf32, #tpu.memory_space<vmem_shared>>
      %dma_wait3A_37 = arith.constant 0 : i32
      %dma_wait3A_38 = tpu.memref_slice %arg4[%mul3A_0, %dma_wait3A_37] : memref<10240x128xf32, #tpu.memory_space<hbm>> -> memref<640x128xf32, #tpu.memory_space<hbm>>
      tpu.wait_dma2 semaphore(%run_scoped3A : memref<!tpu.dma_semaphore, #tpu.memory_space<semaphore_mem>>) src(%dma_wait3A_38 : memref<640x128xf32, #tpu.memory_space<hbm>>) dst(%dma_wait3A_36 : memref<640x128xf32, #tpu.memory_space<vmem_shared>>)
      tpu.yield
    }) : () -> ()
    %barrier3A = arith.constant 0 : index
    tpu.barrier barrier_id(%barrier3A)
    %mul3A_3 = arith.constant 2 : i32
    %mul3A_4 = arith.muli %arg1, %mul3A_3 : i32
    %add3A = arith.addi %mul3A_4, %arg0 : i32
    %mul3A_5 = arith.constant 5120 : i32
    %mul3A_6 = arith.muli %add3A, %mul3A_5 : i32
    %add3A_7 = arith.constant 0 : i32
    %add3A_8 = arith.addi %mul3A_6, %add3A_7 : i32
    "tpu.region"() ({
      %run_scoped3A = tpu.sem_alloc : memref<!tpu.dma_semaphore, #tpu.memory_space<semaphore_mem>>
      %dma_start3A_32 = tpu.memref_slice %arg3[%add3A_8] : memref<163840xi32, #tpu.memory_space<hbm>> -> memref<128xi32, #tpu.memory_space<hbm>>
      %dma_start3A_33 = tpu.memref_slice %arg3[%add3A_8] : memref<163840xi32, #tpu.memory_space<hbm>> -> memref<128xi32, #tpu.memory_space<hbm>>
      tpu.enqueue_dma source(%dma_start3A_33 : memref<128xi32, #tpu.memory_space<hbm>>) target(%arg6 : memref<128xi32, #tpu.memory_space<vmem>>) target_semaphore(%run_scoped3A : memref<!tpu.dma_semaphore, #tpu.memory_space<semaphore_mem>>)
      %dma_wait3A = tpu.memref_slice %arg3[%add3A_8] : memref<163840xi32, #tpu.memory_space<hbm>> -> memref<128xi32, #tpu.memory_space<hbm>>
      %dma_wait3A_34 = tpu.memref_slice %arg3[%add3A_8] : memref<163840xi32, #tpu.memory_space<hbm>> -> memref<128xi32, #tpu.memory_space<hbm>>
      tpu.wait_dma2 semaphore(%run_scoped3A : memref<!tpu.dma_semaphore, #tpu.memory_space<semaphore_mem>>) src(%dma_wait3A_34 : memref<128xi32, #tpu.memory_space<hbm>>) dst(%arg6 : memref<128xi32, #tpu.memory_space<vmem>>)
      tpu.yield
    }) : () -> ()
    %dma_start3A = arith.constant 0 : i32
    %dma_start3A_9 = tpu.memref_slice %arg2[%add3A_8, %dma_start3A] : memref<163840x128xf32, #tpu.memory_space<hbm>> -> memref<128x128xf32, #tpu.memory_space<hbm>>
    %dma_start3A_10 = arith.constant 0 : i32
    %dma_start3A_11 = tpu.memref_slice %arg2[%add3A_8, %dma_start3A_10] : memref<163840x128xf32, #tpu.memory_space<hbm>> -> memref<128x128xf32, #tpu.memory_space<hbm>>
    tpu.enqueue_dma source(%dma_start3A_11 : memref<128x128xf32, #tpu.memory_space<hbm>>) target(%arg8 : memref<128x128xf32, #tpu.memory_space<vmem>>) target_semaphore(%arg11 : memref<!tpu.dma_semaphore, #tpu.memory_space<semaphore_mem>>)
    %add3A_12 = arith.constant 128 : i32
    %add3A_13 = arith.addi %mul3A_6, %add3A_12 : i32
    "tpu.region"() ({
      %run_scoped3A = tpu.sem_alloc : memref<!tpu.dma_semaphore, #tpu.memory_space<semaphore_mem>>
      %dma_start3A_32 = tpu.memref_slice %arg3[%add3A_13] : memref<163840xi32, #tpu.memory_space<hbm>> -> memref<128xi32, #tpu.memory_space<hbm>>
      %dma_start3A_33 = tpu.memref_slice %arg3[%add3A_13] : memref<163840xi32, #tpu.memory_space<hbm>> -> memref<128xi32, #tpu.memory_space<hbm>>
      tpu.enqueue_dma source(%dma_start3A_33 : memref<128xi32, #tpu.memory_space<hbm>>) target(%arg7 : memref<128xi32, #tpu.memory_space<vmem>>) target_semaphore(%run_scoped3A : memref<!tpu.dma_semaphore, #tpu.memory_space<semaphore_mem>>)
      %dma_wait3A = tpu.memref_slice %arg3[%add3A_13] : memref<163840xi32, #tpu.memory_space<hbm>> -> memref<128xi32, #tpu.memory_space<hbm>>
      %dma_wait3A_34 = tpu.memref_slice %arg3[%add3A_13] : memref<163840xi32, #tpu.memory_space<hbm>> -> memref<128xi32, #tpu.memory_space<hbm>>
      tpu.wait_dma2 semaphore(%run_scoped3A : memref<!tpu.dma_semaphore, #tpu.memory_space<semaphore_mem>>) src(%dma_wait3A_34 : memref<128xi32, #tpu.memory_space<hbm>>) dst(%arg7 : memref<128xi32, #tpu.memory_space<vmem>>)
      tpu.yield
    }) : () -> ()
    %dma_start3A_14 = arith.constant 0 : i32
    %dma_start3A_15 = tpu.memref_slice %arg2[%add3A_13, %dma_start3A_14] : memref<163840x128xf32, #tpu.memory_space<hbm>> -> memref<128x128xf32, #tpu.memory_space<hbm>>
    %dma_start3A_16 = arith.constant 0 : i32
    %dma_start3A_17 = tpu.memref_slice %arg2[%add3A_13, %dma_start3A_16] : memref<163840x128xf32, #tpu.memory_space<hbm>> -> memref<128x128xf32, #tpu.memory_space<hbm>>
    tpu.enqueue_dma source(%dma_start3A_17 : memref<128x128xf32, #tpu.memory_space<hbm>>) target(%arg9 : memref<128x128xf32, #tpu.memory_space<vmem>>) target_semaphore(%arg12 : memref<!tpu.dma_semaphore, #tpu.memory_space<semaphore_mem>>)
    %scan3A = arith.constant 0 : i32
    %scan3A_18 = arith.constant 0 : i32
    %scan3A_19 = arith.constant 20 : i32
    %scan3A_20 = arith.addi %scan3A_18, %scan3A_19 : i32
    %scan3A_21 = arith.constant 1 : i32
    %scan3A_22 = scf.for %scan3A_32 = %scan3A_18 to %scan3A_20 step %scan3A_21 iter_args(%scan3A_33 = %scan3A) -> (i32)  : i32 {
      %mul3A_34 = arith.constant 2 : i32
      %mul3A_35 = arith.muli %mul3A_34, %scan3A_32 : i32
      %add3A_36 = arith.constant 0 : i32
      %add3A_37 = arith.addi %mul3A_35, %add3A_36 : i32
      %mul3A_38 = arith.constant 128 : i32
      %mul3A_39 = arith.muli %add3A_37, %mul3A_38 : i32
      %add3A_40 = arith.addi %mul3A_6, %mul3A_39 : i32
      %dma_wait3A = arith.constant 0 : i32
      %dma_wait3A_41 = tpu.memref_slice %arg2[%add3A_40, %dma_wait3A] : memref<163840x128xf32, #tpu.memory_space<hbm>> -> memref<128x128xf32, #tpu.memory_space<hbm>>
      %dma_wait3A_42 = arith.constant 0 : i32
      %dma_wait3A_43 = tpu.memref_slice %arg2[%add3A_40, %dma_wait3A_42] : memref<163840x128xf32, #tpu.memory_space<hbm>> -> memref<128x128xf32, #tpu.memory_space<hbm>>
      tpu.wait_dma2 semaphore(%arg11 : memref<!tpu.dma_semaphore, #tpu.memory_space<semaphore_mem>>) src(%dma_wait3A_43 : memref<128x128xf32, #tpu.memory_space<hbm>>) dst(%arg8 : memref<128x128xf32, #tpu.memory_space<vmem>>)
      "tpu.region"() ({
        %run_scoped3A = tpu.sem_alloc : memref<!tpu.dma_semaphore, #tpu.memory_space<semaphore_mem>>
        %dma_start3A_67 = arith.constant 0 : i32
        %dma_start3A_68 = arith.constant 0 : i32
        %dma_start3A_69 = tpu.memref_slice %arg10[%dma_start3A_67, %dma_start3A_68] : memref<10240x128xf32, #tpu.memory_space<vmem_shared>> -> memref<10240x128xf32, #tpu.memory_space<vmem_shared>>
        tpu.enqueue_indirect_dma source(%arg8 : memref<128x128xf32, #tpu.memory_space<vmem>>) target(%dma_start3A_69 : memref<10240x128xf32, #tpu.memory_space<vmem_shared>>) offsets(%arg6 : memref<128xi32, #tpu.memory_space<vmem>>) semaphore(%run_scoped3A : memref<!tpu.dma_semaphore, #tpu.memory_space<semaphore_mem>>) {add = true}
        %dma_wait3A_70 = arith.constant 0 : i32
        %dma_wait3A_71 = arith.constant 0 : i32
        %dma_wait3A_72 = tpu.memref_slice %arg10[%dma_wait3A_70, %dma_wait3A_71] : memref<10240x128xf32, #tpu.memory_space<vmem_shared>> -> memref<10240x128xf32, #tpu.memory_space<vmem_shared>>
        tpu.wait_indirect_dma semaphore(%run_scoped3A : memref<!tpu.dma_semaphore, #tpu.memory_space<semaphore_mem>>) src(%arg8 : memref<128x128xf32, #tpu.memory_space<vmem>>) dst(%dma_wait3A_72 : memref<10240x128xf32, #tpu.memory_space<vmem_shared>>)
        tpu.yield
      }) : () -> ()
      %add3A_44 = arith.constant 2 : i32
      %add3A_45 = arith.addi %add3A_37, %add3A_44 : i32
      %lt3A = arith.constant 40 : i32
      %lt3A_46 = arith.cmpi slt, %add3A_45, %lt3A : i32
      %convert_element_type3A = arith.extui %lt3A_46 : i1 to i32
      %cond3A = arith.constant 0 : i32
      %cond3A_47 = arith.cmpi ne, %convert_element_type3A, %cond3A : i32
      scf.if %cond3A_47 {
        %add3A_67 = arith.constant 2 : i32
        %add3A_68 = arith.addi %add3A_37, %add3A_67 : i32
        %mul3A_69 = arith.constant 128 : i32
        %mul3A_70 = arith.muli %add3A_68, %mul3A_69 : i32
        %add3A_71 = arith.addi %mul3A_6, %mul3A_70 : i32
        "tpu.region"() ({
          %run_scoped3A = tpu.sem_alloc : memref<!tpu.dma_semaphore, #tpu.memory_space<semaphore_mem>>
          %dma_start3A_76 = tpu.memref_slice %arg3[%add3A_71] : memref<163840xi32, #tpu.memory_space<hbm>> -> memref<128xi32, #tpu.memory_space<hbm>>
          %dma_start3A_77 = tpu.memref_slice %arg3[%add3A_71] : memref<163840xi32, #tpu.memory_space<hbm>> -> memref<128xi32, #tpu.memory_space<hbm>>
          tpu.enqueue_dma source(%dma_start3A_77 : memref<128xi32, #tpu.memory_space<hbm>>) target(%arg6 : memref<128xi32, #tpu.memory_space<vmem>>) target_semaphore(%run_scoped3A : memref<!tpu.dma_semaphore, #tpu.memory_space<semaphore_mem>>)
          %dma_wait3A_78 = tpu.memref_slice %arg3[%add3A_71] : memref<163840xi32, #tpu.memory_space<hbm>> -> memref<128xi32, #tpu.memory_space<hbm>>
          %dma_wait3A_79 = tpu.memref_slice %arg3[%add3A_71] : memref<163840xi32, #tpu.memory_space<hbm>> -> memref<128xi32, #tpu.memory_space<hbm>>
          tpu.wait_dma2 semaphore(%run_scoped3A : memref<!tpu.dma_semaphore, #tpu.memory_space<semaphore_mem>>) src(%dma_wait3A_79 : memref<128xi32, #tpu.memory_space<hbm>>) dst(%arg6 : memref<128xi32, #tpu.memory_space<vmem>>)
          tpu.yield
        }) : () -> ()
        %dma_start3A_72 = arith.constant 0 : i32
        %dma_start3A_73 = tpu.memref_slice %arg2[%add3A_71, %dma_start3A_72] : memref<163840x128xf32, #tpu.memory_space<hbm>> -> memref<128x128xf32, #tpu.memory_space<hbm>>
        %dma_start3A_74 = arith.constant 0 : i32
        %dma_start3A_75 = tpu.memref_slice %arg2[%add3A_71, %dma_start3A_74] : memref<163840x128xf32, #tpu.memory_space<hbm>> -> memref<128x128xf32, #tpu.memory_space<hbm>>
        tpu.enqueue_dma source(%dma_start3A_75 : memref<128x128xf32, #tpu.memory_space<hbm>>) target(%arg8 : memref<128x128xf32, #tpu.memory_space<vmem>>) target_semaphore(%arg11 : memref<!tpu.dma_semaphore, #tpu.memory_space<semaphore_mem>>)
      } else {
      }
      %mul3A_48 = arith.constant 2 : i32
      %mul3A_49 = arith.muli %mul3A_48, %scan3A_32 : i32
      %add3A_50 = arith.constant 1 : i32
      %add3A_51 = arith.addi %mul3A_49, %add3A_50 : i32
      %mul3A_52 = arith.constant 128 : i32
      %mul3A_53 = arith.muli %add3A_51, %mul3A_52 : i32
      %add3A_54 = arith.addi %mul3A_6, %mul3A_53 : i32
      %dma_wait3A_55 = arith.constant 0 : i32
      %dma_wait3A_56 = tpu.memref_slice %arg2[%add3A_54, %dma_wait3A_55] : memref<163840x128xf32, #tpu.memory_space<hbm>> -> memref<128x128xf32, #tpu.memory_space<hbm>>
      %dma_wait3A_57 = arith.constant 0 : i32
      %dma_wait3A_58 = tpu.memref_slice %arg2[%add3A_54, %dma_wait3A_57] : memref<163840x128xf32, #tpu.memory_space<hbm>> -> memref<128x128xf32, #tpu.memory_space<hbm>>
      tpu.wait_dma2 semaphore(%arg12 : memref<!tpu.dma_semaphore, #tpu.memory_space<semaphore_mem>>) src(%dma_wait3A_58 : memref<128x128xf32, #tpu.memory_space<hbm>>) dst(%arg9 : memref<128x128xf32, #tpu.memory_space<vmem>>)
      "tpu.region"() ({
        %run_scoped3A = tpu.sem_alloc : memref<!tpu.dma_semaphore, #tpu.memory_space<semaphore_mem>>
        %dma_start3A_67 = arith.constant 0 : i32
        %dma_start3A_68 = arith.constant 0 : i32
        %dma_start3A_69 = tpu.memref_slice %arg10[%dma_start3A_67, %dma_start3A_68] : memref<10240x128xf32, #tpu.memory_space<vmem_shared>> -> memref<10240x128xf32, #tpu.memory_space<vmem_shared>>
        tpu.enqueue_indirect_dma source(%arg9 : memref<128x128xf32, #tpu.memory_space<vmem>>) target(%dma_start3A_69 : memref<10240x128xf32, #tpu.memory_space<vmem_shared>>) offsets(%arg7 : memref<128xi32, #tpu.memory_space<vmem>>) semaphore(%run_scoped3A : memref<!tpu.dma_semaphore, #tpu.memory_space<semaphore_mem>>) {add = true}
        %dma_wait3A_70 = arith.constant 0 : i32
        %dma_wait3A_71 = arith.constant 0 : i32
        %dma_wait3A_72 = tpu.memref_slice %arg10[%dma_wait3A_70, %dma_wait3A_71] : memref<10240x128xf32, #tpu.memory_space<vmem_shared>> -> memref<10240x128xf32, #tpu.memory_space<vmem_shared>>
        tpu.wait_indirect_dma semaphore(%run_scoped3A : memref<!tpu.dma_semaphore, #tpu.memory_space<semaphore_mem>>) src(%arg9 : memref<128x128xf32, #tpu.memory_space<vmem>>) dst(%dma_wait3A_72 : memref<10240x128xf32, #tpu.memory_space<vmem_shared>>)
        tpu.yield
      }) : () -> ()
      %add3A_59 = arith.constant 2 : i32
      %add3A_60 = arith.addi %add3A_51, %add3A_59 : i32
      %lt3A_61 = arith.constant 40 : i32
      %lt3A_62 = arith.cmpi slt, %add3A_60, %lt3A_61 : i32
      %convert_element_type3A_63 = arith.extui %lt3A_62 : i1 to i32
      %cond3A_64 = arith.constant 0 : i32
      %cond3A_65 = arith.cmpi ne, %convert_element_type3A_63, %cond3A_64 : i32
      scf.if %cond3A_65 {
        %add3A_67 = arith.constant 2 : i32
        %add3A_68 = arith.addi %add3A_51, %add3A_67 : i32
        %mul3A_69 = arith.constant 128 : i32
        %mul3A_70 = arith.muli %add3A_68, %mul3A_69 : i32
        %add3A_71 = arith.addi %mul3A_6, %mul3A_70 : i32
        "tpu.region"() ({
          %run_scoped3A = tpu.sem_alloc : memref<!tpu.dma_semaphore, #tpu.memory_space<semaphore_mem>>
          %dma_start3A_76 = tpu.memref_slice %arg3[%add3A_71] : memref<163840xi32, #tpu.memory_space<hbm>> -> memref<128xi32, #tpu.memory_space<hbm>>
          %dma_start3A_77 = tpu.memref_slice %arg3[%add3A_71] : memref<163840xi32, #tpu.memory_space<hbm>> -> memref<128xi32, #tpu.memory_space<hbm>>
          tpu.enqueue_dma source(%dma_start3A_77 : memref<128xi32, #tpu.memory_space<hbm>>) target(%arg7 : memref<128xi32, #tpu.memory_space<vmem>>) target_semaphore(%run_scoped3A : memref<!tpu.dma_semaphore, #tpu.memory_space<semaphore_mem>>)
          %dma_wait3A_78 = tpu.memref_slice %arg3[%add3A_71] : memref<163840xi32, #tpu.memory_space<hbm>> -> memref<128xi32, #tpu.memory_space<hbm>>
          %dma_wait3A_79 = tpu.memref_slice %arg3[%add3A_71] : memref<163840xi32, #tpu.memory_space<hbm>> -> memref<128xi32, #tpu.memory_space<hbm>>
          tpu.wait_dma2 semaphore(%run_scoped3A : memref<!tpu.dma_semaphore, #tpu.memory_space<semaphore_mem>>) src(%dma_wait3A_79 : memref<128xi32, #tpu.memory_space<hbm>>) dst(%arg7 : memref<128xi32, #tpu.memory_space<vmem>>)
          tpu.yield
        }) : () -> ()
        %dma_start3A_72 = arith.constant 0 : i32
        %dma_start3A_73 = tpu.memref_slice %arg2[%add3A_71, %dma_start3A_72] : memref<163840x128xf32, #tpu.memory_space<hbm>> -> memref<128x128xf32, #tpu.memory_space<hbm>>
        %dma_start3A_74 = arith.constant 0 : i32
        %dma_start3A_75 = tpu.memref_slice %arg2[%add3A_71, %dma_start3A_74] : memref<163840x128xf32, #tpu.memory_space<hbm>> -> memref<128x128xf32, #tpu.memory_space<hbm>>
        tpu.enqueue_dma source(%dma_start3A_75 : memref<128x128xf32, #tpu.memory_space<hbm>>) target(%arg9 : memref<128x128xf32, #tpu.memory_space<vmem>>) target_semaphore(%arg12 : memref<!tpu.dma_semaphore, #tpu.memory_space<semaphore_mem>>)
      } else {
      }
      %scan3A_66 = arith.constant 0 : i32
      scf.yield %scan3A_66 : i32
    }
    %scan3A_23 = arith.constant 20 : i32
    %barrier3A_24 = arith.constant 0 : index
    tpu.barrier barrier_id(%barrier3A_24)
    %mul3A_25 = arith.constant 640 : i32
    %mul3A_26 = arith.muli %arg1, %mul3A_25 : i32
    %mul3A_27 = arith.constant 10240 : i32
    %mul3A_28 = arith.muli %arg0, %mul3A_27 : i32
    %mul3A_29 = arith.constant 640 : i32
    %mul3A_30 = arith.muli %arg1, %mul3A_29 : i32
    %add3A_31 = arith.addi %mul3A_28, %mul3A_30 : i32
    "tpu.region"() ({
      %run_scoped3A = tpu.sem_alloc : memref<!tpu.dma_semaphore, #tpu.memory_space<semaphore_mem>>
      %dma_start3A_32 = arith.constant 0 : i32
      %dma_start3A_33 = tpu.memref_slice %arg5[%add3A_31, %dma_start3A_32] : memref<20480x128xf32, #tpu.memory_space<hbm>> -> memref<640x128xf32, #tpu.memory_space<hbm>>
      %dma_start3A_34 = arith.constant 0 : i32
      %dma_start3A_35 = tpu.memref_slice %arg10[%mul3A_26, %dma_start3A_34] : memref<10240x128xf32, #tpu.memory_space<vmem_shared>> -> memref<640x128xf32, #tpu.memory_space<vmem_shared>>
      tpu.enqueue_dma source(%dma_start3A_35 : memref<640x128xf32, #tpu.memory_space<vmem_shared>>) target(%dma_start3A_33 : memref<640x128xf32, #tpu.memory_space<hbm>>) target_semaphore(%run_scoped3A : memref<!tpu.dma_semaphore, #tpu.memory_space<semaphore_mem>>)
      %dma_wait3A = arith.constant 0 : i32
      %dma_wait3A_36 = tpu.memref_slice %arg5[%add3A_31, %dma_wait3A] : memref<20480x128xf32, #tpu.memory_space<hbm>> -> memref<640x128xf32, #tpu.memory_space<hbm>>
      %dma_wait3A_37 = arith.constant 0 : i32
      %dma_wait3A_38 = tpu.memref_slice %arg10[%mul3A_26, %dma_wait3A_37] : memref<10240x128xf32, #tpu.memory_space<vmem_shared>> -> memref<640x128xf32, #tpu.memory_space<vmem_shared>>
      tpu.wait_dma2 semaphore(%run_scoped3A : memref<!tpu.dma_semaphore, #tpu.memory_space<semaphore_mem>>) src(%dma_wait3A_38 : memref<640x128xf32, #tpu.memory_space<vmem_shared>>) dst(%dma_wait3A_36 : memref<640x128xf32, #tpu.memory_space<hbm>>)
      tpu.yield
    }) : () -> ()
    return
  }
}

module attributes {stable_mosaic.version = 14 : i64} {
  func.func @body(%arg0: i32, %arg1: memref<1x1x2048xi32, #tpu.memory_space<vmem>>, %arg2: memref<2048x2xf32, #tpu.memory_space<vmem>>, %arg3: memref<5x5xf32, #tpu.memory_space<vmem>>, %arg4: memref<5x2xf32, #tpu.memory_space<vmem>>, %arg5: memref<6x2xf32, #tpu.memory_space<vmem>>, %arg6: memref<2x6xf32, #tpu.memory_space<vmem>>, %arg7: memref<2048x2xf32, #tpu.memory_space<vmem>>) attributes {dimension_semantics = [#tpu.dimension_semantics<arbitrary>], iteration_bounds = array<i64: 80>, scalar_prefetch = 0 : i64, scratch_operands = 0 : i64, tpu.core_type = #tpu.core_type<tc>, window_params = [{transform_indices = @transform_0, window_bounds = array<i64: 1, 1, 2048>}, {transform_indices = @transform_1, window_bounds = array<i64: 2048, 2>}, {pipeline_mode = #tpu.pipeline_mode<synchronous>, transform_indices = @transform_2, window_bounds = array<i64: 5, 5>}, {pipeline_mode = #tpu.pipeline_mode<synchronous>, transform_indices = @transform_3, window_bounds = array<i64: 5, 2>}, {pipeline_mode = #tpu.pipeline_mode<synchronous>, transform_indices = @transform_4, window_bounds = array<i64: 6, 2>}, {pipeline_mode = #tpu.pipeline_mode<synchronous>, transform_indices = @transform_5, window_bounds = array<i64: 2, 6>}, {transform_indices = @transform_6, window_bounds = array<i64: 2048, 2>}]} {
    %get3A = arith.constant 0 : index
    %get3A_0 = arith.constant 0 : index
    %get3A_1 = vector.load %arg3[%get3A, %get3A_0] : memref<5x5xf32, #tpu.memory_space<vmem>>, vector<5x5xf32>
    %ge3A = arith.constant 0.000000e+00 : f32
    %ge3A_2 = vector.broadcast %ge3A : f32 to vector<5x5xf32>
    %ge3A_3 = arith.cmpf oge, %get3A_1, %ge3A_2 : vector<5x5xf32>
    %mul3A = arith.constant 0.00999999977 : f32
    %mul3A_4 = vector.broadcast %mul3A : f32 to vector<5x5xf32>
    %mul3A_5 = arith.mulf %mul3A_4, %get3A_1 : vector<5x5xf32>
    %select_n3A = arith.select %ge3A_3, %get3A_1, %mul3A_5 : vector<5x5xi1>, vector<5x5xf32>
    %get3A_6 = arith.constant 0 : index
    %get3A_7 = arith.constant 0 : index
    %get3A_8 = vector.load %arg4[%get3A_6, %get3A_7] : memref<5x2xf32, #tpu.memory_space<vmem>>, vector<5x2xf32>
    %dot_general3A = arith.constant dense<0.000000e+00> : vector<5x2xf32>
    %dot_general3A_9 = tpu.matmul %select_n3A, %get3A_8, %dot_general3A {dimension_numbers = #tpu.dot_dimension_numbers<[1], [0], [0], [1], [0, 0, 1, 1], [], []>, transpose_lhs_hint = false} : vector<5x5xf32>, vector<5x2xf32>, vector<5x2xf32> -> vector<5x2xf32>
    %get3A_10 = arith.constant 0 : index
    %get3A_11 = arith.constant 0 : index
    %get3A_12 = arith.constant 0 : index
    %get3A_13 = vector.load %arg1[%get3A_10, %get3A_11, %get3A_12] : memref<1x1x2048xi32, #tpu.memory_space<vmem>>, vector<1x1x2048xi32>
    %get3A_14 = vector.shape_cast %get3A_13 : vector<1x1x2048xi32> to vector<2048xi32>
    %reshape3A = vector.shape_cast %get3A_14 : vector<2048xi32> to vector<2048x1xi32>
    %iota3A = tpu.iota {dimensions = array<i32: 1>} : vector<2048x5xi32>
    %eq3A = vector.broadcast %reshape3A : vector<2048x1xi32> to vector<2048x5xi32>
    %eq3A_15 = arith.cmpi eq, %eq3A, %iota3A : vector<2048x5xi32>
    %jit3A = arith.constant 1.000000e+00 : f32
    %jit3A_16 = arith.constant 0.000000e+00 : f32
    %broadcast_in_dim3A = vector.broadcast %jit3A : f32 to vector<2048x5xf32>
    %broadcast_in_dim3A_17 = vector.broadcast %jit3A_16 : f32 to vector<2048x5xf32>
    %select_n3A_18 = arith.select %eq3A_15, %broadcast_in_dim3A, %broadcast_in_dim3A_17 : vector<2048x5xi1>, vector<2048x5xf32>
    %get3A_19 = arith.constant 0 : index
    %get3A_20 = arith.constant 0 : index
    %get3A_21 = vector.load %arg2[%get3A_19, %get3A_20] : memref<2048x2xf32, #tpu.memory_space<vmem>>, vector<2048x2xf32>
    %get3A_22 = arith.constant 0 : index
    %get3A_23 = arith.constant 0 : index
    %get3A_24 = vector.load %arg6[%get3A_22, %get3A_23] : memref<2x6xf32, #tpu.memory_space<vmem>>, vector<2x6xf32>
    %dot_general3A_25 = arith.constant dense<0.000000e+00> : vector<2048x6xf32>
    %dot_general3A_26 = tpu.matmul %get3A_21, %get3A_24, %dot_general3A_25 {dimension_numbers = #tpu.dot_dimension_numbers<[1], [0], [0], [1], [0, 0, 1, 1], [], []>, transpose_lhs_hint = false} : vector<2048x2xf32>, vector<2x6xf32>, vector<2048x6xf32> -> vector<2048x6xf32>
    %ge3A_27 = arith.constant 0.000000e+00 : f32
    %ge3A_28 = vector.broadcast %ge3A_27 : f32 to vector<2048x6xf32>
    %ge3A_29 = arith.cmpf oge, %dot_general3A_26, %ge3A_28 : vector<2048x6xf32>
    %mul3A_30 = arith.constant 0.00999999977 : f32
    %mul3A_31 = vector.broadcast %mul3A_30 : f32 to vector<2048x6xf32>
    %mul3A_32 = arith.mulf %mul3A_31, %dot_general3A_26 : vector<2048x6xf32>
    %select_n3A_33 = arith.select %ge3A_29, %dot_general3A_26, %mul3A_32 : vector<2048x6xi1>, vector<2048x6xf32>
    %dot_general3A_34 = arith.constant dense<0.000000e+00> : vector<2048x2xf32>
    %dot_general3A_35 = tpu.matmul %select_n3A_18, %dot_general3A_9, %dot_general3A_34 {dimension_numbers = #tpu.dot_dimension_numbers<[1], [0], [0], [1], [0, 0, 1, 1], [], []>, transpose_lhs_hint = false} : vector<2048x5xf32>, vector<5x2xf32>, vector<2048x2xf32> -> vector<2048x2xf32>
    %get3A_36 = arith.constant 0 : index
    %get3A_37 = arith.constant 0 : index
    %get3A_38 = vector.load %arg5[%get3A_36, %get3A_37] : memref<6x2xf32, #tpu.memory_space<vmem>>, vector<6x2xf32>
    %dot_general3A_39 = arith.constant dense<0.000000e+00> : vector<2048x2xf32>
    %dot_general3A_40 = tpu.matmul %select_n3A_33, %get3A_38, %dot_general3A_39 {dimension_numbers = #tpu.dot_dimension_numbers<[1], [0], [0], [1], [0, 0, 1, 1], [], []>, transpose_lhs_hint = false} : vector<2048x6xf32>, vector<6x2xf32>, vector<2048x2xf32> -> vector<2048x2xf32>
    %add3A = arith.addf %dot_general3A_35, %dot_general3A_40 : vector<2048x2xf32>
    %swap3A = arith.constant 0 : index
    %swap3A_41 = arith.constant 0 : index
    %swap3A_42 = vector.load %arg7[%swap3A, %swap3A_41] : memref<2048x2xf32, #tpu.memory_space<vmem>>, vector<2048x2xf32>
    tpu.vector_store %arg7[%swap3A, %swap3A_41], %add3A {strides = array<i32>} : memref<2048x2xf32, #tpu.memory_space<vmem>>, vector<2048x2xf32>,
    return
  }
  func.func @transform_0(%arg0: i32) -> (i32, i32, i32) {
    %c0_i32 = arith.constant 0 : i32
    %c0_i32_0 = arith.constant 0 : i32
    %c0_i32_1 = arith.constant 0 : i32
    return %arg0, %c0_i32, %c0_i32_0 : i32, i32, i32
  }
  func.func @transform_1(%arg0: i32) -> (i32, i32) {
    %c0_i32 = arith.constant 0 : i32
    %c0_i32_0 = arith.constant 0 : i32
    return %arg0, %c0_i32 : i32, i32
  }
  func.func @transform_2(%arg0: i32) -> (i32, i32) {
    %c0_i32 = arith.constant 0 : i32
    %c0_i32_0 = arith.constant 0 : i32
    %c0_i32_1 = arith.constant 0 : i32
    return %c0_i32, %c0_i32_0 : i32, i32
  }
  func.func @transform_3(%arg0: i32) -> (i32, i32) {
    %c0_i32 = arith.constant 0 : i32
    %c0_i32_0 = arith.constant 0 : i32
    %c0_i32_1 = arith.constant 0 : i32
    return %c0_i32, %c0_i32_0 : i32, i32
  }
  func.func @transform_4(%arg0: i32) -> (i32, i32) {
    %c0_i32 = arith.constant 0 : i32
    %c0_i32_0 = arith.constant 0 : i32
    %c0_i32_1 = arith.constant 0 : i32
    return %c0_i32, %c0_i32_0 : i32, i32
  }
  func.func @transform_5(%arg0: i32) -> (i32, i32) {
    %c0_i32 = arith.constant 0 : i32
    %c0_i32_0 = arith.constant 0 : i32
    %c0_i32_1 = arith.constant 0 : i32
    return %c0_i32, %c0_i32_0 : i32, i32
  }
  func.func @transform_6(%arg0: i32) -> (i32, i32) {
    %c0_i32 = arith.constant 0 : i32
    %c0_i32_0 = arith.constant 0 : i32
    return %arg0, %c0_i32 : i32, i32
  }
}

module attributes {stable_mosaic.version = 14 : i64} {
  func.func @body(%arg0: i32, %arg1: memref<1000x128xf32, #tpu.memory_space<vmem>>, %arg2: memref<128x128xf32, #tpu.memory_space<vmem>>, %arg3: memref<1x128xf32, #tpu.memory_space<vmem>>, %arg4: memref<1000x128xf32, #tpu.memory_space<vmem>>) attributes {dimension_semantics = [#tpu.dimension_semantics<arbitrary>], iteration_bounds = array<i64: 10>, scalar_prefetch = 0 : i64, scratch_operands = 0 : i64, tpu.core_type = #tpu.core_type<tc>, window_params = [{transform_indices = @transform_0, window_bounds = array<i64: 1000, 128>}, {pipeline_mode = #tpu.pipeline_mode<synchronous>, transform_indices = @transform_1, window_bounds = array<i64: 128, 128>}, {pipeline_mode = #tpu.pipeline_mode<synchronous>, transform_indices = @transform_2, window_bounds = array<i64: 1, 128>}, {transform_indices = @transform_3, window_bounds = array<i64: 1000, 128>}]} {
    %get3A = arith.constant 0 : index
    %get3A_0 = arith.constant 0 : index
    %get3A_1 = vector.load %arg1[%get3A, %get3A_0] : memref<1000x128xf32, #tpu.memory_space<vmem>>, vector<1000x128xf32>
    %get3A_2 = arith.constant 0 : index
    %get3A_3 = arith.constant 0 : index
    %get3A_4 = vector.load %arg2[%get3A_2, %get3A_3] : memref<128x128xf32, #tpu.memory_space<vmem>>, vector<128x128xf32>
    %dot_general3A = arith.constant dense<0.000000e+00> : vector<1000x128xf32>
    %dot_general3A_5 = tpu.matmul %get3A_1, %get3A_4, %dot_general3A {dimension_numbers = #tpu.dot_dimension_numbers<[1], [0], [0], [1], [0, 0, 1, 1], [], []>, transpose_lhs_hint = false} : vector<1000x128xf32>, vector<128x128xf32>, vector<1000x128xf32> -> vector<1000x128xf32>
    %get3A_6 = arith.constant 0 : index
    %get3A_7 = arith.constant 0 : index
    %get3A_8 = vector.load %arg3[%get3A_6, %get3A_7] : memref<1x128xf32, #tpu.memory_space<vmem>>, vector<1x128xf32>
    %add3A = vector.broadcast %get3A_8 : vector<1x128xf32> to vector<1000x128xf32>
    %add3A_9 = arith.addf %dot_general3A_5, %add3A : vector<1000x128xf32>
    %max3A = arith.constant 0.000000e+00 : f32
    %max3A_10 = vector.broadcast %max3A : f32 to vector<1000x128xf32>
    %max3A_11 = arith.maximumf %add3A_9, %max3A_10 : vector<1000x128xf32>
    %swap3A = arith.constant 0 : index
    %swap3A_12 = arith.constant 0 : index
    %swap3A_13 = vector.load %arg4[%swap3A, %swap3A_12] : memref<1000x128xf32, #tpu.memory_space<vmem>>, vector<1000x128xf32>
    tpu.vector_store %arg4[%swap3A, %swap3A_12], %max3A_11 {strides = array<i32>} : memref<1000x128xf32, #tpu.memory_space<vmem>>, vector<1000x128xf32>,
    return
  }
  func.func @transform_0(%arg0: i32) -> (i32, i32) {
    %c0_i32 = arith.constant 0 : i32
    %c0_i32_0 = arith.constant 0 : i32
    return %arg0, %c0_i32 : i32, i32
  }
  func.func @transform_1(%arg0: i32) -> (i32, i32) {
    %c0_i32 = arith.constant 0 : i32
    %c0_i32_0 = arith.constant 0 : i32
    %c0_i32_1 = arith.constant 0 : i32
    return %c0_i32, %c0_i32_0 : i32, i32
  }
  func.func @transform_2(%arg0: i32) -> (i32, i32) {
    %c0_i32 = arith.constant 0 : i32
    %c0_i32_0 = arith.constant 0 : i32
    %c0_i32_1 = arith.constant 0 : i32
    return %c0_i32, %c0_i32_0 : i32, i32
  }
  func.func @transform_3(%arg0: i32) -> (i32, i32) {
    %c0_i32 = arith.constant 0 : i32
    %c0_i32_0 = arith.constant 0 : i32
    return %arg0, %c0_i32 : i32, i32
  }
}

module attributes {stable_mosaic.version = 14 : i64} {
  func.func @body(%arg0: i32, %arg1: memref<1000x128xf32, #tpu.memory_space<vmem>>, %arg2: memref<1x1x1000xi32, #tpu.memory_space<vmem>>, %arg3: memref<5x128x128xf32, #tpu.memory_space<vmem>>, %arg4: memref<5x128xf32, #tpu.memory_space<vmem>>, %arg5: memref<128x2xf32, #tpu.memory_space<vmem>>, %arg6: memref<128x2xf32, #tpu.memory_space<vmem>>, %arg7: memref<128x128xf32, #tpu.memory_space<vmem>>, %arg8: memref<1000x4xf32, #tpu.memory_space<vmem>>, %arg9: memref<1000x128xf32, #tpu.memory_space<vmem>>) attributes {dimension_semantics = [#tpu.dimension_semantics<arbitrary>], iteration_bounds = array<i64: 10>, scalar_prefetch = 0 : i64, scratch_operands = 0 : i64, tpu.core_type = #tpu.core_type<tc>, window_params = [{transform_indices = @transform_0, window_bounds = array<i64: 1000, 128>}, {transform_indices = @transform_1, window_bounds = array<i64: 1, 1, 1000>}, {pipeline_mode = #tpu.pipeline_mode<synchronous>, transform_indices = @transform_2, window_bounds = array<i64: 5, 128, 128>}, {pipeline_mode = #tpu.pipeline_mode<synchronous>, transform_indices = @transform_3, window_bounds = array<i64: 5, 128>}, {pipeline_mode = #tpu.pipeline_mode<synchronous>, transform_indices = @transform_4, window_bounds = array<i64: 128, 2>}, {pipeline_mode = #tpu.pipeline_mode<synchronous>, transform_indices = @transform_5, window_bounds = array<i64: 128, 2>}, {pipeline_mode = #tpu.pipeline_mode<synchronous>, transform_indices = @transform_6, window_bounds = array<i64: 128, 128>}, {transform_indices = @transform_7, window_bounds = array<i64: 1000, 4>}, {transform_indices = @transform_8, window_bounds = array<i64: 1000, 128>}]} {
    %get3A = arith.constant 0 : index
    %get3A_0 = arith.constant 0 : index
    %get3A_1 = vector.load %arg1[%get3A, %get3A_0] : memref<1000x128xf32, #tpu.memory_space<vmem>>, vector<1000x128xf32>
    %get3A_2 = arith.constant 0 : index
    %get3A_3 = arith.constant 0 : index
    %get3A_4 = arith.constant 0 : index
    %get3A_5 = vector.load %arg2[%get3A_2, %get3A_3, %get3A_4] : memref<1x1x1000xi32, #tpu.memory_space<vmem>>, vector<1x1x1000xi32>
    %get3A_6 = vector.shape_cast %get3A_5 : vector<1x1x1000xi32> to vector<1000xi32>
    %reshape3A = vector.shape_cast %get3A_6 : vector<1000xi32> to vector<1000x1xi32>
    %broadcast_in_dim3A = arith.constant 0.000000e+00 : f32
    %broadcast_in_dim3A_7 = vector.broadcast %broadcast_in_dim3A : f32 to vector<1000x128xf32>
    %get3A_8 = arith.constant 0 : index
    %get3A_9 = arith.constant 0 : index
    %get3A_10 = arith.constant 0 : index
    %get3A_11 = vector.load %arg3[%get3A_8, %get3A_9, %get3A_10] : memref<5x128x128xf32, #tpu.memory_space<vmem>>, vector<1x128x128xf32>
    %get3A_12 = vector.shape_cast %get3A_11 : vector<1x128x128xf32> to vector<128x128xf32>
    %dot_general3A = arith.constant dense<0.000000e+00> : vector<1000x128xf32>
    %dot_general3A_13 = tpu.matmul %get3A_1, %get3A_12, %dot_general3A {dimension_numbers = #tpu.dot_dimension_numbers<[1], [0], [0], [1], [0, 0, 1, 1], [], []>, transpose_lhs_hint = false} : vector<1000x128xf32>, vector<128x128xf32>, vector<1000x128xf32> -> vector<1000x128xf32>
    %get3A_14 = arith.constant 0 : index
    %get3A_15 = arith.constant 0 : index
    %get3A_16 = vector.load %arg4[%get3A_14, %get3A_15] : memref<5x128xf32, #tpu.memory_space<vmem>>, vector<1x128xf32>
    %get3A_17 = vector.shape_cast %get3A_16 : vector<1x128xf32> to vector<128xf32>
    %reshape3A_18 = vector.shape_cast %get3A_17 : vector<128xf32> to vector<1x128xf32>
    %add3A = vector.broadcast %reshape3A_18 : vector<1x128xf32> to vector<1000x128xf32>
    %add3A_19 = arith.addf %dot_general3A_13, %add3A : vector<1000x128xf32>
    %eq3A = arith.constant 0 : i32
    %eq3A_20 = vector.broadcast %eq3A : i32 to vector<1000x1xi32>
    %eq3A_21 = arith.cmpi eq, %reshape3A, %eq3A_20 : vector<1000x1xi32>
    %jit3A = arith.constant 0.000000e+00 : f32
    %broadcast_in_dim3A_22 = vector.shape_cast %eq3A_21 : vector<1000x1xi1> to vector<1000x1xi1>
    %broadcast_in_dim3A_23 = vector.broadcast %broadcast_in_dim3A_22 : vector<1000x1xi1> to vector<1000x128xi1>
    %broadcast_in_dim3A_24 = vector.broadcast %jit3A : f32 to vector<1000x128xf32>
    %select_n3A = arith.select %broadcast_in_dim3A_23, %add3A_19, %broadcast_in_dim3A_24 : vector<1000x128xi1>, vector<1000x128xf32>
    %add3A_25 = arith.addf %broadcast_in_dim3A_7, %select_n3A : vector<1000x128xf32>
    %get3A_26 = arith.constant 1 : index
    %get3A_27 = arith.constant 0 : index
    %get3A_28 = arith.constant 0 : index
    %get3A_29 = vector.load %arg3[%get3A_26, %get3A_27, %get3A_28] : memref<5x128x128xf32, #tpu.memory_space<vmem>>, vector<1x128x128xf32>
    %get3A_30 = vector.shape_cast %get3A_29 : vector<1x128x128xf32> to vector<128x128xf32>
    %dot_general3A_31 = arith.constant dense<0.000000e+00> : vector<1000x128xf32>
    %dot_general3A_32 = tpu.matmul %get3A_1, %get3A_30, %dot_general3A_31 {dimension_numbers = #tpu.dot_dimension_numbers<[1], [0], [0], [1], [0, 0, 1, 1], [], []>, transpose_lhs_hint = false} : vector<1000x128xf32>, vector<128x128xf32>, vector<1000x128xf32> -> vector<1000x128xf32>
    %get3A_33 = arith.constant 1 : index
    %get3A_34 = arith.constant 0 : index
    %get3A_35 = vector.load %arg4[%get3A_33, %get3A_34] : memref<5x128xf32, #tpu.memory_space<vmem>>, vector<1x128xf32>
    %get3A_36 = vector.shape_cast %get3A_35 : vector<1x128xf32> to vector<128xf32>
    %reshape3A_37 = vector.shape_cast %get3A_36 : vector<128xf32> to vector<1x128xf32>
    %add3A_38 = vector.broadcast %reshape3A_37 : vector<1x128xf32> to vector<1000x128xf32>
    %add3A_39 = arith.addf %dot_general3A_32, %add3A_38 : vector<1000x128xf32>
    %eq3A_40 = arith.constant 1 : i32
    %eq3A_41 = vector.broadcast %eq3A_40 : i32 to vector<1000x1xi32>
    %eq3A_42 = arith.cmpi eq, %reshape3A, %eq3A_41 : vector<1000x1xi32>
    %jit3A_43 = arith.constant 0.000000e+00 : f32
    %broadcast_in_dim3A_44 = vector.shape_cast %eq3A_42 : vector<1000x1xi1> to vector<1000x1xi1>
    %broadcast_in_dim3A_45 = vector.broadcast %broadcast_in_dim3A_44 : vector<1000x1xi1> to vector<1000x128xi1>
    %broadcast_in_dim3A_46 = vector.broadcast %jit3A_43 : f32 to vector<1000x128xf32>
    %select_n3A_47 = arith.select %broadcast_in_dim3A_45, %add3A_39, %broadcast_in_dim3A_46 : vector<1000x128xi1>, vector<1000x128xf32>
    %add3A_48 = arith.addf %add3A_25, %select_n3A_47 : vector<1000x128xf32>
    %get3A_49 = arith.constant 2 : index
    %get3A_50 = arith.constant 0 : index
    %get3A_51 = arith.constant 0 : index
    %get3A_52 = vector.load %arg3[%get3A_49, %get3A_50, %get3A_51] : memref<5x128x128xf32, #tpu.memory_space<vmem>>, vector<1x128x128xf32>
    %get3A_53 = vector.shape_cast %get3A_52 : vector<1x128x128xf32> to vector<128x128xf32>
    %dot_general3A_54 = arith.constant dense<0.000000e+00> : vector<1000x128xf32>
    %dot_general3A_55 = tpu.matmul %get3A_1, %get3A_53, %dot_general3A_54 {dimension_numbers = #tpu.dot_dimension_numbers<[1], [0], [0], [1], [0, 0, 1, 1], [], []>, transpose_lhs_hint = false} : vector<1000x128xf32>, vector<128x128xf32>, vector<1000x128xf32> -> vector<1000x128xf32>
    %get3A_56 = arith.constant 2 : index
    %get3A_57 = arith.constant 0 : index
    %get3A_58 = vector.load %arg4[%get3A_56, %get3A_57] : memref<5x128xf32, #tpu.memory_space<vmem>>, vector<1x128xf32>
    %get3A_59 = vector.shape_cast %get3A_58 : vector<1x128xf32> to vector<128xf32>
    %reshape3A_60 = vector.shape_cast %get3A_59 : vector<128xf32> to vector<1x128xf32>
    %add3A_61 = vector.broadcast %reshape3A_60 : vector<1x128xf32> to vector<1000x128xf32>
    %add3A_62 = arith.addf %dot_general3A_55, %add3A_61 : vector<1000x128xf32>
    %eq3A_63 = arith.constant 2 : i32
    %eq3A_64 = vector.broadcast %eq3A_63 : i32 to vector<1000x1xi32>
    %eq3A_65 = arith.cmpi eq, %reshape3A, %eq3A_64 : vector<1000x1xi32>
    %jit3A_66 = arith.constant 0.000000e+00 : f32
    %broadcast_in_dim3A_67 = vector.shape_cast %eq3A_65 : vector<1000x1xi1> to vector<1000x1xi1>
    %broadcast_in_dim3A_68 = vector.broadcast %broadcast_in_dim3A_67 : vector<1000x1xi1> to vector<1000x128xi1>
    %broadcast_in_dim3A_69 = vector.broadcast %jit3A_66 : f32 to vector<1000x128xf32>
    %select_n3A_70 = arith.select %broadcast_in_dim3A_68, %add3A_62, %broadcast_in_dim3A_69 : vector<1000x128xi1>, vector<1000x128xf32>
    %add3A_71 = arith.addf %add3A_48, %select_n3A_70 : vector<1000x128xf32>
    %get3A_72 = arith.constant 3 : index
    %get3A_73 = arith.constant 0 : index
    %get3A_74 = arith.constant 0 : index
    %get3A_75 = vector.load %arg3[%get3A_72, %get3A_73, %get3A_74] : memref<5x128x128xf32, #tpu.memory_space<vmem>>, vector<1x128x128xf32>
    %get3A_76 = vector.shape_cast %get3A_75 : vector<1x128x128xf32> to vector<128x128xf32>
    %dot_general3A_77 = arith.constant dense<0.000000e+00> : vector<1000x128xf32>
    %dot_general3A_78 = tpu.matmul %get3A_1, %get3A_76, %dot_general3A_77 {dimension_numbers = #tpu.dot_dimension_numbers<[1], [0], [0], [1], [0, 0, 1, 1], [], []>, transpose_lhs_hint = false} : vector<1000x128xf32>, vector<128x128xf32>, vector<1000x128xf32> -> vector<1000x128xf32>
    %get3A_79 = arith.constant 3 : index
    %get3A_80 = arith.constant 0 : index
    %get3A_81 = vector.load %arg4[%get3A_79, %get3A_80] : memref<5x128xf32, #tpu.memory_space<vmem>>, vector<1x128xf32>
    %get3A_82 = vector.shape_cast %get3A_81 : vector<1x128xf32> to vector<128xf32>
    %reshape3A_83 = vector.shape_cast %get3A_82 : vector<128xf32> to vector<1x128xf32>
    %add3A_84 = vector.broadcast %reshape3A_83 : vector<1x128xf32> to vector<1000x128xf32>
    %add3A_85 = arith.addf %dot_general3A_78, %add3A_84 : vector<1000x128xf32>
    %eq3A_86 = arith.constant 3 : i32
    %eq3A_87 = vector.broadcast %eq3A_86 : i32 to vector<1000x1xi32>
    %eq3A_88 = arith.cmpi eq, %reshape3A, %eq3A_87 : vector<1000x1xi32>
    %jit3A_89 = arith.constant 0.000000e+00 : f32
    %broadcast_in_dim3A_90 = vector.shape_cast %eq3A_88 : vector<1000x1xi1> to vector<1000x1xi1>
    %broadcast_in_dim3A_91 = vector.broadcast %broadcast_in_dim3A_90 : vector<1000x1xi1> to vector<1000x128xi1>
    %broadcast_in_dim3A_92 = vector.broadcast %jit3A_89 : f32 to vector<1000x128xf32>
    %select_n3A_93 = arith.select %broadcast_in_dim3A_91, %add3A_85, %broadcast_in_dim3A_92 : vector<1000x128xi1>, vector<1000x128xf32>
    %add3A_94 = arith.addf %add3A_71, %select_n3A_93 : vector<1000x128xf32>
    %get3A_95 = arith.constant 4 : index
    %get3A_96 = arith.constant 0 : index
    %get3A_97 = arith.constant 0 : index
    %get3A_98 = vector.load %arg3[%get3A_95, %get3A_96, %get3A_97] : memref<5x128x128xf32, #tpu.memory_space<vmem>>, vector<1x128x128xf32>
    %get3A_99 = vector.shape_cast %get3A_98 : vector<1x128x128xf32> to vector<128x128xf32>
    %dot_general3A_100 = arith.constant dense<0.000000e+00> : vector<1000x128xf32>
    %dot_general3A_101 = tpu.matmul %get3A_1, %get3A_99, %dot_general3A_100 {dimension_numbers = #tpu.dot_dimension_numbers<[1], [0], [0], [1], [0, 0, 1, 1], [], []>, transpose_lhs_hint = false} : vector<1000x128xf32>, vector<128x128xf32>, vector<1000x128xf32> -> vector<1000x128xf32>
    %get3A_102 = arith.constant 4 : index
    %get3A_103 = arith.constant 0 : index
    %get3A_104 = vector.load %arg4[%get3A_102, %get3A_103] : memref<5x128xf32, #tpu.memory_space<vmem>>, vector<1x128xf32>
    %get3A_105 = vector.shape_cast %get3A_104 : vector<1x128xf32> to vector<128xf32>
    %reshape3A_106 = vector.shape_cast %get3A_105 : vector<128xf32> to vector<1x128xf32>
    %add3A_107 = vector.broadcast %reshape3A_106 : vector<1x128xf32> to vector<1000x128xf32>
    %add3A_108 = arith.addf %dot_general3A_101, %add3A_107 : vector<1000x128xf32>
    %eq3A_109 = arith.constant 4 : i32
    %eq3A_110 = vector.broadcast %eq3A_109 : i32 to vector<1000x1xi32>
    %eq3A_111 = arith.cmpi eq, %reshape3A, %eq3A_110 : vector<1000x1xi32>
    %jit3A_112 = arith.constant 0.000000e+00 : f32
    %broadcast_in_dim3A_113 = vector.shape_cast %eq3A_111 : vector<1000x1xi1> to vector<1000x1xi1>
    %broadcast_in_dim3A_114 = vector.broadcast %broadcast_in_dim3A_113 : vector<1000x1xi1> to vector<1000x128xi1>
    %broadcast_in_dim3A_115 = vector.broadcast %jit3A_112 : f32 to vector<1000x128xf32>
    %select_n3A_116 = arith.select %broadcast_in_dim3A_114, %add3A_108, %broadcast_in_dim3A_115 : vector<1000x128xi1>, vector<1000x128xf32>
    %add3A_117 = arith.addf %add3A_94, %select_n3A_116 : vector<1000x128xf32>
    %get3A_118 = arith.constant 0 : index
    %get3A_119 = arith.constant 0 : index
    %get3A_120 = vector.load %arg5[%get3A_118, %get3A_119] : memref<128x2xf32, #tpu.memory_space<vmem>>, vector<128x2xf32>
    %dot_general3A_121 = arith.constant dense<0.000000e+00> : vector<1000x2xf32>
    %dot_general3A_122 = tpu.matmul %add3A_117, %get3A_120, %dot_general3A_121 {dimension_numbers = #tpu.dot_dimension_numbers<[1], [0], [0], [1], [0, 0, 1, 1], [], []>, transpose_lhs_hint = false} : vector<1000x128xf32>, vector<128x2xf32>, vector<1000x2xf32> -> vector<1000x2xf32>
    %get3A_123 = arith.constant 0 : index
    %get3A_124 = arith.constant 0 : index
    %get3A_125 = vector.load %arg6[%get3A_123, %get3A_124] : memref<128x2xf32, #tpu.memory_space<vmem>>, vector<128x2xf32>
    %dot_general3A_126 = arith.constant dense<0.000000e+00> : vector<1000x2xf32>
    %dot_general3A_127 = tpu.matmul %add3A_117, %get3A_125, %dot_general3A_126 {dimension_numbers = #tpu.dot_dimension_numbers<[1], [0], [0], [1], [0, 0, 1, 1], [], []>, transpose_lhs_hint = false} : vector<1000x128xf32>, vector<128x2xf32>, vector<1000x2xf32> -> vector<1000x2xf32>
    %concatenate3A = tpu.concatenate %dot_general3A_122, %dot_general3A_127 in 1 : vector<1000x2xf32>, vector<1000x2xf32> -> vector<1000x4xf32>
    %swap3A = arith.constant 0 : index
    %swap3A_128 = arith.constant 0 : index
    %swap3A_129 = vector.load %arg8[%swap3A, %swap3A_128] : memref<1000x4xf32, #tpu.memory_space<vmem>>, vector<1000x4xf32>
    tpu.vector_store %arg8[%swap3A, %swap3A_128], %concatenate3A {strides = array<i32>} : memref<1000x4xf32, #tpu.memory_space<vmem>>, vector<1000x4xf32>,
    %get3A_130 = arith.constant 0 : index
    %get3A_131 = arith.constant 0 : index
    %get3A_132 = vector.load %arg7[%get3A_130, %get3A_131] : memref<128x128xf32, #tpu.memory_space<vmem>>, vector<128x128xf32>
    %dot_general3A_133 = arith.constant dense<0.000000e+00> : vector<1000x128xf32>
    %dot_general3A_134 = tpu.matmul %add3A_117, %get3A_132, %dot_general3A_133 {dimension_numbers = #tpu.dot_dimension_numbers<[1], [0], [0], [1], [0, 0, 1, 1], [], []>, transpose_lhs_hint = false} : vector<1000x128xf32>, vector<128x128xf32>, vector<1000x128xf32> -> vector<1000x128xf32>
    %swap3A_135 = arith.constant 0 : index
    %swap3A_136 = arith.constant 0 : index
    %swap3A_137 = vector.load %arg9[%swap3A_135, %swap3A_136] : memref<1000x128xf32, #tpu.memory_space<vmem>>, vector<1000x128xf32>
    tpu.vector_store %arg9[%swap3A_135, %swap3A_136], %dot_general3A_134 {strides = array<i32>} : memref<1000x128xf32, #tpu.memory_space<vmem>>, vector<1000x128xf32>,
    return
  }
  func.func @transform_0(%arg0: i32) -> (i32, i32) {
    %c0_i32 = arith.constant 0 : i32
    %c0_i32_0 = arith.constant 0 : i32
    return %arg0, %c0_i32 : i32, i32
  }
  func.func @transform_1(%arg0: i32) -> (i32, i32, i32) {
    %c0_i32 = arith.constant 0 : i32
    %c0_i32_0 = arith.constant 0 : i32
    %c0_i32_1 = arith.constant 0 : i32
    return %arg0, %c0_i32, %c0_i32_0 : i32, i32, i32
  }
  func.func @transform_2(%arg0: i32) -> (i32, i32, i32) {
    %c0_i32 = arith.constant 0 : i32
    %c0_i32_0 = arith.constant 0 : i32
    %c0_i32_1 = arith.constant 0 : i32
    %c0_i32_2 = arith.constant 0 : i32
    return %c0_i32, %c0_i32_0, %c0_i32_1 : i32, i32, i32
  }
  func.func @transform_3(%arg0: i32) -> (i32, i32) {
    %c0_i32 = arith.constant 0 : i32
    %c0_i32_0 = arith.constant 0 : i32
    %c0_i32_1 = arith.constant 0 : i32
    return %c0_i32, %c0_i32_0 : i32, i32
  }
  func.func @transform_4(%arg0: i32) -> (i32, i32) {
    %c0_i32 = arith.constant 0 : i32
    %c0_i32_0 = arith.constant 0 : i32
    %c0_i32_1 = arith.constant 0 : i32
    return %c0_i32, %c0_i32_0 : i32, i32
  }
  func.func @transform_5(%arg0: i32) -> (i32, i32) {
    %c0_i32 = arith.constant 0 : i32
    %c0_i32_0 = arith.constant 0 : i32
    %c0_i32_1 = arith.constant 0 : i32
    return %c0_i32, %c0_i32_0 : i32, i32
  }
  func.func @transform_6(%arg0: i32) -> (i32, i32) {
    %c0_i32 = arith.constant 0 : i32
    %c0_i32_0 = arith.constant 0 : i32
    %c0_i32_1 = arith.constant 0 : i32
    return %c0_i32, %c0_i32_0 : i32, i32
  }
  func.func @transform_7(%arg0: i32) -> (i32, i32) {
    %c0_i32 = arith.constant 0 : i32
    %c0_i32_0 = arith.constant 0 : i32
    return %arg0, %c0_i32 : i32, i32
  }
  func.func @transform_8(%arg0: i32) -> (i32, i32) {
    %c0_i32 = arith.constant 0 : i32
    %c0_i32_0 = arith.constant 0 : i32
    return %arg0, %c0_i32 : i32, i32
  }
}

module attributes {stable_mosaic.version = 14 : i64} {
  func.func @body(%arg0: i32, %arg1: memref<2048x128xf32, #tpu.memory_space<vmem>>, %arg2: memref<2048x1xf32, #tpu.memory_space<vmem>>, %arg3: memref<2048x2xf32, #tpu.memory_space<vmem>>, %arg4: memref<2x6xf32, #tpu.memory_space<vmem>>, %arg5: memref<6x128xf32, #tpu.memory_space<vmem>>, %arg6: memref<2048x128xf32, #tpu.memory_space<vmem>>) attributes {dimension_semantics = [#tpu.dimension_semantics<arbitrary>], iteration_bounds = array<i64: 80>, scalar_prefetch = 0 : i64, scratch_operands = 0 : i64, tpu.core_type = #tpu.core_type<tc>, window_params = [{transform_indices = @transform_0, window_bounds = array<i64: 2048, 128>}, {transform_indices = @transform_1, window_bounds = array<i64: 2048, 1>}, {transform_indices = @transform_2, window_bounds = array<i64: 2048, 2>}, {pipeline_mode = #tpu.pipeline_mode<synchronous>, transform_indices = @transform_3, window_bounds = array<i64: 2, 6>}, {pipeline_mode = #tpu.pipeline_mode<synchronous>, transform_indices = @transform_4, window_bounds = array<i64: 6, 128>}, {transform_indices = @transform_5, window_bounds = array<i64: 2048, 128>}]} {
    %get3A = arith.constant 0 : index
    %get3A_0 = arith.constant 0 : index
    %get3A_1 = vector.load %arg3[%get3A, %get3A_0] : memref<2048x2xf32, #tpu.memory_space<vmem>>, vector<2048x2xf32>
    %get3A_2 = arith.constant 0 : index
    %get3A_3 = arith.constant 0 : index
    %get3A_4 = vector.load %arg4[%get3A_2, %get3A_3] : memref<2x6xf32, #tpu.memory_space<vmem>>, vector<2x6xf32>
    %dot_general3A = arith.constant dense<0.000000e+00> : vector<2048x6xf32>
    %dot_general3A_5 = tpu.matmul %get3A_1, %get3A_4, %dot_general3A {dimension_numbers = #tpu.dot_dimension_numbers<[1], [0], [0], [1], [0, 0, 1, 1], [], []>, transpose_lhs_hint = false} : vector<2048x2xf32>, vector<2x6xf32>, vector<2048x6xf32> -> vector<2048x6xf32>
    %ge3A = arith.constant 0.000000e+00 : f32
    %ge3A_6 = vector.broadcast %ge3A : f32 to vector<2048x6xf32>
    %ge3A_7 = arith.cmpf oge, %dot_general3A_5, %ge3A_6 : vector<2048x6xf32>
    %mul3A = arith.constant 0.00999999977 : f32
    %mul3A_8 = vector.broadcast %mul3A : f32 to vector<2048x6xf32>
    %mul3A_9 = arith.mulf %mul3A_8, %dot_general3A_5 : vector<2048x6xf32>
    %select_n3A = arith.select %ge3A_7, %dot_general3A_5, %mul3A_9 : vector<2048x6xi1>, vector<2048x6xf32>
    %get3A_10 = arith.constant 0 : index
    %get3A_11 = arith.constant 0 : index
    %get3A_12 = vector.load %arg1[%get3A_10, %get3A_11] : memref<2048x128xf32, #tpu.memory_space<vmem>>, vector<2048x128xf32>
    %get3A_13 = arith.constant 0 : index
    %get3A_14 = arith.constant 0 : index
    %get3A_15 = vector.load %arg5[%get3A_13, %get3A_14] : memref<6x128xf32, #tpu.memory_space<vmem>>, vector<6x128xf32>
    %dot_general3A_16 = arith.constant dense<0.000000e+00> : vector<2048x128xf32>
    %dot_general3A_17 = tpu.matmul %select_n3A, %get3A_15, %dot_general3A_16 {dimension_numbers = #tpu.dot_dimension_numbers<[1], [0], [0], [1], [0, 0, 1, 1], [], []>, transpose_lhs_hint = false} : vector<2048x6xf32>, vector<6x128xf32>, vector<2048x128xf32> -> vector<2048x128xf32>
    %add3A = arith.addf %get3A_12, %dot_general3A_17 : vector<2048x128xf32>
    %get3A_18 = arith.constant 0 : index
    %get3A_19 = arith.constant 0 : index
    %get3A_20 = vector.load %arg2[%get3A_18, %get3A_19] : memref<2048x1xf32, #tpu.memory_space<vmem>>, vector<2048x1xf32>
    %mul3A_21 = vector.broadcast %get3A_20 : vector<2048x1xf32> to vector<2048x128xf32>
    %mul3A_22 = arith.mulf %mul3A_21, %add3A : vector<2048x128xf32>
    %swap3A = arith.constant 0 : index
    %swap3A_23 = arith.constant 0 : index
    %swap3A_24 = vector.load %arg6[%swap3A, %swap3A_23] : memref<2048x128xf32, #tpu.memory_space<vmem>>, vector<2048x128xf32>
    tpu.vector_store %arg6[%swap3A, %swap3A_23], %mul3A_22 {strides = array<i32>} : memref<2048x128xf32, #tpu.memory_space<vmem>>, vector<2048x128xf32>,
    return
  }
  func.func @transform_0(%arg0: i32) -> (i32, i32) {
    %c0_i32 = arith.constant 0 : i32
    %c0_i32_0 = arith.constant 0 : i32
    return %arg0, %c0_i32 : i32, i32
  }
  func.func @transform_1(%arg0: i32) -> (i32, i32) {
    %c0_i32 = arith.constant 0 : i32
    %c0_i32_0 = arith.constant 0 : i32
    return %arg0, %c0_i32 : i32, i32
  }
  func.func @transform_2(%arg0: i32) -> (i32, i32) {
    %c0_i32 = arith.constant 0 : i32
    %c0_i32_0 = arith.constant 0 : i32
    return %arg0, %c0_i32 : i32, i32
  }
  func.func @transform_3(%arg0: i32) -> (i32, i32) {
    %c0_i32 = arith.constant 0 : i32
    %c0_i32_0 = arith.constant 0 : i32
    %c0_i32_1 = arith.constant 0 : i32
    return %c0_i32, %c0_i32_0 : i32, i32
  }
  func.func @transform_4(%arg0: i32) -> (i32, i32) {
    %c0_i32 = arith.constant 0 : i32
    %c0_i32_0 = arith.constant 0 : i32
    %c0_i32_1 = arith.constant 0 : i32
    return %c0_i32, %c0_i32_0 : i32, i32
  }
  func.func @transform_5(%arg0: i32) -> (i32, i32) {
    %c0_i32 = arith.constant 0 : i32
    %c0_i32_0 = arith.constant 0 : i32
    return %arg0, %c0_i32 : i32, i32
  }
}

module attributes {stable_mosaic.version = 14 : i64} {
  func.func @body(%arg0: i32, %arg1: memref<2x1000x128xf32, #tpu.memory_space<vmem>>, %arg2: memref<1000x128xf32, #tpu.memory_space<vmem>>) attributes {dimension_semantics = [#tpu.dimension_semantics<arbitrary>], iteration_bounds = array<i64: 10>, scalar_prefetch = 0 : i64, scratch_operands = 0 : i64, tpu.core_type = #tpu.core_type<tc>, window_params = [{transform_indices = @transform_0, window_bounds = array<i64: 2, 1000, 128>}, {transform_indices = @transform_1, window_bounds = array<i64: 1000, 128>}]} {
    %get3A = arith.constant 0 : index
    %get3A_0 = arith.constant 0 : index
    %get3A_1 = arith.constant 0 : index
    %get3A_2 = vector.load %arg1[%get3A, %get3A_0, %get3A_1] : memref<2x1000x128xf32, #tpu.memory_space<vmem>>, vector<2x1000x128xf32>
    %slice3A = vector.extract_strided_slice %get3A_2 {offsets = [0, 0, 0], sizes = [1, 1000, 128], strides = [1, 1, 1]} : vector<2x1000x128xf32> to vector<1x1000x128xf32>
    %squeeze3A = vector.shape_cast %slice3A : vector<1x1000x128xf32> to vector<1000x128xf32>
    %slice3A_3 = vector.extract_strided_slice %get3A_2 {offsets = [1, 0, 0], sizes = [1, 1000, 128], strides = [1, 1, 1]} : vector<2x1000x128xf32> to vector<1x1000x128xf32>
    %squeeze3A_4 = vector.shape_cast %slice3A_3 : vector<1x1000x128xf32> to vector<1000x128xf32>
    %add3A = arith.addf %squeeze3A, %squeeze3A_4 : vector<1000x128xf32>
    %swap3A = arith.constant 0 : index
    %swap3A_5 = arith.constant 0 : index
    %swap3A_6 = vector.load %arg2[%swap3A, %swap3A_5] : memref<1000x128xf32, #tpu.memory_space<vmem>>, vector<1000x128xf32>
    tpu.vector_store %arg2[%swap3A, %swap3A_5], %add3A {strides = array<i32>} : memref<1000x128xf32, #tpu.memory_space<vmem>>, vector<1000x128xf32>,
    return
  }
  func.func @transform_0(%arg0: i32) -> (i32, i32, i32) {
    %c0_i32 = arith.constant 0 : i32
    %c0_i32_0 = arith.constant 0 : i32
    %c0_i32_1 = arith.constant 0 : i32
    return %c0_i32, %arg0, %c0_i32_0 : i32, i32, i32
  }
  func.func @transform_1(%arg0: i32) -> (i32, i32) {
    %c0_i32 = arith.constant 0 : i32
    %c0_i32_0 = arith.constant 0 : i32
    return %arg0, %c0_i32 : i32, i32
  }
}

module attributes {stable_mosaic.version = 14 : i64} {
  func.func @body(%arg0: i32, %arg1: memref<2x1000x128xf32, #tpu.memory_space<vmem>>, %arg2: memref<128x64xf32, #tpu.memory_space<vmem>>, %arg3: memref<1x64xf32, #tpu.memory_space<vmem>>, %arg4: memref<1000x64xf32, #tpu.memory_space<vmem>>) attributes {dimension_semantics = [#tpu.dimension_semantics<arbitrary>], iteration_bounds = array<i64: 10>, scalar_prefetch = 0 : i64, scratch_operands = 0 : i64, tpu.core_type = #tpu.core_type<tc>, window_params = [{transform_indices = @transform_0, window_bounds = array<i64: 2, 1000, 128>}, {pipeline_mode = #tpu.pipeline_mode<synchronous>, transform_indices = @transform_1, window_bounds = array<i64: 128, 64>}, {pipeline_mode = #tpu.pipeline_mode<synchronous>, transform_indices = @transform_2, window_bounds = array<i64: 1, 64>}, {transform_indices = @transform_3, window_bounds = array<i64: 1000, 64>}]} {
    %get3A = arith.constant 0 : index
    %get3A_0 = arith.constant 0 : index
    %get3A_1 = arith.constant 0 : index
    %get3A_2 = vector.load %arg1[%get3A, %get3A_0, %get3A_1] : memref<2x1000x128xf32, #tpu.memory_space<vmem>>, vector<2x1000x128xf32>
    %slice3A = vector.extract_strided_slice %get3A_2 {offsets = [0, 0, 0], sizes = [1, 1000, 128], strides = [1, 1, 1]} : vector<2x1000x128xf32> to vector<1x1000x128xf32>
    %squeeze3A = vector.shape_cast %slice3A : vector<1x1000x128xf32> to vector<1000x128xf32>
    %slice3A_3 = vector.extract_strided_slice %get3A_2 {offsets = [1, 0, 0], sizes = [1, 1000, 128], strides = [1, 1, 1]} : vector<2x1000x128xf32> to vector<1x1000x128xf32>
    %squeeze3A_4 = vector.shape_cast %slice3A_3 : vector<1x1000x128xf32> to vector<1000x128xf32>
    %add3A = arith.addf %squeeze3A, %squeeze3A_4 : vector<1000x128xf32>
    %get3A_5 = arith.constant 0 : index
    %get3A_6 = arith.constant 0 : index
    %get3A_7 = vector.load %arg2[%get3A_5, %get3A_6] : memref<128x64xf32, #tpu.memory_space<vmem>>, vector<128x64xf32>
    %dot_general3A = arith.constant dense<0.000000e+00> : vector<1000x64xf32>
    %dot_general3A_8 = tpu.matmul %add3A, %get3A_7, %dot_general3A {dimension_numbers = #tpu.dot_dimension_numbers<[1], [0], [0], [1], [0, 0, 1, 1], [], []>, transpose_lhs_hint = false} : vector<1000x128xf32>, vector<128x64xf32>, vector<1000x64xf32> -> vector<1000x64xf32>
    %get3A_9 = arith.constant 0 : index
    %get3A_10 = arith.constant 0 : index
    %get3A_11 = vector.load %arg3[%get3A_9, %get3A_10] : memref<1x64xf32, #tpu.memory_space<vmem>>, vector<1x64xf32>
    %add3A_12 = vector.broadcast %get3A_11 : vector<1x64xf32> to vector<1000x64xf32>
    %add3A_13 = arith.addf %dot_general3A_8, %add3A_12 : vector<1000x64xf32>
    %swap3A = arith.constant 0 : index
    %swap3A_14 = arith.constant 0 : index
    %swap3A_15 = vector.load %arg4[%swap3A, %swap3A_14] : memref<1000x64xf32, #tpu.memory_space<vmem>>, vector<1000x64xf32>
    tpu.vector_store %arg4[%swap3A, %swap3A_14], %add3A_13 {strides = array<i32>} : memref<1000x64xf32, #tpu.memory_space<vmem>>, vector<1000x64xf32>,
    return
  }
  func.func @transform_0(%arg0: i32) -> (i32, i32, i32) {
    %c0_i32 = arith.constant 0 : i32
    %c0_i32_0 = arith.constant 0 : i32
    %c0_i32_1 = arith.constant 0 : i32
    return %c0_i32, %arg0, %c0_i32_0 : i32, i32, i32
  }
  func.func @transform_1(%arg0: i32) -> (i32, i32) {
    %c0_i32 = arith.constant 0 : i32
    %c0_i32_0 = arith.constant 0 : i32
    %c0_i32_1 = arith.constant 0 : i32
    return %c0_i32, %c0_i32_0 : i32, i32
  }
  func.func @transform_2(%arg0: i32) -> (i32, i32) {
    %c0_i32 = arith.constant 0 : i32
    %c0_i32_0 = arith.constant 0 : i32
    %c0_i32_1 = arith.constant 0 : i32
    return %c0_i32, %c0_i32_0 : i32, i32
  }
  func.func @transform_3(%arg0: i32) -> (i32, i32) {
    %c0_i32 = arith.constant 0 : i32
    %c0_i32_0 = arith.constant 0 : i32
    return %arg0, %c0_i32 : i32, i32
  }
}

</mosaic_0001>

<sc_bundles>
// kernel: kernel.17.cloned.1.call-start
scs
__scs_entry_jumppad:
0x0: {  	(pc) =	sbr.rel $0x88, $3  }
0x1: {  	(tag) =	ssettag $0x0;
	lr =	simm.s32 $0x1  }
0x2: {  	[smem:$0x3F92] =	sst lr;
	_ =	strace $0xD0000000  }
0x3: {  	_ = 	snop  }
0x4: {  	_ = 	snop  }
0x5: {  	_ = 	snop  }
0x6: {  	_ = 	snop  }
0x7: {  	_ = 	snop  }
__scs_overlays_trampoline_lowered:
0x8: {  	[smem:$0x3FA1] =	sst s0  }
0x9: {  	[smem:$0x3FA2] =	sst s1  }
0xa: {  	[smem:$0x3FA3] =	sst s2  }
0xb: {  	[smem:$0x3FA4] =	sst s3  }
0xc: {  	[smem:$0x3FA5] =	sst s4  }
0xd: {  	[smem:$0x3FA6] =	sst s5  }
0xe: {  	[smem:$0x3FA7] =	sst s6  }
0xf: {  	[smem:$0x3FA8] =	sst s7  }
0x10: {  	[smem:$0x3FA9] =	sst s8  }
0x11: {  	[smem:$0x3FAA] =	sst s9;
	s0 =	simm.s32 @!p0 $0x0  }
0x12: {  	s1 =	sld [smem:$0x3F90];
	s0 =	simm.s32 @p0 $0x1  }
0x13: {  	[smem:$0x3FAB] =	sst s0;
	s0 =	simm.s32 @!p1 $0x0  }
0x14: {  	s2 =	sld [smem:$0x3F8F];
	s0 =	simm.s32 @p1 $0x1  }
0x15: {  	[smem:$0x3FAC] =	sst s0;
	s0 =	simm.s32 @!p2 $0x0  }
0x16: {  	s3 =	sld [smem:$0x3FDB];
	s0 =	simm.s32 @p2 $0x1  }
0x17: {  	s4 =	simm.s32 $0x1BF5;
	[smem:$0x3FAE] =	sst s0  }
0x18: {  	s0 =	sld [smem:$0x3F91];
	_ =	swait.ge [sflag:s4], $0x0  }
0x19: {  	s7 =	sld [smem:$0x3F92]  }
0x1a: {  	s8 =	sadd.s32 $0xFFFFE003, lr  }
0x1b: {  	s9 =	sadd.s32 $0xFFFFFEF7, lr;
	s5 =	simm.s32 $0xFFFFFFFF;
	p2 =	slt.u32 s8, $0xFFFFF086  }
0x1c: {  	p1 =	slt.u32 s9, $0xF7A;
	s5 =	simm.s32 @!p2 $0x0  }
0x1d: {  	s5 =	simm.s32 @p1 $0x1;
	p0 =	seq.s32 s7, s2  }
0x1e: {  	s7 =	smul.u32 @!p0 $0xF7A, s2;
	p2 =	seq.s32 @!p0 s5, $0x0  }
0x1f: {  	s9 =	smul.u32 $0xF7A, s1;
	s8 =	simm.s32 @!p0 $0x1BF5;
	p2 =	por !p2, p0  }
0x20: {  	[sflag:s8] =	ssyncset.s32 @!p0 $0xFFFFF086;
	s6 =	sadd.s32 @!p0 s3, s7;
	s7 =	simm.s32 @!p0 $0x108  }
0x21: {  	s3 =	sadd.s32 s3, s9;
	s6 =	sadd.s32 @!p0 $0x88, s6;
	s7 =	simm.s32 @p2 $0x1082  }
0x22: {  	[simem:s7], [sflag:s8] =	dma.local @!p0 [hbm:s6], $0xF7A  }
0x23: {  	s9 =	sor.u32 $0xD0000000, s2;
	s6 =	simm.s32 $0x108;
	_ =	swait.ge @!p0 [sflag:s8], $0x0  }
0x24: {  	s3 =	sadd.s32 $0x88, s3;
	s6 =	simm.s32 @!p1 $0x1082;
	[sflag:s4] =	ssyncset.s32 $0xFFFFF086  }
0x25: {  	[simem:s6], [sflag:s4] =	dma.local [hbm:s3], $0xF7A  }
0x26: {  	[smem:$0x3F92] =	sst s1;
	(tag) =	ssettag s2;
	_ =	strace s9  }
0x27: {  	s1 =	sld [smem:$0x3FA2]  }
0x28: {  	s2 =	sld [smem:$0x3FA3]  }
0x29: {  	s4 =	sld [smem:$0x3FA5]  }
0x2a: {  	p0 =	seq.s32 s5, $0x0;
	s5 =	sld [smem:$0x3FA6]  }
0x2b: {  	s6 =	sld [smem:$0x3FA7]  }
0x2c: {  	s7 =	sld [smem:$0x3FA8]  }
0x2d: {  	s3 =	simm.s32 $0x108;
	s8 =	sld [smem:$0x3FA9]  }
0x2e: {  	s3 =	simm.s32 @!p0 $0x1082;
	s9 =	sld [smem:$0x3FAA]  }
0x2f: {  	lr =	sadd.s32 s0, s3;
	s0 =	sld [smem:$0x3FA1]  }
0x30: {  	s3 =	sld [smem:$0x3FA4]  }
0x31: {  	[smem:$0x3FAD] =	sst s10  }
0x32: {  	s10 =	sld [smem:$0x3FAB];
	_ =	sdelay $0x3  }
0x33: {  	p0 =	seq.s32 s10, $0x1;
	s10 =	sld [smem:$0x3FAD];
	_ =	sdelay $0x3  }
0x34: {  	[smem:$0x3FAD] =	sst s10  }
0x35: {  	s10 =	sld [smem:$0x3FAC];
	_ =	sdelay $0x3  }
0x36: {  	p1 =	seq.s32 s10, $0x1;
	s10 =	sld [smem:$0x3FAD];
	_ =	sdelay $0x3  }
0x37: {  	[smem:$0x3FAD] =	sst s10  }
0x38: {  	s10 =	sld [smem:$0x3FAE]  }
0x39: {  	_ = 	snop;
	(pc) =	sbr.ind lr, $3  }
0x3a: {  	_ = 	snop  }
0x3b: {  	_ = 	snop  }
0x3c: {  	p2 =	seq.s32 s10, $0x1;
	s10 =	sld [smem:$0x3FAD]  }
0x3d: {  	_ =	shalt  }
0x3e: {  	_ =	shalt  }
0x3f: {  	_ =	shalt  }
0x40: {  	_ =	shalt  }
0x41: {  	_ =	shalt  }
0x42: {  	_ =	shalt  }
0x43: {  	_ =	shalt  }
0x44: {  	_ =	shalt  }
0x45: {  	_ =	shalt  }
0x46: {  	_ =	shalt  }
0x47: {  	_ =	shalt  }
0x48: {  	_ =	shalt  }
0x49: {  	_ =	shalt  }
0x4a: {  	_ =	shalt  }
0x4b: {  	_ =	shalt  }
0x4c: {  	_ =	shalt  }
0x4d: {  	_ =	shalt  }
0x4e: {  	_ =	shalt  }
0x4f: {  	_ =	shalt  }
0x50: {  	_ =	shalt  }
0x51: {  	_ =	shalt  }
0x52: {  	_ =	shalt  }
0x53: {  	_ =	shalt  }
0x54: {  	_ =	shalt  }
0x55: {  	_ =	shalt  }
0x56: {  	_ =	shalt  }
0x57: {  	_ =	shalt  }
0x58: {  	_ =	shalt  }
0x59: {  	_ =	shalt  }
0x5a: {  	_ =	shalt  }
0x5b: {  	_ =	shalt  }
0x5c: {  	_ =	shalt  }
0x5d: {  	_ =	shalt  }
0x5e: {  	_ =	shalt  }
0x5f: {  	_ =	shalt  }
0x60: {  	_ =	shalt  }
0x61: {  	_ =	shalt  }
0x62: {  	_ =	shalt  }
0x63: {  	_ =	shalt  }
0x64: {  	_ =	shalt  }
0x65: {  	_ =	shalt  }
0x66: {  	_ =	shalt  }
0x67: {  	_ =	shalt  }
0x68: {  	_ =	shalt  }
0x69: {  	_ =	shalt  }
0x6a: {  	_ =	shalt  }
0x6b: {  	_ =	shalt  }
0x6c: {  	_ =	shalt  }
0x6d: {  	_ =	shalt  }
0x6e: {  	_ =	shalt  }
0x6f: {  	_ =	shalt  }
0x70: {  	_ =	shalt  }
0x71: {  	_ =	shalt  }
0x72: {  	_ =	shalt  }
0x73: {  	_ =	shalt  }
0x74: {  	_ =	shalt  }
0x75: {  	_ =	shalt  }
0x76: {  	_ =	shalt  }
0x77: {  	_ =	shalt  }
0x78: {  	_ =	shalt  }
0x79: {  	_ =	shalt  }
0x7a: {  	_ =	shalt  }
0x7b: {  	_ =	shalt  }
0x7c: {  	_ =	shalt  }
0x7d: {  	_ =	shalt  }
0x7e: {  	_ =	shalt  }
0x7f: {  	_ =	shalt  }
0x80: {  	_ =	shalt  }
0x81: {  	_ =	shalt  }
0x82: {  	_ =	shalt  }
0x83: {  	_ =	shalt  }
0x84: {  	_ =	shalt  }
0x85: {  	_ =	shalt  }
0x86: {  	_ =	shalt  }
0x87: {  	_ =	shalt  }
.Lfunc_end0:
.L_simem_size_0:
called_computation_lowered:
.L_overlay_start_0:
0x88: {  	s2 =	sld [smem:$0x3FD9]  }
0x89: {  	s3 =	sld [smem:$0x3FFE];
	_ =	sdelay $0x1  }
0x8a: {  	s1 =	srdreg.scid  }
0x8b: {  	s0 =	sand.u32 $0x1, s1  }
0x8c: {  	s17 =	sshll.u32 s0, $0xA;
	s2 =	sadd.s32 s3, s2  }
0x8d: {  	s2 =	sadd.s32 s2, s17  }
0x8e: {  	[smem:$0x3FB9] =	sst s2  }
0x8f: {  	_ = 	snop  }
0x90: {  	s2 =	sld [smem:$0x3FD0];
	(tm) =	ssettm $0x1  }
0x91: {  	s18 =	sld [smem:$0x3FFB];
	_ =	sdelay $0x3  }
0x92: {  	_ =	strace s18  }
0x93: {  	s3 =	sld [smem:$0x3FFC];
	_ =	sdelay $0x3  }
0x94: {  	_ =	strace s3  }
0x95: {  	s3 =	sld [smem:$0x3FFD];
	_ =	sdelay $0x3  }
0x96: {  	_ =	strace s3  }
0x97: {  	_ =	strace $0x8FFFFFFF  }
0x98: {  	s19 =	sld [smem:$0x3FDB];
	_ =	sdelay $0x1  }
0x99: {  	s4 =	simm.s32 $_scs_section_size  }
0x9a: {  	s5 =	simm.s32 $_size__tile_overlayer_lowered;
	s6 =	simm.s32 $_tile_overlayer_lowered  }
0x9b: {  	s22 =	simm.s32 $0x1BFF;
	s21 =	sshll.u32 s6, $0x1;
	s3 =	sadd.s32 s4, s19  }
0x9c: {  	s7 =	simm.s32 $0x0;
	s20 =	sshll.u32 s5, $0x1;
	s5 =	sadd.s32 s21, s3  }
0x9d: {  	[timem:s7], [sflag:s22] =	dma.local [hbm:s5], s20  }
0x9e: {  	_ =	swait.ge [sflag:s22], s20  }
0x9f: {  	s4 =	ssub.s32 $0x0, s20;
	[sflag:s22] =	ssyncset.done $0x0  }
0xa0: {  	[sflag:s22] =	ssyncadd.s32 s4;
	_ =	sdelay $0x1  }
0xa1: {  	s23 =	simm.s32 $0x1B8B  }
0xa2: {  	_ =	swait.ge [sflag:s23], $0x1  }
0xa3: {  	[sflag:s23] =	ssyncset.done $0x0  }
0xa4: {  	s25 =	simm.s32 $0x1B8E;
	s24 =	sld [smem:$0x3FFE];
	[sflag:s23] =	ssyncadd.s32 $0xFFFFFFFF  }
0xa5: {  	s26 =	simm.s32 $execute0_lowered;
	[smem:$0x3FD2] =	sst s25  }
0xa6: {  	s5 =	sshll.u32 s26, $0x1;
	_ =	strace $0x80000046;
	[dreg:$0x1] =	wrdreg $0xFFFFFFFF  }
0xa7: {  	s28 =	simm.s32 $_size_execute0_lowered;
	s3 =	sadd.s32 s3, s5;
	[dreg:$0x0] =	wrdreg $0x0  }
0xa8: {  	s5 =	sshll.u32 s28, $0x1;
	[dreg:$0x2] =	wrdreg s3  }
0xa9: {  	[dreg:$0x3] =	wrdreg s5  }
0xaa: {  	[dreg:$0x4] =	wrdreg $0xC0  }
0xab: {  	_ =	task [dreg:s7], $0x5FFFF  }
0xac: {  	[dreg:$0x1] =	wrdreg $0xFFFFFFFF  }
0xad: {  	[dreg:$0x0] =	wrdreg $0x60  }
0xae: {  	[dreg:$0x2] =	wrdreg s24  }
0xaf: {  	[dreg:$0x3] =	wrdreg s2  }
0xb0: {  	[dreg:$0x4] =	wrdreg $0xA4000  }
0xb1: {  	[dreg:$0x5] =	wrdreg $0x9  }
0xb2: {  	_ =	task.clear_ibuf [dreg:s7], $0x6FFFF;
	_ =	strace $0x90000046  }
0xb3: {  	s29 =	simm.s32 $0x9;
	_ =	strace $0x80000048  }
0xb4: {  	_ =	swait.ge [sflag:s29], $0x1  }
0xb5: {  	[sflag:s29] =	ssyncadd.s32 $0xFFFFFFFF  }
0xb6: {  	_ =	strace $0x90000048  }
0xb7: {  	_ =	sfence  }
0xb8: {  	s30 =	sld [smem:$0x0];
	_ =	sdelay $0x2  }
0xb9: {  	s31 =	sshll.u32 s1, $0xD;
	s1 =	sshrl.u32 s1, $0x2  }
0xba: {  	s3 =	sand.u32 $0x4000, s31;
	s1 =	sadd.s32 s1, s30  }
0xbb: {  	s0 =	sor.u32 s3, s0;
	s1 =	sshll.u32 s1, $0x11  }
0xbc: {  	s0 =	sor.u32 s1, s0  }
0xbd: {  	s0 =	sadd.s32 $0x8F2B, s0  }
0xbe: {  	[sflag:s0] =	ssyncadd.remote.s32 $0x1  }
0xbf: {  	_ =	sfence.sel $0xFFFF  }
0xc0: {  	[dreg:$0x0] =	wrdreg $0xFFFFFFFF;
	(pc) =	sbr.abs _section_cstart, $3  }
0xc1: {  	[dreg:$0x1] =	wrdreg $0xFFFFFFFF  }
0xc2: {  	_ =	task.clear_ibuf [dreg:s7], $0x2FFFF;
	_ =	strace $0x9FFFFFFF  }
0xc3: {  	(tm) =	ssettm $0x7FFFFFFF  }
tec
execute0_lowered:
.L_overlay_start_1:
0x0: {  	(tag) =	ssettag $0x1  }
0x1: {  	s5 =	rddreg [dreg:$0x0];
	s1 =	srdreg.scid  }
0x2: {  	s0 =	stileid.u32;
	s9 =	rddreg [dreg:$0x1]  }
0x3: {  	s2 =	rddreg [dreg:$0x2];
	s3 =	simm.s32 $0x0;
	s16 =	simm.s32 $0x80  }
0x4: {  	s17 =	simm.s32 $0x100;
	s18 =	simm.s32 $0x1;
	s19 =	simm.s32 $0x200  }
0x5: {  	s20 =	simm.s32 $0x300;
	s21 =	simm.s32 $0x380;
	s22 =	simm.s32 $0x280  }
0x6: {  	s6 =	sand.u32 $0x1, s1;
	s4 =	smul.u32 $0x2800, s0;
	s1 =	rddreg [dreg:$0x3]  }
0x7: {  	s23 =	simm.s32 $0x0;
	[smem:$0x7FF] =	sst s3;
	s8 =	smul.u32 $0x500, s0  }
0x8: {  	s31 =	sshll.u32 s0, $0x6;
	s7 =	smul.u32 $0x1400, s6;
	_ =	strace $0x80000047  }
0x9: {  	s11 =	smul.u32 $0x5000, s6;
	s6 =	ssub.s32 $0x2, s6;
	s28 =	sshrl.u32 s8, $0x3  }
0xa: {  	v0 =	vlaneseq.u32;
	s30 =	sshrl.u32 s6, $0x1;
	s15 =	sadd.s32 s8, s2;
	s7 =	sadd.s32 s7, s4  }
0xb: {  	v0 =	vmul.u32 $0x2, v0;
	s4 =	sadd.s32 $0x37800, s5;
	s11 =	sadd.s32 s8, s11;
	s15 =	sshrl.u32 s15, $0x3  }
0xc: {  	s10 =	sshrl.u32 s7, $0x3;
	s13 =	sshrl.u32 s7, $0x2;
	s29 =	sshrl.u32 s11, $0x3  }
0xd: {  	v1 =	vor.u32 $0x1, v0;
	v2 =	vor.u32 $0x20, v0;
	v3 =	vor.u32 $0x21, v0;
	s11 =	ssub.s32 s6, s30;
	s12 =	sadd.s32 s10, s5;
	s10 =	sadd.s32 s28, s5  }
0xe: {  	v4 =	vor.u32 $0x40, v0;
	v5 =	vor.u32 $0x41, v0;
	v6 =	vor.u32 $0x60, v0;
	s14 =	sadd.s32 s13, s5;
	s7 =	sadd.s32 s29, s5;
	s9 =	sadd.s32 s13, s9  }
0xf: {  	v7 =	vor.u32 $0x61, v0;
	v8 =	vor.u32 $0x80, v0;
	v9 =	vor.u32 $0x81, v0;
	s13 =	simm.s32 $0x2;
	s5 =	sadd.s32 $0x42C00, s10;
	s6 =	sadd.s32 $0x4D600, s7  }
0x10: {  	v10 =	vor.u32 $0xA0, v0;
	v11 =	vor.u32 $0xA1, v0;
	v12 =	vor.u32 $0xC0, v0;
	s7 =	smax.u32 s11, $0x1;
	s8 =	sadd.s32 $0x43600, s14;
	s10 =	sadd.s32 $0x38C00, s12  }
0x11: {  	v13 =	vor.u32 $0xC1, v0;
	v14 =	vor.u32 $0xE0, v0;
	v15 =	vor.u32 $0xE1, v0;
	s11 =	sadd.s32 $0x3DC00, s12;
	s12 =	simm.s32 $0x400;
	s14 =	sor.u32 $0x1C02, s31  }
.LBB2_1:
0x12: {  	[tilespmem:s12], [sflag:$0x2] =	stream.linear.gather [hbm4b:s4+s3], $0xA000, $0x38;
	[tilespmem:$0xA900] =	vst v63  }
0x13: {  	_ =	swait.ge [sflag:s13], $0xA000  }
0x14: {  	[sflag:s13] =	ssyncset.done $0x0  }
0x15: {  	[sflag:s13] =	ssyncadd.s32 $0xFFFF6000  }
0x16: {  	[spmem:s15], [sflag:s14] =	dma.local [hbm:s5], $0xA0  }
0x17: {  	_ =	swait.ge [sflag:s13], $0xA0  }
0x18: {  	[sflag:s13] =	ssyncset.done $0x0  }
0x19: {  	s24 =	smov.u32 s9;
	[sflag:s13] =	ssyncadd.s32 $0xFFFFFF60  }
0x1a: {  	s25 =	smov.u32 s8;
	s26 =	simm.s32 $0x0;
	[bflag:$0x0] =	sbarrier.arrive $0xFFFF  }
.LBB2_2:
0x1b: {  	s28 =	sadd.s32 s26, s11  }
0x1c: {  	[tilespmem:s3], [sflag:$0x1] =	stream.linear.gather [hbm4b:s28+s3], $0x80, $0x38;
	[tilespmem:$0xA900] =	vst v63  }
0x1d: {  	s31 =	sadd.s32 s26, s10  }
0x1e: {  	[tilespmem:s16], [sflag:$0x1] =	stream.linear.gather [hbm4b:s31+s3], $0x80, $0x38;
	[tilespmem:$0xA900] =	vst v63  }
0x1f: {  	_ = 	snop  }
0x20: {  	[tilespmem:s17], [sflag:$0x1] =	stream.linear.gather [hbm4b:s24+s3], $0x100, $0x38;
	[tilespmem:$0xA900] =	vst v63  }
0x21: {  	_ =	swait.ge [sflag:s18], $0x80  }
0x22: {  	[sflag:s18] =	ssyncset.done $0x0  }
0x23: {  	[sflag:s18] =	ssyncadd.s32 $0xFFFFFF80  }
0x24: {  	_ =	swait.ge [sflag:s18], $0x80  }
0x25: {  	[sflag:s18] =	ssyncset.done $0x0  }
0x26: {  	[sflag:s18] =	ssyncadd.s32 $0xFFFFFF80  }
0x27: {  	_ =	swait.ge [sflag:s18], $0x100  }
0x28: {  	[sflag:s18] =	ssyncset.done $0x0  }
0x29: {  	[sflag:s18] =	ssyncadd.s32 $0xFFFFFF00  }
0x2a: {  	v16 =	vld [tilespmem:$0x0]  }
0x2b: {  	v17 =	vld [tilespmem:$0x80];
	_ =	sdelay $0x3  }
0x2c: {  	v18 =	vshll.u32 v16, $0x2  }
0x2d: {  	v17 =	vshll.u32 v17, $0x2;
	v19 =	vor.u32 $0x1, v18  }
0x2e: {  	v20 =	vor.u32 $0x2, v17  }
0x2f: {  	v17 =	vor.u32 $0x3, v17;
	_ =	sdelay $0x1  }
0x30: {  	v18 =	vld.idx.msk [tilespmem:v18+s12+$0x0], $0xffff  }
0x31: {  	v19 =	vld.idx.msk [tilespmem:v19+s12+$0x0], $0xffff  }
0x32: {  	v20 =	vld.idx.msk [tilespmem:v20+s12+$0x0], $0xffff  }
0x33: {  	v17 =	vld.idx.msk [tilespmem:v17+s12+$0x0], $0xffff  }
0x34: {  	v21 =	vld.idx.msk [tilespmem:v0+s17+$0x0], $0xffff  }
0x35: {  	v22 =	vld.idx.msk [tilespmem:v1+s17+$0x0], $0xffff;
	_ =	sdelay $0x1  }
0x36: {  	v18 =	vadd.f32 v20, v18  }
0x37: {  	v17 =	vadd.f32 v17, v19  }
0x38: {  	v18 =	vadd.f32 v21, v18  }
0x39: {  	v17 =	vadd.f32 v22, v17  }
0x3a: {  	v46 =	vmul.f32 $2.000000030e-01, v18  }
0x3b: {  	vm0 =	vge.f32 v18, $0.0e+00;
	v47 =	vmul.f32 $2.000000030e-01, v17  }
0x3c: {  	vm13 =	vge.f32 v17, $0.0e+00;
	v18 =	vsel vm0, v18, v46  }
0x3d: {  	v17 =	vsel vm13, v17, v47;
	v18 =	vmul.f32 $1.442695020e+00, v18  }
0x3e: {  	v17 =	vmul.f32 $1.442695020e+00, v17  }
0x3f: {  	(erf) = vpow2.f32 v18  }
0x40: {  	(erf) = vpow2.f32 v17;
	_ =	sdelay $0x7  }
0x41: {  	v17 =	vpop (erf)  }
0x42: {  	v48 =	vpop (erf);
	[tilespmem:v0+s19+$0x0] =	vst.idx.msk $0xffff, v17  }
0x43: {  	v16 =	vshll.u32 v16, $0x1;
	[tilespmem:v1+s19+$0x0] =	vst.idx.msk $0xffff, v48  }
0x44: {  	[tilespmem:v0+s20+$0x0] =	vst.idx.msk $0xffff, v16;
	v16 =	vor.u32 $0x1, v16  }
0x45: {  	[tilespmem:v1+s20+$0x0] =	vst.idx.msk $0xffff, v16  }
0x46: {  	v16 =	vld [tilespmem:$0x10]  }
0x47: {  	v17 =	vld [tilespmem:$0x90];
	_ =	sdelay $0x3  }
0x48: {  	v49 =	vshll.u32 v16, $0x2  }
0x49: {  	v17 =	vshll.u32 v17, $0x2;
	v50 =	vor.u32 $0x1, v49  }
0x4a: {  	v51 =	vor.u32 $0x2, v17  }
0x4b: {  	v17 =	vor.u32 $0x3, v17;
	_ =	sdelay $0x1  }
0x4c: {  	v18 =	vld.idx.msk [tilespmem:v49+s12+$0x0], $0xffff  }
0x4d: {  	v19 =	vld.idx.msk [tilespmem:v50+s12+$0x0], $0xffff  }
0x4e: {  	v20 =	vld.idx.msk [tilespmem:v51+s12+$0x0], $0xffff  }
0x4f: {  	v17 =	vld.idx.msk [tilespmem:v17+s12+$0x0], $0xffff  }
0x50: {  	v52 =	vld.idx.msk [tilespmem:v2+s17+$0x0], $0xffff  }
0x51: {  	v53 =	vld.idx.msk [tilespmem:v3+s17+$0x0], $0xffff;
	_ =	sdelay $0x1  }
0x52: {  	v18 =	vadd.f32 v20, v18  }
0x53: {  	v17 =	vadd.f32 v17, v19  }
0x54: {  	v18 =	vadd.f32 v52, v18  }
0x55: {  	v17 =	vadd.f32 v53, v17  }
0x56: {  	v54 =	vmul.f32 $2.000000030e-01, v18  }
0x57: {  	vm14 =	vge.f32 v18, $0.0e+00;
	v55 =	vmul.f32 $2.000000030e-01, v17  }
0x58: {  	vm15 =	vge.f32 v17, $0.0e+00;
	v18 =	vsel vm14, v18, v54  }
0x59: {  	v17 =	vsel vm15, v17, v55;
	v18 =	vmul.f32 $1.442695020e+00, v18  }
0x5a: {  	v17 =	vmul.f32 $1.442695020e+00, v17  }
0x5b: {  	(erf) = vpow2.f32 v18  }
0x5c: {  	(erf) = vpow2.f32 v17;
	_ =	sdelay $0x7  }
0x5d: {  	v17 =	vpop (erf)  }
0x5e: {  	v56 =	vpop (erf);
	[tilespmem:v2+s19+$0x0] =	vst.idx.msk $0xffff, v17  }
0x5f: {  	v16 =	vshll.u32 v16, $0x1;
	[tilespmem:v3+s19+$0x0] =	vst.idx.msk $0xffff, v56  }
0x60: {  	[tilespmem:v2+s20+$0x0] =	vst.idx.msk $0xffff, v16;
	v16 =	vor.u32 $0x1, v16  }
0x61: {  	[tilespmem:v3+s20+$0x0] =	vst.idx.msk $0xffff, v16  }
0x62: {  	v16 =	vld [tilespmem:$0x20]  }
0x63: {  	v17 =	vld [tilespmem:$0xA0];
	_ =	sdelay $0x3  }
0x64: {  	v57 =	vshll.u32 v16, $0x2  }
0x65: {  	v17 =	vshll.u32 v17, $0x2;
	v58 =	vor.u32 $0x1, v57  }
0x66: {  	v59 =	vor.u32 $0x2, v17  }
0x67: {  	v17 =	vor.u32 $0x3, v17;
	_ =	sdelay $0x1  }
0x68: {  	v18 =	vld.idx.msk [tilespmem:v57+s12+$0x0], $0xffff  }
0x69: {  	v19 =	vld.idx.msk [tilespmem:v58+s12+$0x0], $0xffff  }
0x6a: {  	v20 =	vld.idx.msk [tilespmem:v59+s12+$0x0], $0xffff  }
0x6b: {  	v17 =	vld.idx.msk [tilespmem:v17+s12+$0x0], $0xffff  }
0x6c: {  	v60 =	vld.idx.msk [tilespmem:v4+s17+$0x0], $0xffff  }
0x6d: {  	v61 =	vld.idx.msk [tilespmem:v5+s17+$0x0], $0xffff;
	_ =	sdelay $0x1  }
0x6e: {  	v18 =	vadd.f32 v20, v18  }
0x6f: {  	v17 =	vadd.f32 v17, v19  }
0x70: {  	v18 =	vadd.f32 v60, v18  }
0x71: {  	v17 =	vadd.f32 v61, v17  }
0x72: {  	v62 =	vmul.f32 $2.000000030e-01, v18  }
0x73: {  	vm4 =	vge.f32 v18, $0.0e+00;
	v63 =	vmul.f32 $2.000000030e-01, v17  }
0x74: {  	vm5 =	vge.f32 v17, $0.0e+00;
	v18 =	vsel vm4, v18, v62  }
0x75: {  	v17 =	vsel vm5, v17, v63;
	v18 =	vmul.f32 $1.442695020e+00, v18  }
0x76: {  	v17 =	vmul.f32 $1.442695020e+00, v17  }
0x77: {  	(erf) = vpow2.f32 v18  }
0x78: {  	(erf) = vpow2.f32 v17;
	_ =	sdelay $0x7  }
0x79: {  	v17 =	vpop (erf)  }
0x7a: {  	v23 =	vpop (erf);
	[tilespmem:v4+s19+$0x0] =	vst.idx.msk $0xffff, v17  }
0x7b: {  	v16 =	vshll.u32 v16, $0x1;
	[tilespmem:v5+s19+$0x0] =	vst.idx.msk $0xffff, v23  }
0x7c: {  	[tilespmem:v4+s20+$0x0] =	vst.idx.msk $0xffff, v16;
	v16 =	vor.u32 $0x1, v16  }
0x7d: {  	[tilespmem:v5+s20+$0x0] =	vst.idx.msk $0xffff, v16  }
0x7e: {  	v16 =	vld [tilespmem:$0x30]  }
0x7f: {  	v17 =	vld [tilespmem:$0xB0];
	_ =	sdelay $0x3  }
0x80: {  	v24 =	vshll.u32 v16, $0x2  }
0x81: {  	v17 =	vshll.u32 v17, $0x2;
	v25 =	vor.u32 $0x1, v24  }
0x82: {  	v26 =	vor.u32 $0x2, v17  }
0x83: {  	v17 =	vor.u32 $0x3, v17;
	_ =	sdelay $0x1  }
0x84: {  	v18 =	vld.idx.msk [tilespmem:v24+s12+$0x0], $0xffff  }
0x85: {  	v19 =	vld.idx.msk [tilespmem:v25+s12+$0x0], $0xffff  }
0x86: {  	v20 =	vld.idx.msk [tilespmem:v26+s12+$0x0], $0xffff  }
0x87: {  	v17 =	vld.idx.msk [tilespmem:v17+s12+$0x0], $0xffff  }
0x88: {  	v27 =	vld.idx.msk [tilespmem:v6+s17+$0x0], $0xffff  }
0x89: {  	v28 =	vld.idx.msk [tilespmem:v7+s17+$0x0], $0xffff;
	_ =	sdelay $0x1  }
0x8a: {  	v18 =	vadd.f32 v20, v18  }
0x8b: {  	v17 =	vadd.f32 v17, v19  }
0x8c: {  	v18 =	vadd.f32 v27, v18  }
0x8d: {  	v17 =	vadd.f32 v28, v17  }
0x8e: {  	v29 =	vmul.f32 $2.000000030e-01, v18  }
0x8f: {  	vm6 =	vge.f32 v18, $0.0e+00;
	v30 =	vmul.f32 $2.000000030e-01, v17  }
0x90: {  	vm7 =	vge.f32 v17, $0.0e+00;
	v18 =	vsel vm6, v18, v29  }
0x91: {  	v17 =	vsel vm7, v17, v30;
	v18 =	vmul.f32 $1.442695020e+00, v18  }
0x92: {  	v17 =	vmul.f32 $1.442695020e+00, v17  }
0x93: {  	(erf) = vpow2.f32 v18  }
0x94: {  	(erf) = vpow2.f32 v17;
	_ =	sdelay $0x7  }
0x95: {  	v17 =	vpop (erf)  }
0x96: {  	v31 =	vpop (erf);
	[tilespmem:v6+s19+$0x0] =	vst.idx.msk $0xffff, v17  }
0x97: {  	v16 =	vshll.u32 v16, $0x1;
	[tilespmem:v7+s19+$0x0] =	vst.idx.msk $0xffff, v31  }
0x98: {  	[tilespmem:v6+s20+$0x0] =	vst.idx.msk $0xffff, v16;
	v16 =	vor.u32 $0x1, v16  }
0x99: {  	[tilespmem:v7+s20+$0x0] =	vst.idx.msk $0xffff, v16  }
0x9a: {  	v16 =	vld [tilespmem:$0x40]  }
0x9b: {  	v17 =	vld [tilespmem:$0xC0];
	_ =	sdelay $0x3  }
0x9c: {  	v32 =	vshll.u32 v16, $0x2  }
0x9d: {  	v17 =	vshll.u32 v17, $0x2;
	v33 =	vor.u32 $0x1, v32  }
0x9e: {  	v34 =	vor.u32 $0x2, v17  }
0x9f: {  	v17 =	vor.u32 $0x3, v17;
	_ =	sdelay $0x1  }
0xa0: {  	v18 =	vld.idx.msk [tilespmem:v32+s12+$0x0], $0xffff  }
0xa1: {  	v19 =	vld.idx.msk [tilespmem:v33+s12+$0x0], $0xffff  }
0xa2: {  	v20 =	vld.idx.msk [tilespmem:v34+s12+$0x0], $0xffff  }
0xa3: {  	v17 =	vld.idx.msk [tilespmem:v17+s12+$0x0], $0xffff  }
0xa4: {  	v35 =	vld.idx.msk [tilespmem:v8+s17+$0x0], $0xffff  }
0xa5: {  	v36 =	vld.idx.msk [tilespmem:v9+s17+$0x0], $0xffff;
	_ =	sdelay $0x1  }
0xa6: {  	v18 =	vadd.f32 v20, v18  }
0xa7: {  	v17 =	vadd.f32 v17, v19  }
0xa8: {  	v18 =	vadd.f32 v35, v18  }
0xa9: {  	v17 =	vadd.f32 v36, v17  }
0xaa: {  	v37 =	vmul.f32 $2.000000030e-01, v18  }
0xab: {  	vm8 =	vge.f32 v18, $0.0e+00;
	v38 =	vmul.f32 $2.000000030e-01, v17  }
0xac: {  	vm9 =	vge.f32 v17, $0.0e+00;
	v18 =	vsel vm8, v18, v37  }
0xad: {  	v17 =	vsel vm9, v17, v38;
	v18 =	vmul.f32 $1.442695020e+00, v18  }
0xae: {  	v17 =	vmul.f32 $1.442695020e+00, v17  }
0xaf: {  	(erf) = vpow2.f32 v18  }
0xb0: {  	(erf) = vpow2.f32 v17;
	_ =	sdelay $0x7  }
0xb1: {  	v17 =	vpop (erf)  }
0xb2: {  	v39 =	vpop (erf);
	[tilespmem:v8+s19+$0x0] =	vst.idx.msk $0xffff, v17  }
0xb3: {  	v16 =	vshll.u32 v16, $0x1;
	[tilespmem:v9+s19+$0x0] =	vst.idx.msk $0xffff, v39  }
0xb4: {  	[tilespmem:v0+s21+$0x0] =	vst.idx.msk $0xffff, v16;
	v16 =	vor.u32 $0x1, v16  }
0xb5: {  	[tilespmem:v1+s21+$0x0] =	vst.idx.msk $0xffff, v16  }
0xb6: {  	v16 =	vld [tilespmem:$0x50]  }
0xb7: {  	v17 =	vld [tilespmem:$0xD0];
	_ =	sdelay $0x3  }
0xb8: {  	v40 =	vshll.u32 v16, $0x2  }
0xb9: {  	v17 =	vshll.u32 v17, $0x2;
	v41 =	vor.u32 $0x1, v40  }
0xba: {  	v42 =	vor.u32 $0x2, v17  }
0xbb: {  	v17 =	vor.u32 $0x3, v17;
	_ =	sdelay $0x1  }
0xbc: {  	v18 =	vld.idx.msk [tilespmem:v40+s12+$0x0], $0xffff  }
0xbd: {  	v19 =	vld.idx.msk [tilespmem:v41+s12+$0x0], $0xffff  }
0xbe: {  	v20 =	vld.idx.msk [tilespmem:v42+s12+$0x0], $0xffff  }
0xbf: {  	v17 =	vld.idx.msk [tilespmem:v17+s12+$0x0], $0xffff  }
0xc0: {  	v43 =	vld.idx.msk [tilespmem:v10+s17+$0x0], $0xffff  }
0xc1: {  	v44 =	vld.idx.msk [tilespmem:v11+s17+$0x0], $0xffff;
	_ =	sdelay $0x1  }
0xc2: {  	v18 =	vadd.f32 v20, v18  }
0xc3: {  	v17 =	vadd.f32 v17, v19  }
0xc4: {  	v18 =	vadd.f32 v43, v18  }
0xc5: {  	v17 =	vadd.f32 v44, v17  }
0xc6: {  	v45 =	vmul.f32 $2.000000030e-01, v18  }
0xc7: {  	vm10 =	vge.f32 v18, $0.0e+00;
	v46 =	vmul.f32 $2.000000030e-01, v17  }
0xc8: {  	vm11 =	vge.f32 v17, $0.0e+00;
	v18 =	vsel vm10, v18, v45  }
0xc9: {  	v17 =	vsel vm11, v17, v46;
	v18 =	vmul.f32 $1.442695020e+00, v18  }
0xca: {  	v17 =	vmul.f32 $1.442695020e+00, v17  }
0xcb: {  	(erf) = vpow2.f32 v18  }
0xcc: {  	(erf) = vpow2.f32 v17;
	_ =	sdelay $0x7  }
0xcd: {  	v17 =	vpop (erf)  }
0xce: {  	v47 =	vpop (erf);
	[tilespmem:v10+s19+$0x0] =	vst.idx.msk $0xffff, v17  }
0xcf: {  	v16 =	vshll.u32 v16, $0x1;
	[tilespmem:v11+s19+$0x0] =	vst.idx.msk $0xffff, v47  }
0xd0: {  	[tilespmem:v2+s21+$0x0] =	vst.idx.msk $0xffff, v16;
	v16 =	vor.u32 $0x1, v16  }
0xd1: {  	[tilespmem:v3+s21+$0x0] =	vst.idx.msk $0xffff, v16  }
0xd2: {  	v16 =	vld [tilespmem:$0x60]  }
0xd3: {  	v17 =	vld [tilespmem:$0xE0];
	_ =	sdelay $0x3  }
0xd4: {  	v48 =	vshll.u32 v16, $0x2  }
0xd5: {  	v17 =	vshll.u32 v17, $0x2;
	v49 =	vor.u32 $0x1, v48  }
0xd6: {  	v50 =	vor.u32 $0x2, v17  }
0xd7: {  	v17 =	vor.u32 $0x3, v17;
	_ =	sdelay $0x1  }
0xd8: {  	v18 =	vld.idx.msk [tilespmem:v48+s12+$0x0], $0xffff  }
0xd9: {  	v19 =	vld.idx.msk [tilespmem:v49+s12+$0x0], $0xffff  }
0xda: {  	v20 =	vld.idx.msk [tilespmem:v50+s12+$0x0], $0xffff  }
0xdb: {  	v17 =	vld.idx.msk [tilespmem:v17+s12+$0x0], $0xffff  }
0xdc: {  	v51 =	vld.idx.msk [tilespmem:v12+s17+$0x0], $0xffff  }
0xdd: {  	v52 =	vld.idx.msk [tilespmem:v13+s17+$0x0], $0xffff;
	_ =	sdelay $0x1  }
0xde: {  	v18 =	vadd.f32 v20, v18  }
0xdf: {  	v17 =	vadd.f32 v17, v19  }
0xe0: {  	v18 =	vadd.f32 v51, v18  }
0xe1: {  	v17 =	vadd.f32 v52, v17  }
0xe2: {  	v53 =	vmul.f32 $2.000000030e-01, v18  }
0xe3: {  	vm12 =	vge.f32 v18, $0.0e+00;
	v54 =	vmul.f32 $2.000000030e-01, v17  }
0xe4: {  	vm13 =	vge.f32 v17, $0.0e+00;
	v18 =	vsel vm12, v18, v53  }
0xe5: {  	v17 =	vsel vm13, v17, v54;
	v18 =	vmul.f32 $1.442695020e+00, v18  }
0xe6: {  	v17 =	vmul.f32 $1.442695020e+00, v17  }
0xe7: {  	(erf) = vpow2.f32 v18  }
0xe8: {  	(erf) = vpow2.f32 v17;
	_ =	sdelay $0x7  }
0xe9: {  	v17 =	vpop (erf)  }
0xea: {  	v55 =	vpop (erf);
	[tilespmem:v12+s19+$0x0] =	vst.idx.msk $0xffff, v17  }
0xeb: {  	v16 =	vshll.u32 v16, $0x1;
	[tilespmem:v13+s19+$0x0] =	vst.idx.msk $0xffff, v55  }
0xec: {  	[tilespmem:v4+s21+$0x0] =	vst.idx.msk $0xffff, v16;
	v16 =	vor.u32 $0x1, v16  }
0xed: {  	[tilespmem:v5+s21+$0x0] =	vst.idx.msk $0xffff, v16  }
0xee: {  	v16 =	vld [tilespmem:$0x70]  }
0xef: {  	v17 =	vld [tilespmem:$0xF0];
	_ =	sdelay $0x3  }
0xf0: {  	v56 =	vshll.u32 v16, $0x2  }
0xf1: {  	v17 =	vshll.u32 v17, $0x2;
	v57 =	vor.u32 $0x1, v56  }
0xf2: {  	v58 =	vor.u32 $0x2, v17  }
0xf3: {  	v17 =	vor.u32 $0x3, v17;
	_ =	sdelay $0x1  }
0xf4: {  	v18 =	vld.idx.msk [tilespmem:v56+s12+$0x0], $0xffff  }
0xf5: {  	v19 =	vld.idx.msk [tilespmem:v57+s12+$0x0], $0xffff  }
0xf6: {  	v20 =	vld.idx.msk [tilespmem:v58+s12+$0x0], $0xffff  }
0xf7: {  	v17 =	vld.idx.msk [tilespmem:v17+s12+$0x0], $0xffff  }
0xf8: {  	v59 =	vld.idx.msk [tilespmem:v14+s17+$0x0], $0xffff  }
0xf9: {  	v60 =	vld.idx.msk [tilespmem:v15+s17+$0x0], $0xffff;
	_ =	sdelay $0x1  }
0xfa: {  	v18 =	vadd.f32 v20, v18  }
0xfb: {  	v17 =	vadd.f32 v17, v19  }
0xfc: {  	v18 =	vadd.f32 v59, v18  }
0xfd: {  	v17 =	vadd.f32 v60, v17  }
0xfe: {  	v61 =	vmul.f32 $2.000000030e-01, v18  }
0xff: {  	vm14 =	vge.f32 v18, $0.0e+00;
	v62 =	vmul.f32 $2.000000030e-01, v17  }
0x100: {  	vm15 =	vge.f32 v17, $0.0e+00;
	v18 =	vsel vm14, v18, v61  }
0x101: {  	v17 =	vsel vm15, v17, v62;
	v18 =	vmul.f32 $1.442695020e+00, v18  }
0x102: {  	v17 =	vmul.f32 $1.442695020e+00, v17  }
0x103: {  	(erf) = vpow2.f32 v18  }
0x104: {  	(erf) = vpow2.f32 v17;
	_ =	sdelay $0x7  }
0x105: {  	v17 =	vpop (erf)  }
0x106: {  	v63 =	vpop (erf);
	[tilespmem:v14+s19+$0x0] =	vst.idx.msk $0xffff, v17  }
0x107: {  	v16 =	vshll.u32 v16, $0x1;
	[tilespmem:v15+s19+$0x0] =	vst.idx.msk $0xffff, v63  }
0x108: {  	[tilespmem:v6+s21+$0x0] =	vst.idx.msk $0xffff, v16;
	v16 =	vor.u32 $0x1, v16  }
0x109: {  	[tilespmem:v7+s21+$0x0] =	vst.idx.msk $0xffff, v16  }
0x10a: {  	[hbm4b:s25+s3] =	stream.linear.scatter [tilespmem:s19], [sflag:$0x2], $0x100, $0x38;
	[tilespmem:$0xA900] =	vst v63  }
0x10b: {  	_ =	swait.ge [sflag:s13], $0x100  }
0x10c: {  	[sflag:s13] =	ssyncset.done $0x0  }
0x10d: {  	[sflag:s13] =	ssyncadd.s32 $0xFFFFFF00  }
0x10e: {  	[spmem:s2] =	stream.indirect.scatter.add.f32 [tilespmem:s19], [sflag:$0x2], $0x1, s20, s16, $0xb8;
	[tilespmem:$0xA900] =	vst v63  }
0x10f: {  	_ =	swait.ge [sflag:s13], $0x80  }
0x110: {  	p0 =	sne.s32 s26, $0x270;
	[sflag:s13] =	ssyncset.done $0x0  }
.Ltmp0:
0x111: {  	[sflag:s13] =	ssyncadd.s32 $0xFFFFFF80;
	(pc) =	sbr.rel @p0 .LBB2_2-.Ltmp0, $4  }
0x112: {  	[spmem:s2] =	stream.indirect.scatter.add.f32 [tilespmem:s22], [sflag:$0x2], $0x1, s21, s16, $0xb8;
	[tilespmem:$0xA900] =	vst v63  }
0x113: {  	_ =	swait.ge [sflag:s13], $0x80  }
0x114: {  	s26 =	sadd.s32 $0x10, s26;
	[sflag:s13] =	ssyncset.done $0x0  }
0x115: {  	s24 =	sadd.s32 $0x20, s24;
	s25 =	sadd.s32 $0x20, s25;
	[sflag:s13] =	ssyncadd.s32 $0xFFFFFF80  }
0x116: {  	s23 =	sadd.s32 $0x1, s23  }
0x117: {  	p0 =	sne.s32 s23, s7  }
.Ltmp1:
0x118: {  	[bflag:$0x0] =	sbarrier.arrive $0xFFFF;
	(pc) =	sbr.rel @p0 .LBB2_1-.Ltmp1, $4  }
0x119: {  	[hbm:s6], [sflag:s14] =	dma.local [spmem:s15], $0xA0  }
0x11a: {  	_ =	swait.ge [sflag:s13], $0xA0  }
0x11b: {  	[sflag:s13] =	ssyncset.done $0x0  }
0x11c: {  	[sflag:s13] =	ssyncadd.s32 $0xFFFFFF60  }
0x11d: {  	_ =	sfence.sel $0x180000  }
0x11e: {  	[bflag:$0x0] =	sbarrier.arrive $0xFFFF  }
0x11f: {  	p0 =	sne.s32 s0, $0x0;
	_ =	strace $0x90000047  }
0x120: {  	s0 =	sadd.s32 @!p0 $0x100000, s1;
	[bflag:$0x2] =	sbarrier.arrive $0xFFFF  }
0x121: {  	[sflag:s0] =	ssyncadd.tile.s32 @!p0 $0x1;
	_ =	shalt  }
.Lfunc_end2:
_tile_overlayer_lowered:
.L_overlay_start_2:
0x122: {  	(tag) =	ssettag $0x2  }
0x123: {  	s0 =	rddreg [dreg:$0x0];
	s2 =	stileid.u32  }
0x124: {  	s1 =	rddreg [dreg:$0x1];
	p0 =	sne.s32 s2, $0x0  }
0x125: {  	s3 =	rddreg [dreg:$0x2];
	[bflag:$0x3] =	sbarrier.arrive $0xFFFF;
	s2 =	simm.s32 @!p0 $0x1C02  }
0x126: {  	[timem:s3], [sflag:s2] =	dma.local @!p0 [hbm:s0], s1  }
0x127: {  	s0 =	simm.s32 @!p0 $0x2  }
0x128: {  	_ =	swait.ge @!p0 [sflag:s0], s1  }
0x129: {  	s1 =	ssub.s32 @!p0 $0x0, s1;
	[sflag:s0] =	ssyncset.done @!p0 $0x0  }
0x12a: {  	[sflag:s0] =	ssyncadd.s32 @!p0 s1  }
0x12b: {  	[bflag:$0x3] =	sbarrier.arrive $0xFFFF  }
0x12c: {  	_ =	shalt  }

// kernel: kernel.20.cloned.1.call-start
scs
__scs_entry_jumppad:
0x0: {  	(pc) =	sbr.rel $0x88, $3  }
0x1: {  	(tag) =	ssettag $0x0;
	lr =	simm.s32 $0x1  }
0x2: {  	[smem:$0x3F92] =	sst lr;
	_ =	strace $0xD0000000  }
0x3: {  	_ = 	snop  }
0x4: {  	_ = 	snop  }
0x5: {  	_ = 	snop  }
0x6: {  	_ = 	snop  }
0x7: {  	_ = 	snop  }
__scs_overlays_trampoline_lowered:
0x8: {  	[smem:$0x3FA1] =	sst s0  }
0x9: {  	[smem:$0x3FA2] =	sst s1  }
0xa: {  	[smem:$0x3FA3] =	sst s2  }
0xb: {  	[smem:$0x3FA4] =	sst s3  }
0xc: {  	[smem:$0x3FA5] =	sst s4  }
0xd: {  	[smem:$0x3FA6] =	sst s5  }
0xe: {  	[smem:$0x3FA7] =	sst s6  }
0xf: {  	[smem:$0x3FA8] =	sst s7  }
0x10: {  	[smem:$0x3FA9] =	sst s8  }
0x11: {  	[smem:$0x3FAA] =	sst s9;
	s0 =	simm.s32 @!p0 $0x0  }
0x12: {  	s1 =	sld [smem:$0x3F90];
	s0 =	simm.s32 @p0 $0x1  }
0x13: {  	[smem:$0x3FAB] =	sst s0;
	s0 =	simm.s32 @!p1 $0x0  }
0x14: {  	s2 =	sld [smem:$0x3F8F];
	s0 =	simm.s32 @p1 $0x1  }
0x15: {  	[smem:$0x3FAC] =	sst s0;
	s0 =	simm.s32 @!p2 $0x0  }
0x16: {  	s3 =	sld [smem:$0x3FDB];
	s0 =	simm.s32 @p2 $0x1  }
0x17: {  	s4 =	simm.s32 $0x1BF5;
	[smem:$0x3FAE] =	sst s0  }
0x18: {  	s0 =	sld [smem:$0x3F91];
	_ =	swait.ge [sflag:s4], $0x0  }
0x19: {  	s7 =	sld [smem:$0x3F92]  }
0x1a: {  	s8 =	sadd.s32 $0xFFFFE003, lr  }
0x1b: {  	s9 =	sadd.s32 $0xFFFFFEF7, lr;
	s5 =	simm.s32 $0xFFFFFFFF;
	p2 =	slt.u32 s8, $0xFFFFF086  }
0x1c: {  	p1 =	slt.u32 s9, $0xF7A;
	s5 =	simm.s32 @!p2 $0x0  }
0x1d: {  	s5 =	simm.s32 @p1 $0x1;
	p0 =	seq.s32 s7, s2  }
0x1e: {  	s7 =	smul.u32 @!p0 $0xF7A, s2;
	p2 =	seq.s32 @!p0 s5, $0x0  }
0x1f: {  	s9 =	smul.u32 $0xF7A, s1;
	s8 =	simm.s32 @!p0 $0x1BF5;
	p2 =	por !p2, p0  }
0x20: {  	[sflag:s8] =	ssyncset.s32 @!p0 $0xFFFFF086;
	s6 =	sadd.s32 @!p0 s3, s7;
	s7 =	simm.s32 @!p0 $0x108  }
0x21: {  	s3 =	sadd.s32 s3, s9;
	s6 =	sadd.s32 @!p0 $0x88, s6;
	s7 =	simm.s32 @p2 $0x1082  }
0x22: {  	[simem:s7], [sflag:s8] =	dma.local @!p0 [hbm:s6], $0xF7A  }
0x23: {  	s9 =	sor.u32 $0xD0000000, s2;
	s6 =	simm.s32 $0x108;
	_ =	swait.ge @!p0 [sflag:s8], $0x0  }
0x24: {  	s3 =	sadd.s32 $0x88, s3;
	s6 =	simm.s32 @!p1 $0x1082;
	[sflag:s4] =	ssyncset.s32 $0xFFFFF086  }
0x25: {  	[simem:s6], [sflag:s4] =	dma.local [hbm:s3], $0xF7A  }
0x26: {  	[smem:$0x3F92] =	sst s1;
	(tag) =	ssettag s2;
	_ =	strace s9  }
0x27: {  	s1 =	sld [smem:$0x3FA2]  }
0x28: {  	s2 =	sld [smem:$0x3FA3]  }
0x29: {  	s4 =	sld [smem:$0x3FA5]  }
0x2a: {  	p0 =	seq.s32 s5, $0x0;
	s5 =	sld [smem:$0x3FA6]  }
0x2b: {  	s6 =	sld [smem:$0x3FA7]  }
0x2c: {  	s7 =	sld [smem:$0x3FA8]  }
0x2d: {  	s3 =	simm.s32 $0x108;
	s8 =	sld [smem:$0x3FA9]  }
0x2e: {  	s3 =	simm.s32 @!p0 $0x1082;
	s9 =	sld [smem:$0x3FAA]  }
0x2f: {  	lr =	sadd.s32 s0, s3;
	s0 =	sld [smem:$0x3FA1]  }
0x30: {  	s3 =	sld [smem:$0x3FA4]  }
0x31: {  	[smem:$0x3FAD] =	sst s10  }
0x32: {  	s10 =	sld [smem:$0x3FAB];
	_ =	sdelay $0x3  }
0x33: {  	p0 =	seq.s32 s10, $0x1;
	s10 =	sld [smem:$0x3FAD];
	_ =	sdelay $0x3  }
0x34: {  	[smem:$0x3FAD] =	sst s10  }
0x35: {  	s10 =	sld [smem:$0x3FAC];
	_ =	sdelay $0x3  }
0x36: {  	p1 =	seq.s32 s10, $0x1;
	s10 =	sld [smem:$0x3FAD];
	_ =	sdelay $0x3  }
0x37: {  	[smem:$0x3FAD] =	sst s10  }
0x38: {  	s10 =	sld [smem:$0x3FAE]  }
0x39: {  	_ = 	snop;
	(pc) =	sbr.ind lr, $3  }
0x3a: {  	_ = 	snop  }
0x3b: {  	_ = 	snop  }
0x3c: {  	p2 =	seq.s32 s10, $0x1;
	s10 =	sld [smem:$0x3FAD]  }
0x3d: {  	_ =	shalt  }
0x3e: {  	_ =	shalt  }
0x3f: {  	_ =	shalt  }
0x40: {  	_ =	shalt  }
0x41: {  	_ =	shalt  }
0x42: {  	_ =	shalt  }
0x43: {  	_ =	shalt  }
0x44: {  	_ =	shalt  }
0x45: {  	_ =	shalt  }
0x46: {  	_ =	shalt  }
0x47: {  	_ =	shalt  }
0x48: {  	_ =	shalt  }
0x49: {  	_ =	shalt  }
0x4a: {  	_ =	shalt  }
0x4b: {  	_ =	shalt  }
0x4c: {  	_ =	shalt  }
0x4d: {  	_ =	shalt  }
0x4e: {  	_ =	shalt  }
0x4f: {  	_ =	shalt  }
0x50: {  	_ =	shalt  }
0x51: {  	_ =	shalt  }
0x52: {  	_ =	shalt  }
0x53: {  	_ =	shalt  }
0x54: {  	_ =	shalt  }
0x55: {  	_ =	shalt  }
0x56: {  	_ =	shalt  }
0x57: {  	_ =	shalt  }
0x58: {  	_ =	shalt  }
0x59: {  	_ =	shalt  }
0x5a: {  	_ =	shalt  }
0x5b: {  	_ =	shalt  }
0x5c: {  	_ =	shalt  }
0x5d: {  	_ =	shalt  }
0x5e: {  	_ =	shalt  }
0x5f: {  	_ =	shalt  }
0x60: {  	_ =	shalt  }
0x61: {  	_ =	shalt  }
0x62: {  	_ =	shalt  }
0x63: {  	_ =	shalt  }
0x64: {  	_ =	shalt  }
0x65: {  	_ =	shalt  }
0x66: {  	_ =	shalt  }
0x67: {  	_ =	shalt  }
0x68: {  	_ =	shalt  }
0x69: {  	_ =	shalt  }
0x6a: {  	_ =	shalt  }
0x6b: {  	_ =	shalt  }
0x6c: {  	_ =	shalt  }
0x6d: {  	_ =	shalt  }
0x6e: {  	_ =	shalt  }
0x6f: {  	_ =	shalt  }
0x70: {  	_ =	shalt  }
0x71: {  	_ =	shalt  }
0x72: {  	_ =	shalt  }
0x73: {  	_ =	shalt  }
0x74: {  	_ =	shalt  }
0x75: {  	_ =	shalt  }
0x76: {  	_ =	shalt  }
0x77: {  	_ =	shalt  }
0x78: {  	_ =	shalt  }
0x79: {  	_ =	shalt  }
0x7a: {  	_ =	shalt  }
0x7b: {  	_ =	shalt  }
0x7c: {  	_ =	shalt  }
0x7d: {  	_ =	shalt  }
0x7e: {  	_ =	shalt  }
0x7f: {  	_ =	shalt  }
0x80: {  	_ =	shalt  }
0x81: {  	_ =	shalt  }
0x82: {  	_ =	shalt  }
0x83: {  	_ =	shalt  }
0x84: {  	_ =	shalt  }
0x85: {  	_ =	shalt  }
0x86: {  	_ =	shalt  }
0x87: {  	_ =	shalt  }
.Lfunc_end0:
.L_simem_size_0:
called_computation.1_lowered:
.L_overlay_start_0:
0x88: {  	s2 =	sld [smem:$0x3FD9]  }
0x89: {  	s3 =	sld [smem:$0x3FFE];
	_ =	sdelay $0x1  }
0x8a: {  	s1 =	srdreg.scid  }
0x8b: {  	s0 =	sand.u32 $0x1, s1  }
0x8c: {  	s17 =	sshll.u32 s0, $0xA;
	s2 =	sadd.s32 s3, s2  }
0x8d: {  	s2 =	sadd.s32 s2, s17  }
0x8e: {  	[smem:$0x3FB9] =	sst s2  }
0x8f: {  	_ = 	snop  }
0x90: {  	s2 =	sld [smem:$0x3FD0];
	(tm) =	ssettm $0x1  }
0x91: {  	s18 =	sld [smem:$0x3FFB];
	_ =	sdelay $0x3  }
0x92: {  	_ =	strace s18  }
0x93: {  	s3 =	sld [smem:$0x3FFC];
	_ =	sdelay $0x3  }
0x94: {  	_ =	strace s3  }
0x95: {  	s3 =	sld [smem:$0x3FFD];
	_ =	sdelay $0x3  }
0x96: {  	_ =	strace s3  }
0x97: {  	_ =	strace $0x8FFFFFFF  }
0x98: {  	s19 =	sld [smem:$0x3FDB];
	_ =	sdelay $0x1  }
0x99: {  	s4 =	simm.s32 $_scs_section_size  }
0x9a: {  	s5 =	simm.s32 $_size__tile_overlayer_lowered;
	s6 =	simm.s32 $_tile_overlayer_lowered  }
0x9b: {  	s22 =	simm.s32 $0x1BFF;
	s21 =	sshll.u32 s6, $0x1;
	s3 =	sadd.s32 s4, s19  }
0x9c: {  	s7 =	simm.s32 $0x0;
	s20 =	sshll.u32 s5, $0x1;
	s5 =	sadd.s32 s21, s3  }
0x9d: {  	[timem:s7], [sflag:s22] =	dma.local [hbm:s5], s20  }
0x9e: {  	_ =	swait.ge [sflag:s22], s20  }
0x9f: {  	s4 =	ssub.s32 $0x0, s20;
	[sflag:s22] =	ssyncset.done $0x0  }
0xa0: {  	[sflag:s22] =	ssyncadd.s32 s4;
	_ =	sdelay $0x1  }
0xa1: {  	s23 =	simm.s32 $0x1B8B  }
0xa2: {  	_ =	swait.ge [sflag:s23], $0x1  }
0xa3: {  	[sflag:s23] =	ssyncset.done $0x0  }
0xa4: {  	s25 =	simm.s32 $0x1B8E;
	s24 =	sld [smem:$0x3FFE];
	[sflag:s23] =	ssyncadd.s32 $0xFFFFFFFF  }
0xa5: {  	s26 =	simm.s32 $execute0_lowered;
	[smem:$0x3FD2] =	sst s25  }
0xa6: {  	s5 =	sshll.u32 s26, $0x1;
	_ =	strace $0x80000049;
	[dreg:$0x1] =	wrdreg $0xFFFFFFFF  }
0xa7: {  	s28 =	simm.s32 $_size_execute0_lowered;
	s3 =	sadd.s32 s3, s5;
	[dreg:$0x0] =	wrdreg $0x0  }
0xa8: {  	s5 =	sshll.u32 s28, $0x1;
	[dreg:$0x2] =	wrdreg s3  }
0xa9: {  	[dreg:$0x3] =	wrdreg s5  }
0xaa: {  	[dreg:$0x4] =	wrdreg $0xC0  }
0xab: {  	_ =	task [dreg:s7], $0x5FFFF  }
0xac: {  	[dreg:$0x1] =	wrdreg $0xFFFFFFFF  }
0xad: {  	[dreg:$0x0] =	wrdreg $0x60  }
0xae: {  	[dreg:$0x2] =	wrdreg s24  }
0xaf: {  	[dreg:$0x3] =	wrdreg s2  }
0xb0: {  	[dreg:$0x4] =	wrdreg $0x9  }
0xb1: {  	_ =	task.clear_ibuf [dreg:s7], $0x5FFFF;
	_ =	strace $0x90000049  }
0xb2: {  	s29 =	simm.s32 $0x9;
	_ =	strace $0x8000004B  }
0xb3: {  	_ =	swait.ge [sflag:s29], $0x1  }
0xb4: {  	[sflag:s29] =	ssyncadd.s32 $0xFFFFFFFF  }
0xb5: {  	_ =	strace $0x9000004B  }
0xb6: {  	_ =	sfence  }
0xb7: {  	s30 =	sld [smem:$0x0];
	_ =	sdelay $0x2  }
0xb8: {  	s31 =	sshll.u32 s1, $0xD;
	s1 =	sshrl.u32 s1, $0x2  }
0xb9: {  	s3 =	sand.u32 $0x4000, s31;
	s1 =	sadd.s32 s1, s30  }
0xba: {  	s0 =	sor.u32 s3, s0;
	s1 =	sshll.u32 s1, $0x11  }
0xbb: {  	s0 =	sor.u32 s1, s0  }
0xbc: {  	s0 =	sadd.s32 $0x8F2B, s0  }
0xbd: {  	[sflag:s0] =	ssyncadd.remote.s32 $0x1  }
0xbe: {  	_ =	sfence.sel $0xFFFF  }
0xbf: {  	[dreg:$0x0] =	wrdreg $0xFFFFFFFF;
	(pc) =	sbr.abs _section_cstart, $3  }
0xc0: {  	[dreg:$0x1] =	wrdreg $0xFFFFFFFF  }
0xc1: {  	_ =	task.clear_ibuf [dreg:s7], $0x2FFFF;
	_ =	strace $0x9FFFFFFF  }
0xc2: {  	(tm) =	ssettm $0x7FFFFFFF  }
0xc3: {  	_ =	shalt  }
tec
execute0_lowered:
.L_overlay_start_1:
0x0: {  	(tag) =	ssettag $0x1  }
0x1: {  	s0 =	rddreg [dreg:$0x0]  }
0x2: {  	s10 =	rddreg [dreg:$0x1]  }
0x3: {  	s2 =	simm.s32 $0x0;
	s1 =	stileid.u32;
	s3 =	srdreg.scid  }
0x4: {  	s19 =	simm.s32 $0xF300;
	s20 =	simm.s32 $0x13300;
	s28 =	simm.s32 $0x0  }
0x5: {  	[smem:$0x7FF] =	sst s2;
	s8 =	sand.u32 $0x1, s3;
	s21 =	sshll.u32 s1, $0x1  }
0x6: {  	s5 =	smul.u32 $0x28000, s1;
	s22 =	sadd.s32 $0x4D600, s0;
	s14 =	sadd.s32 $0x43600, s0  }
0x7: {  	s9 =	sadd.s32 $0x38C00, s0;
	s7 =	smul.u32 $0x2800, s1;
	s16 =	sadd.s32 $0x3DC00, s0  }
0x8: {  	_ =	strace $0x8000004A;
	s4 =	sor.u32 s8, s21;
	s12 =	smul.u32 $0x1400, s8  }
0x9: {  	[dreg:$0x3] =	wrdreg s22;
	s11 =	ssub.s32 $0x2, s8;
	s15 =	smul.u32 $0x14000, s8  }
0xa: {  	s21 =	simm.s32 $0x100;
	s22 =	simm.s32 $0x180;
	s6 =	smul.u32 $0x1400, s4  }
0xb: {  	s4 =	sadd.s32 $0x10600, s0;
	s0 =	sadd.s32 s5, s0;
	s23 =	sshrl.u32 s11, $0x1  }
0xc: {  	s11 =	ssub.s32 s11, s23;
	s13 =	sadd.s32 s12, s7;
	s0 =	sadd.s32 s15, s0  }
0xd: {  	s23 =	simm.s32 $0xA300;
	s6 =	sshrl.u32 s6, $0x3;
	s7 =	smax.u32 s11, $0x1  }
0xe: {  	s25 =	sor.u32 $0x180, s13;
	s12 =	sor.u32 $0x100, s13;
	s29 =	sor.u32 $0x80, s13  }
0xf: {  	v0 =	vlaneseq.u32;
	s0 =	sadd.s32 $0x4F9600, s0;
	s17 =	sshrl.u32 s13, $0x2;
	s18 =	sshrl.u32 s13, $0x3  }
0x10: {  	v0 =	vmul.u32 $0x2, v0;
	s5 =	sadd.s32 s9, s6;
	s11 =	sshrl.u32 s25, $0x3;
	s26 =	sshrl.u32 s12, $0x3  }
0x11: {  	s30 =	sshrl.u32 s29, $0x2;
	s31 =	sshrl.u32 s29, $0x3;
	s15 =	sadd.s32 s18, s10  }
.Ltmp0:
0x12: {  	v1 =	vor.u32 $0x1, v0;
	v2 =	vor.u32 $0x20, v0;
	v3 =	vor.u32 $0x21, v0;
	s25 =	simm.s32 $0x1;
	s24 =	sadd.s32 $0x10, s5;
	(pc) =	sbr.rel .LBB2_1-.Ltmp0, $4  }
0x13: {  	v4 =	vor.u32 $0x40, v0;
	v5 =	vor.u32 $0x41, v0;
	v6 =	vor.u32 $0x60, v0;
	s8 =	sadd.s32 s11, s9;
	s9 =	sadd.s32 s26, s9;
	s11 =	sadd.s32 s30, s14  }
0x14: {  	v7 =	vor.u32 $0x61, v0;
	v8 =	vor.u32 $0x80, v0;
	v9 =	vor.u32 $0x81, v0;
	s12 =	sadd.s32 s31, s10;
	s13 =	sadd.s32 s31, s16;
	s14 =	sadd.s32 s17, s14  }
0x15: {  	v10 =	vor.u32 $0xA0, v0;
	v11 =	vor.u32 $0xA1, v0;
	v12 =	vor.u32 $0xC0, v0;
	s16 =	sadd.s32 s18, s16;
	s17 =	simm.s32 $0x3;
	s18 =	simm.s32 $0x80  }
0x16: {  	v13 =	vor.u32 $0xC1, v0;
	v14 =	vor.u32 $0xE0, v0;
	v15 =	vor.u32 $0xE1, v0;
	s26 =	simm.s32 $0x2;
	[dreg:$0x4] =	wrdreg s24;
	s24 =	simm.s32 $0x280  }
.LBB2_6:
0x17: {  	s28 =	sadd.s32 $0x1, s28  }
0x18: {  	p0 =	sne.s32 s28, s7  }
.Ltmp1:
0x19: {  	_ = 	snop;
	(pc) =	sbr.rel @!p0 .LBB2_7-.Ltmp1, $1  }
0x1a: {  	_ =	sdelay $0x3  }
.LBB2_1:
0x1b: {  	s10 =	simm.s32 $0x300;
	s1 =	rddreg [dreg:$0x3]  }
0x1c: {  	[tilespmem:s10], [sflag:$0x3] =	stream.linear.gather [hbm4b:s1+s2], $0xA000, $0x38;
	[tilespmem:$0x17300] =	vst v63  }
0x1d: {  	_ =	swait.ge [sflag:s17], $0xA000  }
0x1e: {  	[sflag:s17] =	ssyncset.done $0x0  }
0x1f: {  	s29 =	sand.u32 $0x7FF0, s2;
	[sflag:s17] =	ssyncadd.s32 $0xFFFF6000  }
0x20: {  	v16 =	vld [tilespmem:s29+$0x5300]  }
0x21: {  	v17 =	vld [tilespmem:s10+$0x0];
	_ =	sdelay $0x4  }
0x22: {  	v16 =	vadd.f32 v16, v17;
	_ =	sdelay $0x1  }
0x23: {  	v16 =	vadd.f32 $1.000000020e-16, v16;
	_ =	sdelay $0x1  }
0x24: {  	(erf) = vrcp.f32 v16;
	_ =	sdelay $0x8  }
0x25: {  	v16 =	vpop (erf)  }
0x26: {  	v16 =	vmul.f32 $5.000000000e-01, v16  }
0x27: {  	s31 =	simm.s32 $0x10  }
0x28: {  	s10 =	sand.u32 $0x7FF0, s31;
	[tilespmem:s23+$0x0] =	vst v16  }
0x29: {  	s30 =	simm.s32 $0x20;
	s29 =	simm.s32 $0x310;
	v16 =	vld [tilespmem:s10+$0x5300];
	s10 =	simm.s32 $0xA300  }
.LBB2_2:
0x2a: {  	p0 =	sne.s32 s30, $0x4FF0;
	v17 =	vld [tilespmem:s29+$0x0];
	_ =	sdelay $0x4  }
0x2b: {  	v16 =	vadd.f32 v16, v17;
	_ =	sdelay $0x1  }
0x2c: {  	v16 =	vadd.f32 $1.000000020e-16, v16;
	_ =	sdelay $0x1  }
0x2d: {  	(erf) = vrcp.f32 v16;
	_ =	sdelay $0x8  }
.Ltmp2:
0x2e: {  	v16 =	vpop (erf);
	(pc) =	sbr.rel @p0 .LBB2_2-.Ltmp2, $4  }
0x2f: {  	v16 =	vmul.f32 $5.000000000e-01, v16  }
0x30: {  	s10 =	sadd.s32 $0x10, s10  }
0x31: {  	s31 =	sand.u32 $0x7FF0, s30;
	[tilespmem:s10+$0x0] =	vst v16  }
0x32: {  	s30 =	sadd.s32 $0x10, s30;
	s29 =	sadd.s32 $0x10, s29;
	v16 =	vld [tilespmem:s31+$0x5300]  }
0x33: {  	v17 =	vld [tilespmem:s29+$0x0];
	_ =	sdelay $0x4  }
0x34: {  	v16 =	vadd.f32 v16, v17;
	_ =	sdelay $0x1  }
0x35: {  	v16 =	vadd.f32 $1.000000020e-16, v16;
	_ =	sdelay $0x1  }
0x36: {  	(erf) = vrcp.f32 v16;
	_ =	sdelay $0x8  }
0x37: {  	v16 =	vpop (erf)  }
0x38: {  	v16 =	vmul.f32 $5.000000000e-01, v16  }
0x39: {  	s10 =	sadd.s32 $0x10, s10  }
0x3a: {  	s29 =	simm.s32 $0x0;
	[tilespmem:s10+$0x0] =	vst v16  }
0x3b: {  	[tilespmem:s29], [sflag:$0x3] =	stream.linear.gather [hbm4b:s5+s29], $0x80, $0x38;
	[tilespmem:$0x17300] =	vst v63  }
0x3c: {  	_ =	swait.ge [sflag:s17], $0x80  }
0x3d: {  	[sflag:s17] =	ssyncset.done $0x0  }
0x3e: {  	[sflag:s17] =	ssyncadd.s32 $0xFFFFFF80  }
0x3f: {  	[tilespmem:s19], [sflag:$0x1] =	stream.indirect.gather [hbm4b:s4+s18], $0x80, s29, s18, $0xb8;
	[tilespmem:$0x17300] =	vst v63  }
0x40: {  	s1 =	rddreg [dreg:$0x4]  }
0x41: {  	[tilespmem:s18], [sflag:$0x3] =	stream.linear.gather [hbm4b:s1+s29], $0x80, $0x38;
	[tilespmem:$0x17300] =	vst v63  }
0x42: {  	_ =	swait.ge [sflag:s17], $0x80  }
0x43: {  	s30 =	smov.u32 s14;
	[sflag:s17] =	ssyncset.done $0x0  }
0x44: {  	s31 =	smov.u32 s11;
	s10 =	smov.u32 s0;
	[sflag:s17] =	ssyncadd.s32 $0xFFFFFF80  }
0x45: {  	[tilespmem:s20], [sflag:$0x2] =	stream.indirect.gather [hbm4b:s4+s18], $0x80, s18, s18, $0xb8;
	[tilespmem:$0x17300] =	vst v63  }
.LBB2_4:
0x46: {  	s1 =	sadd.s32 s29, s16  }
0x47: {  	[tilespmem:s21], [sflag:$0x3] =	stream.linear.gather [hbm4b:s1+s2], $0x80, $0x38;
	[tilespmem:$0x17300] =	vst v63  }
0x48: {  	_ =	swait.ge [sflag:s17], $0x80  }
0x49: {  	[sflag:s17] =	ssyncset.done $0x0  }
0x4a: {  	[sflag:s17] =	ssyncadd.s32 $0xFFFFFF80  }
0x4b: {  	[tilespmem:s22], [sflag:$0x3] =	stream.linear.gather [hbm4b:s30+s2], $0x100, $0x38;
	[tilespmem:$0x17300] =	vst v63  }
0x4c: {  	_ =	swait.ge [sflag:s17], $0x100  }
0x4d: {  	[sflag:s17] =	ssyncset.done $0x0  }
0x4e: {  	[sflag:s17] =	ssyncadd.s32 $0xFFFFFF00  }
0x4f: {  	v16 =	vld [tilespmem:$0x100];
	_ =	sdelay $0x4  }
0x50: {  	v16 =	vshll.u32 v16, $0x1  }
0x51: {  	v17 =	vor.u32 $0x1, v16  }
0x52: {  	v18 =	vld.idx.msk [tilespmem:v0+s22+$0x0], $0xffff  }
0x53: {  	v19 =	vld.idx.msk [tilespmem:v1+s22+$0x0], $0xffff  }
0x54: {  	v20 =	vld [tilespmem:$0x110]  }
0x55: {  	v16 =	vld.idx.msk [tilespmem:v16+s23+$0x0], $0xffff  }
0x56: {  	v17 =	vld.idx.msk [tilespmem:v17+s23+$0x0], $0xffff;
	_ =	sdelay $0x4  }
0x57: {  	v34 =	vshll.u32 v20, $0x1;
	v16 =	vmul.f32 v18, v16;
	v17 =	vmul.f32 v19, v17  }
0x58: {  	v35 =	vor.u32 $0x1, v34  }
0x59: {  	v16 =	vadd.f32 v17, v16;
	_ =	sdelay $0x1  }
0x5a: {  	v38 =	vld [tilespmem:$0x120];
	[tilespmem:$0x280] =	vst v16  }
0x5b: {  	v16 =	vld.idx.msk [tilespmem:v34+s23+$0x0], $0xffff  }
0x5c: {  	v17 =	vld.idx.msk [tilespmem:v35+s23+$0x0], $0xffff  }
0x5d: {  	v36 =	vld.idx.msk [tilespmem:v2+s22+$0x0], $0xffff  }
0x5e: {  	v37 =	vld.idx.msk [tilespmem:v3+s22+$0x0], $0xffff;
	_ =	sdelay $0x4  }
0x5f: {  	v39 =	vshll.u32 v38, $0x1;
	v16 =	vmul.f32 v36, v16;
	v17 =	vmul.f32 v37, v17  }
0x60: {  	v40 =	vor.u32 $0x1, v39  }
0x61: {  	v16 =	vadd.f32 v17, v16;
	_ =	sdelay $0x1  }
0x62: {  	v43 =	vld [tilespmem:$0x130];
	[tilespmem:$0x290] =	vst v16  }
0x63: {  	v16 =	vld.idx.msk [tilespmem:v39+s23+$0x0], $0xffff  }
0x64: {  	v17 =	vld.idx.msk [tilespmem:v40+s23+$0x0], $0xffff  }
0x65: {  	v41 =	vld.idx.msk [tilespmem:v4+s22+$0x0], $0xffff  }
0x66: {  	v42 =	vld.idx.msk [tilespmem:v5+s22+$0x0], $0xffff;
	_ =	sdelay $0x4  }
0x67: {  	v44 =	vshll.u32 v43, $0x1;
	v16 =	vmul.f32 v41, v16;
	v17 =	vmul.f32 v42, v17  }
0x68: {  	v45 =	vor.u32 $0x1, v44  }
0x69: {  	v16 =	vadd.f32 v17, v16;
	_ =	sdelay $0x1  }
0x6a: {  	v48 =	vld [tilespmem:$0x140];
	[tilespmem:$0x2A0] =	vst v16  }
0x6b: {  	v16 =	vld.idx.msk [tilespmem:v44+s23+$0x0], $0xffff  }
0x6c: {  	v17 =	vld.idx.msk [tilespmem:v45+s23+$0x0], $0xffff  }
0x6d: {  	v46 =	vld.idx.msk [tilespmem:v6+s22+$0x0], $0xffff  }
0x6e: {  	v47 =	vld.idx.msk [tilespmem:v7+s22+$0x0], $0xffff;
	_ =	sdelay $0x4  }
0x6f: {  	v49 =	vshll.u32 v48, $0x1;
	v16 =	vmul.f32 v46, v16;
	v17 =	vmul.f32 v47, v17  }
0x70: {  	v50 =	vor.u32 $0x1, v49  }
0x71: {  	v16 =	vadd.f32 v17, v16;
	_ =	sdelay $0x1  }
0x72: {  	v53 =	vld [tilespmem:$0x150];
	[tilespmem:$0x2B0] =	vst v16  }
0x73: {  	v16 =	vld.idx.msk [tilespmem:v49+s23+$0x0], $0xffff  }
0x74: {  	v17 =	vld.idx.msk [tilespmem:v50+s23+$0x0], $0xffff  }
0x75: {  	v51 =	vld.idx.msk [tilespmem:v8+s22+$0x0], $0xffff  }
0x76: {  	v52 =	vld.idx.msk [tilespmem:v9+s22+$0x0], $0xffff;
	_ =	sdelay $0x4  }
0x77: {  	v54 =	vshll.u32 v53, $0x1;
	v16 =	vmul.f32 v51, v16;
	v17 =	vmul.f32 v52, v17  }
0x78: {  	v55 =	vor.u32 $0x1, v54  }
0x79: {  	v16 =	vadd.f32 v17, v16;
	_ =	sdelay $0x1  }
0x7a: {  	v58 =	vld [tilespmem:$0x160];
	[tilespmem:$0x2C0] =	vst v16  }
0x7b: {  	v16 =	vld.idx.msk [tilespmem:v54+s23+$0x0], $0xffff  }
0x7c: {  	v17 =	vld.idx.msk [tilespmem:v55+s23+$0x0], $0xffff  }
0x7d: {  	v56 =	vld.idx.msk [tilespmem:v10+s22+$0x0], $0xffff  }
0x7e: {  	v57 =	vld.idx.msk [tilespmem:v11+s22+$0x0], $0xffff;
	_ =	sdelay $0x4  }
0x7f: {  	v59 =	vshll.u32 v58, $0x1;
	v16 =	vmul.f32 v56, v16;
	v17 =	vmul.f32 v57, v17  }
0x80: {  	v60 =	vor.u32 $0x1, v59  }
0x81: {  	v16 =	vadd.f32 v17, v16;
	_ =	sdelay $0x1  }
0x82: {  	v63 =	vld [tilespmem:$0x170];
	[tilespmem:$0x2D0] =	vst v16  }
0x83: {  	v16 =	vld.idx.msk [tilespmem:v59+s23+$0x0], $0xffff  }
0x84: {  	v17 =	vld.idx.msk [tilespmem:v60+s23+$0x0], $0xffff  }
0x85: {  	v61 =	vld.idx.msk [tilespmem:v12+s22+$0x0], $0xffff  }
0x86: {  	v62 =	vld.idx.msk [tilespmem:v13+s22+$0x0], $0xffff;
	_ =	sdelay $0x4  }
0x87: {  	v23 =	vshll.u32 v63, $0x1;
	v16 =	vmul.f32 v61, v16;
	v17 =	vmul.f32 v62, v17  }
0x88: {  	v24 =	vor.u32 $0x1, v23  }
0x89: {  	v16 =	vadd.f32 v17, v16;
	_ =	sdelay $0x1  }
0x8a: {  	[tilespmem:$0x2E0] =	vst v16  }
0x8b: {  	v16 =	vld.idx.msk [tilespmem:v23+s23+$0x0], $0xffff  }
0x8c: {  	v17 =	vld.idx.msk [tilespmem:v24+s23+$0x0], $0xffff  }
0x8d: {  	v25 =	vld.idx.msk [tilespmem:v14+s22+$0x0], $0xffff  }
0x8e: {  	v26 =	vld.idx.msk [tilespmem:v15+s22+$0x0], $0xffff;
	_ =	sdelay $0x4  }
0x8f: {  	v16 =	vmul.f32 v25, v16;
	v17 =	vmul.f32 v26, v17;
	_ =	sdelay $0x1  }
0x90: {  	v16 =	vadd.f32 v17, v16;
	_ =	sdelay $0x1  }
0x91: {  	s3 =	sadd.s32 s29, s15;
	[tilespmem:$0x2F0] =	vst v16  }
0x92: {  	[hbm4b:s3+s2] =	stream.linear.scatter [tilespmem:s24], [sflag:$0x3], $0x80, $0x38;
	[tilespmem:$0x17300] =	vst v63  }
0x93: {  	_ =	swait.ge [sflag:s17], $0x80  }
0x94: {  	[sflag:s17] =	ssyncset.done $0x0  }
0x95: {  	[sflag:s17] =	ssyncadd.s32 $0xFFFFFF80  }
0x96: {  	_ =	swait.ge [sflag:s25], $0x4000  }
0x97: {  	[sflag:s25] =	ssyncset.done $0x0  }
0x98: {  	s6 =	sadd.s32 $0xFFFFF800, s10;
	[sflag:s25] =	ssyncadd.s32 $0xFFFFC000  }
0x99: {  	[hbm4b:s6+s2] =	stream.linear.scatter [tilespmem:s19], [sflag:$0x3], $0x4000, $0x38;
	[tilespmem:$0x17300] =	vst v63  }
0x9a: {  	_ =	swait.ge [sflag:s17], $0x4000  }
0x9b: {  	p0 =	seq.s32 s29, $0x260;
	[sflag:s17] =	ssyncset.done $0x0  }
0x9c: {  	s1 =	sadd.s32 @!p0 s29, s9;
	s3 =	simm.s32 @!p0 $0x0;
	[sflag:s17] =	ssyncadd.s32 $0xFFFFC000  }
0x9d: {  	[tilespmem:s3], [sflag:$0x3] =	stream.linear.gather @!p0 [hbm4b:s1+s3], $0x80, $0x38;
	[tilespmem:$0x17300] =	vst v63  }
0x9e: {  	s1 =	simm.s32 @!p0 $0x3  }
0x9f: {  	_ =	swait.ge @!p0 [sflag:s1], $0x80  }
0xa0: {  	[sflag:s1] =	ssyncset.done @!p0 $0x0  }
0xa1: {  	s6 =	simm.s32 @!p0 $0xF300;
	[sflag:s1] =	ssyncadd.s32 @!p0 $0xFFFFFF80;
	s1 =	simm.s32 @!p0 $0x80  }
0xa2: {  	[tilespmem:s6], [sflag:$0x1] =	stream.indirect.gather @!p0 [hbm4b:s4+s1], $0x80, s3, s1, $0xb8;
	[tilespmem:$0x17300] =	vst v63  }
0xa3: {  	s3 =	sadd.s32 s29, s13  }
0xa4: {  	[tilespmem:s21], [sflag:$0x3] =	stream.linear.gather [hbm4b:s3+s2], $0x80, $0x38;
	[tilespmem:$0x17300] =	vst v63  }
0xa5: {  	_ =	swait.ge [sflag:s17], $0x80  }
0xa6: {  	[sflag:s17] =	ssyncset.done $0x0  }
0xa7: {  	[sflag:s17] =	ssyncadd.s32 $0xFFFFFF80  }
0xa8: {  	[tilespmem:s22], [sflag:$0x3] =	stream.linear.gather [hbm4b:s31+s2], $0x100, $0x38;
	[tilespmem:$0x17300] =	vst v63  }
0xa9: {  	_ =	swait.ge [sflag:s17], $0x100  }
0xaa: {  	[sflag:s17] =	ssyncset.done $0x0  }
0xab: {  	[sflag:s17] =	ssyncadd.s32 $0xFFFFFF00  }
0xac: {  	v16 =	vld [tilespmem:$0x100];
	_ =	sdelay $0x4  }
0xad: {  	v16 =	vshll.u32 v16, $0x1  }
0xae: {  	v17 =	vor.u32 $0x1, v16  }
0xaf: {  	v27 =	vld.idx.msk [tilespmem:v0+s22+$0x0], $0xffff  }
0xb0: {  	v28 =	vld.idx.msk [tilespmem:v1+s22+$0x0], $0xffff  }
0xb1: {  	v29 =	vld [tilespmem:$0x110]  }
0xb2: {  	v16 =	vld.idx.msk [tilespmem:v16+s23+$0x0], $0xffff  }
0xb3: {  	v17 =	vld.idx.msk [tilespmem:v17+s23+$0x0], $0xffff;
	_ =	sdelay $0x4  }
0xb4: {  	v30 =	vshll.u32 v29, $0x1;
	v16 =	vmul.f32 v27, v16;
	v17 =	vmul.f32 v28, v17  }
0xb5: {  	v31 =	vor.u32 $0x1, v30  }
0xb6: {  	v16 =	vadd.f32 v17, v16;
	_ =	sdelay $0x1  }
0xb7: {  	v34 =	vld [tilespmem:$0x120];
	[tilespmem:$0x280] =	vst v16  }
0xb8: {  	v16 =	vld.idx.msk [tilespmem:v30+s23+$0x0], $0xffff  }
0xb9: {  	v17 =	vld.idx.msk [tilespmem:v31+s23+$0x0], $0xffff  }
0xba: {  	v32 =	vld.idx.msk [tilespmem:v2+s22+$0x0], $0xffff  }
0xbb: {  	v33 =	vld.idx.msk [tilespmem:v3+s22+$0x0], $0xffff;
	_ =	sdelay $0x4  }
0xbc: {  	v35 =	vshll.u32 v34, $0x1;
	v16 =	vmul.f32 v32, v16;
	v17 =	vmul.f32 v33, v17  }
0xbd: {  	v36 =	vor.u32 $0x1, v35  }
0xbe: {  	v16 =	vadd.f32 v17, v16;
	_ =	sdelay $0x1  }
0xbf: {  	v39 =	vld [tilespmem:$0x130];
	[tilespmem:$0x290] =	vst v16  }
0xc0: {  	v16 =	vld.idx.msk [tilespmem:v35+s23+$0x0], $0xffff  }
0xc1: {  	v17 =	vld.idx.msk [tilespmem:v36+s23+$0x0], $0xffff  }
0xc2: {  	v37 =	vld.idx.msk [tilespmem:v4+s22+$0x0], $0xffff  }
0xc3: {  	v38 =	vld.idx.msk [tilespmem:v5+s22+$0x0], $0xffff;
	_ =	sdelay $0x4  }
0xc4: {  	v40 =	vshll.u32 v39, $0x1;
	v16 =	vmul.f32 v37, v16;
	v17 =	vmul.f32 v38, v17  }
0xc5: {  	v41 =	vor.u32 $0x1, v40  }
0xc6: {  	v16 =	vadd.f32 v17, v16;
	_ =	sdelay $0x1  }
0xc7: {  	v44 =	vld [tilespmem:$0x140];
	[tilespmem:$0x2A0] =	vst v16  }
0xc8: {  	v16 =	vld.idx.msk [tilespmem:v40+s23+$0x0], $0xffff  }
0xc9: {  	v17 =	vld.idx.msk [tilespmem:v41+s23+$0x0], $0xffff  }
0xca: {  	v42 =	vld.idx.msk [tilespmem:v6+s22+$0x0], $0xffff  }
0xcb: {  	v43 =	vld.idx.msk [tilespmem:v7+s22+$0x0], $0xffff;
	_ =	sdelay $0x4  }
0xcc: {  	v45 =	vshll.u32 v44, $0x1;
	v16 =	vmul.f32 v42, v16;
	v17 =	vmul.f32 v43, v17  }
0xcd: {  	v46 =	vor.u32 $0x1, v45  }
0xce: {  	v16 =	vadd.f32 v17, v16;
	_ =	sdelay $0x1  }
0xcf: {  	v49 =	vld [tilespmem:$0x150];
	[tilespmem:$0x2B0] =	vst v16  }
0xd0: {  	v16 =	vld.idx.msk [tilespmem:v45+s23+$0x0], $0xffff  }
0xd1: {  	v17 =	vld.idx.msk [tilespmem:v46+s23+$0x0], $0xffff  }
0xd2: {  	v47 =	vld.idx.msk [tilespmem:v8+s22+$0x0], $0xffff  }
0xd3: {  	v48 =	vld.idx.msk [tilespmem:v9+s22+$0x0], $0xffff;
	_ =	sdelay $0x4  }
0xd4: {  	v50 =	vshll.u32 v49, $0x1;
	v16 =	vmul.f32 v47, v16;
	v17 =	vmul.f32 v48, v17  }
0xd5: {  	v51 =	vor.u32 $0x1, v50  }
0xd6: {  	v16 =	vadd.f32 v17, v16;
	_ =	sdelay $0x1  }
0xd7: {  	v54 =	vld [tilespmem:$0x160];
	[tilespmem:$0x2C0] =	vst v16  }
0xd8: {  	v16 =	vld.idx.msk [tilespmem:v50+s23+$0x0], $0xffff  }
0xd9: {  	v17 =	vld.idx.msk [tilespmem:v51+s23+$0x0], $0xffff  }
0xda: {  	v52 =	vld.idx.msk [tilespmem:v10+s22+$0x0], $0xffff  }
0xdb: {  	v53 =	vld.idx.msk [tilespmem:v11+s22+$0x0], $0xffff;
	_ =	sdelay $0x4  }
0xdc: {  	v55 =	vshll.u32 v54, $0x1;
	v16 =	vmul.f32 v52, v16;
	v17 =	vmul.f32 v53, v17  }
0xdd: {  	v56 =	vor.u32 $0x1, v55  }
0xde: {  	v16 =	vadd.f32 v17, v16;
	_ =	sdelay $0x1  }
0xdf: {  	v59 =	vld [tilespmem:$0x170];
	[tilespmem:$0x2D0] =	vst v16  }
0xe0: {  	v16 =	vld.idx.msk [tilespmem:v55+s23+$0x0], $0xffff  }
0xe1: {  	v17 =	vld.idx.msk [tilespmem:v56+s23+$0x0], $0xffff  }
0xe2: {  	v57 =	vld.idx.msk [tilespmem:v12+s22+$0x0], $0xffff  }
0xe3: {  	v58 =	vld.idx.msk [tilespmem:v13+s22+$0x0], $0xffff;
	_ =	sdelay $0x4  }
0xe4: {  	v60 =	vshll.u32 v59, $0x1;
	v16 =	vmul.f32 v57, v16;
	v17 =	vmul.f32 v58, v17  }
0xe5: {  	v61 =	vor.u32 $0x1, v60  }
0xe6: {  	v16 =	vadd.f32 v17, v16;
	_ =	sdelay $0x1  }
0xe7: {  	[tilespmem:$0x2E0] =	vst v16  }
0xe8: {  	v16 =	vld.idx.msk [tilespmem:v60+s23+$0x0], $0xffff  }
0xe9: {  	v17 =	vld.idx.msk [tilespmem:v61+s23+$0x0], $0xffff  }
0xea: {  	v62 =	vld.idx.msk [tilespmem:v14+s22+$0x0], $0xffff  }
0xeb: {  	v63 =	vld.idx.msk [tilespmem:v15+s22+$0x0], $0xffff;
	_ =	sdelay $0x4  }
0xec: {  	v16 =	vmul.f32 v62, v16;
	v17 =	vmul.f32 v63, v17;
	_ =	sdelay $0x1  }
0xed: {  	v16 =	vadd.f32 v17, v16;
	_ =	sdelay $0x1  }
0xee: {  	s6 =	sadd.s32 s29, s12;
	[tilespmem:$0x2F0] =	vst v16  }
0xef: {  	[hbm4b:s6+s2] =	stream.linear.scatter [tilespmem:s24], [sflag:$0x3], $0x80, $0x38;
	[tilespmem:$0x17300] =	vst v63  }
0xf0: {  	_ =	swait.ge [sflag:s17], $0x80  }
0xf1: {  	[sflag:s17] =	ssyncset.done $0x0  }
0xf2: {  	[sflag:s17] =	ssyncadd.s32 $0xFFFFFF80  }
0xf3: {  	_ =	swait.ge [sflag:s26], $0x4000  }
0xf4: {  	[sflag:s26] =	ssyncset.done $0x0  }
.Ltmp3:
0xf5: {  	[sflag:s26] =	ssyncadd.s32 $0xFFFFC000;
	(pc) =	sbr.rel @p0 .LBB2_6-.Ltmp3, $4  }
0xf6: {  	[hbm4b:s10+s2] =	stream.linear.scatter [tilespmem:s20], [sflag:$0x3], $0x4000, $0x38;
	[tilespmem:$0x17300] =	vst v63  }
0xf7: {  	_ =	swait.ge [sflag:s17], $0x4000  }
0xf8: {  	[sflag:s17] =	ssyncset.done $0x0  }
0xf9: {  	[sflag:s17] =	ssyncadd.s32 $0xFFFFC000  }
0xfa: {  	s1 =	sadd.s32 s29, s8  }
0xfb: {  	[tilespmem:s18], [sflag:$0x3] =	stream.linear.gather [hbm4b:s1+s2], $0x80, $0x38;
	[tilespmem:$0x17300] =	vst v63  }
.Ltmp4:
0xfc: {  	_ = 	snop;
	(pc) =	sbr.rel .LBB2_4-.Ltmp4, $4  }
0xfd: {  	_ =	swait.ge [sflag:s17], $0x80  }
0xfe: {  	s29 =	sadd.s32 $0x20, s29;
	s10 =	sadd.s32 $0x1000, s10;
	[sflag:s17] =	ssyncset.done $0x0  }
0xff: {  	s31 =	sadd.s32 $0x40, s31;
	s30 =	sadd.s32 $0x40, s30;
	[sflag:s17] =	ssyncadd.s32 $0xFFFFFF80  }
0x100: {  	[tilespmem:s20], [sflag:$0x2] =	stream.indirect.gather [hbm4b:s4+s18], $0x80, s18, s18, $0xb8;
	[tilespmem:$0x17300] =	vst v63  }
.LBB2_7:
0x101: {  	_ =	sfence.sel $0x180000  }
0x102: {  	[bflag:$0x0] =	sbarrier.arrive $0xFFFF  }
0x103: {  	_ =	strace $0x9000004A  }
0x104: {  	s0 =	stileid.u32;
	[bflag:$0x2] =	sbarrier.arrive $0xFFFF  }
0x105: {  	p0 =	sne.s32 s0, $0x0;
	s0 =	rddreg [dreg:$0x2]  }
0x106: {  	s0 =	sadd.s32 @!p0 $0x100000, s0  }
0x107: {  	[sflag:s0] =	ssyncadd.tile.s32 @!p0 $0x1;
	_ =	shalt  }
.Lfunc_end2:
_tile_overlayer_lowered:
.L_overlay_start_2:
0x108: {  	(tag) =	ssettag $0x2  }
0x109: {  	s0 =	rddreg [dreg:$0x0];
	s2 =	stileid.u32  }
0x10a: {  	s1 =	rddreg [dreg:$0x1];
	p0 =	sne.s32 s2, $0x0  }
0x10b: {  	s3 =	rddreg [dreg:$0x2];
	[bflag:$0x3] =	sbarrier.arrive $0xFFFF;
	s2 =	simm.s32 @!p0 $0x1C03  }
0x10c: {  	[timem:s3], [sflag:s2] =	dma.local @!p0 [hbm:s0], s1  }
0x10d: {  	s0 =	simm.s32 @!p0 $0x3  }
0x10e: {  	_ =	swait.ge @!p0 [sflag:s0], s1  }
0x10f: {  	s1 =	ssub.s32 @!p0 $0x0, s1;
	[sflag:s0] =	ssyncset.done @!p0 $0x0  }
0x110: {  	[sflag:s0] =	ssyncadd.s32 @!p0 s1  }
0x111: {  	[bflag:$0x3] =	sbarrier.arrive $0xFFFF  }
0x112: {  	_ =	shalt  }

// kernel: kernel.23.cloned.1.call-start
scs
__scs_entry_jumppad:
0x0: {  	(pc) =	sbr.rel $0x88, $3  }
0x1: {  	(tag) =	ssettag $0x0;
	lr =	simm.s32 $0x1  }
0x2: {  	[smem:$0x3F92] =	sst lr;
	_ =	strace $0xD0000000  }
0x3: {  	_ = 	snop  }
0x4: {  	_ = 	snop  }
0x5: {  	_ = 	snop  }
0x6: {  	_ = 	snop  }
0x7: {  	_ = 	snop  }
__scs_overlays_trampoline_lowered:
0x8: {  	[smem:$0x3FA1] =	sst s0  }
0x9: {  	[smem:$0x3FA2] =	sst s1  }
0xa: {  	[smem:$0x3FA3] =	sst s2  }
0xb: {  	[smem:$0x3FA4] =	sst s3  }
0xc: {  	[smem:$0x3FA5] =	sst s4  }
0xd: {  	[smem:$0x3FA6] =	sst s5  }
0xe: {  	[smem:$0x3FA7] =	sst s6  }
0xf: {  	[smem:$0x3FA8] =	sst s7  }
0x10: {  	[smem:$0x3FA9] =	sst s8  }
0x11: {  	[smem:$0x3FAA] =	sst s9;
	s0 =	simm.s32 @!p0 $0x0  }
0x12: {  	s1 =	sld [smem:$0x3F90];
	s0 =	simm.s32 @p0 $0x1  }
0x13: {  	[smem:$0x3FAB] =	sst s0;
	s0 =	simm.s32 @!p1 $0x0  }
0x14: {  	s2 =	sld [smem:$0x3F8F];
	s0 =	simm.s32 @p1 $0x1  }
0x15: {  	[smem:$0x3FAC] =	sst s0;
	s0 =	simm.s32 @!p2 $0x0  }
0x16: {  	s3 =	sld [smem:$0x3FDB];
	s0 =	simm.s32 @p2 $0x1  }
0x17: {  	s4 =	simm.s32 $0x1BF5;
	[smem:$0x3FAE] =	sst s0  }
0x18: {  	s0 =	sld [smem:$0x3F91];
	_ =	swait.ge [sflag:s4], $0x0  }
0x19: {  	s7 =	sld [smem:$0x3F92]  }
0x1a: {  	s8 =	sadd.s32 $0xFFFFE003, lr  }
0x1b: {  	s9 =	sadd.s32 $0xFFFFFEF7, lr;
	s5 =	simm.s32 $0xFFFFFFFF;
	p2 =	slt.u32 s8, $0xFFFFF086  }
0x1c: {  	p1 =	slt.u32 s9, $0xF7A;
	s5 =	simm.s32 @!p2 $0x0  }
0x1d: {  	s5 =	simm.s32 @p1 $0x1;
	p0 =	seq.s32 s7, s2  }
0x1e: {  	s7 =	smul.u32 @!p0 $0xF7A, s2;
	p2 =	seq.s32 @!p0 s5, $0x0  }
0x1f: {  	s9 =	smul.u32 $0xF7A, s1;
	s8 =	simm.s32 @!p0 $0x1BF5;
	p2 =	por !p2, p0  }
0x20: {  	[sflag:s8] =	ssyncset.s32 @!p0 $0xFFFFF086;
	s6 =	sadd.s32 @!p0 s3, s7;
	s7 =	simm.s32 @!p0 $0x108  }
0x21: {  	s3 =	sadd.s32 s3, s9;
	s6 =	sadd.s32 @!p0 $0x88, s6;
	s7 =	simm.s32 @p2 $0x1082  }
0x22: {  	[simem:s7], [sflag:s8] =	dma.local @!p0 [hbm:s6], $0xF7A  }
0x23: {  	s9 =	sor.u32 $0xD0000000, s2;
	s6 =	simm.s32 $0x108;
	_ =	swait.ge @!p0 [sflag:s8], $0x0  }
0x24: {  	s3 =	sadd.s32 $0x88, s3;
	s6 =	simm.s32 @!p1 $0x1082;
	[sflag:s4] =	ssyncset.s32 $0xFFFFF086  }
0x25: {  	[simem:s6], [sflag:s4] =	dma.local [hbm:s3], $0xF7A  }
0x26: {  	[smem:$0x3F92] =	sst s1;
	(tag) =	ssettag s2;
	_ =	strace s9  }
0x27: {  	s1 =	sld [smem:$0x3FA2]  }
0x28: {  	s2 =	sld [smem:$0x3FA3]  }
0x29: {  	s4 =	sld [smem:$0x3FA5]  }
0x2a: {  	p0 =	seq.s32 s5, $0x0;
	s5 =	sld [smem:$0x3FA6]  }
0x2b: {  	s6 =	sld [smem:$0x3FA7]  }
0x2c: {  	s7 =	sld [smem:$0x3FA8]  }
0x2d: {  	s3 =	simm.s32 $0x108;
	s8 =	sld [smem:$0x3FA9]  }
0x2e: {  	s3 =	simm.s32 @!p0 $0x1082;
	s9 =	sld [smem:$0x3FAA]  }
0x2f: {  	lr =	sadd.s32 s0, s3;
	s0 =	sld [smem:$0x3FA1]  }
0x30: {  	s3 =	sld [smem:$0x3FA4]  }
0x31: {  	[smem:$0x3FAD] =	sst s10  }
0x32: {  	s10 =	sld [smem:$0x3FAB];
	_ =	sdelay $0x3  }
0x33: {  	p0 =	seq.s32 s10, $0x1;
	s10 =	sld [smem:$0x3FAD];
	_ =	sdelay $0x3  }
0x34: {  	[smem:$0x3FAD] =	sst s10  }
0x35: {  	s10 =	sld [smem:$0x3FAC];
	_ =	sdelay $0x3  }
0x36: {  	p1 =	seq.s32 s10, $0x1;
	s10 =	sld [smem:$0x3FAD];
	_ =	sdelay $0x3  }
0x37: {  	[smem:$0x3FAD] =	sst s10  }
0x38: {  	s10 =	sld [smem:$0x3FAE]  }
0x39: {  	_ = 	snop;
	(pc) =	sbr.ind lr, $3  }
0x3a: {  	_ = 	snop  }
0x3b: {  	_ = 	snop  }
0x3c: {  	p2 =	seq.s32 s10, $0x1;
	s10 =	sld [smem:$0x3FAD]  }
0x3d: {  	_ =	shalt  }
0x3e: {  	_ =	shalt  }
0x3f: {  	_ =	shalt  }
0x40: {  	_ =	shalt  }
0x41: {  	_ =	shalt  }
0x42: {  	_ =	shalt  }
0x43: {  	_ =	shalt  }
0x44: {  	_ =	shalt  }
0x45: {  	_ =	shalt  }
0x46: {  	_ =	shalt  }
0x47: {  	_ =	shalt  }
0x48: {  	_ =	shalt  }
0x49: {  	_ =	shalt  }
0x4a: {  	_ =	shalt  }
0x4b: {  	_ =	shalt  }
0x4c: {  	_ =	shalt  }
0x4d: {  	_ =	shalt  }
0x4e: {  	_ =	shalt  }
0x4f: {  	_ =	shalt  }
0x50: {  	_ =	shalt  }
0x51: {  	_ =	shalt  }
0x52: {  	_ =	shalt  }
0x53: {  	_ =	shalt  }
0x54: {  	_ =	shalt  }
0x55: {  	_ =	shalt  }
0x56: {  	_ =	shalt  }
0x57: {  	_ =	shalt  }
0x58: {  	_ =	shalt  }
0x59: {  	_ =	shalt  }
0x5a: {  	_ =	shalt  }
0x5b: {  	_ =	shalt  }
0x5c: {  	_ =	shalt  }
0x5d: {  	_ =	shalt  }
0x5e: {  	_ =	shalt  }
0x5f: {  	_ =	shalt  }
0x60: {  	_ =	shalt  }
0x61: {  	_ =	shalt  }
0x62: {  	_ =	shalt  }
0x63: {  	_ =	shalt  }
0x64: {  	_ =	shalt  }
0x65: {  	_ =	shalt  }
0x66: {  	_ =	shalt  }
0x67: {  	_ =	shalt  }
0x68: {  	_ =	shalt  }
0x69: {  	_ =	shalt  }
0x6a: {  	_ =	shalt  }
0x6b: {  	_ =	shalt  }
0x6c: {  	_ =	shalt  }
0x6d: {  	_ =	shalt  }
0x6e: {  	_ =	shalt  }
0x6f: {  	_ =	shalt  }
0x70: {  	_ =	shalt  }
0x71: {  	_ =	shalt  }
0x72: {  	_ =	shalt  }
0x73: {  	_ =	shalt  }
0x74: {  	_ =	shalt  }
0x75: {  	_ =	shalt  }
0x76: {  	_ =	shalt  }
0x77: {  	_ =	shalt  }
0x78: {  	_ =	shalt  }
0x79: {  	_ =	shalt  }
0x7a: {  	_ =	shalt  }
0x7b: {  	_ =	shalt  }
0x7c: {  	_ =	shalt  }
0x7d: {  	_ =	shalt  }
0x7e: {  	_ =	shalt  }
0x7f: {  	_ =	shalt  }
0x80: {  	_ =	shalt  }
0x81: {  	_ =	shalt  }
0x82: {  	_ =	shalt  }
0x83: {  	_ =	shalt  }
0x84: {  	_ =	shalt  }
0x85: {  	_ =	shalt  }
0x86: {  	_ =	shalt  }
0x87: {  	_ =	shalt  }
.Lfunc_end0:
.L_simem_size_0:
called_computation.2_lowered:
.L_overlay_start_0:
0x88: {  	s2 =	sld [smem:$0x3FD9]  }
0x89: {  	s3 =	sld [smem:$0x3FFE];
	_ =	sdelay $0x1  }
0x8a: {  	s1 =	srdreg.scid  }
0x8b: {  	s0 =	sand.u32 $0x1, s1  }
0x8c: {  	s16 =	sshll.u32 s0, $0xA;
	s2 =	sadd.s32 s3, s2  }
0x8d: {  	s2 =	sadd.s32 s2, s16  }
0x8e: {  	[smem:$0x3FB9] =	sst s2  }
0x8f: {  	_ = 	snop  }
0x90: {  	(tm) =	ssettm $0x1  }
0x91: {  	s17 =	sld [smem:$0x3FFB];
	_ =	sdelay $0x3  }
0x92: {  	_ =	strace s17  }
0x93: {  	s2 =	sld [smem:$0x3FFC];
	_ =	sdelay $0x3  }
0x94: {  	_ =	strace s2  }
0x95: {  	s2 =	sld [smem:$0x3FFD];
	_ =	sdelay $0x3  }
0x96: {  	_ =	strace s2  }
0x97: {  	_ =	strace $0x8FFFFFFF  }
0x98: {  	s18 =	sld [smem:$0x3FDB];
	_ =	sdelay $0x1  }
0x99: {  	s19 =	simm.s32 $_scs_section_size  }
0x9a: {  	s4 =	simm.s32 $_size__tile_overlayer_lowered;
	s5 =	simm.s32 $_tile_overlayer_lowered  }
0x9b: {  	s22 =	simm.s32 $0x1BFF;
	s21 =	sshll.u32 s5, $0x1;
	s2 =	sadd.s32 s19, s18  }
0x9c: {  	s6 =	simm.s32 $0x0;
	s20 =	sshll.u32 s4, $0x1;
	s4 =	sadd.s32 s21, s2  }
0x9d: {  	[timem:s6], [sflag:s22] =	dma.local [hbm:s4], s20  }
0x9e: {  	_ =	swait.ge [sflag:s22], s20  }
0x9f: {  	s3 =	ssub.s32 $0x0, s20;
	[sflag:s22] =	ssyncset.done $0x0  }
0xa0: {  	[sflag:s22] =	ssyncadd.s32 s3;
	_ =	sdelay $0x1  }
0xa1: {  	s23 =	simm.s32 $0x1B8B  }
0xa2: {  	_ =	swait.ge [sflag:s23], $0x1  }
0xa3: {  	[sflag:s23] =	ssyncset.done $0x0  }
0xa4: {  	s25 =	simm.s32 $0x1B8E;
	s24 =	sld [smem:$0x3FFE];
	[sflag:s23] =	ssyncadd.s32 $0xFFFFFFFF  }
0xa5: {  	s26 =	simm.s32 $execute0_lowered;
	[smem:$0x3FD2] =	sst s25  }
0xa6: {  	s4 =	sshll.u32 s26, $0x1;
	_ =	strace $0x8000004C;
	[dreg:$0x1] =	wrdreg $0xFFFFFFFF  }
0xa7: {  	s28 =	simm.s32 $_size_execute0_lowered;
	s2 =	sadd.s32 s2, s4;
	[dreg:$0x0] =	wrdreg $0x0  }
0xa8: {  	s4 =	sshll.u32 s28, $0x1;
	[dreg:$0x2] =	wrdreg s2  }
0xa9: {  	[dreg:$0x3] =	wrdreg s4  }
0xaa: {  	[dreg:$0x4] =	wrdreg $0xC0  }
0xab: {  	_ =	task [dreg:s6], $0x5FFFF  }
0xac: {  	[dreg:$0x1] =	wrdreg $0xFFFFFFFF  }
0xad: {  	[dreg:$0x0] =	wrdreg $0x60  }
0xae: {  	[dreg:$0x2] =	wrdreg s24  }
0xaf: {  	[dreg:$0x3] =	wrdreg $0x81000  }
0xb0: {  	[dreg:$0x4] =	wrdreg $0x9  }
0xb1: {  	_ =	task.clear_ibuf [dreg:s6], $0x5FFFF;
	_ =	strace $0x9000004C  }
0xb2: {  	s29 =	simm.s32 $0x9;
	_ =	strace $0x8000004E  }
0xb3: {  	_ =	swait.ge [sflag:s29], $0x1  }
0xb4: {  	[sflag:s29] =	ssyncadd.s32 $0xFFFFFFFF  }
0xb5: {  	_ =	strace $0x9000004E  }
0xb6: {  	_ =	sfence  }
0xb7: {  	s30 =	sld [smem:$0x0];
	_ =	sdelay $0x2  }
0xb8: {  	s31 =	sshll.u32 s1, $0xD;
	s1 =	sshrl.u32 s1, $0x2  }
0xb9: {  	s3 =	sand.u32 $0x4000, s31;
	s1 =	sadd.s32 s1, s30  }
0xba: {  	s0 =	sor.u32 s3, s0;
	s1 =	sshll.u32 s1, $0x11  }
0xbb: {  	s0 =	sor.u32 s1, s0  }
0xbc: {  	s0 =	sadd.s32 $0x8F2B, s0  }
0xbd: {  	[sflag:s0] =	ssyncadd.remote.s32 $0x1  }
0xbe: {  	_ =	sfence.sel $0xFFFF  }
0xbf: {  	[dreg:$0x0] =	wrdreg $0xFFFFFFFF;
	(pc) =	sbr.abs _section_cstart, $3  }
0xc0: {  	[dreg:$0x1] =	wrdreg $0xFFFFFFFF  }
0xc1: {  	_ =	task.clear_ibuf [dreg:s6], $0x2FFFF;
	_ =	strace $0x9FFFFFFF  }
0xc2: {  	(tm) =	ssettm $0x7FFFFFFF  }
0xc3: {  	_ =	shalt  }
tec
execute0_lowered:
.L_overlay_start_1:
0x0: {  	(tag) =	ssettag $0x1  }
0x1: {  	s4 =	rddreg [dreg:$0x0]  }
0x2: {  	s2 =	rddreg [dreg:$0x1]  }
0x3: {  	s0 =	rddreg [dreg:$0x2];
	s1 =	stileid.u32  }
0x4: {  	s5 =	srdreg.scid;
	s11 =	smul.u32 $0x2800, s1  }
0x5: {  	s3 =	simm.s32 $0x0;
	s19 =	simm.s32 $0x4100;
	s8 =	smul.u32 $0x50000, s1  }
0x6: {  	s12 =	sand.u32 $0x1, s5;
	[smem:$0x7FF] =	sst s3;
	s28 =	smul.u32 $0x28000, s1  }
0x7: {  	s13 =	sadd.s32 $0x9F8E00, s4;
	s14 =	sadd.s32 $0x3DC00, s4;
	s5 =	smul.u32 $0x28000, s12  }
0x8: {  	s9 =	sshll.u32 s1, $0x1;
	s24 =	sshll.u32 s1, $0x6;
	s18 =	smul.u32 $0x1400, s12  }
0x9: {  	s7 =	ssub.s32 $0x2, s12;
	s21 =	sor.u32 s12, s9;
	s12 =	smul.u32 $0x14000, s12  }
0xa: {  	_ =	strace $0x8000004D;
	s6 =	sadd.s32 s11, s4;
	s23 =	smul.u32 $0x1400, s21  }
0xb: {  	s20 =	sshrl.u32 s7, $0x1;
	s22 =	sshrl.u32 s8, $0x2;
	s9 =	smul.u32 $0x14000, s21  }
0xc: {  	s21 =	simm.s32 $0x2;
	s5 =	sadd.s32 s11, s5;
	s15 =	ssub.s32 s7, s20  }
0xd: {  	s16 =	sadd.s32 s22, s2;
	s18 =	sadd.s32 s18, s11;
	s20 =	simm.s32 $0x1  }
0xe: {  	s22 =	simm.s32 $0x0;
	s10 =	sadd.s32 s5, s4;
	s4 =	sadd.s32 $0x43600, s6  }
0xf: {  	s5 =	sor.u32 $0x1C03, s24;
	s25 =	sshrl.u32 s23, $0x3;
	s7 =	sadd.s32 s13, s9  }
0x10: {  	s8 =	sor.u32 $0x80, s23;
	s11 =	smax.u32 s15, $0x1;
	s29 =	sor.u32 $0x180, s18  }
0x11: {  	s31 =	sor.u32 $0x100, s18;
	s18 =	simm.s32 $0x80;
	s6 =	sadd.s32 s14, s25  }
0x12: {  	s26 =	sshrl.u32 s8, $0x3;
	s17 =	sshll.u32 s8, $0x4;
	s10 =	sadd.s32 $0x6B600, s10  }
0x13: {  	s30 =	sshrl.u32 s29, $0x3;
	s15 =	sshrl.u32 s31, $0x3;
	s8 =	sadd.s32 s14, s26  }
0x14: {  	s9 =	sadd.s32 s13, s17;
	s13 =	sadd.s32 s28, s13;
	s17 =	simm.s32 $0x100  }
0x15: {  	s12 =	sadd.s32 s12, s13;
	s13 =	sadd.s32 s30, s14;
	s14 =	sadd.s32 s15, s14  }
0x16: {  	s15 =	sshrl.u32 s16, $0x3;
	s16 =	simm.s32 $0x3;
	s12 =	sadd.s32 $0x1800, s12  }
.LBB2_1:
0x17: {  	[spmem:s15], [sflag:s5] =	dma.local [hbm:s4], $0x2800  }
0x18: {  	_ =	swait.ge [sflag:s16], $0x2800  }
0x19: {  	[sflag:s16] =	ssyncset.done $0x0  }
0x1a: {  	[sflag:s16] =	ssyncadd.s32 $0xFFFFD800  }
0x1b: {  	[bflag:$0x0] =	sbarrier.arrive $0xFFFF  }
0x1c: {  	[tilespmem:s3], [sflag:$0x3] =	stream.linear.gather [hbm4b:s6+s3], $0x80, $0x38;
	[tilespmem:$0x1C100] =	vst v63  }
0x1d: {  	_ =	swait.ge [sflag:s16], $0x80  }
0x1e: {  	[sflag:s16] =	ssyncset.done $0x0  }
0x1f: {  	[sflag:s16] =	ssyncadd.s32 $0xFFFFFF80  }
0x20: {  	[tilespmem:s17], [sflag:$0x1] =	stream.linear.gather [hbm4b:s7+s3], $0x4000, $0x38;
	[tilespmem:$0x1C100] =	vst v63  }
0x21: {  	_ = 	snop  }
0x22: {  	[tilespmem:s18], [sflag:$0x3] =	stream.linear.gather [hbm4b:s8+s3], $0x80, $0x38;
	[tilespmem:$0x1C100] =	vst v63  }
0x23: {  	_ =	swait.ge [sflag:s16], $0x80  }
0x24: {  	[sflag:s16] =	ssyncset.done $0x0  }
0x25: {  	[sflag:s16] =	ssyncadd.s32 $0xFFFFFF80  }
0x26: {  	[tilespmem:s19], [sflag:$0x2] =	stream.linear.gather [hbm4b:s9+s3], $0x4000, $0x38;
	[tilespmem:$0x1C100] =	vst v63  }
0x27: {  	_ =	swait.ge [sflag:s20], $0x4000  }
0x28: {  	[sflag:s20] =	ssyncset.done $0x0  }
0x29: {  	[sflag:s20] =	ssyncadd.s32 $0xFFFFC000  }
0x2a: {  	[spmem:s2] =	stream.indirect.scatter.add.f32 [tilespmem:s17], [sflag:$0x3], $0x80, s3, s18, $0xb8;
	[tilespmem:$0x1C100] =	vst v63  }
0x2b: {  	_ =	swait.ge [sflag:s16], $0x4000  }
0x2c: {  	[sflag:s16] =	ssyncset.done $0x0  }
0x2d: {  	s23 =	sadd.s32 $0x0, s14;
	[sflag:s16] =	ssyncadd.s32 $0xFFFFC000  }
0x2e: {  	[tilespmem:s3], [sflag:$0x3] =	stream.linear.gather [hbm4b:s23+s3], $0x80, $0x38;
	[tilespmem:$0x1C100] =	vst v63  }
0x2f: {  	_ =	swait.ge [sflag:s16], $0x80  }
0x30: {  	[sflag:s16] =	ssyncset.done $0x0  }
0x31: {  	s30 =	sadd.s32 $0xFFFFF800, s12;
	[sflag:s16] =	ssyncadd.s32 $0xFFFFFF80  }
0x32: {  	[tilespmem:s17], [sflag:$0x1] =	stream.linear.gather [hbm4b:s30+s3], $0x4000, $0x38;
	[tilespmem:$0x1C100] =	vst v63  }
0x33: {  	_ =	swait.ge [sflag:s21], $0x4000  }
0x34: {  	[sflag:s21] =	ssyncset.done $0x0  }
0x35: {  	[sflag:s21] =	ssyncadd.s32 $0xFFFFC000  }
0x36: {  	[spmem:s2] =	stream.indirect.scatter.add.f32 [tilespmem:s19], [sflag:$0x3], $0x80, s18, s18, $0xb8;
	[tilespmem:$0x1C100] =	vst v63  }
0x37: {  	_ =	swait.ge [sflag:s16], $0x4000  }
0x38: {  	[sflag:s16] =	ssyncset.done $0x0  }
0x39: {  	s31 =	sadd.s32 $0x0, s13;
	[sflag:s16] =	ssyncadd.s32 $0xFFFFC000  }
0x3a: {  	[tilespmem:s18], [sflag:$0x3] =	stream.linear.gather [hbm4b:s31+s3], $0x80, $0x38;
	[tilespmem:$0x1C100] =	vst v63  }
0x3b: {  	_ =	swait.ge [sflag:s16], $0x80  }
0x3c: {  	s24 =	sadd.s32 $0x1000, s12;
	[sflag:s16] =	ssyncset.done $0x0  }
0x3d: {  	s25 =	smov.u32 s12;
	s23 =	simm.s32 $0x20;
	[sflag:s16] =	ssyncadd.s32 $0xFFFFFF80  }
.LBB2_2:
0x3e: {  	[tilespmem:s19], [sflag:$0x2] =	stream.linear.gather [hbm4b:s25+s3], $0x4000, $0x38;
	[tilespmem:$0x1C100] =	vst v63  }
0x3f: {  	s26 =	smov.u32 s23;
	s25 =	smov.u32 s24  }
0x40: {  	p0 =	sne.s32 s23, $0x240;
	s23 =	sadd.s32 $0x20, s23;
	_ =	swait.ge [sflag:s20], $0x4000  }
0x41: {  	[sflag:s20] =	ssyncset.done $0x0  }
0x42: {  	[sflag:s20] =	ssyncadd.s32 $0xFFFFC000  }
0x43: {  	[spmem:s2] =	stream.indirect.scatter.add.f32 [tilespmem:s17], [sflag:$0x3], $0x80, s3, s18, $0xb8;
	[tilespmem:$0x1C100] =	vst v63  }
0x44: {  	_ =	swait.ge [sflag:s16], $0x4000  }
0x45: {  	[sflag:s16] =	ssyncset.done $0x0  }
0x46: {  	s28 =	sadd.s32 s26, s14;
	[sflag:s16] =	ssyncadd.s32 $0xFFFFC000  }
0x47: {  	[tilespmem:s3], [sflag:$0x3] =	stream.linear.gather [hbm4b:s28+s3], $0x80, $0x38;
	[tilespmem:$0x1C100] =	vst v63  }
0x48: {  	_ =	swait.ge [sflag:s16], $0x80  }
0x49: {  	[sflag:s16] =	ssyncset.done $0x0  }
0x4a: {  	s28 =	sadd.s32 $0xFFFFF800, s24;
	[sflag:s16] =	ssyncadd.s32 $0xFFFFFF80  }
0x4b: {  	[tilespmem:s17], [sflag:$0x1] =	stream.linear.gather [hbm4b:s28+s3], $0x4000, $0x38;
	[tilespmem:$0x1C100] =	vst v63  }
0x4c: {  	_ =	swait.ge [sflag:s21], $0x4000  }
0x4d: {  	[sflag:s21] =	ssyncset.done $0x0  }
0x4e: {  	[sflag:s21] =	ssyncadd.s32 $0xFFFFC000  }
0x4f: {  	[spmem:s2] =	stream.indirect.scatter.add.f32 [tilespmem:s19], [sflag:$0x3], $0x80, s18, s18, $0xb8;
	[tilespmem:$0x1C100] =	vst v63  }
0x50: {  	_ =	swait.ge [sflag:s16], $0x4000  }
0x51: {  	[sflag:s16] =	ssyncset.done $0x0  }
.Ltmp0:
0x52: {  	s26 =	sadd.s32 s26, s13;
	[sflag:s16] =	ssyncadd.s32 $0xFFFFC000;
	(pc) =	sbr.rel @p0 .LBB2_2-.Ltmp0, $4  }
0x53: {  	[tilespmem:s18], [sflag:$0x3] =	stream.linear.gather [hbm4b:s26+s3], $0x80, $0x38;
	[tilespmem:$0x1C100] =	vst v63  }
0x54: {  	_ =	swait.ge [sflag:s16], $0x80  }
0x55: {  	[sflag:s16] =	ssyncset.done $0x0  }
0x56: {  	s24 =	sadd.s32 $0x1000, s24;
	[sflag:s16] =	ssyncadd.s32 $0xFFFFFF80  }
0x57: {  	[tilespmem:s19], [sflag:$0x2] =	stream.linear.gather [hbm4b:s25+s3], $0x4000, $0x38;
	[tilespmem:$0x1C100] =	vst v63  }
0x58: {  	_ =	swait.ge [sflag:s20], $0x4000  }
0x59: {  	[sflag:s20] =	ssyncset.done $0x0  }
0x5a: {  	[sflag:s20] =	ssyncadd.s32 $0xFFFFC000  }
0x5b: {  	[spmem:s2] =	stream.indirect.scatter.add.f32 [tilespmem:s17], [sflag:$0x3], $0x80, s3, s18, $0xb8;
	[tilespmem:$0x1C100] =	vst v63  }
0x5c: {  	_ =	swait.ge [sflag:s16], $0x4000  }
0x5d: {  	[sflag:s16] =	ssyncset.done $0x0  }
0x5e: {  	[sflag:s16] =	ssyncadd.s32 $0xFFFFC000  }
0x5f: {  	_ =	swait.ge [sflag:s21], $0x4000  }
0x60: {  	[sflag:s21] =	ssyncset.done $0x0  }
0x61: {  	[sflag:s21] =	ssyncadd.s32 $0xFFFFC000  }
0x62: {  	[spmem:s2] =	stream.indirect.scatter.add.f32 [tilespmem:s19], [sflag:$0x3], $0x80, s18, s18, $0xb8;
	[tilespmem:$0x1C100] =	vst v63  }
0x63: {  	_ =	swait.ge [sflag:s16], $0x4000  }
0x64: {  	s22 =	sadd.s32 $0x1, s22;
	[sflag:s16] =	ssyncset.done $0x0  }
0x65: {  	p0 =	sne.s32 s22, s11;
	[sflag:s16] =	ssyncadd.s32 $0xFFFFC000  }
.Ltmp1:
0x66: {  	[bflag:$0x0] =	sbarrier.arrive $0xFFFF;
	(pc) =	sbr.rel @p0 .LBB2_1-.Ltmp1, $4  }
0x67: {  	[hbm:s10], [sflag:s5] =	dma.local [spmem:s15], $0x2800  }
0x68: {  	_ =	swait.ge [sflag:s16], $0x2800  }
0x69: {  	[sflag:s16] =	ssyncset.done $0x0  }
0x6a: {  	[sflag:s16] =	ssyncadd.s32 $0xFFFFD800  }
0x6b: {  	_ =	sfence.sel $0x180000  }
0x6c: {  	[bflag:$0x0] =	sbarrier.arrive $0xFFFF  }
0x6d: {  	p0 =	sne.s32 s1, $0x0;
	_ =	strace $0x9000004D  }
0x6e: {  	s0 =	sadd.s32 @!p0 $0x100000, s0;
	[bflag:$0x2] =	sbarrier.arrive $0xFFFF  }
0x6f: {  	[sflag:s0] =	ssyncadd.tile.s32 @!p0 $0x1;
	_ =	shalt  }
.Lfunc_end2:
_tile_overlayer_lowered:
.L_overlay_start_2:
0x70: {  	(tag) =	ssettag $0x2  }
0x71: {  	s0 =	rddreg [dreg:$0x0];
	s2 =	stileid.u32  }
0x72: {  	s1 =	rddreg [dreg:$0x1];
	p0 =	sne.s32 s2, $0x0  }
0x73: {  	s3 =	rddreg [dreg:$0x2];
	[bflag:$0x3] =	sbarrier.arrive $0xFFFF;
	s2 =	simm.s32 @!p0 $0x1C03  }
0x74: {  	[timem:s3], [sflag:s2] =	dma.local @!p0 [hbm:s0], s1  }
0x75: {  	s0 =	simm.s32 @!p0 $0x3  }
0x76: {  	_ =	swait.ge @!p0 [sflag:s0], s1  }
0x77: {  	s1 =	ssub.s32 @!p0 $0x0, s1;
	[sflag:s0] =	ssyncset.done @!p0 $0x0  }
0x78: {  	[sflag:s0] =	ssyncadd.s32 @!p0 s1  }
0x79: {  	[bflag:$0x3] =	sbarrier.arrive $0xFFFF  }
0x7a: {  	_ =	shalt  }

// kernel: kernel.26.cloned.1.call-start
scs
__scs_entry_jumppad:
0x0: {  	(pc) =	sbr.rel $0x88, $3  }
0x1: {  	(tag) =	ssettag $0x0;
	lr =	simm.s32 $0x1  }
0x2: {  	[smem:$0x3F92] =	sst lr;
	_ =	strace $0xD0000000  }
0x3: {  	_ = 	snop  }
0x4: {  	_ = 	snop  }
0x5: {  	_ = 	snop  }
0x6: {  	_ = 	snop  }
0x7: {  	_ = 	snop  }
__scs_overlays_trampoline_lowered:
0x8: {  	[smem:$0x3FA1] =	sst s0  }
0x9: {  	[smem:$0x3FA2] =	sst s1  }
0xa: {  	[smem:$0x3FA3] =	sst s2  }
0xb: {  	[smem:$0x3FA4] =	sst s3  }
0xc: {  	[smem:$0x3FA5] =	sst s4  }
0xd: {  	[smem:$0x3FA6] =	sst s5  }
0xe: {  	[smem:$0x3FA7] =	sst s6  }
0xf: {  	[smem:$0x3FA8] =	sst s7  }
0x10: {  	[smem:$0x3FA9] =	sst s8  }
0x11: {  	[smem:$0x3FAA] =	sst s9;
	s0 =	simm.s32 @!p0 $0x0  }
0x12: {  	s1 =	sld [smem:$0x3F90];
	s0 =	simm.s32 @p0 $0x1  }
0x13: {  	[smem:$0x3FAB] =	sst s0;
	s0 =	simm.s32 @!p1 $0x0  }
0x14: {  	s2 =	sld [smem:$0x3F8F];
	s0 =	simm.s32 @p1 $0x1  }
0x15: {  	[smem:$0x3FAC] =	sst s0;
	s0 =	simm.s32 @!p2 $0x0  }
0x16: {  	s3 =	sld [smem:$0x3FDB];
	s0 =	simm.s32 @p2 $0x1  }
0x17: {  	s4 =	simm.s32 $0x1BF5;
	[smem:$0x3FAE] =	sst s0  }
0x18: {  	s0 =	sld [smem:$0x3F91];
	_ =	swait.ge [sflag:s4], $0x0  }
0x19: {  	s7 =	sld [smem:$0x3F92]  }
0x1a: {  	s8 =	sadd.s32 $0xFFFFE003, lr  }
0x1b: {  	s9 =	sadd.s32 $0xFFFFFEF7, lr;
	s5 =	simm.s32 $0xFFFFFFFF;
	p2 =	slt.u32 s8, $0xFFFFF086  }
0x1c: {  	p1 =	slt.u32 s9, $0xF7A;
	s5 =	simm.s32 @!p2 $0x0  }
0x1d: {  	s5 =	simm.s32 @p1 $0x1;
	p0 =	seq.s32 s7, s2  }
0x1e: {  	s7 =	smul.u32 @!p0 $0xF7A, s2;
	p2 =	seq.s32 @!p0 s5, $0x0  }
0x1f: {  	s9 =	smul.u32 $0xF7A, s1;
	s8 =	simm.s32 @!p0 $0x1BF5;
	p2 =	por !p2, p0  }
0x20: {  	[sflag:s8] =	ssyncset.s32 @!p0 $0xFFFFF086;
	s6 =	sadd.s32 @!p0 s3, s7;
	s7 =	simm.s32 @!p0 $0x108  }
0x21: {  	s3 =	sadd.s32 s3, s9;
	s6 =	sadd.s32 @!p0 $0x88, s6;
	s7 =	simm.s32 @p2 $0x1082  }
0x22: {  	[simem:s7], [sflag:s8] =	dma.local @!p0 [hbm:s6], $0xF7A  }
0x23: {  	s9 =	sor.u32 $0xD0000000, s2;
	s6 =	simm.s32 $0x108;
	_ =	swait.ge @!p0 [sflag:s8], $0x0  }
0x24: {  	s3 =	sadd.s32 $0x88, s3;
	s6 =	simm.s32 @!p1 $0x1082;
	[sflag:s4] =	ssyncset.s32 $0xFFFFF086  }
0x25: {  	[simem:s6], [sflag:s4] =	dma.local [hbm:s3], $0xF7A  }
0x26: {  	[smem:$0x3F92] =	sst s1;
	(tag) =	ssettag s2;
	_ =	strace s9  }
0x27: {  	s1 =	sld [smem:$0x3FA2]  }
0x28: {  	s2 =	sld [smem:$0x3FA3]  }
0x29: {  	s4 =	sld [smem:$0x3FA5]  }
0x2a: {  	p0 =	seq.s32 s5, $0x0;
	s5 =	sld [smem:$0x3FA6]  }
0x2b: {  	s6 =	sld [smem:$0x3FA7]  }
0x2c: {  	s7 =	sld [smem:$0x3FA8]  }
0x2d: {  	s3 =	simm.s32 $0x108;
	s8 =	sld [smem:$0x3FA9]  }
0x2e: {  	s3 =	simm.s32 @!p0 $0x1082;
	s9 =	sld [smem:$0x3FAA]  }
0x2f: {  	lr =	sadd.s32 s0, s3;
	s0 =	sld [smem:$0x3FA1]  }
0x30: {  	s3 =	sld [smem:$0x3FA4]  }
0x31: {  	[smem:$0x3FAD] =	sst s10  }
0x32: {  	s10 =	sld [smem:$0x3FAB];
	_ =	sdelay $0x3  }
0x33: {  	p0 =	seq.s32 s10, $0x1;
	s10 =	sld [smem:$0x3FAD];
	_ =	sdelay $0x3  }
0x34: {  	[smem:$0x3FAD] =	sst s10  }
0x35: {  	s10 =	sld [smem:$0x3FAC];
	_ =	sdelay $0x3  }
0x36: {  	p1 =	seq.s32 s10, $0x1;
	s10 =	sld [smem:$0x3FAD];
	_ =	sdelay $0x3  }
0x37: {  	[smem:$0x3FAD] =	sst s10  }
0x38: {  	s10 =	sld [smem:$0x3FAE]  }
0x39: {  	_ = 	snop;
	(pc) =	sbr.ind lr, $3  }
0x3a: {  	_ = 	snop  }
0x3b: {  	_ = 	snop  }
0x3c: {  	p2 =	seq.s32 s10, $0x1;
	s10 =	sld [smem:$0x3FAD]  }
0x3d: {  	_ =	shalt  }
0x3e: {  	_ =	shalt  }
0x3f: {  	_ =	shalt  }
0x40: {  	_ =	shalt  }
0x41: {  	_ =	shalt  }
0x42: {  	_ =	shalt  }
0x43: {  	_ =	shalt  }
0x44: {  	_ =	shalt  }
0x45: {  	_ =	shalt  }
0x46: {  	_ =	shalt  }
0x47: {  	_ =	shalt  }
0x48: {  	_ =	shalt  }
0x49: {  	_ =	shalt  }
0x4a: {  	_ =	shalt  }
0x4b: {  	_ =	shalt  }
0x4c: {  	_ =	shalt  }
0x4d: {  	_ =	shalt  }
0x4e: {  	_ =	shalt  }
0x4f: {  	_ =	shalt  }
0x50: {  	_ =	shalt  }
0x51: {  	_ =	shalt  }
0x52: {  	_ =	shalt  }
0x53: {  	_ =	shalt  }
0x54: {  	_ =	shalt  }
0x55: {  	_ =	shalt  }
0x56: {  	_ =	shalt  }
0x57: {  	_ =	shalt  }
0x58: {  	_ =	shalt  }
0x59: {  	_ =	shalt  }
0x5a: {  	_ =	shalt  }
0x5b: {  	_ =	shalt  }
0x5c: {  	_ =	shalt  }
0x5d: {  	_ =	shalt  }
0x5e: {  	_ =	shalt  }
0x5f: {  	_ =	shalt  }
0x60: {  	_ =	shalt  }
0x61: {  	_ =	shalt  }
0x62: {  	_ =	shalt  }
0x63: {  	_ =	shalt  }
0x64: {  	_ =	shalt  }
0x65: {  	_ =	shalt  }
0x66: {  	_ =	shalt  }
0x67: {  	_ =	shalt  }
0x68: {  	_ =	shalt  }
0x69: {  	_ =	shalt  }
0x6a: {  	_ =	shalt  }
0x6b: {  	_ =	shalt  }
0x6c: {  	_ =	shalt  }
0x6d: {  	_ =	shalt  }
0x6e: {  	_ =	shalt  }
0x6f: {  	_ =	shalt  }
0x70: {  	_ =	shalt  }
0x71: {  	_ =	shalt  }
0x72: {  	_ =	shalt  }
0x73: {  	_ =	shalt  }
0x74: {  	_ =	shalt  }
0x75: {  	_ =	shalt  }
0x76: {  	_ =	shalt  }
0x77: {  	_ =	shalt  }
0x78: {  	_ =	shalt  }
0x79: {  	_ =	shalt  }
0x7a: {  	_ =	shalt  }
0x7b: {  	_ =	shalt  }
0x7c: {  	_ =	shalt  }
0x7d: {  	_ =	shalt  }
0x7e: {  	_ =	shalt  }
0x7f: {  	_ =	shalt  }
0x80: {  	_ =	shalt  }
0x81: {  	_ =	shalt  }
0x82: {  	_ =	shalt  }
0x83: {  	_ =	shalt  }
0x84: {  	_ =	shalt  }
0x85: {  	_ =	shalt  }
0x86: {  	_ =	shalt  }
0x87: {  	_ =	shalt  }
.Lfunc_end0:
.L_simem_size_0:
called_computation.3_lowered:
.L_overlay_start_0:
0x88: {  	s2 =	sld [smem:$0x3FD9]  }
0x89: {  	s3 =	sld [smem:$0x3FFE];
	_ =	sdelay $0x1  }
0x8a: {  	s1 =	srdreg.scid  }
0x8b: {  	s0 =	sand.u32 $0x1, s1  }
0x8c: {  	s17 =	sshll.u32 s0, $0xA;
	s2 =	sadd.s32 s3, s2  }
0x8d: {  	s2 =	sadd.s32 s2, s17  }
0x8e: {  	[smem:$0x3FB9] =	sst s2  }
0x8f: {  	_ = 	snop  }
0x90: {  	s2 =	sld [smem:$0x3FD0];
	(tm) =	ssettm $0x1  }
0x91: {  	s18 =	sld [smem:$0x3FFB];
	_ =	sdelay $0x3  }
0x92: {  	_ =	strace s18  }
0x93: {  	s3 =	sld [smem:$0x3FFC];
	_ =	sdelay $0x3  }
0x94: {  	_ =	strace s3  }
0x95: {  	s3 =	sld [smem:$0x3FFD];
	_ =	sdelay $0x3  }
0x96: {  	_ =	strace s3  }
0x97: {  	_ =	strace $0x8FFFFFFF  }
0x98: {  	s19 =	sld [smem:$0x3FDB];
	_ =	sdelay $0x1  }
0x99: {  	s4 =	simm.s32 $_scs_section_size  }
0x9a: {  	s5 =	simm.s32 $_size__tile_overlayer_lowered;
	s6 =	simm.s32 $_tile_overlayer_lowered  }
0x9b: {  	s22 =	simm.s32 $0x1BFF;
	s21 =	sshll.u32 s6, $0x1;
	s3 =	sadd.s32 s4, s19  }
0x9c: {  	s7 =	simm.s32 $0x0;
	s20 =	sshll.u32 s5, $0x1;
	s5 =	sadd.s32 s21, s3  }
0x9d: {  	[timem:s7], [sflag:s22] =	dma.local [hbm:s5], s20  }
0x9e: {  	_ =	swait.ge [sflag:s22], s20  }
0x9f: {  	s4 =	ssub.s32 $0x0, s20;
	[sflag:s22] =	ssyncset.done $0x0  }
0xa0: {  	[sflag:s22] =	ssyncadd.s32 s4;
	_ =	sdelay $0x1  }
0xa1: {  	s23 =	simm.s32 $0x1B8B  }
0xa2: {  	_ =	swait.ge [sflag:s23], $0x1  }
0xa3: {  	[sflag:s23] =	ssyncset.done $0x0  }
0xa4: {  	s25 =	simm.s32 $0x1B8E;
	s24 =	sld [smem:$0x3FFE];
	[sflag:s23] =	ssyncadd.s32 $0xFFFFFFFF  }
0xa5: {  	s26 =	simm.s32 $execute0_lowered;
	[smem:$0x3FD2] =	sst s25  }
0xa6: {  	s5 =	sshll.u32 s26, $0x1;
	_ =	strace $0x8000004F;
	[dreg:$0x1] =	wrdreg $0xFFFFFFFF  }
0xa7: {  	s28 =	simm.s32 $_size_execute0_lowered;
	s3 =	sadd.s32 s3, s5;
	[dreg:$0x0] =	wrdreg $0x0  }
0xa8: {  	s5 =	sshll.u32 s28, $0x1;
	[dreg:$0x2] =	wrdreg s3  }
0xa9: {  	[dreg:$0x3] =	wrdreg s5  }
0xaa: {  	[dreg:$0x4] =	wrdreg $0xC0  }
0xab: {  	_ =	task [dreg:s7], $0x5FFFF  }
0xac: {  	[dreg:$0x1] =	wrdreg $0xFFFFFFFF  }
0xad: {  	[dreg:$0x0] =	wrdreg $0x60  }
0xae: {  	[dreg:$0x2] =	wrdreg s24  }
0xaf: {  	[dreg:$0x3] =	wrdreg s2  }
0xb0: {  	[dreg:$0x4] =	wrdreg $0xA4000  }
0xb1: {  	[dreg:$0x5] =	wrdreg $0x9  }
0xb2: {  	_ =	task.clear_ibuf [dreg:s7], $0x6FFFF;
	_ =	strace $0x9000004F  }
0xb3: {  	s29 =	simm.s32 $0x9;
	_ =	strace $0x80000051  }
0xb4: {  	_ =	swait.ge [sflag:s29], $0x1  }
0xb5: {  	[sflag:s29] =	ssyncadd.s32 $0xFFFFFFFF  }
0xb6: {  	_ =	strace $0x90000051  }
0xb7: {  	_ =	sfence  }
0xb8: {  	s30 =	sld [smem:$0x0];
	_ =	sdelay $0x2  }
0xb9: {  	s31 =	sshll.u32 s1, $0xD;
	s1 =	sshrl.u32 s1, $0x2  }
0xba: {  	s3 =	sand.u32 $0x4000, s31;
	s1 =	sadd.s32 s1, s30  }
0xbb: {  	s0 =	sor.u32 s3, s0;
	s1 =	sshll.u32 s1, $0x11  }
0xbc: {  	s0 =	sor.u32 s1, s0  }
0xbd: {  	s0 =	sadd.s32 $0x8F2B, s0  }
0xbe: {  	[sflag:s0] =	ssyncadd.remote.s32 $0x1  }
0xbf: {  	_ =	sfence.sel $0xFFFF  }
0xc0: {  	[dreg:$0x0] =	wrdreg $0xFFFFFFFF;
	(pc) =	sbr.abs _section_cstart, $3  }
0xc1: {  	[dreg:$0x1] =	wrdreg $0xFFFFFFFF  }
0xc2: {  	_ =	task.clear_ibuf [dreg:s7], $0x2FFFF;
	_ =	strace $0x9FFFFFFF  }
0xc3: {  	(tm) =	ssettm $0x7FFFFFFF  }
tec
execute0_lowered:
.L_overlay_start_1:
0x0: {  	(tag) =	ssettag $0x1  }
0x1: {  	s5 =	rddreg [dreg:$0x0];
	s1 =	srdreg.scid  }
0x2: {  	s0 =	stileid.u32;
	s9 =	rddreg [dreg:$0x1]  }
0x3: {  	s2 =	rddreg [dreg:$0x2];
	s3 =	simm.s32 $0x0;
	s16 =	simm.s32 $0x80  }
0x4: {  	s17 =	simm.s32 $0x100;
	s18 =	simm.s32 $0x1;
	s19 =	simm.s32 $0x200  }
0x5: {  	s20 =	simm.s32 $0x300;
	s21 =	simm.s32 $0x380;
	s22 =	simm.s32 $0x280  }
0x6: {  	s6 =	sand.u32 $0x1, s1;
	s4 =	smul.u32 $0x2800, s0;
	s1 =	rddreg [dreg:$0x3]  }
0x7: {  	s23 =	simm.s32 $0x0;
	[smem:$0x7FF] =	sst s3;
	s8 =	smul.u32 $0x500, s0  }
0x8: {  	s31 =	sshll.u32 s0, $0x6;
	s7 =	smul.u32 $0x1400, s6;
	_ =	strace $0x80000050  }
0x9: {  	s11 =	smul.u32 $0x5000, s6;
	s6 =	ssub.s32 $0x2, s6;
	s28 =	sshrl.u32 s8, $0x3  }
0xa: {  	v0 =	vlaneseq.u32;
	s30 =	sshrl.u32 s6, $0x1;
	s15 =	sadd.s32 s8, s2;
	s7 =	sadd.s32 s7, s4  }
0xb: {  	v0 =	vmul.u32 $0x2, v0;
	s4 =	sadd.s32 $0x2EA00, s5;
	s11 =	sadd.s32 s8, s11;
	s15 =	sshrl.u32 s15, $0x3  }
0xc: {  	s10 =	sshrl.u32 s7, $0x3;
	s13 =	sshrl.u32 s7, $0x2;
	s29 =	sshrl.u32 s11, $0x3  }
0xd: {  	v1 =	vor.u32 $0x1, v0;
	v2 =	vor.u32 $0x20, v0;
	v3 =	vor.u32 $0x21, v0;
	s11 =	ssub.s32 s6, s30;
	s12 =	sadd.s32 s10, s5;
	s10 =	sadd.s32 s28, s5  }
0xe: {  	v4 =	vor.u32 $0x40, v0;
	v5 =	vor.u32 $0x41, v0;
	v6 =	vor.u32 $0x60, v0;
	s14 =	sadd.s32 s13, s5;
	s7 =	sadd.s32 s29, s5;
	s9 =	sadd.s32 s13, s9  }
0xf: {  	v7 =	vor.u32 $0x61, v0;
	v8 =	vor.u32 $0x80, v0;
	v9 =	vor.u32 $0x81, v0;
	s13 =	simm.s32 $0x2;
	s5 =	sadd.s32 $0x42C00, s10;
	s6 =	sadd.s32 $0x2FE00, s7  }
0x10: {  	v10 =	vor.u32 $0xA0, v0;
	v11 =	vor.u32 $0xA1, v0;
	v12 =	vor.u32 $0xC0, v0;
	s7 =	smax.u32 s11, $0x1;
	s8 =	sadd.s32 $0x6B600, s14;
	s10 =	sadd.s32 $0x38C00, s12  }
0x11: {  	v13 =	vor.u32 $0xC1, v0;
	v14 =	vor.u32 $0xE0, v0;
	v15 =	vor.u32 $0xE1, v0;
	s11 =	sadd.s32 $0x3DC00, s12;
	s12 =	simm.s32 $0x400;
	s14 =	sor.u32 $0x1C02, s31  }
.LBB2_1:
0x12: {  	[tilespmem:s12], [sflag:$0x2] =	stream.linear.gather [hbm4b:s4+s3], $0xA000, $0x38;
	[tilespmem:$0xA900] =	vst v63  }
0x13: {  	_ =	swait.ge [sflag:s13], $0xA000  }
0x14: {  	[sflag:s13] =	ssyncset.done $0x0  }
0x15: {  	[sflag:s13] =	ssyncadd.s32 $0xFFFF6000  }
0x16: {  	[spmem:s15], [sflag:s14] =	dma.local [hbm:s5], $0xA0  }
0x17: {  	_ =	swait.ge [sflag:s13], $0xA0  }
0x18: {  	[sflag:s13] =	ssyncset.done $0x0  }
0x19: {  	s24 =	smov.u32 s9;
	[sflag:s13] =	ssyncadd.s32 $0xFFFFFF60  }
0x1a: {  	s25 =	smov.u32 s8;
	s26 =	simm.s32 $0x0;
	[bflag:$0x0] =	sbarrier.arrive $0xFFFF  }
.LBB2_2:
0x1b: {  	s28 =	sadd.s32 s26, s11  }
0x1c: {  	[tilespmem:s3], [sflag:$0x1] =	stream.linear.gather [hbm4b:s28+s3], $0x80, $0x38;
	[tilespmem:$0xA900] =	vst v63  }
0x1d: {  	s31 =	sadd.s32 s26, s10  }
0x1e: {  	[tilespmem:s16], [sflag:$0x1] =	stream.linear.gather [hbm4b:s31+s3], $0x80, $0x38;
	[tilespmem:$0xA900] =	vst v63  }
0x1f: {  	_ = 	snop  }
0x20: {  	[tilespmem:s17], [sflag:$0x1] =	stream.linear.gather [hbm4b:s24+s3], $0x100, $0x38;
	[tilespmem:$0xA900] =	vst v63  }
0x21: {  	_ =	swait.ge [sflag:s18], $0x80  }
0x22: {  	[sflag:s18] =	ssyncset.done $0x0  }
0x23: {  	[sflag:s18] =	ssyncadd.s32 $0xFFFFFF80  }
0x24: {  	_ =	swait.ge [sflag:s18], $0x80  }
0x25: {  	[sflag:s18] =	ssyncset.done $0x0  }
0x26: {  	[sflag:s18] =	ssyncadd.s32 $0xFFFFFF80  }
0x27: {  	_ =	swait.ge [sflag:s18], $0x100  }
0x28: {  	[sflag:s18] =	ssyncset.done $0x0  }
0x29: {  	[sflag:s18] =	ssyncadd.s32 $0xFFFFFF00  }
0x2a: {  	v16 =	vld [tilespmem:$0x0]  }
0x2b: {  	v17 =	vld [tilespmem:$0x80];
	_ =	sdelay $0x3  }
0x2c: {  	v18 =	vshll.u32 v16, $0x2  }
0x2d: {  	v17 =	vshll.u32 v17, $0x2;
	v19 =	vor.u32 $0x1, v18  }
0x2e: {  	v20 =	vor.u32 $0x2, v17  }
0x2f: {  	v17 =	vor.u32 $0x3, v17;
	_ =	sdelay $0x1  }
0x30: {  	v18 =	vld.idx.msk [tilespmem:v18+s12+$0x0], $0xffff  }
0x31: {  	v19 =	vld.idx.msk [tilespmem:v19+s12+$0x0], $0xffff  }
0x32: {  	v20 =	vld.idx.msk [tilespmem:v20+s12+$0x0], $0xffff  }
0x33: {  	v17 =	vld.idx.msk [tilespmem:v17+s12+$0x0], $0xffff  }
0x34: {  	v21 =	vld.idx.msk [tilespmem:v0+s17+$0x0], $0xffff  }
0x35: {  	v22 =	vld.idx.msk [tilespmem:v1+s17+$0x0], $0xffff;
	_ =	sdelay $0x1  }
0x36: {  	v18 =	vadd.f32 v20, v18  }
0x37: {  	v17 =	vadd.f32 v17, v19  }
0x38: {  	v18 =	vadd.f32 v21, v18  }
0x39: {  	v17 =	vadd.f32 v22, v17  }
0x3a: {  	v46 =	vmul.f32 $2.000000030e-01, v18  }
0x3b: {  	vm0 =	vge.f32 v18, $0.0e+00;
	v47 =	vmul.f32 $2.000000030e-01, v17  }
0x3c: {  	vm13 =	vge.f32 v17, $0.0e+00;
	v18 =	vsel vm0, v18, v46  }
0x3d: {  	v17 =	vsel vm13, v17, v47;
	v18 =	vmul.f32 $1.442695020e+00, v18  }
0x3e: {  	v17 =	vmul.f32 $1.442695020e+00, v17  }
0x3f: {  	(erf) = vpow2.f32 v18  }
0x40: {  	(erf) = vpow2.f32 v17;
	_ =	sdelay $0x7  }
0x41: {  	v17 =	vpop (erf)  }
0x42: {  	v48 =	vpop (erf);
	[tilespmem:v0+s19+$0x0] =	vst.idx.msk $0xffff, v17  }
0x43: {  	v16 =	vshll.u32 v16, $0x1;
	[tilespmem:v1+s19+$0x0] =	vst.idx.msk $0xffff, v48  }
0x44: {  	[tilespmem:v0+s20+$0x0] =	vst.idx.msk $0xffff, v16;
	v16 =	vor.u32 $0x1, v16  }
0x45: {  	[tilespmem:v1+s20+$0x0] =	vst.idx.msk $0xffff, v16  }
0x46: {  	v16 =	vld [tilespmem:$0x10]  }
0x47: {  	v17 =	vld [tilespmem:$0x90];
	_ =	sdelay $0x3  }
0x48: {  	v49 =	vshll.u32 v16, $0x2  }
0x49: {  	v17 =	vshll.u32 v17, $0x2;
	v50 =	vor.u32 $0x1, v49  }
0x4a: {  	v51 =	vor.u32 $0x2, v17  }
0x4b: {  	v17 =	vor.u32 $0x3, v17;
	_ =	sdelay $0x1  }
0x4c: {  	v18 =	vld.idx.msk [tilespmem:v49+s12+$0x0], $0xffff  }
0x4d: {  	v19 =	vld.idx.msk [tilespmem:v50+s12+$0x0], $0xffff  }
0x4e: {  	v20 =	vld.idx.msk [tilespmem:v51+s12+$0x0], $0xffff  }
0x4f: {  	v17 =	vld.idx.msk [tilespmem:v17+s12+$0x0], $0xffff  }
0x50: {  	v52 =	vld.idx.msk [tilespmem:v2+s17+$0x0], $0xffff  }
0x51: {  	v53 =	vld.idx.msk [tilespmem:v3+s17+$0x0], $0xffff;
	_ =	sdelay $0x1  }
0x52: {  	v18 =	vadd.f32 v20, v18  }
0x53: {  	v17 =	vadd.f32 v17, v19  }
0x54: {  	v18 =	vadd.f32 v52, v18  }
0x55: {  	v17 =	vadd.f32 v53, v17  }
0x56: {  	v54 =	vmul.f32 $2.000000030e-01, v18  }
0x57: {  	vm14 =	vge.f32 v18, $0.0e+00;
	v55 =	vmul.f32 $2.000000030e-01, v17  }
0x58: {  	vm15 =	vge.f32 v17, $0.0e+00;
	v18 =	vsel vm14, v18, v54  }
0x59: {  	v17 =	vsel vm15, v17, v55;
	v18 =	vmul.f32 $1.442695020e+00, v18  }
0x5a: {  	v17 =	vmul.f32 $1.442695020e+00, v17  }
0x5b: {  	(erf) = vpow2.f32 v18  }
0x5c: {  	(erf) = vpow2.f32 v17;
	_ =	sdelay $0x7  }
0x5d: {  	v17 =	vpop (erf)  }
0x5e: {  	v56 =	vpop (erf);
	[tilespmem:v2+s19+$0x0] =	vst.idx.msk $0xffff, v17  }
0x5f: {  	v16 =	vshll.u32 v16, $0x1;
	[tilespmem:v3+s19+$0x0] =	vst.idx.msk $0xffff, v56  }
0x60: {  	[tilespmem:v2+s20+$0x0] =	vst.idx.msk $0xffff, v16;
	v16 =	vor.u32 $0x1, v16  }
0x61: {  	[tilespmem:v3+s20+$0x0] =	vst.idx.msk $0xffff, v16  }
0x62: {  	v16 =	vld [tilespmem:$0x20]  }
0x63: {  	v17 =	vld [tilespmem:$0xA0];
	_ =	sdelay $0x3  }
0x64: {  	v57 =	vshll.u32 v16, $0x2  }
0x65: {  	v17 =	vshll.u32 v17, $0x2;
	v58 =	vor.u32 $0x1, v57  }
0x66: {  	v59 =	vor.u32 $0x2, v17  }
0x67: {  	v17 =	vor.u32 $0x3, v17;
	_ =	sdelay $0x1  }
0x68: {  	v18 =	vld.idx.msk [tilespmem:v57+s12+$0x0], $0xffff  }
0x69: {  	v19 =	vld.idx.msk [tilespmem:v58+s12+$0x0], $0xffff  }
0x6a: {  	v20 =	vld.idx.msk [tilespmem:v59+s12+$0x0], $0xffff  }
0x6b: {  	v17 =	vld.idx.msk [tilespmem:v17+s12+$0x0], $0xffff  }
0x6c: {  	v60 =	vld.idx.msk [tilespmem:v4+s17+$0x0], $0xffff  }
0x6d: {  	v61 =	vld.idx.msk [tilespmem:v5+s17+$0x0], $0xffff;
	_ =	sdelay $0x1  }
0x6e: {  	v18 =	vadd.f32 v20, v18  }
0x6f: {  	v17 =	vadd.f32 v17, v19  }
0x70: {  	v18 =	vadd.f32 v60, v18  }
0x71: {  	v17 =	vadd.f32 v61, v17  }
0x72: {  	v62 =	vmul.f32 $2.000000030e-01, v18  }
0x73: {  	vm4 =	vge.f32 v18, $0.0e+00;
	v63 =	vmul.f32 $2.000000030e-01, v17  }
0x74: {  	vm5 =	vge.f32 v17, $0.0e+00;
	v18 =	vsel vm4, v18, v62  }
0x75: {  	v17 =	vsel vm5, v17, v63;
	v18 =	vmul.f32 $1.442695020e+00, v18  }
0x76: {  	v17 =	vmul.f32 $1.442695020e+00, v17  }
0x77: {  	(erf) = vpow2.f32 v18  }
0x78: {  	(erf) = vpow2.f32 v17;
	_ =	sdelay $0x7  }
0x79: {  	v17 =	vpop (erf)  }
0x7a: {  	v23 =	vpop (erf);
	[tilespmem:v4+s19+$0x0] =	vst.idx.msk $0xffff, v17  }
0x7b: {  	v16 =	vshll.u32 v16, $0x1;
	[tilespmem:v5+s19+$0x0] =	vst.idx.msk $0xffff, v23  }
0x7c: {  	[tilespmem:v4+s20+$0x0] =	vst.idx.msk $0xffff, v16;
	v16 =	vor.u32 $0x1, v16  }
0x7d: {  	[tilespmem:v5+s20+$0x0] =	vst.idx.msk $0xffff, v16  }
0x7e: {  	v16 =	vld [tilespmem:$0x30]  }
0x7f: {  	v17 =	vld [tilespmem:$0xB0];
	_ =	sdelay $0x3  }
0x80: {  	v24 =	vshll.u32 v16, $0x2  }
0x81: {  	v17 =	vshll.u32 v17, $0x2;
	v25 =	vor.u32 $0x1, v24  }
0x82: {  	v26 =	vor.u32 $0x2, v17  }
0x83: {  	v17 =	vor.u32 $0x3, v17;
	_ =	sdelay $0x1  }
0x84: {  	v18 =	vld.idx.msk [tilespmem:v24+s12+$0x0], $0xffff  }
0x85: {  	v19 =	vld.idx.msk [tilespmem:v25+s12+$0x0], $0xffff  }
0x86: {  	v20 =	vld.idx.msk [tilespmem:v26+s12+$0x0], $0xffff  }
0x87: {  	v17 =	vld.idx.msk [tilespmem:v17+s12+$0x0], $0xffff  }
0x88: {  	v27 =	vld.idx.msk [tilespmem:v6+s17+$0x0], $0xffff  }
0x89: {  	v28 =	vld.idx.msk [tilespmem:v7+s17+$0x0], $0xffff;
	_ =	sdelay $0x1  }
0x8a: {  	v18 =	vadd.f32 v20, v18  }
0x8b: {  	v17 =	vadd.f32 v17, v19  }
0x8c: {  	v18 =	vadd.f32 v27, v18  }
0x8d: {  	v17 =	vadd.f32 v28, v17  }
0x8e: {  	v29 =	vmul.f32 $2.000000030e-01, v18  }
0x8f: {  	vm6 =	vge.f32 v18, $0.0e+00;
	v30 =	vmul.f32 $2.000000030e-01, v17  }
0x90: {  	vm7 =	vge.f32 v17, $0.0e+00;
	v18 =	vsel vm6, v18, v29  }
0x91: {  	v17 =	vsel vm7, v17, v30;
	v18 =	vmul.f32 $1.442695020e+00, v18  }
0x92: {  	v17 =	vmul.f32 $1.442695020e+00, v17  }
0x93: {  	(erf) = vpow2.f32 v18  }
0x94: {  	(erf) = vpow2.f32 v17;
	_ =	sdelay $0x7  }
0x95: {  	v17 =	vpop (erf)  }
0x96: {  	v31 =	vpop (erf);
	[tilespmem:v6+s19+$0x0] =	vst.idx.msk $0xffff, v17  }
0x97: {  	v16 =	vshll.u32 v16, $0x1;
	[tilespmem:v7+s19+$0x0] =	vst.idx.msk $0xffff, v31  }
0x98: {  	[tilespmem:v6+s20+$0x0] =	vst.idx.msk $0xffff, v16;
	v16 =	vor.u32 $0x1, v16  }
0x99: {  	[tilespmem:v7+s20+$0x0] =	vst.idx.msk $0xffff, v16  }
0x9a: {  	v16 =	vld [tilespmem:$0x40]  }
0x9b: {  	v17 =	vld [tilespmem:$0xC0];
	_ =	sdelay $0x3  }
0x9c: {  	v32 =	vshll.u32 v16, $0x2  }
0x9d: {  	v17 =	vshll.u32 v17, $0x2;
	v33 =	vor.u32 $0x1, v32  }
0x9e: {  	v34 =	vor.u32 $0x2, v17  }
0x9f: {  	v17 =	vor.u32 $0x3, v17;
	_ =	sdelay $0x1  }
0xa0: {  	v18 =	vld.idx.msk [tilespmem:v32+s12+$0x0], $0xffff  }
0xa1: {  	v19 =	vld.idx.msk [tilespmem:v33+s12+$0x0], $0xffff  }
0xa2: {  	v20 =	vld.idx.msk [tilespmem:v34+s12+$0x0], $0xffff  }
0xa3: {  	v17 =	vld.idx.msk [tilespmem:v17+s12+$0x0], $0xffff  }
0xa4: {  	v35 =	vld.idx.msk [tilespmem:v8+s17+$0x0], $0xffff  }
0xa5: {  	v36 =	vld.idx.msk [tilespmem:v9+s17+$0x0], $0xffff;
	_ =	sdelay $0x1  }
0xa6: {  	v18 =	vadd.f32 v20, v18  }
0xa7: {  	v17 =	vadd.f32 v17, v19  }
0xa8: {  	v18 =	vadd.f32 v35, v18  }
0xa9: {  	v17 =	vadd.f32 v36, v17  }
0xaa: {  	v37 =	vmul.f32 $2.000000030e-01, v18  }
0xab: {  	vm8 =	vge.f32 v18, $0.0e+00;
	v38 =	vmul.f32 $2.000000030e-01, v17  }
0xac: {  	vm9 =	vge.f32 v17, $0.0e+00;
	v18 =	vsel vm8, v18, v37  }
0xad: {  	v17 =	vsel vm9, v17, v38;
	v18 =	vmul.f32 $1.442695020e+00, v18  }
0xae: {  	v17 =	vmul.f32 $1.442695020e+00, v17  }
0xaf: {  	(erf) = vpow2.f32 v18  }
0xb0: {  	(erf) = vpow2.f32 v17;
	_ =	sdelay $0x7  }
0xb1: {  	v17 =	vpop (erf)  }
0xb2: {  	v39 =	vpop (erf);
	[tilespmem:v8+s19+$0x0] =	vst.idx.msk $0xffff, v17  }
0xb3: {  	v16 =	vshll.u32 v16, $0x1;
	[tilespmem:v9+s19+$0x0] =	vst.idx.msk $0xffff, v39  }
0xb4: {  	[tilespmem:v0+s21+$0x0] =	vst.idx.msk $0xffff, v16;
	v16 =	vor.u32 $0x1, v16  }
0xb5: {  	[tilespmem:v1+s21+$0x0] =	vst.idx.msk $0xffff, v16  }
0xb6: {  	v16 =	vld [tilespmem:$0x50]  }
0xb7: {  	v17 =	vld [tilespmem:$0xD0];
	_ =	sdelay $0x3  }
0xb8: {  	v40 =	vshll.u32 v16, $0x2  }
0xb9: {  	v17 =	vshll.u32 v17, $0x2;
	v41 =	vor.u32 $0x1, v40  }
0xba: {  	v42 =	vor.u32 $0x2, v17  }
0xbb: {  	v17 =	vor.u32 $0x3, v17;
	_ =	sdelay $0x1  }
0xbc: {  	v18 =	vld.idx.msk [tilespmem:v40+s12+$0x0], $0xffff  }
0xbd: {  	v19 =	vld.idx.msk [tilespmem:v41+s12+$0x0], $0xffff  }
0xbe: {  	v20 =	vld.idx.msk [tilespmem:v42+s12+$0x0], $0xffff  }
0xbf: {  	v17 =	vld.idx.msk [tilespmem:v17+s12+$0x0], $0xffff  }
0xc0: {  	v43 =	vld.idx.msk [tilespmem:v10+s17+$0x0], $0xffff  }
0xc1: {  	v44 =	vld.idx.msk [tilespmem:v11+s17+$0x0], $0xffff;
	_ =	sdelay $0x1  }
0xc2: {  	v18 =	vadd.f32 v20, v18  }
0xc3: {  	v17 =	vadd.f32 v17, v19  }
0xc4: {  	v18 =	vadd.f32 v43, v18  }
0xc5: {  	v17 =	vadd.f32 v44, v17  }
0xc6: {  	v45 =	vmul.f32 $2.000000030e-01, v18  }
0xc7: {  	vm10 =	vge.f32 v18, $0.0e+00;
	v46 =	vmul.f32 $2.000000030e-01, v17  }
0xc8: {  	vm11 =	vge.f32 v17, $0.0e+00;
	v18 =	vsel vm10, v18, v45  }
0xc9: {  	v17 =	vsel vm11, v17, v46;
	v18 =	vmul.f32 $1.442695020e+00, v18  }
0xca: {  	v17 =	vmul.f32 $1.442695020e+00, v17  }
0xcb: {  	(erf) = vpow2.f32 v18  }
0xcc: {  	(erf) = vpow2.f32 v17;
	_ =	sdelay $0x7  }
0xcd: {  	v17 =	vpop (erf)  }
0xce: {  	v47 =	vpop (erf);
	[tilespmem:v10+s19+$0x0] =	vst.idx.msk $0xffff, v17  }
0xcf: {  	v16 =	vshll.u32 v16, $0x1;
	[tilespmem:v11+s19+$0x0] =	vst.idx.msk $0xffff, v47  }
0xd0: {  	[tilespmem:v2+s21+$0x0] =	vst.idx.msk $0xffff, v16;
	v16 =	vor.u32 $0x1, v16  }
0xd1: {  	[tilespmem:v3+s21+$0x0] =	vst.idx.msk $0xffff, v16  }
0xd2: {  	v16 =	vld [tilespmem:$0x60]  }
0xd3: {  	v17 =	vld [tilespmem:$0xE0];
	_ =	sdelay $0x3  }
0xd4: {  	v48 =	vshll.u32 v16, $0x2  }
0xd5: {  	v17 =	vshll.u32 v17, $0x2;
	v49 =	vor.u32 $0x1, v48  }
0xd6: {  	v50 =	vor.u32 $0x2, v17  }
0xd7: {  	v17 =	vor.u32 $0x3, v17;
	_ =	sdelay $0x1  }
0xd8: {  	v18 =	vld.idx.msk [tilespmem:v48+s12+$0x0], $0xffff  }
0xd9: {  	v19 =	vld.idx.msk [tilespmem:v49+s12+$0x0], $0xffff  }
0xda: {  	v20 =	vld.idx.msk [tilespmem:v50+s12+$0x0], $0xffff  }
0xdb: {  	v17 =	vld.idx.msk [tilespmem:v17+s12+$0x0], $0xffff  }
0xdc: {  	v51 =	vld.idx.msk [tilespmem:v12+s17+$0x0], $0xffff  }
0xdd: {  	v52 =	vld.idx.msk [tilespmem:v13+s17+$0x0], $0xffff;
	_ =	sdelay $0x1  }
0xde: {  	v18 =	vadd.f32 v20, v18  }
0xdf: {  	v17 =	vadd.f32 v17, v19  }
0xe0: {  	v18 =	vadd.f32 v51, v18  }
0xe1: {  	v17 =	vadd.f32 v52, v17  }
0xe2: {  	v53 =	vmul.f32 $2.000000030e-01, v18  }
0xe3: {  	vm12 =	vge.f32 v18, $0.0e+00;
	v54 =	vmul.f32 $2.000000030e-01, v17  }
0xe4: {  	vm13 =	vge.f32 v17, $0.0e+00;
	v18 =	vsel vm12, v18, v53  }
0xe5: {  	v17 =	vsel vm13, v17, v54;
	v18 =	vmul.f32 $1.442695020e+00, v18  }
0xe6: {  	v17 =	vmul.f32 $1.442695020e+00, v17  }
0xe7: {  	(erf) = vpow2.f32 v18  }
0xe8: {  	(erf) = vpow2.f32 v17;
	_ =	sdelay $0x7  }
0xe9: {  	v17 =	vpop (erf)  }
0xea: {  	v55 =	vpop (erf);
	[tilespmem:v12+s19+$0x0] =	vst.idx.msk $0xffff, v17  }
0xeb: {  	v16 =	vshll.u32 v16, $0x1;
	[tilespmem:v13+s19+$0x0] =	vst.idx.msk $0xffff, v55  }
0xec: {  	[tilespmem:v4+s21+$0x0] =	vst.idx.msk $0xffff, v16;
	v16 =	vor.u32 $0x1, v16  }
0xed: {  	[tilespmem:v5+s21+$0x0] =	vst.idx.msk $0xffff, v16  }
0xee: {  	v16 =	vld [tilespmem:$0x70]  }
0xef: {  	v17 =	vld [tilespmem:$0xF0];
	_ =	sdelay $0x3  }
0xf0: {  	v56 =	vshll.u32 v16, $0x2  }
0xf1: {  	v17 =	vshll.u32 v17, $0x2;
	v57 =	vor.u32 $0x1, v56  }
0xf2: {  	v58 =	vor.u32 $0x2, v17  }
0xf3: {  	v17 =	vor.u32 $0x3, v17;
	_ =	sdelay $0x1  }
0xf4: {  	v18 =	vld.idx.msk [tilespmem:v56+s12+$0x0], $0xffff  }
0xf5: {  	v19 =	vld.idx.msk [tilespmem:v57+s12+$0x0], $0xffff  }
0xf6: {  	v20 =	vld.idx.msk [tilespmem:v58+s12+$0x0], $0xffff  }
0xf7: {  	v17 =	vld.idx.msk [tilespmem:v17+s12+$0x0], $0xffff  }
0xf8: {  	v59 =	vld.idx.msk [tilespmem:v14+s17+$0x0], $0xffff  }
0xf9: {  	v60 =	vld.idx.msk [tilespmem:v15+s17+$0x0], $0xffff;
	_ =	sdelay $0x1  }
0xfa: {  	v18 =	vadd.f32 v20, v18  }
0xfb: {  	v17 =	vadd.f32 v17, v19  }
0xfc: {  	v18 =	vadd.f32 v59, v18  }
0xfd: {  	v17 =	vadd.f32 v60, v17  }
0xfe: {  	v61 =	vmul.f32 $2.000000030e-01, v18  }
0xff: {  	vm14 =	vge.f32 v18, $0.0e+00;
	v62 =	vmul.f32 $2.000000030e-01, v17  }
0x100: {  	vm15 =	vge.f32 v17, $0.0e+00;
	v18 =	vsel vm14, v18, v61  }
0x101: {  	v17 =	vsel vm15, v17, v62;
	v18 =	vmul.f32 $1.442695020e+00, v18  }
0x102: {  	v17 =	vmul.f32 $1.442695020e+00, v17  }
0x103: {  	(erf) = vpow2.f32 v18  }
0x104: {  	(erf) = vpow2.f32 v17;
	_ =	sdelay $0x7  }
0x105: {  	v17 =	vpop (erf)  }
0x106: {  	v63 =	vpop (erf);
	[tilespmem:v14+s19+$0x0] =	vst.idx.msk $0xffff, v17  }
0x107: {  	v16 =	vshll.u32 v16, $0x1;
	[tilespmem:v15+s19+$0x0] =	vst.idx.msk $0xffff, v63  }
0x108: {  	[tilespmem:v6+s21+$0x0] =	vst.idx.msk $0xffff, v16;
	v16 =	vor.u32 $0x1, v16  }
0x109: {  	[tilespmem:v7+s21+$0x0] =	vst.idx.msk $0xffff, v16  }
0x10a: {  	[hbm4b:s25+s3] =	stream.linear.scatter [tilespmem:s19], [sflag:$0x2], $0x100, $0x38;
	[tilespmem:$0xA900] =	vst v63  }
0x10b: {  	_ =	swait.ge [sflag:s13], $0x100  }
0x10c: {  	[sflag:s13] =	ssyncset.done $0x0  }
0x10d: {  	[sflag:s13] =	ssyncadd.s32 $0xFFFFFF00  }
0x10e: {  	[spmem:s2] =	stream.indirect.scatter.add.f32 [tilespmem:s19], [sflag:$0x2], $0x1, s20, s16, $0xb8;
	[tilespmem:$0xA900] =	vst v63  }
0x10f: {  	_ =	swait.ge [sflag:s13], $0x80  }
0x110: {  	p0 =	sne.s32 s26, $0x270;
	[sflag:s13] =	ssyncset.done $0x0  }
.Ltmp0:
0x111: {  	[sflag:s13] =	ssyncadd.s32 $0xFFFFFF80;
	(pc) =	sbr.rel @p0 .LBB2_2-.Ltmp0, $4  }
0x112: {  	[spmem:s2] =	stream.indirect.scatter.add.f32 [tilespmem:s22], [sflag:$0x2], $0x1, s21, s16, $0xb8;
	[tilespmem:$0xA900] =	vst v63  }
0x113: {  	_ =	swait.ge [sflag:s13], $0x80  }
0x114: {  	s26 =	sadd.s32 $0x10, s26;
	[sflag:s13] =	ssyncset.done $0x0  }
0x115: {  	s24 =	sadd.s32 $0x20, s24;
	s25 =	sadd.s32 $0x20, s25;
	[sflag:s13] =	ssyncadd.s32 $0xFFFFFF80  }
0x116: {  	s23 =	sadd.s32 $0x1, s23  }
0x117: {  	p0 =	sne.s32 s23, s7  }
.Ltmp1:
0x118: {  	[bflag:$0x0] =	sbarrier.arrive $0xFFFF;
	(pc) =	sbr.rel @p0 .LBB2_1-.Ltmp1, $4  }
0x119: {  	[hbm:s6], [sflag:s14] =	dma.local [spmem:s15], $0xA0  }
0x11a: {  	_ =	swait.ge [sflag:s13], $0xA0  }
0x11b: {  	[sflag:s13] =	ssyncset.done $0x0  }
0x11c: {  	[sflag:s13] =	ssyncadd.s32 $0xFFFFFF60  }
0x11d: {  	_ =	sfence.sel $0x180000  }
0x11e: {  	[bflag:$0x0] =	sbarrier.arrive $0xFFFF  }
0x11f: {  	p0 =	sne.s32 s0, $0x0;
	_ =	strace $0x90000050  }
0x120: {  	s0 =	sadd.s32 @!p0 $0x100000, s1;
	[bflag:$0x2] =	sbarrier.arrive $0xFFFF  }
0x121: {  	[sflag:s0] =	ssyncadd.tile.s32 @!p0 $0x1;
	_ =	shalt  }
.Lfunc_end2:
_tile_overlayer_lowered:
.L_overlay_start_2:
0x122: {  	(tag) =	ssettag $0x2  }
0x123: {  	s0 =	rddreg [dreg:$0x0];
	s2 =	stileid.u32  }
0x124: {  	s1 =	rddreg [dreg:$0x1];
	p0 =	sne.s32 s2, $0x0  }
0x125: {  	s3 =	rddreg [dreg:$0x2];
	[bflag:$0x3] =	sbarrier.arrive $0xFFFF;
	s2 =	simm.s32 @!p0 $0x1C02  }
0x126: {  	[timem:s3], [sflag:s2] =	dma.local @!p0 [hbm:s0], s1  }
0x127: {  	s0 =	simm.s32 @!p0 $0x2  }
0x128: {  	_ =	swait.ge @!p0 [sflag:s0], s1  }
0x129: {  	s1 =	ssub.s32 @!p0 $0x0, s1;
	[sflag:s0] =	ssyncset.done @!p0 $0x0  }
0x12a: {  	[sflag:s0] =	ssyncadd.s32 @!p0 s1  }
0x12b: {  	[bflag:$0x3] =	sbarrier.arrive $0xFFFF  }
0x12c: {  	_ =	shalt  }

// kernel: kernel.29.cloned.1.call-start
scs
__scs_entry_jumppad:
0x0: {  	(pc) =	sbr.rel $0x88, $3  }
0x1: {  	(tag) =	ssettag $0x0;
	lr =	simm.s32 $0x1  }
0x2: {  	[smem:$0x3F92] =	sst lr;
	_ =	strace $0xD0000000  }
0x3: {  	_ = 	snop  }
0x4: {  	_ = 	snop  }
0x5: {  	_ = 	snop  }
0x6: {  	_ = 	snop  }
0x7: {  	_ = 	snop  }
__scs_overlays_trampoline_lowered:
0x8: {  	[smem:$0x3FA1] =	sst s0  }
0x9: {  	[smem:$0x3FA2] =	sst s1  }
0xa: {  	[smem:$0x3FA3] =	sst s2  }
0xb: {  	[smem:$0x3FA4] =	sst s3  }
0xc: {  	[smem:$0x3FA5] =	sst s4  }
0xd: {  	[smem:$0x3FA6] =	sst s5  }
0xe: {  	[smem:$0x3FA7] =	sst s6  }
0xf: {  	[smem:$0x3FA8] =	sst s7  }
0x10: {  	[smem:$0x3FA9] =	sst s8  }
0x11: {  	[smem:$0x3FAA] =	sst s9;
	s0 =	simm.s32 @!p0 $0x0  }
0x12: {  	s1 =	sld [smem:$0x3F90];
	s0 =	simm.s32 @p0 $0x1  }
0x13: {  	[smem:$0x3FAB] =	sst s0;
	s0 =	simm.s32 @!p1 $0x0  }
0x14: {  	s2 =	sld [smem:$0x3F8F];
	s0 =	simm.s32 @p1 $0x1  }
0x15: {  	[smem:$0x3FAC] =	sst s0;
	s0 =	simm.s32 @!p2 $0x0  }
0x16: {  	s3 =	sld [smem:$0x3FDB];
	s0 =	simm.s32 @p2 $0x1  }
0x17: {  	s4 =	simm.s32 $0x1BF5;
	[smem:$0x3FAE] =	sst s0  }
0x18: {  	s0 =	sld [smem:$0x3F91];
	_ =	swait.ge [sflag:s4], $0x0  }
0x19: {  	s7 =	sld [smem:$0x3F92]  }
0x1a: {  	s8 =	sadd.s32 $0xFFFFE003, lr  }
0x1b: {  	s9 =	sadd.s32 $0xFFFFFEF7, lr;
	s5 =	simm.s32 $0xFFFFFFFF;
	p2 =	slt.u32 s8, $0xFFFFF086  }
0x1c: {  	p1 =	slt.u32 s9, $0xF7A;
	s5 =	simm.s32 @!p2 $0x0  }
0x1d: {  	s5 =	simm.s32 @p1 $0x1;
	p0 =	seq.s32 s7, s2  }
0x1e: {  	s7 =	smul.u32 @!p0 $0xF7A, s2;
	p2 =	seq.s32 @!p0 s5, $0x0  }
0x1f: {  	s9 =	smul.u32 $0xF7A, s1;
	s8 =	simm.s32 @!p0 $0x1BF5;
	p2 =	por !p2, p0  }
0x20: {  	[sflag:s8] =	ssyncset.s32 @!p0 $0xFFFFF086;
	s6 =	sadd.s32 @!p0 s3, s7;
	s7 =	simm.s32 @!p0 $0x108  }
0x21: {  	s3 =	sadd.s32 s3, s9;
	s6 =	sadd.s32 @!p0 $0x88, s6;
	s7 =	simm.s32 @p2 $0x1082  }
0x22: {  	[simem:s7], [sflag:s8] =	dma.local @!p0 [hbm:s6], $0xF7A  }
0x23: {  	s9 =	sor.u32 $0xD0000000, s2;
	s6 =	simm.s32 $0x108;
	_ =	swait.ge @!p0 [sflag:s8], $0x0  }
0x24: {  	s3 =	sadd.s32 $0x88, s3;
	s6 =	simm.s32 @!p1 $0x1082;
	[sflag:s4] =	ssyncset.s32 $0xFFFFF086  }
0x25: {  	[simem:s6], [sflag:s4] =	dma.local [hbm:s3], $0xF7A  }
0x26: {  	[smem:$0x3F92] =	sst s1;
	(tag) =	ssettag s2;
	_ =	strace s9  }
0x27: {  	s1 =	sld [smem:$0x3FA2]  }
0x28: {  	s2 =	sld [smem:$0x3FA3]  }
0x29: {  	s4 =	sld [smem:$0x3FA5]  }
0x2a: {  	p0 =	seq.s32 s5, $0x0;
	s5 =	sld [smem:$0x3FA6]  }
0x2b: {  	s6 =	sld [smem:$0x3FA7]  }
0x2c: {  	s7 =	sld [smem:$0x3FA8]  }
0x2d: {  	s3 =	simm.s32 $0x108;
	s8 =	sld [smem:$0x3FA9]  }
0x2e: {  	s3 =	simm.s32 @!p0 $0x1082;
	s9 =	sld [smem:$0x3FAA]  }
0x2f: {  	lr =	sadd.s32 s0, s3;
	s0 =	sld [smem:$0x3FA1]  }
0x30: {  	s3 =	sld [smem:$0x3FA4]  }
0x31: {  	[smem:$0x3FAD] =	sst s10  }
0x32: {  	s10 =	sld [smem:$0x3FAB];
	_ =	sdelay $0x3  }
0x33: {  	p0 =	seq.s32 s10, $0x1;
	s10 =	sld [smem:$0x3FAD];
	_ =	sdelay $0x3  }
0x34: {  	[smem:$0x3FAD] =	sst s10  }
0x35: {  	s10 =	sld [smem:$0x3FAC];
	_ =	sdelay $0x3  }
0x36: {  	p1 =	seq.s32 s10, $0x1;
	s10 =	sld [smem:$0x3FAD];
	_ =	sdelay $0x3  }
0x37: {  	[smem:$0x3FAD] =	sst s10  }
0x38: {  	s10 =	sld [smem:$0x3FAE]  }
0x39: {  	_ = 	snop;
	(pc) =	sbr.ind lr, $3  }
0x3a: {  	_ = 	snop  }
0x3b: {  	_ = 	snop  }
0x3c: {  	p2 =	seq.s32 s10, $0x1;
	s10 =	sld [smem:$0x3FAD]  }
0x3d: {  	_ =	shalt  }
0x3e: {  	_ =	shalt  }
0x3f: {  	_ =	shalt  }
0x40: {  	_ =	shalt  }
0x41: {  	_ =	shalt  }
0x42: {  	_ =	shalt  }
0x43: {  	_ =	shalt  }
0x44: {  	_ =	shalt  }
0x45: {  	_ =	shalt  }
0x46: {  	_ =	shalt  }
0x47: {  	_ =	shalt  }
0x48: {  	_ =	shalt  }
0x49: {  	_ =	shalt  }
0x4a: {  	_ =	shalt  }
0x4b: {  	_ =	shalt  }
0x4c: {  	_ =	shalt  }
0x4d: {  	_ =	shalt  }
0x4e: {  	_ =	shalt  }
0x4f: {  	_ =	shalt  }
0x50: {  	_ =	shalt  }
0x51: {  	_ =	shalt  }
0x52: {  	_ =	shalt  }
0x53: {  	_ =	shalt  }
0x54: {  	_ =	shalt  }
0x55: {  	_ =	shalt  }
0x56: {  	_ =	shalt  }
0x57: {  	_ =	shalt  }
0x58: {  	_ =	shalt  }
0x59: {  	_ =	shalt  }
0x5a: {  	_ =	shalt  }
0x5b: {  	_ =	shalt  }
0x5c: {  	_ =	shalt  }
0x5d: {  	_ =	shalt  }
0x5e: {  	_ =	shalt  }
0x5f: {  	_ =	shalt  }
0x60: {  	_ =	shalt  }
0x61: {  	_ =	shalt  }
0x62: {  	_ =	shalt  }
0x63: {  	_ =	shalt  }
0x64: {  	_ =	shalt  }
0x65: {  	_ =	shalt  }
0x66: {  	_ =	shalt  }
0x67: {  	_ =	shalt  }
0x68: {  	_ =	shalt  }
0x69: {  	_ =	shalt  }
0x6a: {  	_ =	shalt  }
0x6b: {  	_ =	shalt  }
0x6c: {  	_ =	shalt  }
0x6d: {  	_ =	shalt  }
0x6e: {  	_ =	shalt  }
0x6f: {  	_ =	shalt  }
0x70: {  	_ =	shalt  }
0x71: {  	_ =	shalt  }
0x72: {  	_ =	shalt  }
0x73: {  	_ =	shalt  }
0x74: {  	_ =	shalt  }
0x75: {  	_ =	shalt  }
0x76: {  	_ =	shalt  }
0x77: {  	_ =	shalt  }
0x78: {  	_ =	shalt  }
0x79: {  	_ =	shalt  }
0x7a: {  	_ =	shalt  }
0x7b: {  	_ =	shalt  }
0x7c: {  	_ =	shalt  }
0x7d: {  	_ =	shalt  }
0x7e: {  	_ =	shalt  }
0x7f: {  	_ =	shalt  }
0x80: {  	_ =	shalt  }
0x81: {  	_ =	shalt  }
0x82: {  	_ =	shalt  }
0x83: {  	_ =	shalt  }
0x84: {  	_ =	shalt  }
0x85: {  	_ =	shalt  }
0x86: {  	_ =	shalt  }
0x87: {  	_ =	shalt  }
.Lfunc_end0:
.L_simem_size_0:
called_computation.4_lowered:
.L_overlay_start_0:
0x88: {  	s2 =	sld [smem:$0x3FD9]  }
0x89: {  	s3 =	sld [smem:$0x3FFE];
	_ =	sdelay $0x1  }
0x8a: {  	s1 =	srdreg.scid  }
0x8b: {  	s0 =	sand.u32 $0x1, s1  }
0x8c: {  	s17 =	sshll.u32 s0, $0xA;
	s2 =	sadd.s32 s3, s2  }
0x8d: {  	s2 =	sadd.s32 s2, s17  }
0x8e: {  	[smem:$0x3FB9] =	sst s2  }
0x8f: {  	_ = 	snop  }
0x90: {  	s2 =	sld [smem:$0x3FD0];
	(tm) =	ssettm $0x1  }
0x91: {  	s18 =	sld [smem:$0x3FFB];
	_ =	sdelay $0x3  }
0x92: {  	_ =	strace s18  }
0x93: {  	s3 =	sld [smem:$0x3FFC];
	_ =	sdelay $0x3  }
0x94: {  	_ =	strace s3  }
0x95: {  	s3 =	sld [smem:$0x3FFD];
	_ =	sdelay $0x3  }
0x96: {  	_ =	strace s3  }
0x97: {  	_ =	strace $0x8FFFFFFF  }
0x98: {  	s19 =	sld [smem:$0x3FDB];
	_ =	sdelay $0x1  }
0x99: {  	s4 =	simm.s32 $_scs_section_size  }
0x9a: {  	s5 =	simm.s32 $_size__tile_overlayer_lowered;
	s6 =	simm.s32 $_tile_overlayer_lowered  }
0x9b: {  	s22 =	simm.s32 $0x1BFF;
	s21 =	sshll.u32 s6, $0x1;
	s3 =	sadd.s32 s4, s19  }
0x9c: {  	s7 =	simm.s32 $0x0;
	s20 =	sshll.u32 s5, $0x1;
	s5 =	sadd.s32 s21, s3  }
0x9d: {  	[timem:s7], [sflag:s22] =	dma.local [hbm:s5], s20  }
0x9e: {  	_ =	swait.ge [sflag:s22], s20  }
0x9f: {  	s4 =	ssub.s32 $0x0, s20;
	[sflag:s22] =	ssyncset.done $0x0  }
0xa0: {  	[sflag:s22] =	ssyncadd.s32 s4;
	_ =	sdelay $0x1  }
0xa1: {  	s23 =	simm.s32 $0x1B8B  }
0xa2: {  	_ =	swait.ge [sflag:s23], $0x1  }
0xa3: {  	[sflag:s23] =	ssyncset.done $0x0  }
0xa4: {  	s25 =	simm.s32 $0x1B8E;
	s24 =	sld [smem:$0x3FFE];
	[sflag:s23] =	ssyncadd.s32 $0xFFFFFFFF  }
0xa5: {  	s26 =	simm.s32 $execute0_lowered;
	[smem:$0x3FD2] =	sst s25  }
0xa6: {  	s5 =	sshll.u32 s26, $0x1;
	_ =	strace $0x80000052;
	[dreg:$0x1] =	wrdreg $0xFFFFFFFF  }
0xa7: {  	s28 =	simm.s32 $_size_execute0_lowered;
	s3 =	sadd.s32 s3, s5;
	[dreg:$0x0] =	wrdreg $0x0  }
0xa8: {  	s5 =	sshll.u32 s28, $0x1;
	[dreg:$0x2] =	wrdreg s3  }
0xa9: {  	[dreg:$0x3] =	wrdreg s5  }
0xaa: {  	[dreg:$0x4] =	wrdreg $0xC0  }
0xab: {  	_ =	task [dreg:s7], $0x5FFFF  }
0xac: {  	[dreg:$0x1] =	wrdreg $0xFFFFFFFF  }
0xad: {  	[dreg:$0x0] =	wrdreg $0x60  }
0xae: {  	[dreg:$0x2] =	wrdreg s24  }
0xaf: {  	[dreg:$0x3] =	wrdreg s2  }
0xb0: {  	[dreg:$0x4] =	wrdreg $0x9  }
0xb1: {  	_ =	task.clear_ibuf [dreg:s7], $0x5FFFF;
	_ =	strace $0x90000052  }
0xb2: {  	s29 =	simm.s32 $0x9;
	_ =	strace $0x80000054  }
0xb3: {  	_ =	swait.ge [sflag:s29], $0x1  }
0xb4: {  	[sflag:s29] =	ssyncadd.s32 $0xFFFFFFFF  }
0xb5: {  	_ =	strace $0x90000054  }
0xb6: {  	_ =	sfence  }
0xb7: {  	s30 =	sld [smem:$0x0];
	_ =	sdelay $0x2  }
0xb8: {  	s31 =	sshll.u32 s1, $0xD;
	s1 =	sshrl.u32 s1, $0x2  }
0xb9: {  	s3 =	sand.u32 $0x4000, s31;
	s1 =	sadd.s32 s1, s30  }
0xba: {  	s0 =	sor.u32 s3, s0;
	s1 =	sshll.u32 s1, $0x11  }
0xbb: {  	s0 =	sor.u32 s1, s0  }
0xbc: {  	s0 =	sadd.s32 $0x8F2B, s0  }
0xbd: {  	[sflag:s0] =	ssyncadd.remote.s32 $0x1  }
0xbe: {  	_ =	sfence.sel $0xFFFF  }
0xbf: {  	[dreg:$0x0] =	wrdreg $0xFFFFFFFF;
	(pc) =	sbr.abs _section_cstart, $3  }
0xc0: {  	[dreg:$0x1] =	wrdreg $0xFFFFFFFF  }
0xc1: {  	_ =	task.clear_ibuf [dreg:s7], $0x2FFFF;
	_ =	strace $0x9FFFFFFF  }
0xc2: {  	(tm) =	ssettm $0x7FFFFFFF  }
0xc3: {  	_ =	shalt  }
tec
execute0_lowered:
.L_overlay_start_1:
0x0: {  	(tag) =	ssettag $0x1  }
0x1: {  	s0 =	rddreg [dreg:$0x0]  }
0x2: {  	s10 =	rddreg [dreg:$0x1]  }
0x3: {  	s2 =	simm.s32 $0x0;
	s1 =	stileid.u32;
	s3 =	srdreg.scid  }
0x4: {  	s19 =	simm.s32 $0xF300;
	s20 =	simm.s32 $0x13300;
	s28 =	simm.s32 $0x0  }
0x5: {  	[smem:$0x7FF] =	sst s2;
	s8 =	sand.u32 $0x1, s3;
	s21 =	sshll.u32 s1, $0x1  }
0x6: {  	s5 =	smul.u32 $0x28000, s1;
	s22 =	sadd.s32 $0x2FE00, s0;
	s14 =	sadd.s32 $0x6B600, s0  }
0x7: {  	s9 =	sadd.s32 $0x38C00, s0;
	s7 =	smul.u32 $0x2800, s1;
	s16 =	sadd.s32 $0x3DC00, s0  }
0x8: {  	_ =	strace $0x80000053;
	s4 =	sor.u32 s8, s21;
	s12 =	smul.u32 $0x1400, s8  }
0x9: {  	[dreg:$0x3] =	wrdreg s22;
	s11 =	ssub.s32 $0x2, s8;
	s15 =	smul.u32 $0x14000, s8  }
0xa: {  	s21 =	simm.s32 $0x100;
	s22 =	simm.s32 $0x180;
	s6 =	smul.u32 $0x1400, s4  }
0xb: {  	s4 =	sadd.s32 $0x7800, s0;
	s0 =	sadd.s32 s5, s0;
	s23 =	sshrl.u32 s11, $0x1  }
0xc: {  	s11 =	ssub.s32 s11, s23;
	s13 =	sadd.s32 s12, s7;
	s0 =	sadd.s32 s15, s0  }
0xd: {  	s23 =	simm.s32 $0xA300;
	s6 =	sshrl.u32 s6, $0x3;
	s7 =	smax.u32 s11, $0x1  }
0xe: {  	s25 =	sor.u32 $0x180, s13;
	s12 =	sor.u32 $0x100, s13;
	s29 =	sor.u32 $0x80, s13  }
0xf: {  	v0 =	vlaneseq.u32;
	s0 =	sadd.s32 $0x4F9600, s0;
	s17 =	sshrl.u32 s13, $0x2;
	s18 =	sshrl.u32 s13, $0x3  }
0x10: {  	v0 =	vmul.u32 $0x2, v0;
	s5 =	sadd.s32 s9, s6;
	s11 =	sshrl.u32 s25, $0x3;
	s26 =	sshrl.u32 s12, $0x3  }
0x11: {  	s30 =	sshrl.u32 s29, $0x2;
	s31 =	sshrl.u32 s29, $0x3;
	s15 =	sadd.s32 s18, s10  }
.Ltmp0:
0x12: {  	v1 =	vor.u32 $0x1, v0;
	v2 =	vor.u32 $0x20, v0;
	v3 =	vor.u32 $0x21, v0;
	s25 =	simm.s32 $0x1;
	s24 =	sadd.s32 $0x10, s5;
	(pc) =	sbr.rel .LBB2_1-.Ltmp0, $4  }
0x13: {  	v4 =	vor.u32 $0x40, v0;
	v5 =	vor.u32 $0x41, v0;
	v6 =	vor.u32 $0x60, v0;
	s8 =	sadd.s32 s11, s9;
	s9 =	sadd.s32 s26, s9;
	s11 =	sadd.s32 s30, s14  }
0x14: {  	v7 =	vor.u32 $0x61, v0;
	v8 =	vor.u32 $0x80, v0;
	v9 =	vor.u32 $0x81, v0;
	s12 =	sadd.s32 s31, s10;
	s13 =	sadd.s32 s31, s16;
	s14 =	sadd.s32 s17, s14  }
0x15: {  	v10 =	vor.u32 $0xA0, v0;
	v11 =	vor.u32 $0xA1, v0;
	v12 =	vor.u32 $0xC0, v0;
	s16 =	sadd.s32 s18, s16;
	s17 =	simm.s32 $0x3;
	s18 =	simm.s32 $0x80  }
0x16: {  	v13 =	vor.u32 $0xC1, v0;
	v14 =	vor.u32 $0xE0, v0;
	v15 =	vor.u32 $0xE1, v0;
	s26 =	simm.s32 $0x2;
	[dreg:$0x4] =	wrdreg s24;
	s24 =	simm.s32 $0x280  }
.LBB2_6:
0x17: {  	s28 =	sadd.s32 $0x1, s28  }
0x18: {  	p0 =	sne.s32 s28, s7  }
.Ltmp1:
0x19: {  	_ = 	snop;
	(pc) =	sbr.rel @!p0 .LBB2_7-.Ltmp1, $1  }
0x1a: {  	_ =	sdelay $0x3  }
.LBB2_1:
0x1b: {  	s10 =	simm.s32 $0x300;
	s1 =	rddreg [dreg:$0x3]  }
0x1c: {  	[tilespmem:s10], [sflag:$0x3] =	stream.linear.gather [hbm4b:s1+s2], $0xA000, $0x38;
	[tilespmem:$0x17300] =	vst v63  }
0x1d: {  	_ =	swait.ge [sflag:s17], $0xA000  }
0x1e: {  	[sflag:s17] =	ssyncset.done $0x0  }
0x1f: {  	s29 =	sand.u32 $0x7FF0, s2;
	[sflag:s17] =	ssyncadd.s32 $0xFFFF6000  }
0x20: {  	v16 =	vld [tilespmem:s29+$0x5300]  }
0x21: {  	v17 =	vld [tilespmem:s10+$0x0];
	_ =	sdelay $0x4  }
0x22: {  	v16 =	vadd.f32 v16, v17;
	_ =	sdelay $0x1  }
0x23: {  	v16 =	vadd.f32 $1.000000020e-16, v16;
	_ =	sdelay $0x1  }
0x24: {  	(erf) = vrcp.f32 v16;
	_ =	sdelay $0x8  }
0x25: {  	v16 =	vpop (erf)  }
0x26: {  	v16 =	vmul.f32 $5.000000000e-01, v16  }
0x27: {  	s31 =	simm.s32 $0x10  }
0x28: {  	s10 =	sand.u32 $0x7FF0, s31;
	[tilespmem:s23+$0x0] =	vst v16  }
0x29: {  	s30 =	simm.s32 $0x20;
	s29 =	simm.s32 $0x310;
	v16 =	vld [tilespmem:s10+$0x5300];
	s10 =	simm.s32 $0xA300  }
.LBB2_2:
0x2a: {  	p0 =	sne.s32 s30, $0x4FF0;
	v17 =	vld [tilespmem:s29+$0x0];
	_ =	sdelay $0x4  }
0x2b: {  	v16 =	vadd.f32 v16, v17;
	_ =	sdelay $0x1  }
0x2c: {  	v16 =	vadd.f32 $1.000000020e-16, v16;
	_ =	sdelay $0x1  }
0x2d: {  	(erf) = vrcp.f32 v16;
	_ =	sdelay $0x8  }
.Ltmp2:
0x2e: {  	v16 =	vpop (erf);
	(pc) =	sbr.rel @p0 .LBB2_2-.Ltmp2, $4  }
0x2f: {  	v16 =	vmul.f32 $5.000000000e-01, v16  }
0x30: {  	s10 =	sadd.s32 $0x10, s10  }
0x31: {  	s31 =	sand.u32 $0x7FF0, s30;
	[tilespmem:s10+$0x0] =	vst v16  }
0x32: {  	s30 =	sadd.s32 $0x10, s30;
	s29 =	sadd.s32 $0x10, s29;
	v16 =	vld [tilespmem:s31+$0x5300]  }
0x33: {  	v17 =	vld [tilespmem:s29+$0x0];
	_ =	sdelay $0x4  }
0x34: {  	v16 =	vadd.f32 v16, v17;
	_ =	sdelay $0x1  }
0x35: {  	v16 =	vadd.f32 $1.000000020e-16, v16;
	_ =	sdelay $0x1  }
0x36: {  	(erf) = vrcp.f32 v16;
	_ =	sdelay $0x8  }
0x37: {  	v16 =	vpop (erf)  }
0x38: {  	v16 =	vmul.f32 $5.000000000e-01, v16  }
0x39: {  	s10 =	sadd.s32 $0x10, s10  }
0x3a: {  	s29 =	simm.s32 $0x0;
	[tilespmem:s10+$0x0] =	vst v16  }
0x3b: {  	[tilespmem:s29], [sflag:$0x3] =	stream.linear.gather [hbm4b:s5+s29], $0x80, $0x38;
	[tilespmem:$0x17300] =	vst v63  }
0x3c: {  	_ =	swait.ge [sflag:s17], $0x80  }
0x3d: {  	[sflag:s17] =	ssyncset.done $0x0  }
0x3e: {  	[sflag:s17] =	ssyncadd.s32 $0xFFFFFF80  }
0x3f: {  	[tilespmem:s19], [sflag:$0x1] =	stream.indirect.gather [hbm4b:s4+s18], $0x80, s29, s18, $0xb8;
	[tilespmem:$0x17300] =	vst v63  }
0x40: {  	s1 =	rddreg [dreg:$0x4]  }
0x41: {  	[tilespmem:s18], [sflag:$0x3] =	stream.linear.gather [hbm4b:s1+s29], $0x80, $0x38;
	[tilespmem:$0x17300] =	vst v63  }
0x42: {  	_ =	swait.ge [sflag:s17], $0x80  }
0x43: {  	s30 =	smov.u32 s14;
	[sflag:s17] =	ssyncset.done $0x0  }
0x44: {  	s31 =	smov.u32 s11;
	s10 =	smov.u32 s0;
	[sflag:s17] =	ssyncadd.s32 $0xFFFFFF80  }
0x45: {  	[tilespmem:s20], [sflag:$0x2] =	stream.indirect.gather [hbm4b:s4+s18], $0x80, s18, s18, $0xb8;
	[tilespmem:$0x17300] =	vst v63  }
.LBB2_4:
0x46: {  	s1 =	sadd.s32 s29, s16  }
0x47: {  	[tilespmem:s21], [sflag:$0x3] =	stream.linear.gather [hbm4b:s1+s2], $0x80, $0x38;
	[tilespmem:$0x17300] =	vst v63  }
0x48: {  	_ =	swait.ge [sflag:s17], $0x80  }
0x49: {  	[sflag:s17] =	ssyncset.done $0x0  }
0x4a: {  	[sflag:s17] =	ssyncadd.s32 $0xFFFFFF80  }
0x4b: {  	[tilespmem:s22], [sflag:$0x3] =	stream.linear.gather [hbm4b:s30+s2], $0x100, $0x38;
	[tilespmem:$0x17300] =	vst v63  }
0x4c: {  	_ =	swait.ge [sflag:s17], $0x100  }
0x4d: {  	[sflag:s17] =	ssyncset.done $0x0  }
0x4e: {  	[sflag:s17] =	ssyncadd.s32 $0xFFFFFF00  }
0x4f: {  	v16 =	vld [tilespmem:$0x100];
	_ =	sdelay $0x4  }
0x50: {  	v16 =	vshll.u32 v16, $0x1  }
0x51: {  	v17 =	vor.u32 $0x1, v16  }
0x52: {  	v18 =	vld.idx.msk [tilespmem:v0+s22+$0x0], $0xffff  }
0x53: {  	v19 =	vld.idx.msk [tilespmem:v1+s22+$0x0], $0xffff  }
0x54: {  	v20 =	vld [tilespmem:$0x110]  }
0x55: {  	v16 =	vld.idx.msk [tilespmem:v16+s23+$0x0], $0xffff  }
0x56: {  	v17 =	vld.idx.msk [tilespmem:v17+s23+$0x0], $0xffff;
	_ =	sdelay $0x4  }
0x57: {  	v34 =	vshll.u32 v20, $0x1;
	v16 =	vmul.f32 v18, v16;
	v17 =	vmul.f32 v19, v17  }
0x58: {  	v35 =	vor.u32 $0x1, v34  }
0x59: {  	v16 =	vadd.f32 v17, v16;
	_ =	sdelay $0x1  }
0x5a: {  	v38 =	vld [tilespmem:$0x120];
	[tilespmem:$0x280] =	vst v16  }
0x5b: {  	v16 =	vld.idx.msk [tilespmem:v34+s23+$0x0], $0xffff  }
0x5c: {  	v17 =	vld.idx.msk [tilespmem:v35+s23+$0x0], $0xffff  }
0x5d: {  	v36 =	vld.idx.msk [tilespmem:v2+s22+$0x0], $0xffff  }
0x5e: {  	v37 =	vld.idx.msk [tilespmem:v3+s22+$0x0], $0xffff;
	_ =	sdelay $0x4  }
0x5f: {  	v39 =	vshll.u32 v38, $0x1;
	v16 =	vmul.f32 v36, v16;
	v17 =	vmul.f32 v37, v17  }
0x60: {  	v40 =	vor.u32 $0x1, v39  }
0x61: {  	v16 =	vadd.f32 v17, v16;
	_ =	sdelay $0x1  }
0x62: {  	v43 =	vld [tilespmem:$0x130];
	[tilespmem:$0x290] =	vst v16  }
0x63: {  	v16 =	vld.idx.msk [tilespmem:v39+s23+$0x0], $0xffff  }
0x64: {  	v17 =	vld.idx.msk [tilespmem:v40+s23+$0x0], $0xffff  }
0x65: {  	v41 =	vld.idx.msk [tilespmem:v4+s22+$0x0], $0xffff  }
0x66: {  	v42 =	vld.idx.msk [tilespmem:v5+s22+$0x0], $0xffff;
	_ =	sdelay $0x4  }
0x67: {  	v44 =	vshll.u32 v43, $0x1;
	v16 =	vmul.f32 v41, v16;
	v17 =	vmul.f32 v42, v17  }
0x68: {  	v45 =	vor.u32 $0x1, v44  }
0x69: {  	v16 =	vadd.f32 v17, v16;
	_ =	sdelay $0x1  }
0x6a: {  	v48 =	vld [tilespmem:$0x140];
	[tilespmem:$0x2A0] =	vst v16  }
0x6b: {  	v16 =	vld.idx.msk [tilespmem:v44+s23+$0x0], $0xffff  }
0x6c: {  	v17 =	vld.idx.msk [tilespmem:v45+s23+$0x0], $0xffff  }
0x6d: {  	v46 =	vld.idx.msk [tilespmem:v6+s22+$0x0], $0xffff  }
0x6e: {  	v47 =	vld.idx.msk [tilespmem:v7+s22+$0x0], $0xffff;
	_ =	sdelay $0x4  }
0x6f: {  	v49 =	vshll.u32 v48, $0x1;
	v16 =	vmul.f32 v46, v16;
	v17 =	vmul.f32 v47, v17  }
0x70: {  	v50 =	vor.u32 $0x1, v49  }
0x71: {  	v16 =	vadd.f32 v17, v16;
	_ =	sdelay $0x1  }
0x72: {  	v53 =	vld [tilespmem:$0x150];
	[tilespmem:$0x2B0] =	vst v16  }
0x73: {  	v16 =	vld.idx.msk [tilespmem:v49+s23+$0x0], $0xffff  }
0x74: {  	v17 =	vld.idx.msk [tilespmem:v50+s23+$0x0], $0xffff  }
0x75: {  	v51 =	vld.idx.msk [tilespmem:v8+s22+$0x0], $0xffff  }
0x76: {  	v52 =	vld.idx.msk [tilespmem:v9+s22+$0x0], $0xffff;
	_ =	sdelay $0x4  }
0x77: {  	v54 =	vshll.u32 v53, $0x1;
	v16 =	vmul.f32 v51, v16;
	v17 =	vmul.f32 v52, v17  }
0x78: {  	v55 =	vor.u32 $0x1, v54  }
0x79: {  	v16 =	vadd.f32 v17, v16;
	_ =	sdelay $0x1  }
0x7a: {  	v58 =	vld [tilespmem:$0x160];
	[tilespmem:$0x2C0] =	vst v16  }
0x7b: {  	v16 =	vld.idx.msk [tilespmem:v54+s23+$0x0], $0xffff  }
0x7c: {  	v17 =	vld.idx.msk [tilespmem:v55+s23+$0x0], $0xffff  }
0x7d: {  	v56 =	vld.idx.msk [tilespmem:v10+s22+$0x0], $0xffff  }
0x7e: {  	v57 =	vld.idx.msk [tilespmem:v11+s22+$0x0], $0xffff;
	_ =	sdelay $0x4  }
0x7f: {  	v59 =	vshll.u32 v58, $0x1;
	v16 =	vmul.f32 v56, v16;
	v17 =	vmul.f32 v57, v17  }
0x80: {  	v60 =	vor.u32 $0x1, v59  }
0x81: {  	v16 =	vadd.f32 v17, v16;
	_ =	sdelay $0x1  }
0x82: {  	v63 =	vld [tilespmem:$0x170];
	[tilespmem:$0x2D0] =	vst v16  }
0x83: {  	v16 =	vld.idx.msk [tilespmem:v59+s23+$0x0], $0xffff  }
0x84: {  	v17 =	vld.idx.msk [tilespmem:v60+s23+$0x0], $0xffff  }
0x85: {  	v61 =	vld.idx.msk [tilespmem:v12+s22+$0x0], $0xffff  }
0x86: {  	v62 =	vld.idx.msk [tilespmem:v13+s22+$0x0], $0xffff;
	_ =	sdelay $0x4  }
0x87: {  	v23 =	vshll.u32 v63, $0x1;
	v16 =	vmul.f32 v61, v16;
	v17 =	vmul.f32 v62, v17  }
0x88: {  	v24 =	vor.u32 $0x1, v23  }
0x89: {  	v16 =	vadd.f32 v17, v16;
	_ =	sdelay $0x1  }
0x8a: {  	[tilespmem:$0x2E0] =	vst v16  }
0x8b: {  	v16 =	vld.idx.msk [tilespmem:v23+s23+$0x0], $0xffff  }
0x8c: {  	v17 =	vld.idx.msk [tilespmem:v24+s23+$0x0], $0xffff  }
0x8d: {  	v25 =	vld.idx.msk [tilespmem:v14+s22+$0x0], $0xffff  }
0x8e: {  	v26 =	vld.idx.msk [tilespmem:v15+s22+$0x0], $0xffff;
	_ =	sdelay $0x4  }
0x8f: {  	v16 =	vmul.f32 v25, v16;
	v17 =	vmul.f32 v26, v17;
	_ =	sdelay $0x1  }
0x90: {  	v16 =	vadd.f32 v17, v16;
	_ =	sdelay $0x1  }
0x91: {  	s3 =	sadd.s32 s29, s15;
	[tilespmem:$0x2F0] =	vst v16  }
0x92: {  	[hbm4b:s3+s2] =	stream.linear.scatter [tilespmem:s24], [sflag:$0x3], $0x80, $0x38;
	[tilespmem:$0x17300] =	vst v63  }
0x93: {  	_ =	swait.ge [sflag:s17], $0x80  }
0x94: {  	[sflag:s17] =	ssyncset.done $0x0  }
0x95: {  	[sflag:s17] =	ssyncadd.s32 $0xFFFFFF80  }
0x96: {  	_ =	swait.ge [sflag:s25], $0x4000  }
0x97: {  	[sflag:s25] =	ssyncset.done $0x0  }
0x98: {  	s6 =	sadd.s32 $0xFFFFF800, s10;
	[sflag:s25] =	ssyncadd.s32 $0xFFFFC000  }
0x99: {  	[hbm4b:s6+s2] =	stream.linear.scatter [tilespmem:s19], [sflag:$0x3], $0x4000, $0x38;
	[tilespmem:$0x17300] =	vst v63  }
0x9a: {  	_ =	swait.ge [sflag:s17], $0x4000  }
0x9b: {  	p0 =	seq.s32 s29, $0x260;
	[sflag:s17] =	ssyncset.done $0x0  }
0x9c: {  	s1 =	sadd.s32 @!p0 s29, s9;
	s3 =	simm.s32 @!p0 $0x0;
	[sflag:s17] =	ssyncadd.s32 $0xFFFFC000  }
0x9d: {  	[tilespmem:s3], [sflag:$0x3] =	stream.linear.gather @!p0 [hbm4b:s1+s3], $0x80, $0x38;
	[tilespmem:$0x17300] =	vst v63  }
0x9e: {  	s1 =	simm.s32 @!p0 $0x3  }
0x9f: {  	_ =	swait.ge @!p0 [sflag:s1], $0x80  }
0xa0: {  	[sflag:s1] =	ssyncset.done @!p0 $0x0  }
0xa1: {  	s6 =	simm.s32 @!p0 $0xF300;
	[sflag:s1] =	ssyncadd.s32 @!p0 $0xFFFFFF80;
	s1 =	simm.s32 @!p0 $0x80  }
0xa2: {  	[tilespmem:s6], [sflag:$0x1] =	stream.indirect.gather @!p0 [hbm4b:s4+s1], $0x80, s3, s1, $0xb8;
	[tilespmem:$0x17300] =	vst v63  }
0xa3: {  	s3 =	sadd.s32 s29, s13  }
0xa4: {  	[tilespmem:s21], [sflag:$0x3] =	stream.linear.gather [hbm4b:s3+s2], $0x80, $0x38;
	[tilespmem:$0x17300] =	vst v63  }
0xa5: {  	_ =	swait.ge [sflag:s17], $0x80  }
0xa6: {  	[sflag:s17] =	ssyncset.done $0x0  }
0xa7: {  	[sflag:s17] =	ssyncadd.s32 $0xFFFFFF80  }
0xa8: {  	[tilespmem:s22], [sflag:$0x3] =	stream.linear.gather [hbm4b:s31+s2], $0x100, $0x38;
	[tilespmem:$0x17300] =	vst v63  }
0xa9: {  	_ =	swait.ge [sflag:s17], $0x100  }
0xaa: {  	[sflag:s17] =	ssyncset.done $0x0  }
0xab: {  	[sflag:s17] =	ssyncadd.s32 $0xFFFFFF00  }
0xac: {  	v16 =	vld [tilespmem:$0x100];
	_ =	sdelay $0x4  }
0xad: {  	v16 =	vshll.u32 v16, $0x1  }
0xae: {  	v17 =	vor.u32 $0x1, v16  }
0xaf: {  	v27 =	vld.idx.msk [tilespmem:v0+s22+$0x0], $0xffff  }
0xb0: {  	v28 =	vld.idx.msk [tilespmem:v1+s22+$0x0], $0xffff  }
0xb1: {  	v29 =	vld [tilespmem:$0x110]  }
0xb2: {  	v16 =	vld.idx.msk [tilespmem:v16+s23+$0x0], $0xffff  }
0xb3: {  	v17 =	vld.idx.msk [tilespmem:v17+s23+$0x0], $0xffff;
	_ =	sdelay $0x4  }
0xb4: {  	v30 =	vshll.u32 v29, $0x1;
	v16 =	vmul.f32 v27, v16;
	v17 =	vmul.f32 v28, v17  }
0xb5: {  	v31 =	vor.u32 $0x1, v30  }
0xb6: {  	v16 =	vadd.f32 v17, v16;
	_ =	sdelay $0x1  }
0xb7: {  	v34 =	vld [tilespmem:$0x120];
	[tilespmem:$0x280] =	vst v16  }
0xb8: {  	v16 =	vld.idx.msk [tilespmem:v30+s23+$0x0], $0xffff  }
0xb9: {  	v17 =	vld.idx.msk [tilespmem:v31+s23+$0x0], $0xffff  }
0xba: {  	v32 =	vld.idx.msk [tilespmem:v2+s22+$0x0], $0xffff  }
0xbb: {  	v33 =	vld.idx.msk [tilespmem:v3+s22+$0x0], $0xffff;
	_ =	sdelay $0x4  }
0xbc: {  	v35 =	vshll.u32 v34, $0x1;
	v16 =	vmul.f32 v32, v16;
	v17 =	vmul.f32 v33, v17  }
0xbd: {  	v36 =	vor.u32 $0x1, v35  }
0xbe: {  	v16 =	vadd.f32 v17, v16;
	_ =	sdelay $0x1  }
0xbf: {  	v39 =	vld [tilespmem:$0x130];
	[tilespmem:$0x290] =	vst v16  }
0xc0: {  	v16 =	vld.idx.msk [tilespmem:v35+s23+$0x0], $0xffff  }
0xc1: {  	v17 =	vld.idx.msk [tilespmem:v36+s23+$0x0], $0xffff  }
0xc2: {  	v37 =	vld.idx.msk [tilespmem:v4+s22+$0x0], $0xffff  }
0xc3: {  	v38 =	vld.idx.msk [tilespmem:v5+s22+$0x0], $0xffff;
	_ =	sdelay $0x4  }
0xc4: {  	v40 =	vshll.u32 v39, $0x1;
	v16 =	vmul.f32 v37, v16;
	v17 =	vmul.f32 v38, v17  }
0xc5: {  	v41 =	vor.u32 $0x1, v40  }
0xc6: {  	v16 =	vadd.f32 v17, v16;
	_ =	sdelay $0x1  }
0xc7: {  	v44 =	vld [tilespmem:$0x140];
	[tilespmem:$0x2A0] =	vst v16  }
0xc8: {  	v16 =	vld.idx.msk [tilespmem:v40+s23+$0x0], $0xffff  }
0xc9: {  	v17 =	vld.idx.msk [tilespmem:v41+s23+$0x0], $0xffff  }
0xca: {  	v42 =	vld.idx.msk [tilespmem:v6+s22+$0x0], $0xffff  }
0xcb: {  	v43 =	vld.idx.msk [tilespmem:v7+s22+$0x0], $0xffff;
	_ =	sdelay $0x4  }
0xcc: {  	v45 =	vshll.u32 v44, $0x1;
	v16 =	vmul.f32 v42, v16;
	v17 =	vmul.f32 v43, v17  }
0xcd: {  	v46 =	vor.u32 $0x1, v45  }
0xce: {  	v16 =	vadd.f32 v17, v16;
	_ =	sdelay $0x1  }
0xcf: {  	v49 =	vld [tilespmem:$0x150];
	[tilespmem:$0x2B0] =	vst v16  }
0xd0: {  	v16 =	vld.idx.msk [tilespmem:v45+s23+$0x0], $0xffff  }
0xd1: {  	v17 =	vld.idx.msk [tilespmem:v46+s23+$0x0], $0xffff  }
0xd2: {  	v47 =	vld.idx.msk [tilespmem:v8+s22+$0x0], $0xffff  }
0xd3: {  	v48 =	vld.idx.msk [tilespmem:v9+s22+$0x0], $0xffff;
	_ =	sdelay $0x4  }
0xd4: {  	v50 =	vshll.u32 v49, $0x1;
	v16 =	vmul.f32 v47, v16;
	v17 =	vmul.f32 v48, v17  }
0xd5: {  	v51 =	vor.u32 $0x1, v50  }
0xd6: {  	v16 =	vadd.f32 v17, v16;
	_ =	sdelay $0x1  }
0xd7: {  	v54 =	vld [tilespmem:$0x160];
	[tilespmem:$0x2C0] =	vst v16  }
0xd8: {  	v16 =	vld.idx.msk [tilespmem:v50+s23+$0x0], $0xffff  }
0xd9: {  	v17 =	vld.idx.msk [tilespmem:v51+s23+$0x0], $0xffff  }
0xda: {  	v52 =	vld.idx.msk [tilespmem:v10+s22+$0x0], $0xffff  }
0xdb: {  	v53 =	vld.idx.msk [tilespmem:v11+s22+$0x0], $0xffff;
	_ =	sdelay $0x4  }
0xdc: {  	v55 =	vshll.u32 v54, $0x1;
	v16 =	vmul.f32 v52, v16;
	v17 =	vmul.f32 v53, v17  }
0xdd: {  	v56 =	vor.u32 $0x1, v55  }
0xde: {  	v16 =	vadd.f32 v17, v16;
	_ =	sdelay $0x1  }
0xdf: {  	v59 =	vld [tilespmem:$0x170];
	[tilespmem:$0x2D0] =	vst v16  }
0xe0: {  	v16 =	vld.idx.msk [tilespmem:v55+s23+$0x0], $0xffff  }
0xe1: {  	v17 =	vld.idx.msk [tilespmem:v56+s23+$0x0], $0xffff  }
0xe2: {  	v57 =	vld.idx.msk [tilespmem:v12+s22+$0x0], $0xffff  }
0xe3: {  	v58 =	vld.idx.msk [tilespmem:v13+s22+$0x0], $0xffff;
	_ =	sdelay $0x4  }
0xe4: {  	v60 =	vshll.u32 v59, $0x1;
	v16 =	vmul.f32 v57, v16;
	v17 =	vmul.f32 v58, v17  }
0xe5: {  	v61 =	vor.u32 $0x1, v60  }
0xe6: {  	v16 =	vadd.f32 v17, v16;
	_ =	sdelay $0x1  }
0xe7: {  	[tilespmem:$0x2E0] =	vst v16  }
0xe8: {  	v16 =	vld.idx.msk [tilespmem:v60+s23+$0x0], $0xffff  }
0xe9: {  	v17 =	vld.idx.msk [tilespmem:v61+s23+$0x0], $0xffff  }
0xea: {  	v62 =	vld.idx.msk [tilespmem:v14+s22+$0x0], $0xffff  }
0xeb: {  	v63 =	vld.idx.msk [tilespmem:v15+s22+$0x0], $0xffff;
	_ =	sdelay $0x4  }
0xec: {  	v16 =	vmul.f32 v62, v16;
	v17 =	vmul.f32 v63, v17;
	_ =	sdelay $0x1  }
0xed: {  	v16 =	vadd.f32 v17, v16;
	_ =	sdelay $0x1  }
0xee: {  	s6 =	sadd.s32 s29, s12;
	[tilespmem:$0x2F0] =	vst v16  }
0xef: {  	[hbm4b:s6+s2] =	stream.linear.scatter [tilespmem:s24], [sflag:$0x3], $0x80, $0x38;
	[tilespmem:$0x17300] =	vst v63  }
0xf0: {  	_ =	swait.ge [sflag:s17], $0x80  }
0xf1: {  	[sflag:s17] =	ssyncset.done $0x0  }
0xf2: {  	[sflag:s17] =	ssyncadd.s32 $0xFFFFFF80  }
0xf3: {  	_ =	swait.ge [sflag:s26], $0x4000  }
0xf4: {  	[sflag:s26] =	ssyncset.done $0x0  }
.Ltmp3:
0xf5: {  	[sflag:s26] =	ssyncadd.s32 $0xFFFFC000;
	(pc) =	sbr.rel @p0 .LBB2_6-.Ltmp3, $4  }
0xf6: {  	[hbm4b:s10+s2] =	stream.linear.scatter [tilespmem:s20], [sflag:$0x3], $0x4000, $0x38;
	[tilespmem:$0x17300] =	vst v63  }
0xf7: {  	_ =	swait.ge [sflag:s17], $0x4000  }
0xf8: {  	[sflag:s17] =	ssyncset.done $0x0  }
0xf9: {  	[sflag:s17] =	ssyncadd.s32 $0xFFFFC000  }
0xfa: {  	s1 =	sadd.s32 s29, s8  }
0xfb: {  	[tilespmem:s18], [sflag:$0x3] =	stream.linear.gather [hbm4b:s1+s2], $0x80, $0x38;
	[tilespmem:$0x17300] =	vst v63  }
.Ltmp4:
0xfc: {  	_ = 	snop;
	(pc) =	sbr.rel .LBB2_4-.Ltmp4, $4  }
0xfd: {  	_ =	swait.ge [sflag:s17], $0x80  }
0xfe: {  	s29 =	sadd.s32 $0x20, s29;
	s10 =	sadd.s32 $0x1000, s10;
	[sflag:s17] =	ssyncset.done $0x0  }
0xff: {  	s31 =	sadd.s32 $0x40, s31;
	s30 =	sadd.s32 $0x40, s30;
	[sflag:s17] =	ssyncadd.s32 $0xFFFFFF80  }
0x100: {  	[tilespmem:s20], [sflag:$0x2] =	stream.indirect.gather [hbm4b:s4+s18], $0x80, s18, s18, $0xb8;
	[tilespmem:$0x17300] =	vst v63  }
.LBB2_7:
0x101: {  	_ =	sfence.sel $0x180000  }
0x102: {  	[bflag:$0x0] =	sbarrier.arrive $0xFFFF  }
0x103: {  	_ =	strace $0x90000053  }
0x104: {  	s0 =	stileid.u32;
	[bflag:$0x2] =	sbarrier.arrive $0xFFFF  }
0x105: {  	p0 =	sne.s32 s0, $0x0;
	s0 =	rddreg [dreg:$0x2]  }
0x106: {  	s0 =	sadd.s32 @!p0 $0x100000, s0  }
0x107: {  	[sflag:s0] =	ssyncadd.tile.s32 @!p0 $0x1;
	_ =	shalt  }
.Lfunc_end2:
_tile_overlayer_lowered:
.L_overlay_start_2:
0x108: {  	(tag) =	ssettag $0x2  }
0x109: {  	s0 =	rddreg [dreg:$0x0];
	s2 =	stileid.u32  }
0x10a: {  	s1 =	rddreg [dreg:$0x1];
	p0 =	sne.s32 s2, $0x0  }
0x10b: {  	s3 =	rddreg [dreg:$0x2];
	[bflag:$0x3] =	sbarrier.arrive $0xFFFF;
	s2 =	simm.s32 @!p0 $0x1C03  }
0x10c: {  	[timem:s3], [sflag:s2] =	dma.local @!p0 [hbm:s0], s1  }
0x10d: {  	s0 =	simm.s32 @!p0 $0x3  }
0x10e: {  	_ =	swait.ge @!p0 [sflag:s0], s1  }
0x10f: {  	s1 =	ssub.s32 @!p0 $0x0, s1;
	[sflag:s0] =	ssyncset.done @!p0 $0x0  }
0x110: {  	[sflag:s0] =	ssyncadd.s32 @!p0 s1  }
0x111: {  	[bflag:$0x3] =	sbarrier.arrive $0xFFFF  }
0x112: {  	_ =	shalt  }

// kernel: kernel.32.cloned.1.call-start
scs
__scs_entry_jumppad:
0x0: {  	(pc) =	sbr.rel $0x88, $3  }
0x1: {  	(tag) =	ssettag $0x0;
	lr =	simm.s32 $0x1  }
0x2: {  	[smem:$0x3F92] =	sst lr;
	_ =	strace $0xD0000000  }
0x3: {  	_ = 	snop  }
0x4: {  	_ = 	snop  }
0x5: {  	_ = 	snop  }
0x6: {  	_ = 	snop  }
0x7: {  	_ = 	snop  }
__scs_overlays_trampoline_lowered:
0x8: {  	[smem:$0x3FA1] =	sst s0  }
0x9: {  	[smem:$0x3FA2] =	sst s1  }
0xa: {  	[smem:$0x3FA3] =	sst s2  }
0xb: {  	[smem:$0x3FA4] =	sst s3  }
0xc: {  	[smem:$0x3FA5] =	sst s4  }
0xd: {  	[smem:$0x3FA6] =	sst s5  }
0xe: {  	[smem:$0x3FA7] =	sst s6  }
0xf: {  	[smem:$0x3FA8] =	sst s7  }
0x10: {  	[smem:$0x3FA9] =	sst s8  }
0x11: {  	[smem:$0x3FAA] =	sst s9;
	s0 =	simm.s32 @!p0 $0x0  }
0x12: {  	s1 =	sld [smem:$0x3F90];
	s0 =	simm.s32 @p0 $0x1  }
0x13: {  	[smem:$0x3FAB] =	sst s0;
	s0 =	simm.s32 @!p1 $0x0  }
0x14: {  	s2 =	sld [smem:$0x3F8F];
	s0 =	simm.s32 @p1 $0x1  }
0x15: {  	[smem:$0x3FAC] =	sst s0;
	s0 =	simm.s32 @!p2 $0x0  }
0x16: {  	s3 =	sld [smem:$0x3FDB];
	s0 =	simm.s32 @p2 $0x1  }
0x17: {  	s4 =	simm.s32 $0x1BF5;
	[smem:$0x3FAE] =	sst s0  }
0x18: {  	s0 =	sld [smem:$0x3F91];
	_ =	swait.ge [sflag:s4], $0x0  }
0x19: {  	s7 =	sld [smem:$0x3F92]  }
0x1a: {  	s8 =	sadd.s32 $0xFFFFE003, lr  }
0x1b: {  	s9 =	sadd.s32 $0xFFFFFEF7, lr;
	s5 =	simm.s32 $0xFFFFFFFF;
	p2 =	slt.u32 s8, $0xFFFFF086  }
0x1c: {  	p1 =	slt.u32 s9, $0xF7A;
	s5 =	simm.s32 @!p2 $0x0  }
0x1d: {  	s5 =	simm.s32 @p1 $0x1;
	p0 =	seq.s32 s7, s2  }
0x1e: {  	s7 =	smul.u32 @!p0 $0xF7A, s2;
	p2 =	seq.s32 @!p0 s5, $0x0  }
0x1f: {  	s9 =	smul.u32 $0xF7A, s1;
	s8 =	simm.s32 @!p0 $0x1BF5;
	p2 =	por !p2, p0  }
0x20: {  	[sflag:s8] =	ssyncset.s32 @!p0 $0xFFFFF086;
	s6 =	sadd.s32 @!p0 s3, s7;
	s7 =	simm.s32 @!p0 $0x108  }
0x21: {  	s3 =	sadd.s32 s3, s9;
	s6 =	sadd.s32 @!p0 $0x88, s6;
	s7 =	simm.s32 @p2 $0x1082  }
0x22: {  	[simem:s7], [sflag:s8] =	dma.local @!p0 [hbm:s6], $0xF7A  }
0x23: {  	s9 =	sor.u32 $0xD0000000, s2;
	s6 =	simm.s32 $0x108;
	_ =	swait.ge @!p0 [sflag:s8], $0x0  }
0x24: {  	s3 =	sadd.s32 $0x88, s3;
	s6 =	simm.s32 @!p1 $0x1082;
	[sflag:s4] =	ssyncset.s32 $0xFFFFF086  }
0x25: {  	[simem:s6], [sflag:s4] =	dma.local [hbm:s3], $0xF7A  }
0x26: {  	[smem:$0x3F92] =	sst s1;
	(tag) =	ssettag s2;
	_ =	strace s9  }
0x27: {  	s1 =	sld [smem:$0x3FA2]  }
0x28: {  	s2 =	sld [smem:$0x3FA3]  }
0x29: {  	s4 =	sld [smem:$0x3FA5]  }
0x2a: {  	p0 =	seq.s32 s5, $0x0;
	s5 =	sld [smem:$0x3FA6]  }
0x2b: {  	s6 =	sld [smem:$0x3FA7]  }
0x2c: {  	s7 =	sld [smem:$0x3FA8]  }
0x2d: {  	s3 =	simm.s32 $0x108;
	s8 =	sld [smem:$0x3FA9]  }
0x2e: {  	s3 =	simm.s32 @!p0 $0x1082;
	s9 =	sld [smem:$0x3FAA]  }
0x2f: {  	lr =	sadd.s32 s0, s3;
	s0 =	sld [smem:$0x3FA1]  }
0x30: {  	s3 =	sld [smem:$0x3FA4]  }
0x31: {  	[smem:$0x3FAD] =	sst s10  }
0x32: {  	s10 =	sld [smem:$0x3FAB];
	_ =	sdelay $0x3  }
0x33: {  	p0 =	seq.s32 s10, $0x1;
	s10 =	sld [smem:$0x3FAD];
	_ =	sdelay $0x3  }
0x34: {  	[smem:$0x3FAD] =	sst s10  }
0x35: {  	s10 =	sld [smem:$0x3FAC];
	_ =	sdelay $0x3  }
0x36: {  	p1 =	seq.s32 s10, $0x1;
	s10 =	sld [smem:$0x3FAD];
	_ =	sdelay $0x3  }
0x37: {  	[smem:$0x3FAD] =	sst s10  }
0x38: {  	s10 =	sld [smem:$0x3FAE]  }
0x39: {  	_ = 	snop;
	(pc) =	sbr.ind lr, $3  }
0x3a: {  	_ = 	snop  }
0x3b: {  	_ = 	snop  }
0x3c: {  	p2 =	seq.s32 s10, $0x1;
	s10 =	sld [smem:$0x3FAD]  }
0x3d: {  	_ =	shalt  }
0x3e: {  	_ =	shalt  }
0x3f: {  	_ =	shalt  }
0x40: {  	_ =	shalt  }
0x41: {  	_ =	shalt  }
0x42: {  	_ =	shalt  }
0x43: {  	_ =	shalt  }
0x44: {  	_ =	shalt  }
0x45: {  	_ =	shalt  }
0x46: {  	_ =	shalt  }
0x47: {  	_ =	shalt  }
0x48: {  	_ =	shalt  }
0x49: {  	_ =	shalt  }
0x4a: {  	_ =	shalt  }
0x4b: {  	_ =	shalt  }
0x4c: {  	_ =	shalt  }
0x4d: {  	_ =	shalt  }
0x4e: {  	_ =	shalt  }
0x4f: {  	_ =	shalt  }
0x50: {  	_ =	shalt  }
0x51: {  	_ =	shalt  }
0x52: {  	_ =	shalt  }
0x53: {  	_ =	shalt  }
0x54: {  	_ =	shalt  }
0x55: {  	_ =	shalt  }
0x56: {  	_ =	shalt  }
0x57: {  	_ =	shalt  }
0x58: {  	_ =	shalt  }
0x59: {  	_ =	shalt  }
0x5a: {  	_ =	shalt  }
0x5b: {  	_ =	shalt  }
0x5c: {  	_ =	shalt  }
0x5d: {  	_ =	shalt  }
0x5e: {  	_ =	shalt  }
0x5f: {  	_ =	shalt  }
0x60: {  	_ =	shalt  }
0x61: {  	_ =	shalt  }
0x62: {  	_ =	shalt  }
0x63: {  	_ =	shalt  }
0x64: {  	_ =	shalt  }
0x65: {  	_ =	shalt  }
0x66: {  	_ =	shalt  }
0x67: {  	_ =	shalt  }
0x68: {  	_ =	shalt  }
0x69: {  	_ =	shalt  }
0x6a: {  	_ =	shalt  }
0x6b: {  	_ =	shalt  }
0x6c: {  	_ =	shalt  }
0x6d: {  	_ =	shalt  }
0x6e: {  	_ =	shalt  }
0x6f: {  	_ =	shalt  }
0x70: {  	_ =	shalt  }
0x71: {  	_ =	shalt  }
0x72: {  	_ =	shalt  }
0x73: {  	_ =	shalt  }
0x74: {  	_ =	shalt  }
0x75: {  	_ =	shalt  }
0x76: {  	_ =	shalt  }
0x77: {  	_ =	shalt  }
0x78: {  	_ =	shalt  }
0x79: {  	_ =	shalt  }
0x7a: {  	_ =	shalt  }
0x7b: {  	_ =	shalt  }
0x7c: {  	_ =	shalt  }
0x7d: {  	_ =	shalt  }
0x7e: {  	_ =	shalt  }
0x7f: {  	_ =	shalt  }
0x80: {  	_ =	shalt  }
0x81: {  	_ =	shalt  }
0x82: {  	_ =	shalt  }
0x83: {  	_ =	shalt  }
0x84: {  	_ =	shalt  }
0x85: {  	_ =	shalt  }
0x86: {  	_ =	shalt  }
0x87: {  	_ =	shalt  }
.Lfunc_end0:
.L_simem_size_0:
called_computation.5_lowered:
.L_overlay_start_0:
0x88: {  	s2 =	sld [smem:$0x3FD9]  }
0x89: {  	s3 =	sld [smem:$0x3FFE];
	_ =	sdelay $0x1  }
0x8a: {  	s1 =	srdreg.scid  }
0x8b: {  	s0 =	sand.u32 $0x1, s1  }
0x8c: {  	s16 =	sshll.u32 s0, $0xA;
	s2 =	sadd.s32 s3, s2  }
0x8d: {  	s2 =	sadd.s32 s2, s16  }
0x8e: {  	[smem:$0x3FB9] =	sst s2  }
0x8f: {  	_ = 	snop  }
0x90: {  	(tm) =	ssettm $0x1  }
0x91: {  	s17 =	sld [smem:$0x3FFB];
	_ =	sdelay $0x3  }
0x92: {  	_ =	strace s17  }
0x93: {  	s2 =	sld [smem:$0x3FFC];
	_ =	sdelay $0x3  }
0x94: {  	_ =	strace s2  }
0x95: {  	s2 =	sld [smem:$0x3FFD];
	_ =	sdelay $0x3  }
0x96: {  	_ =	strace s2  }
0x97: {  	_ =	strace $0x8FFFFFFF  }
0x98: {  	s18 =	sld [smem:$0x3FDB];
	_ =	sdelay $0x1  }
0x99: {  	s19 =	simm.s32 $_scs_section_size  }
0x9a: {  	s4 =	simm.s32 $_size__tile_overlayer_lowered;
	s5 =	simm.s32 $_tile_overlayer_lowered  }
0x9b: {  	s22 =	simm.s32 $0x1BFF;
	s21 =	sshll.u32 s5, $0x1;
	s2 =	sadd.s32 s19, s18  }
0x9c: {  	s6 =	simm.s32 $0x0;
	s20 =	sshll.u32 s4, $0x1;
	s4 =	sadd.s32 s21, s2  }
0x9d: {  	[timem:s6], [sflag:s22] =	dma.local [hbm:s4], s20  }
0x9e: {  	_ =	swait.ge [sflag:s22], s20  }
0x9f: {  	s3 =	ssub.s32 $0x0, s20;
	[sflag:s22] =	ssyncset.done $0x0  }
0xa0: {  	[sflag:s22] =	ssyncadd.s32 s3;
	_ =	sdelay $0x1  }
0xa1: {  	s23 =	simm.s32 $0x1B8B  }
0xa2: {  	_ =	swait.ge [sflag:s23], $0x1  }
0xa3: {  	[sflag:s23] =	ssyncset.done $0x0  }
0xa4: {  	s25 =	simm.s32 $0x1B8E;
	s24 =	sld [smem:$0x3FFE];
	[sflag:s23] =	ssyncadd.s32 $0xFFFFFFFF  }
0xa5: {  	s26 =	simm.s32 $execute0_lowered;
	[smem:$0x3FD2] =	sst s25  }
0xa6: {  	s4 =	sshll.u32 s26, $0x1;
	_ =	strace $0x80000055;
	[dreg:$0x1] =	wrdreg $0xFFFFFFFF  }
0xa7: {  	s28 =	simm.s32 $_size_execute0_lowered;
	s2 =	sadd.s32 s2, s4;
	[dreg:$0x0] =	wrdreg $0x0  }
0xa8: {  	s4 =	sshll.u32 s28, $0x1;
	[dreg:$0x2] =	wrdreg s2  }
0xa9: {  	[dreg:$0x3] =	wrdreg s4  }
0xaa: {  	[dreg:$0x4] =	wrdreg $0xC0  }
0xab: {  	_ =	task [dreg:s6], $0x5FFFF  }
0xac: {  	[dreg:$0x1] =	wrdreg $0xFFFFFFFF  }
0xad: {  	[dreg:$0x0] =	wrdreg $0x60  }
0xae: {  	[dreg:$0x2] =	wrdreg s24  }
0xaf: {  	[dreg:$0x3] =	wrdreg $0x81000  }
0xb0: {  	[dreg:$0x4] =	wrdreg $0x9  }
0xb1: {  	_ =	task.clear_ibuf [dreg:s6], $0x5FFFF;
	_ =	strace $0x90000055  }
0xb2: {  	s29 =	simm.s32 $0x9;
	_ =	strace $0x80000057  }
0xb3: {  	_ =	swait.ge [sflag:s29], $0x1  }
0xb4: {  	[sflag:s29] =	ssyncadd.s32 $0xFFFFFFFF  }
0xb5: {  	_ =	strace $0x90000057  }
0xb6: {  	_ =	sfence  }
0xb7: {  	s30 =	sld [smem:$0x0];
	_ =	sdelay $0x2  }
0xb8: {  	s31 =	sshll.u32 s1, $0xD;
	s1 =	sshrl.u32 s1, $0x2  }
0xb9: {  	s3 =	sand.u32 $0x4000, s31;
	s1 =	sadd.s32 s1, s30  }
0xba: {  	s0 =	sor.u32 s3, s0;
	s1 =	sshll.u32 s1, $0x11  }
0xbb: {  	s0 =	sor.u32 s1, s0  }
0xbc: {  	s0 =	sadd.s32 $0x8F2B, s0  }
0xbd: {  	[sflag:s0] =	ssyncadd.remote.s32 $0x1  }
0xbe: {  	_ =	sfence.sel $0xFFFF  }
0xbf: {  	[dreg:$0x0] =	wrdreg $0xFFFFFFFF;
	(pc) =	sbr.abs _section_cstart, $3  }
0xc0: {  	[dreg:$0x1] =	wrdreg $0xFFFFFFFF  }
0xc1: {  	_ =	task.clear_ibuf [dreg:s6], $0x2FFFF;
	_ =	strace $0x9FFFFFFF  }
0xc2: {  	(tm) =	ssettm $0x7FFFFFFF  }
0xc3: {  	_ =	shalt  }
tec
execute0_lowered:
.L_overlay_start_1:
0x0: {  	(tag) =	ssettag $0x1  }
0x1: {  	s4 =	rddreg [dreg:$0x0]  }
0x2: {  	s2 =	rddreg [dreg:$0x1]  }
0x3: {  	s0 =	rddreg [dreg:$0x2];
	s1 =	stileid.u32  }
0x4: {  	s5 =	srdreg.scid;
	s11 =	smul.u32 $0x2800, s1  }
0x5: {  	s3 =	simm.s32 $0x0;
	s19 =	simm.s32 $0x4100;
	s8 =	smul.u32 $0x50000, s1  }
0x6: {  	s12 =	sand.u32 $0x1, s5;
	[smem:$0x7FF] =	sst s3;
	s28 =	smul.u32 $0x28000, s1  }
0x7: {  	s13 =	sadd.s32 $0x9F8E00, s4;
	s14 =	sadd.s32 $0x3DC00, s4;
	s5 =	smul.u32 $0x28000, s12  }
0x8: {  	s9 =	sshll.u32 s1, $0x1;
	s24 =	sshll.u32 s1, $0x6;
	s18 =	smul.u32 $0x1400, s12  }
0x9: {  	s7 =	ssub.s32 $0x2, s12;
	s21 =	sor.u32 s12, s9;
	s12 =	smul.u32 $0x14000, s12  }
0xa: {  	_ =	strace $0x80000056;
	s6 =	sadd.s32 s11, s4;
	s23 =	smul.u32 $0x1400, s21  }
0xb: {  	s20 =	sshrl.u32 s7, $0x1;
	s22 =	sshrl.u32 s8, $0x2;
	s9 =	smul.u32 $0x14000, s21  }
0xc: {  	s21 =	simm.s32 $0x2;
	s5 =	sadd.s32 s11, s5;
	s15 =	ssub.s32 s7, s20  }
0xd: {  	s16 =	sadd.s32 s22, s2;
	s18 =	sadd.s32 s18, s11;
	s20 =	simm.s32 $0x1  }
0xe: {  	s22 =	simm.s32 $0x0;
	s10 =	sadd.s32 s5, s4;
	s4 =	sadd.s32 $0x43600, s6  }
0xf: {  	s5 =	sor.u32 $0x1C03, s24;
	s25 =	sshrl.u32 s23, $0x3;
	s7 =	sadd.s32 s13, s9  }
0x10: {  	s8 =	sor.u32 $0x80, s23;
	s11 =	smax.u32 s15, $0x1;
	s29 =	sor.u32 $0x180, s18  }
0x11: {  	s31 =	sor.u32 $0x100, s18;
	s18 =	simm.s32 $0x80;
	s6 =	sadd.s32 s14, s25  }
0x12: {  	s26 =	sshrl.u32 s8, $0x3;
	s17 =	sshll.u32 s8, $0x4;
	s10 =	sadd.s32 $0x6B600, s10  }
0x13: {  	s30 =	sshrl.u32 s29, $0x3;
	s15 =	sshrl.u32 s31, $0x3;
	s8 =	sadd.s32 s14, s26  }
0x14: {  	s9 =	sadd.s32 s13, s17;
	s13 =	sadd.s32 s28, s13;
	s17 =	simm.s32 $0x100  }
0x15: {  	s12 =	sadd.s32 s12, s13;
	s13 =	sadd.s32 s30, s14;
	s14 =	sadd.s32 s15, s14  }
0x16: {  	s15 =	sshrl.u32 s16, $0x3;
	s16 =	simm.s32 $0x3;
	s12 =	sadd.s32 $0x1800, s12  }
.LBB2_1:
0x17: {  	[spmem:s15], [sflag:s5] =	dma.local [hbm:s4], $0x2800  }
0x18: {  	_ =	swait.ge [sflag:s16], $0x2800  }
0x19: {  	[sflag:s16] =	ssyncset.done $0x0  }
0x1a: {  	[sflag:s16] =	ssyncadd.s32 $0xFFFFD800  }
0x1b: {  	[bflag:$0x0] =	sbarrier.arrive $0xFFFF  }
0x1c: {  	[tilespmem:s3], [sflag:$0x3] =	stream.linear.gather [hbm4b:s6+s3], $0x80, $0x38;
	[tilespmem:$0x1C100] =	vst v63  }
0x1d: {  	_ =	swait.ge [sflag:s16], $0x80  }
0x1e: {  	[sflag:s16] =	ssyncset.done $0x0  }
0x1f: {  	[sflag:s16] =	ssyncadd.s32 $0xFFFFFF80  }
0x20: {  	[tilespmem:s17], [sflag:$0x1] =	stream.linear.gather [hbm4b:s7+s3], $0x4000, $0x38;
	[tilespmem:$0x1C100] =	vst v63  }
0x21: {  	_ = 	snop  }
0x22: {  	[tilespmem:s18], [sflag:$0x3] =	stream.linear.gather [hbm4b:s8+s3], $0x80, $0x38;
	[tilespmem:$0x1C100] =	vst v63  }
0x23: {  	_ =	swait.ge [sflag:s16], $0x80  }
0x24: {  	[sflag:s16] =	ssyncset.done $0x0  }
0x25: {  	[sflag:s16] =	ssyncadd.s32 $0xFFFFFF80  }
0x26: {  	[tilespmem:s19], [sflag:$0x2] =	stream.linear.gather [hbm4b:s9+s3], $0x4000, $0x38;
	[tilespmem:$0x1C100] =	vst v63  }
0x27: {  	_ =	swait.ge [sflag:s20], $0x4000  }
0x28: {  	[sflag:s20] =	ssyncset.done $0x0  }
0x29: {  	[sflag:s20] =	ssyncadd.s32 $0xFFFFC000  }
0x2a: {  	[spmem:s2] =	stream.indirect.scatter.add.f32 [tilespmem:s17], [sflag:$0x3], $0x80, s3, s18, $0xb8;
	[tilespmem:$0x1C100] =	vst v63  }
0x2b: {  	_ =	swait.ge [sflag:s16], $0x4000  }
0x2c: {  	[sflag:s16] =	ssyncset.done $0x0  }
0x2d: {  	s23 =	sadd.s32 $0x0, s14;
	[sflag:s16] =	ssyncadd.s32 $0xFFFFC000  }
0x2e: {  	[tilespmem:s3], [sflag:$0x3] =	stream.linear.gather [hbm4b:s23+s3], $0x80, $0x38;
	[tilespmem:$0x1C100] =	vst v63  }
0x2f: {  	_ =	swait.ge [sflag:s16], $0x80  }
0x30: {  	[sflag:s16] =	ssyncset.done $0x0  }
0x31: {  	s30 =	sadd.s32 $0xFFFFF800, s12;
	[sflag:s16] =	ssyncadd.s32 $0xFFFFFF80  }
0x32: {  	[tilespmem:s17], [sflag:$0x1] =	stream.linear.gather [hbm4b:s30+s3], $0x4000, $0x38;
	[tilespmem:$0x1C100] =	vst v63  }
0x33: {  	_ =	swait.ge [sflag:s21], $0x4000  }
0x34: {  	[sflag:s21] =	ssyncset.done $0x0  }
0x35: {  	[sflag:s21] =	ssyncadd.s32 $0xFFFFC000  }
0x36: {  	[spmem:s2] =	stream.indirect.scatter.add.f32 [tilespmem:s19], [sflag:$0x3], $0x80, s18, s18, $0xb8;
	[tilespmem:$0x1C100] =	vst v63  }
0x37: {  	_ =	swait.ge [sflag:s16], $0x4000  }
0x38: {  	[sflag:s16] =	ssyncset.done $0x0  }
0x39: {  	s31 =	sadd.s32 $0x0, s13;
	[sflag:s16] =	ssyncadd.s32 $0xFFFFC000  }
0x3a: {  	[tilespmem:s18], [sflag:$0x3] =	stream.linear.gather [hbm4b:s31+s3], $0x80, $0x38;
	[tilespmem:$0x1C100] =	vst v63  }
0x3b: {  	_ =	swait.ge [sflag:s16], $0x80  }
0x3c: {  	s24 =	sadd.s32 $0x1000, s12;
	[sflag:s16] =	ssyncset.done $0x0  }
0x3d: {  	s25 =	smov.u32 s12;
	s23 =	simm.s32 $0x20;
	[sflag:s16] =	ssyncadd.s32 $0xFFFFFF80  }
.LBB2_2:
0x3e: {  	[tilespmem:s19], [sflag:$0x2] =	stream.linear.gather [hbm4b:s25+s3], $0x4000, $0x38;
	[tilespmem:$0x1C100] =	vst v63  }
0x3f: {  	s26 =	smov.u32 s23;
	s25 =	smov.u32 s24  }
0x40: {  	p0 =	sne.s32 s23, $0x240;
	s23 =	sadd.s32 $0x20, s23;
	_ =	swait.ge [sflag:s20], $0x4000  }
0x41: {  	[sflag:s20] =	ssyncset.done $0x0  }
0x42: {  	[sflag:s20] =	ssyncadd.s32 $0xFFFFC000  }
0x43: {  	[spmem:s2] =	stream.indirect.scatter.add.f32 [tilespmem:s17], [sflag:$0x3], $0x80, s3, s18, $0xb8;
	[tilespmem:$0x1C100] =	vst v63  }
0x44: {  	_ =	swait.ge [sflag:s16], $0x4000  }
0x45: {  	[sflag:s16] =	ssyncset.done $0x0  }
0x46: {  	s28 =	sadd.s32 s26, s14;
	[sflag:s16] =	ssyncadd.s32 $0xFFFFC000  }
0x47: {  	[tilespmem:s3], [sflag:$0x3] =	stream.linear.gather [hbm4b:s28+s3], $0x80, $0x38;
	[tilespmem:$0x1C100] =	vst v63  }
0x48: {  	_ =	swait.ge [sflag:s16], $0x80  }
0x49: {  	[sflag:s16] =	ssyncset.done $0x0  }
0x4a: {  	s28 =	sadd.s32 $0xFFFFF800, s24;
	[sflag:s16] =	ssyncadd.s32 $0xFFFFFF80  }
0x4b: {  	[tilespmem:s17], [sflag:$0x1] =	stream.linear.gather [hbm4b:s28+s3], $0x4000, $0x38;
	[tilespmem:$0x1C100] =	vst v63  }
0x4c: {  	_ =	swait.ge [sflag:s21], $0x4000  }
0x4d: {  	[sflag:s21] =	ssyncset.done $0x0  }
0x4e: {  	[sflag:s21] =	ssyncadd.s32 $0xFFFFC000  }
0x4f: {  	[spmem:s2] =	stream.indirect.scatter.add.f32 [tilespmem:s19], [sflag:$0x3], $0x80, s18, s18, $0xb8;
	[tilespmem:$0x1C100] =	vst v63  }
0x50: {  	_ =	swait.ge [sflag:s16], $0x4000  }
0x51: {  	[sflag:s16] =	ssyncset.done $0x0  }
.Ltmp0:
0x52: {  	s26 =	sadd.s32 s26, s13;
	[sflag:s16] =	ssyncadd.s32 $0xFFFFC000;
	(pc) =	sbr.rel @p0 .LBB2_2-.Ltmp0, $4  }
0x53: {  	[tilespmem:s18], [sflag:$0x3] =	stream.linear.gather [hbm4b:s26+s3], $0x80, $0x38;
	[tilespmem:$0x1C100] =	vst v63  }
0x54: {  	_ =	swait.ge [sflag:s16], $0x80  }
0x55: {  	[sflag:s16] =	ssyncset.done $0x0  }
0x56: {  	s24 =	sadd.s32 $0x1000, s24;
	[sflag:s16] =	ssyncadd.s32 $0xFFFFFF80  }
0x57: {  	[tilespmem:s19], [sflag:$0x2] =	stream.linear.gather [hbm4b:s25+s3], $0x4000, $0x38;
	[tilespmem:$0x1C100] =	vst v63  }
0x58: {  	_ =	swait.ge [sflag:s20], $0x4000  }
0x59: {  	[sflag:s20] =	ssyncset.done $0x0  }
0x5a: {  	[sflag:s20] =	ssyncadd.s32 $0xFFFFC000  }
0x5b: {  	[spmem:s2] =	stream.indirect.scatter.add.f32 [tilespmem:s17], [sflag:$0x3], $0x80, s3, s18, $0xb8;
	[tilespmem:$0x1C100] =	vst v63  }
0x5c: {  	_ =	swait.ge [sflag:s16], $0x4000  }
0x5d: {  	[sflag:s16] =	ssyncset.done $0x0  }
0x5e: {  	[sflag:s16] =	ssyncadd.s32 $0xFFFFC000  }
0x5f: {  	_ =	swait.ge [sflag:s21], $0x4000  }
0x60: {  	[sflag:s21] =	ssyncset.done $0x0  }
0x61: {  	[sflag:s21] =	ssyncadd.s32 $0xFFFFC000  }
0x62: {  	[spmem:s2] =	stream.indirect.scatter.add.f32 [tilespmem:s19], [sflag:$0x3], $0x80, s18, s18, $0xb8;
	[tilespmem:$0x1C100] =	vst v63  }
0x63: {  	_ =	swait.ge [sflag:s16], $0x4000  }
0x64: {  	s22 =	sadd.s32 $0x1, s22;
	[sflag:s16] =	ssyncset.done $0x0  }
0x65: {  	p0 =	sne.s32 s22, s11;
	[sflag:s16] =	ssyncadd.s32 $0xFFFFC000  }
.Ltmp1:
0x66: {  	[bflag:$0x0] =	sbarrier.arrive $0xFFFF;
	(pc) =	sbr.rel @p0 .LBB2_1-.Ltmp1, $4  }
0x67: {  	[hbm:s10], [sflag:s5] =	dma.local [spmem:s15], $0x2800  }
0x68: {  	_ =	swait.ge [sflag:s16], $0x2800  }
0x69: {  	[sflag:s16] =	ssyncset.done $0x0  }
0x6a: {  	[sflag:s16] =	ssyncadd.s32 $0xFFFFD800  }
0x6b: {  	_ =	sfence.sel $0x180000  }
0x6c: {  	[bflag:$0x0] =	sbarrier.arrive $0xFFFF  }
0x6d: {  	p0 =	sne.s32 s1, $0x0;
	_ =	strace $0x90000056  }
0x6e: {  	s0 =	sadd.s32 @!p0 $0x100000, s0;
	[bflag:$0x2] =	sbarrier.arrive $0xFFFF  }
0x6f: {  	[sflag:s0] =	ssyncadd.tile.s32 @!p0 $0x1;
	_ =	shalt  }
.Lfunc_end2:
_tile_overlayer_lowered:
.L_overlay_start_2:
0x70: {  	(tag) =	ssettag $0x2  }
0x71: {  	s0 =	rddreg [dreg:$0x0];
	s2 =	stileid.u32  }
0x72: {  	s1 =	rddreg [dreg:$0x1];
	p0 =	sne.s32 s2, $0x0  }
0x73: {  	s3 =	rddreg [dreg:$0x2];
	[bflag:$0x3] =	sbarrier.arrive $0xFFFF;
	s2 =	simm.s32 @!p0 $0x1C03  }
0x74: {  	[timem:s3], [sflag:s2] =	dma.local @!p0 [hbm:s0], s1  }
0x75: {  	s0 =	simm.s32 @!p0 $0x3  }
0x76: {  	_ =	swait.ge @!p0 [sflag:s0], s1  }
0x77: {  	s1 =	ssub.s32 @!p0 $0x0, s1;
	[sflag:s0] =	ssyncset.done @!p0 $0x0  }
0x78: {  	[sflag:s0] =	ssyncadd.s32 @!p0 s1  }
0x79: {  	[bflag:$0x3] =	sbarrier.arrive $0xFFFF  }
0x7a: {  	_ =	shalt  }

</sc_bundles>
